<compile_context>
chip_gen: v7x
topology: tpu7x:2x2x1
jax: 0.10.2.dev20260603
libtpu: 0.0.44.dev20260713+nightly
codegen_flags: <defaults>
</compile_context>

<pallas_src>
import functools

import jax
import jax.numpy as jnp
from jax import lax
from jax.experimental import pallas as pl
from jax.experimental.pallas import tpu as pltpu
from jax.experimental.pallas import tpu_sc as plsc

N = 10000
E = 320000
D = 128
H = 64
Bn = 1000
NBLK = N // Bn

CH = 112
NS = 16
CPS = 180
NCH = CPS * NS
EPAD = NCH * CH
GRP = 12
NGRP = CPS // GRP
ACC_R = 2 * N + 8
NZF = 178
ZT = ACC_R - NZF * CH
WCH = 1000
NWCH = (2 * N) // WCH


def _leaky(v):
    return jnp.where(v >= 0, v, 0.01 * v)



def _table_write(x, wr_ref, t_ref):
    xr0 = jnp.dot(x, wr_ref[0])
    xr1 = jnp.dot(x, wr_ref[1])
    t_ref[0] = xr0[:, :H]
    t_ref[1] = xr1[:, :H]
    t_ref[2] = xr0[:, H:]
    t_ref[3] = xr1[:, H:]


def _k1_body(cat_ref, wc_ref, bc_ref, wi_ref, bi_ref, wr_ref, x_ref, t_ref):
    c = _leaky(jnp.dot(cat_ref[...], wc_ref[...]) + bc_ref[...])
    x = _leaky(jnp.dot(c, wi_ref[...]) + bi_ref[...])
    x_ref[...] = x
    _table_write(x, wr_ref, t_ref)


def _combine(x, wroot_ref, br_ref, a00, a01, a10, a11, c0, c1):
    cnt0 = jnp.maximum(c0[0][:, 0:1], 1.0)
    cnt1 = jnp.maximum(c1[0][:, 0:1], 1.0)
    lo = a00[0] / cnt0 + a01[0] / cnt1
    hi = a10[0] / cnt0 + a11[0] / cnt1
    return (jnp.dot(x, wroot_ref[...]) + br_ref[...]
            + jnp.concatenate([lo, hi], axis=1))


def _k2_body(x_ref, wroot_ref, br_ref, a00, a01, a10, a11, c0, c1, wr_ref,
             x2_ref, t_ref):
    x2 = _combine(x_ref[...], wroot_ref, br_ref, a00, a01, a10, a11, c0, c1)
    x2_ref[...] = x2
    _table_write(x2, wr_ref, t_ref)


def _k3_body(x_ref, wroot_ref, br_ref, a00, a01, a10, a11, c0, c1,
             wo1_ref, bo1_ref, wo2_ref, bo2_ref, out_ref):
    x3 = _combine(x_ref[...], wroot_ref, br_ref, a00, a01, a10, a11, c0, c1)
    x4 = _leaky(jnp.dot(x3, wo1_ref[...]) + bo1_ref[...])
    out_ref[...] = jnp.dot(x4, wo2_ref[...]) + bo2_ref[...]


def _full(shape):
    return pl.BlockSpec(shape, lambda i: (0,) * len(shape))


def _agg_specs():
    return [
        pl.BlockSpec((1, Bn, H), lambda i: (0, i, 0)),
        pl.BlockSpec((1, Bn, H), lambda i: (0, NBLK + i, 0)),
        pl.BlockSpec((1, Bn, H), lambda i: (1, i, 0)),
        pl.BlockSpec((1, Bn, H), lambda i: (1, NBLK + i, 0)),
    ]


def _cnt_specs():
    return [
        pl.BlockSpec((1, Bn, 16), lambda i: (0, i, 0)),
        pl.BlockSpec((1, Bn, 16), lambda i: (0, NBLK + i, 0)),
    ]


_k1 = pl.pallas_call(
    _k1_body,
    grid=(NBLK,),
    in_specs=[
        pl.BlockSpec((Bn, 11), lambda i: (i, 0)),
        _full((11, D)), _full((1, D)), _full((D, D)), _full((1, D)),
        _full((2, D, D)),
    ],
    out_specs=[
        pl.BlockSpec((Bn, D), lambda i: (i, 0)),
        pl.BlockSpec((4, Bn, H), lambda i: (0, i, 0)),
    ],
    out_shape=[
        jax.ShapeDtypeStruct((N, D), jnp.float32),
        jax.ShapeDtypeStruct((4, N, H), jnp.float32),
    ],
)

_k2 = pl.pallas_call(
    _k2_body,
    grid=(NBLK,),
    in_specs=[
        pl.BlockSpec((Bn, D), lambda i: (i, 0)),
        _full((D, D)), _full((1, D)),
        *_agg_specs(), *_cnt_specs(),
        _full((2, D, D)),
    ],
    out_specs=[
        pl.BlockSpec((Bn, D), lambda i: (i, 0)),
        pl.BlockSpec((4, Bn, H), lambda i: (0, i, 0)),
    ],
    out_shape=[
        jax.ShapeDtypeStruct((N, D), jnp.float32),
        jax.ShapeDtypeStruct((4, N, H), jnp.float32),
    ],
)

_k3 = pl.pallas_call(
    _k3_body,
    grid=(NBLK,),
    in_specs=[
        pl.BlockSpec((Bn, D), lambda i: (i, 0)),
        _full((D, D)), _full((1, D)),
        *_agg_specs(), *_cnt_specs(),
        _full((D, D)), _full((1, D)), _full((D, 2)), _full((1, 2)),
    ],
    out_specs=pl.BlockSpec((Bn, 2), lambda i: (i, 0)),
    out_shape=jax.ShapeDtypeStruct((N, 2), jnp.float32),
)



def _sc_body(with_cnt, nb, a, tab, gx, sx, *rest):
    if with_cnt:
        (agg_out, cnt_out, acc, cntacc, ones, zb16, gbuf, sbuf,
         rows) = rest[:9]
        gsem = list(rest[9:9 + nb])
        ssem = list(rest[9 + nb:9 + 2 * nb])
        cn = rest[9 + 2 * nb]
    else:
        (agg_out, acc, gbuf, sbuf, rows) = rest[:5]
        gsem = list(rest[5:5 + nb])
        ssem = list(rest[5 + nb:5 + 2 * nb])
        cnt_out = cntacc = ones = zb16 = cn = None
    c = lax.axis_index("c")
    s = lax.axis_index("s")

    def _zr(i, carry):
        def _zc(j, carry2):
            for b in range(nb):
                rows[b, i, pl.ds(j * 16, 16)] = jnp.zeros((16,), jnp.float32)
            return carry2
        return lax.fori_loop(0, H // 16, _zc, carry)
    lax.fori_loop(0, CH, _zr, 0)

    def _zs(i, carry):
        sbuf[0, pl.ds(i * 16, 16)] = jnp.zeros((16,), jnp.int32)
        return carry
    lax.fori_loop(0, CH // 16, _zs, 0)

    if with_cnt:
        def _zo(i, carry):
            zb16[i, pl.ds(0, 16)] = jnp.zeros((16,), jnp.float32)
            ones[i, pl.ds(0, 16)] = jnp.ones((16,), jnp.float32)
            return carry
        lax.fori_loop(0, CH, _zo, 0)

    def _za(j, carry):
        k = s + NS * j

        @pl.when(k < NZF)
        def _():
            pltpu.sync_copy(rows.at[0], acc.at[pl.ds(k * CH, CH)])
            if with_cnt:
                pltpu.sync_copy(zb16, cntacc.at[pl.ds(k * CH, CH)])

        @pl.when(k == NZF)
        def _():
            pltpu.sync_copy(rows.at[0, pl.ds(0, ZT)],
                            acc.at[pl.ds(NZF * CH, ZT)])
            if with_cnt:
                pltpu.sync_copy(zb16.at[pl.ds(0, ZT)],
                                cntacc.at[pl.ds(NZF * CH, ZT)])
        return carry
    lax.fori_loop(0, (NZF + NS) // NS + 1, _za, 0)

    plsc.subcore_barrier()

    for b in range(nb):
        pltpu.async_copy(rows.at[b], acc.at[sbuf.at[0]], ssem[b], add=True)

    def _outer(it, carry):
        base = s * CPS + it * GRP
        pltpu.sync_copy(gx.at[c, pl.ds(base, GRP)], gbuf)
        pltpu.sync_copy(sx.at[pl.ds(base, GRP)], sbuf)
        gd = [None] * GRP
        for k in range(a):
            b = k % nb
            pltpu.make_async_copy(rows.at[b], acc.at[sbuf.at[0]],
                                  ssem[b]).wait()
            gd[k] = pltpu.async_copy(tab.at[gbuf.at[k]], rows.at[b],
                                     gsem[b])
        for k in range(GRP):
            b = k % nb
            if k + a < GRP:
                b2 = (k + a) % nb
                pltpu.make_async_copy(rows.at[b2], acc.at[sbuf.at[0]],
                                      ssem[b2]).wait()
                gd[k + a] = pltpu.async_copy(tab.at[gbuf.at[k + a]],
                                             rows.at[b2], gsem[b2])
            gd[k].wait()
            pltpu.async_copy(rows.at[b], acc.at[sbuf.at[k]], ssem[b],
                             add=True)
            if with_cnt:
                pltpu.async_copy(ones, cntacc.at[sbuf.at[k]], cn, add=True)
        return carry
    lax.fori_loop(0, NGRP, _outer, 0)

    for b in range(nb):
        pltpu.make_async_copy(rows.at[b], acc.at[sbuf.at[0]], ssem[b]).wait()
    if with_cnt:
        def _dr(i, carry):
            pltpu.make_async_copy(ones, cntacc.at[sbuf.at[0]], cn).wait()
            return carry
        lax.fori_loop(0, CPS, _dr, 0)

    plsc.subcore_barrier()

    def _wb(j, carry):
        k = s + NS * j

        @pl.when(k < NWCH)
        def _():
            pltpu.sync_copy(acc.at[pl.ds(k * WCH, WCH)],
                            agg_out.at[c, pl.ds(k * WCH, WCH)])
            if with_cnt:
                pltpu.sync_copy(cntacc.at[pl.ds(k * WCH, WCH)],
                                cnt_out.at[c, pl.ds(k * WCH, WCH)])
        return carry
    lax.fori_loop(0, (NWCH + NS - 1) // NS, _wb, 0)


def _make_sc(with_cnt, nb, a):
    out_type = [jax.ShapeDtypeStruct((2, 2 * N, H), jnp.float32)]
    scratch = [
        pltpu.VMEM_SHARED((ACC_R, H), jnp.float32),
    ]
    if with_cnt:
        out_type.append(jax.ShapeDtypeStruct((2, 2 * N, 16), jnp.float32))
        scratch += [
            pltpu.VMEM_SHARED((ACC_R, 16), jnp.float32),
            pltpu.VMEM((CH, 16), jnp.float32),
            pltpu.VMEM((CH, 16), jnp.float32),
        ]
    scratch += [
        pltpu.VMEM((GRP, CH), jnp.int32),
        pltpu.VMEM((GRP, CH), jnp.int32),
        pltpu.VMEM((nb, CH, H), jnp.float32),
    ]
    scratch += [pltpu.SemaphoreType.DMA] * (2 * nb)
    if with_cnt:
        scratch.append(pltpu.SemaphoreType.DMA)
    return pl.kernel(
        functools.partial(_sc_body, with_cnt, nb, a),
        out_type=tuple(out_type) if with_cnt else out_type[0],
        mesh=plsc.VectorSubcoreMesh(core_axis_name="c", subcore_axis_name="s"),
        scratch_types=scratch,
        compiler_params=pltpu.CompilerParams(use_tc_tiling_on_sc=False),
    )


_sc1 = _make_sc(True, 3, 2)
_sc2 = _make_sc(False, 6, 4)



def kernel(des, tweet, num_prop, cat_prop, edge_index, edge_type,
           W_cat, b_cat, W_in, b_in, W_rel, W_root, b_rgcn,
           W_o1, b_o1, W_o2, b_o2):
    src = edge_index[0].astype(jnp.int32)
    dst = edge_index[1].astype(jnp.int32)
    et = edge_type.astype(jnp.int32)
    g0 = jnp.pad(et * N + src, (0, EPAD - E))
    gx = jnp.stack([g0, g0 + 2 * N]).reshape(2, NCH, CH)
    sx = jnp.pad(et * N + dst, (0, EPAD - E),
                 constant_values=2 * N).reshape(NCH, CH)

    bc = b_cat.reshape(1, D)
    bi = b_in.reshape(1, D)
    br = b_rgcn.reshape(1, D)
    bo1 = b_o1.reshape(1, D)
    bo2 = b_o2.reshape(1, 2)

    x1, t1 = _k1(cat_prop, W_cat, bc, W_in, bi, W_rel)
    agg1, cnt16 = _sc1(t1.reshape(4 * N, H), gx, sx)
    x2, t2 = _k2(x1, W_root, br, agg1, agg1, agg1, agg1, cnt16, cnt16, W_rel)
    agg2 = _sc2(t2.reshape(4 * N, H), gx, sx)
    return _k3(x2, W_root, br, agg2, agg2, agg2, agg2, cnt16, cnt16,
               W_o1, bo1, W_o2, bo2)

# --- scband reference (transcript-rebuilt; emitter-appended) ---
"""Pipeline reference for scband-bot-rgcn4-5531917877300 (READ-ONLY COPY).

The authoritative reference and input builder live on the scoring server;
editing this copy changes nothing except your own understanding.
"""

import jax, jax.numpy as jnp
import numpy as np

N_NODES = 10000
N_EDGES = 320000
D = 128
NUM_REL = 2

def _leaky(x):
    return jnp.where(x >= 0, x, 0.01 * x)

def setup_inputs(seed: int = 0) -> dict:
    key = jax.random.key(seed)
    ks = jax.random.split(key, 20)
    des = jax.random.normal(ks[0], (N_NODES, 768), dtype=jnp.float32)
    tweet = jax.random.normal(ks[1], (N_NODES, 768), dtype=jnp.float32)
    num_prop = jax.random.normal(ks[2], (N_NODES, 6), dtype=jnp.float32)
    cat_prop = jax.random.normal(ks[3], (N_NODES, 11), dtype=jnp.float32)
    edge_index = jax.random.randint(ks[4], (2, N_EDGES), 0, N_NODES, dtype=jnp.int64 if jax.config.jax_enable_x64 else jnp.int32)
    edge_type = jax.random.randint(ks[5], (N_EDGES,), 0, NUM_REL, dtype=jnp.int64 if jax.config.jax_enable_x64 else jnp.int32)
    s = 0.05
    W_cat = jax.random.normal(ks[6], (11, D), dtype=jnp.float32) * s
    b_cat = jnp.zeros((D,), dtype=jnp.float32)
    W_in = jax.random.normal(ks[7], (D, D), dtype=jnp.float32) * s
    b_in = jnp.zeros((D,), dtype=jnp.float32)
    W_rel = jax.random.normal(ks[8], (NUM_REL, D, D), dtype=jnp.float32) * s
    W_root = jax.random.normal(ks[9], (D, D), dtype=jnp.float32) * s
    b_rgcn = jnp.zeros((D,), dtype=jnp.float32)
    W_o1 = jax.random.normal(ks[10], (D, D), dtype=jnp.float32) * s
    b_o1 = jnp.zeros((D,), dtype=jnp.float32)
    W_o2 = jax.random.normal(ks[11], (D, 2), dtype=jnp.float32) * s
    b_o2 = jnp.zeros((2,), dtype=jnp.float32)
    return {"des": des, "tweet": tweet, "num_prop": num_prop, "cat_prop": cat_prop,
            "edge_index": edge_index, "edge_type": edge_type,
            "W_cat": W_cat, "b_cat": b_cat, "W_in": W_in, "b_in": b_in,
            "W_rel": W_rel, "W_root": W_root, "b_rgcn": b_rgcn,
            "W_o1": W_o1, "b_o1": b_o1, "W_o2": W_o2, "b_o2": b_o2}

def _rgcn(x, edge_index, edge_type, W_rel, W_root, b):
    # PyG RGCNConv, aggr='mean', num_relations=2
    src = edge_index[0]
    dst = edge_index[1]
    n = x.shape[0]
    out = x @ W_root + b
    for r in range(NUM_REL):
        mask = (edge_type == r).astype(x.dtype)
        xr = x @ W_rel[r]          # transform at node level
        msg = jnp.take(xr, src, axis=0) * mask[:, None]  # gather per edge
        agg = jax.ops.segment_sum(msg, dst, num_segments=n)
        cnt = jax.ops.segment_sum(mask, dst, num_segments=n)
        out = out + agg / jnp.clip(cnt, 1.0, None)[:, None]
    return out

def reference(des, tweet, num_prop, cat_prop, edge_index, edge_type,
              W_cat, b_cat, W_in, b_in, W_rel, W_root, b_rgcn,
              W_o1, b_o1, W_o2, b_o2):
    c = _leaky(cat_prop @ W_cat + b_cat)
    x = _leaky(c @ W_in + b_in)
    x = _rgcn(x, edge_index, edge_type, W_rel, W_root, b_rgcn)
    # dropout is identity in eval mode
    x = _rgcn(x, edge_index, edge_type, W_rel, W_root, b_rgcn)
    x = _leaky(x @ W_o1 + b_o1)
    x = x @ W_o2 + b_o2
    return x

if __name__ == "__main__":
    import jax
    _d = setup_inputs()
    print(jax.jit(kernel)(*tuple(_d.values())))

</pallas_src>

<mosaic_0001>
#map = affine_map<(d0, d1) -> (0, 0)>
#map1 = affine_map<(d0, d1) -> (0, 0, 0)>
module attributes {stable_mosaic.version = 14 : i64} {
  func.func @_sc_body(%arg0: i32, %arg1: i32, %arg2: memref<40000x64xf32, #tpu.memory_space<hbm>>, %arg3: memref<2x2880x112xi32, #tpu.memory_space<hbm>>, %arg4: memref<2880x112xi32, #tpu.memory_space<hbm>>, %arg5: memref<2x20000x64xf32, #tpu.memory_space<hbm>>, %arg6: memref<20008x64xf32, #tpu.memory_space<vmem_shared>>, %arg7: memref<12x112xi32, #tpu.memory_space<vmem>>, %arg8: memref<12x112xi32, #tpu.memory_space<vmem>>, %arg9: memref<6x112x64xf32, #tpu.memory_space<vmem>>, %arg10: memref<!tpu.dma_semaphore, #tpu.memory_space<semaphore_mem>>, %arg11: memref<!tpu.dma_semaphore, #tpu.memory_space<semaphore_mem>>, %arg12: memref<!tpu.dma_semaphore, #tpu.memory_space<semaphore_mem>>, %arg13: memref<!tpu.dma_semaphore, #tpu.memory_space<semaphore_mem>>, %arg14: memref<!tpu.dma_semaphore, #tpu.memory_space<semaphore_mem>>, %arg15: memref<!tpu.dma_semaphore, #tpu.memory_space<semaphore_mem>>, %arg16: memref<!tpu.dma_semaphore, #tpu.memory_space<semaphore_mem>>, %arg17: memref<!tpu.dma_semaphore, #tpu.memory_space<semaphore_mem>>, %arg18: memref<!tpu.dma_semaphore, #tpu.memory_space<semaphore_mem>>, %arg19: memref<!tpu.dma_semaphore, #tpu.memory_space<semaphore_mem>>, %arg20: memref<!tpu.dma_semaphore, #tpu.memory_space<semaphore_mem>>, %arg21: memref<!tpu.dma_semaphore, #tpu.memory_space<semaphore_mem>>) attributes {dimension_semantics = [#tpu.dimension_semantics<core_parallel>, #tpu.dimension_semantics<subcore_parallel>], iteration_bounds = array<i64: 2, 16>, scalar_prefetch = 0 : i64, scratch_operands = 16 : i64, tpu.core_type = #tpu.core_type<sc_vector_subcore>, window_params = [{transform_indices = #map}, {transform_indices = #map1}, {transform_indices = #map}, {transform_indices = #map1}]} {
    %scan3A = arith.constant 0 : i32
    %scan3A_0 = arith.constant 0 : i32
    %scan3A_1 = arith.constant 112 : i32
    %scan3A_2 = arith.addi %scan3A_0, %scan3A_1 : i32
    %scan3A_3 = arith.constant 1 : i32
    scf.for %scan3A_172 = %scan3A_0 to %scan3A_2 step %scan3A_3  : i32 {
      %scan3A_173 = arith.constant 0 : i32
      %scan3A_174 = arith.constant 4 : i32
      %scan3A_175 = arith.addi %scan3A_173, %scan3A_174 : i32
      %scan3A_176 = arith.constant 1 : i32
      scf.for %scan3A_178 = %scan3A_173 to %scan3A_175 step %scan3A_176  : i32 {
        %broadcast_in_dim3A = arith.constant 0.000000e+00 : f32
        %broadcast_in_dim3A_179 = vector.broadcast %broadcast_in_dim3A : f32 to vector<16xf32>
        %mul3A = arith.constant 16 : i32
        %mul3A_180 = arith.muli %scan3A_178, %mul3A : i32
        %swap3A = arith.constant 0 : i32
        %swap3A_181 = arith.index_cast %swap3A : i32 to index
        %swap3A_182 = arith.index_cast %scan3A_172 : i32 to index
        %swap3A_183 = arith.index_cast %mul3A_180 : i32 to index
        %swap3A_184 = tpu.vector_load %arg9[%swap3A_181, %swap3A_182, %swap3A_183] {strides = array<i32>} : memref<6x112x64xf32, #tpu.memory_space<vmem>>, vector<1x1x16xf32>,
        %swap3A_185 = vector.shape_cast %swap3A_184 : vector<1x1x16xf32> to vector<16xf32>
        %swap3A_186 = vector.shape_cast %broadcast_in_dim3A_179 : vector<16xf32> to vector<1x1x16xf32>
        tpu.vector_store %arg9[%swap3A_181, %swap3A_182, %swap3A_183], %swap3A_186 {strides = array<i32>} : memref<6x112x64xf32, #tpu.memory_space<vmem>>, vector<1x1x16xf32>,
        %broadcast_in_dim3A_187 = arith.constant 0.000000e+00 : f32
        %broadcast_in_dim3A_188 = vector.broadcast %broadcast_in_dim3A_187 : f32 to vector<16xf32>
        %mul3A_189 = arith.constant 16 : i32
        %mul3A_190 = arith.muli %scan3A_178, %mul3A_189 : i32
        %swap3A_191 = arith.constant 1 : i32
        %swap3A_192 = arith.index_cast %swap3A_191 : i32 to index
        %swap3A_193 = arith.index_cast %scan3A_172 : i32 to index
        %swap3A_194 = arith.index_cast %mul3A_190 : i32 to index
        %swap3A_195 = tpu.vector_load %arg9[%swap3A_192, %swap3A_193, %swap3A_194] {strides = array<i32>} : memref<6x112x64xf32, #tpu.memory_space<vmem>>, vector<1x1x16xf32>,
        %swap3A_196 = vector.shape_cast %swap3A_195 : vector<1x1x16xf32> to vector<16xf32>
        %swap3A_197 = vector.shape_cast %broadcast_in_dim3A_188 : vector<16xf32> to vector<1x1x16xf32>
        tpu.vector_store %arg9[%swap3A_192, %swap3A_193, %swap3A_194], %swap3A_197 {strides = array<i32>} : memref<6x112x64xf32, #tpu.memory_space<vmem>>, vector<1x1x16xf32>,
        %broadcast_in_dim3A_198 = arith.constant 0.000000e+00 : f32
        %broadcast_in_dim3A_199 = vector.broadcast %broadcast_in_dim3A_198 : f32 to vector<16xf32>
        %mul3A_200 = arith.constant 16 : i32
        %mul3A_201 = arith.muli %scan3A_178, %mul3A_200 : i32
        %swap3A_202 = arith.constant 2 : i32
        %swap3A_203 = arith.index_cast %swap3A_202 : i32 to index
        %swap3A_204 = arith.index_cast %scan3A_172 : i32 to index
        %swap3A_205 = arith.index_cast %mul3A_201 : i32 to index
        %swap3A_206 = tpu.vector_load %arg9[%swap3A_203, %swap3A_204, %swap3A_205] {strides = array<i32>} : memref<6x112x64xf32, #tpu.memory_space<vmem>>, vector<1x1x16xf32>,
        %swap3A_207 = vector.shape_cast %swap3A_206 : vector<1x1x16xf32> to vector<16xf32>
        %swap3A_208 = vector.shape_cast %broadcast_in_dim3A_199 : vector<16xf32> to vector<1x1x16xf32>
        tpu.vector_store %arg9[%swap3A_203, %swap3A_204, %swap3A_205], %swap3A_208 {strides = array<i32>} : memref<6x112x64xf32, #tpu.memory_space<vmem>>, vector<1x1x16xf32>,
        %broadcast_in_dim3A_209 = arith.constant 0.000000e+00 : f32
        %broadcast_in_dim3A_210 = vector.broadcast %broadcast_in_dim3A_209 : f32 to vector<16xf32>
        %mul3A_211 = arith.constant 16 : i32
        %mul3A_212 = arith.muli %scan3A_178, %mul3A_211 : i32
        %swap3A_213 = arith.constant 3 : i32
        %swap3A_214 = arith.index_cast %swap3A_213 : i32 to index
        %swap3A_215 = arith.index_cast %scan3A_172 : i32 to index
        %swap3A_216 = arith.index_cast %mul3A_212 : i32 to index
        %swap3A_217 = tpu.vector_load %arg9[%swap3A_214, %swap3A_215, %swap3A_216] {strides = array<i32>} : memref<6x112x64xf32, #tpu.memory_space<vmem>>, vector<1x1x16xf32>,
        %swap3A_218 = vector.shape_cast %swap3A_217 : vector<1x1x16xf32> to vector<16xf32>
        %swap3A_219 = vector.shape_cast %broadcast_in_dim3A_210 : vector<16xf32> to vector<1x1x16xf32>
        tpu.vector_store %arg9[%swap3A_214, %swap3A_215, %swap3A_216], %swap3A_219 {strides = array<i32>} : memref<6x112x64xf32, #tpu.memory_space<vmem>>, vector<1x1x16xf32>,
        %broadcast_in_dim3A_220 = arith.constant 0.000000e+00 : f32
        %broadcast_in_dim3A_221 = vector.broadcast %broadcast_in_dim3A_220 : f32 to vector<16xf32>
        %mul3A_222 = arith.constant 16 : i32
        %mul3A_223 = arith.muli %scan3A_178, %mul3A_222 : i32
        %swap3A_224 = arith.constant 4 : i32
        %swap3A_225 = arith.index_cast %swap3A_224 : i32 to index
        %swap3A_226 = arith.index_cast %scan3A_172 : i32 to index
        %swap3A_227 = arith.index_cast %mul3A_223 : i32 to index
        %swap3A_228 = tpu.vector_load %arg9[%swap3A_225, %swap3A_226, %swap3A_227] {strides = array<i32>} : memref<6x112x64xf32, #tpu.memory_space<vmem>>, vector<1x1x16xf32>,
        %swap3A_229 = vector.shape_cast %swap3A_228 : vector<1x1x16xf32> to vector<16xf32>
        %swap3A_230 = vector.shape_cast %broadcast_in_dim3A_221 : vector<16xf32> to vector<1x1x16xf32>
        tpu.vector_store %arg9[%swap3A_225, %swap3A_226, %swap3A_227], %swap3A_230 {strides = array<i32>} : memref<6x112x64xf32, #tpu.memory_space<vmem>>, vector<1x1x16xf32>,
        %broadcast_in_dim3A_231 = arith.constant 0.000000e+00 : f32
        %broadcast_in_dim3A_232 = vector.broadcast %broadcast_in_dim3A_231 : f32 to vector<16xf32>
        %mul3A_233 = arith.constant 16 : i32
        %mul3A_234 = arith.muli %scan3A_178, %mul3A_233 : i32
        %swap3A_235 = arith.constant 5 : i32
        %swap3A_236 = arith.index_cast %swap3A_235 : i32 to index
        %swap3A_237 = arith.index_cast %scan3A_172 : i32 to index
        %swap3A_238 = arith.index_cast %mul3A_234 : i32 to index
        %swap3A_239 = tpu.vector_load %arg9[%swap3A_236, %swap3A_237, %swap3A_238] {strides = array<i32>} : memref<6x112x64xf32, #tpu.memory_space<vmem>>, vector<1x1x16xf32>,
        %swap3A_240 = vector.shape_cast %swap3A_239 : vector<1x1x16xf32> to vector<16xf32>
        %swap3A_241 = vector.shape_cast %broadcast_in_dim3A_232 : vector<16xf32> to vector<1x1x16xf32>
        tpu.vector_store %arg9[%swap3A_236, %swap3A_237, %swap3A_238], %swap3A_241 {strides = array<i32>} : memref<6x112x64xf32, #tpu.memory_space<vmem>>, vector<1x1x16xf32>,
      }
      %scan3A_177 = arith.constant 4 : i32
    }
    %scan3A_4 = arith.constant 112 : i32
    %scan3A_5 = arith.constant 0 : i32
    %scan3A_6 = arith.constant 0 : i32
    %scan3A_7 = arith.constant 7 : i32
    %scan3A_8 = arith.addi %scan3A_6, %scan3A_7 : i32
    %scan3A_9 = arith.constant 1 : i32
    scf.for %scan3A_172 = %scan3A_6 to %scan3A_8 step %scan3A_9  : i32 {
      %broadcast_in_dim3A = arith.constant 0 : i32
      %broadcast_in_dim3A_173 = vector.broadcast %broadcast_in_dim3A : i32 to vector<16xi32>
      %mul3A = arith.constant 16 : i32
      %mul3A_174 = arith.muli %scan3A_172, %mul3A : i32
      %swap3A = arith.constant 0 : i32
      %swap3A_175 = arith.index_cast %swap3A : i32 to index
      %swap3A_176 = arith.index_cast %mul3A_174 : i32 to index
      %swap3A_177 = tpu.vector_load %arg8[%swap3A_175, %swap3A_176] {strides = array<i32>} : memref<12x112xi32, #tpu.memory_space<vmem>>, vector<1x16xi32>,
      %swap3A_178 = vector.shape_cast %swap3A_177 : vector<1x16xi32> to vector<16xi32>
      %swap3A_179 = vector.shape_cast %broadcast_in_dim3A_173 : vector<16xi32> to vector<1x16xi32>
      tpu.vector_store %arg8[%swap3A_175, %swap3A_176], %swap3A_179 {strides = array<i32>} : memref<12x112xi32, #tpu.memory_space<vmem>>, vector<1x16xi32>,
    }
    %scan3A_10 = arith.constant 7 : i32
    %scan3A_11 = arith.constant 0 : i32
    %scan3A_12 = arith.constant 0 : i32
    %scan3A_13 = arith.constant 13 : i32
    %scan3A_14 = arith.addi %scan3A_12, %scan3A_13 : i32
    %scan3A_15 = arith.constant 1 : i32
    scf.for %scan3A_172 = %scan3A_12 to %scan3A_14 step %scan3A_15  : i32 {
      %mul3A = arith.constant 16 : i32
      %mul3A_173 = arith.muli %mul3A, %scan3A_172 : i32
      %add3A = arith.addi %arg1, %mul3A_173 : i32
      %lt3A = arith.constant 178 : i32
      %lt3A_174 = arith.cmpi slt, %add3A, %lt3A : i32
      %convert_element_type3A = arith.extui %lt3A_174 : i1 to i32
      %cond3A = arith.constant 0 : i32
      %cond3A_175 = arith.cmpi ne, %convert_element_type3A, %cond3A : i32
      scf.if %cond3A_175 {
        %mul3A_180 = arith.constant 112 : i32
        %mul3A_181 = arith.muli %add3A, %mul3A_180 : i32
        %run_scoped3A = arith.constant 0 : i32
        "tpu.region"() ({
          %run_scoped3A_182 = tpu.sem_alloc : memref<!tpu.dma_semaphore, #tpu.memory_space<semaphore_mem>>
          %dma_start3A_183 = arith.constant 0 : i32
          %dma_start3A_184 = arith.constant 0 : i32
          %dma_start3A_185 = tpu.memref_slice %arg9[%run_scoped3A, %dma_start3A_183, %dma_start3A_184] : memref<6x112x64xf32, #tpu.memory_space<vmem>> -> memref<1x112x64xf32, #tpu.memory_space<vmem>>
          %dma_start3A_186 = tpu.memref_squeeze %dma_start3A_185 : memref<1x112x64xf32, #tpu.memory_space<vmem>> -> memref<112x64xf32, #tpu.memory_space<vmem>>
          %dma_start3A_187 = arith.constant 0 : i32
          %dma_start3A_188 = tpu.memref_slice %arg6[%mul3A_181, %dma_start3A_187] : memref<20008x64xf32, #tpu.memory_space<vmem_shared>> -> memref<112x64xf32, #tpu.memory_space<vmem_shared>>
          %dma_start3A_189 = arith.constant 0 : i32
          %dma_start3A_190 = tpu.memref_slice %arg6[%mul3A_181, %dma_start3A_189] : memref<20008x64xf32, #tpu.memory_space<vmem_shared>> -> memref<112x64xf32, #tpu.memory_space<vmem_shared>>
          %dma_start3A_191 = arith.constant 0 : i32
          %dma_start3A_192 = arith.constant 0 : i32
          %dma_start3A_193 = tpu.memref_slice %arg9[%run_scoped3A, %dma_start3A_191, %dma_start3A_192] : memref<6x112x64xf32, #tpu.memory_space<vmem>> -> memref<1x112x64xf32, #tpu.memory_space<vmem>>
          %dma_start3A_194 = tpu.memref_squeeze %dma_start3A_193 : memref<1x112x64xf32, #tpu.memory_space<vmem>> -> memref<112x64xf32, #tpu.memory_space<vmem>>
          tpu.enqueue_dma source(%dma_start3A_194 : memref<112x64xf32, #tpu.memory_space<vmem>>) target(%dma_start3A_190 : memref<112x64xf32, #tpu.memory_space<vmem_shared>>) target_semaphore(%run_scoped3A_182 : memref<!tpu.dma_semaphore, #tpu.memory_space<semaphore_mem>>)
          %dma_wait3A_195 = arith.constant 0 : i32
          %dma_wait3A_196 = arith.constant 0 : i32
          %dma_wait3A_197 = tpu.memref_slice %arg9[%run_scoped3A, %dma_wait3A_195, %dma_wait3A_196] : memref<6x112x64xf32, #tpu.memory_space<vmem>> -> memref<1x112x64xf32, #tpu.memory_space<vmem>>
          %dma_wait3A_198 = tpu.memref_squeeze %dma_wait3A_197 : memref<1x112x64xf32, #tpu.memory_space<vmem>> -> memref<112x64xf32, #tpu.memory_space<vmem>>
          %dma_wait3A_199 = arith.constant 0 : i32
          %dma_wait3A_200 = tpu.memref_slice %arg6[%mul3A_181, %dma_wait3A_199] : memref<20008x64xf32, #tpu.memory_space<vmem_shared>> -> memref<112x64xf32, #tpu.memory_space<vmem_shared>>
          %dma_wait3A_201 = arith.constant 0 : i32
          %dma_wait3A_202 = tpu.memref_slice %arg6[%mul3A_181, %dma_wait3A_201] : memref<20008x64xf32, #tpu.memory_space<vmem_shared>> -> memref<112x64xf32, #tpu.memory_space<vmem_shared>>
          %dma_wait3A_203 = arith.constant 0 : i32
          %dma_wait3A_204 = arith.constant 0 : i32
          %dma_wait3A_205 = tpu.memref_slice %arg9[%run_scoped3A, %dma_wait3A_203, %dma_wait3A_204] : memref<6x112x64xf32, #tpu.memory_space<vmem>> -> memref<1x112x64xf32, #tpu.memory_space<vmem>>
          %dma_wait3A_206 = tpu.memref_squeeze %dma_wait3A_205 : memref<1x112x64xf32, #tpu.memory_space<vmem>> -> memref<112x64xf32, #tpu.memory_space<vmem>>
          tpu.wait_dma2 semaphore(%run_scoped3A_182 : memref<!tpu.dma_semaphore, #tpu.memory_space<semaphore_mem>>) src(%dma_wait3A_206 : memref<112x64xf32, #tpu.memory_space<vmem>>) dst(%dma_wait3A_202 : memref<112x64xf32, #tpu.memory_space<vmem_shared>>)
          tpu.yield
        }) : () -> ()
      } else {
      }
      %eq3A = arith.constant 178 : i32
      %eq3A_176 = arith.cmpi eq, %add3A, %eq3A : i32
      %convert_element_type3A_177 = arith.extui %eq3A_176 : i1 to i32
      %cond3A_178 = arith.constant 0 : i32
      %cond3A_179 = arith.cmpi ne, %convert_element_type3A_177, %cond3A_178 : i32
      scf.if %cond3A_179 {
        %run_scoped3A = arith.constant 0 : i32
        "tpu.region"() ({
          %run_scoped3A_180 = tpu.sem_alloc : memref<!tpu.dma_semaphore, #tpu.memory_space<semaphore_mem>>
          %dma_start3A_181 = arith.constant 0 : i32
          %dma_start3A_182 = arith.constant 0 : i32
          %dma_start3A_183 = tpu.memref_slice %arg9[%run_scoped3A, %dma_start3A_181, %dma_start3A_182] : memref<6x112x64xf32, #tpu.memory_space<vmem>> -> memref<1x72x64xf32, #tpu.memory_space<vmem>>
          %dma_start3A_184 = tpu.memref_squeeze %dma_start3A_183 : memref<1x72x64xf32, #tpu.memory_space<vmem>> -> memref<72x64xf32, #tpu.memory_space<vmem>>
          %dma_start3A_185 = arith.constant 19936 : i32
          %dma_start3A_186 = arith.constant 0 : i32
          %dma_start3A_187 = tpu.memref_slice %arg6[%dma_start3A_185, %dma_start3A_186] : memref<20008x64xf32, #tpu.memory_space<vmem_shared>> -> memref<72x64xf32, #tpu.memory_space<vmem_shared>>
          %dma_start3A_188 = arith.constant 19936 : i32
          %dma_start3A_189 = arith.constant 0 : i32
          %dma_start3A_190 = tpu.memref_slice %arg6[%dma_start3A_188, %dma_start3A_189] : memref<20008x64xf32, #tpu.memory_space<vmem_shared>> -> memref<72x64xf32, #tpu.memory_space<vmem_shared>>
          %dma_start3A_191 = arith.constant 0 : i32
          %dma_start3A_192 = arith.constant 0 : i32
          %dma_start3A_193 = tpu.memref_slice %arg9[%run_scoped3A, %dma_start3A_191, %dma_start3A_192] : memref<6x112x64xf32, #tpu.memory_space<vmem>> -> memref<1x72x64xf32, #tpu.memory_space<vmem>>
          %dma_start3A_194 = tpu.memref_squeeze %dma_start3A_193 : memref<1x72x64xf32, #tpu.memory_space<vmem>> -> memref<72x64xf32, #tpu.memory_space<vmem>>
          tpu.enqueue_dma source(%dma_start3A_194 : memref<72x64xf32, #tpu.memory_space<vmem>>) target(%dma_start3A_190 : memref<72x64xf32, #tpu.memory_space<vmem_shared>>) target_semaphore(%run_scoped3A_180 : memref<!tpu.dma_semaphore, #tpu.memory_space<semaphore_mem>>)
          %dma_wait3A_195 = arith.constant 0 : i32
          %dma_wait3A_196 = arith.constant 0 : i32
          %dma_wait3A_197 = tpu.memref_slice %arg9[%run_scoped3A, %dma_wait3A_195, %dma_wait3A_196] : memref<6x112x64xf32, #tpu.memory_space<vmem>> -> memref<1x72x64xf32, #tpu.memory_space<vmem>>
          %dma_wait3A_198 = tpu.memref_squeeze %dma_wait3A_197 : memref<1x72x64xf32, #tpu.memory_space<vmem>> -> memref<72x64xf32, #tpu.memory_space<vmem>>
          %dma_wait3A_199 = arith.constant 19936 : i32
          %dma_wait3A_200 = arith.constant 0 : i32
          %dma_wait3A_201 = tpu.memref_slice %arg6[%dma_wait3A_199, %dma_wait3A_200] : memref<20008x64xf32, #tpu.memory_space<vmem_shared>> -> memref<72x64xf32, #tpu.memory_space<vmem_shared>>
          %dma_wait3A_202 = arith.constant 19936 : i32
          %dma_wait3A_203 = arith.constant 0 : i32
          %dma_wait3A_204 = tpu.memref_slice %arg6[%dma_wait3A_202, %dma_wait3A_203] : memref<20008x64xf32, #tpu.memory_space<vmem_shared>> -> memref<72x64xf32, #tpu.memory_space<vmem_shared>>
          %dma_wait3A_205 = arith.constant 0 : i32
          %dma_wait3A_206 = arith.constant 0 : i32
          %dma_wait3A_207 = tpu.memref_slice %arg9[%run_scoped3A, %dma_wait3A_205, %dma_wait3A_206] : memref<6x112x64xf32, #tpu.memory_space<vmem>> -> memref<1x72x64xf32, #tpu.memory_space<vmem>>
          %dma_wait3A_208 = tpu.memref_squeeze %dma_wait3A_207 : memref<1x72x64xf32, #tpu.memory_space<vmem>> -> memref<72x64xf32, #tpu.memory_space<vmem>>
          tpu.wait_dma2 semaphore(%run_scoped3A_180 : memref<!tpu.dma_semaphore, #tpu.memory_space<semaphore_mem>>) src(%dma_wait3A_208 : memref<72x64xf32, #tpu.memory_space<vmem>>) dst(%dma_wait3A_204 : memref<72x64xf32, #tpu.memory_space<vmem_shared>>)
          tpu.yield
        }) : () -> ()
      } else {
      }
    }
    %scan3A_16 = arith.constant 13 : i32
    %barrier3A = arith.constant 0 : index
    tpu.barrier barrier_id(%barrier3A)
    %dma_start3A = arith.constant 0 : i32
    %dma_start3A_17 = arith.constant 0 : i32
    %dma_start3A_18 = arith.constant 0 : i32
    %dma_start3A_19 = arith.constant 0 : i32
    %dma_start3A_20 = tpu.memref_slice %arg9[%dma_start3A, %dma_start3A_18, %dma_start3A_19] : memref<6x112x64xf32, #tpu.memory_space<vmem>> -> memref<1x112x64xf32, #tpu.memory_space<vmem>>
    %dma_start3A_21 = tpu.memref_squeeze %dma_start3A_20 : memref<1x112x64xf32, #tpu.memory_space<vmem>> -> memref<112x64xf32, #tpu.memory_space<vmem>>
    %dma_start3A_22 = arith.constant 0 : i32
    %dma_start3A_23 = tpu.memref_slice %arg8[%dma_start3A_17, %dma_start3A_22] : memref<12x112xi32, #tpu.memory_space<vmem>> -> memref<1x112xi32, #tpu.memory_space<vmem>>
    %dma_start3A_24 = tpu.memref_squeeze %dma_start3A_23 : memref<1x112xi32, #tpu.memory_space<vmem>> -> memref<112xi32, #tpu.memory_space<vmem>>
    %dma_start3A_25 = arith.constant 0 : i32
    %dma_start3A_26 = arith.constant 0 : i32
    %dma_start3A_27 = tpu.memref_slice %arg6[%dma_start3A_25, %dma_start3A_26] : memref<20008x64xf32, #tpu.memory_space<vmem_shared>> -> memref<20008x64xf32, #tpu.memory_space<vmem_shared>>
    tpu.enqueue_indirect_dma source(%dma_start3A_21 : memref<112x64xf32, #tpu.memory_space<vmem>>) target(%dma_start3A_27 : memref<20008x64xf32, #tpu.memory_space<vmem_shared>>) offsets(%dma_start3A_24 : memref<112xi32, #tpu.memory_space<vmem>>) semaphore(%arg16 : memref<!tpu.dma_semaphore, #tpu.memory_space<semaphore_mem>>) {add = true}
    %dma_start3A_28 = arith.constant 1 : i32
    %dma_start3A_29 = arith.constant 0 : i32
    %dma_start3A_30 = arith.constant 0 : i32
    %dma_start3A_31 = arith.constant 0 : i32
    %dma_start3A_32 = tpu.memref_slice %arg9[%dma_start3A_28, %dma_start3A_30, %dma_start3A_31] : memref<6x112x64xf32, #tpu.memory_space<vmem>> -> memref<1x112x64xf32, #tpu.memory_space<vmem>>
    %dma_start3A_33 = tpu.memref_squeeze %dma_start3A_32 : memref<1x112x64xf32, #tpu.memory_space<vmem>> -> memref<112x64xf32, #tpu.memory_space<vmem>>
    %dma_start3A_34 = arith.constant 0 : i32
    %dma_start3A_35 = tpu.memref_slice %arg8[%dma_start3A_29, %dma_start3A_34] : memref<12x112xi32, #tpu.memory_space<vmem>> -> memref<1x112xi32, #tpu.memory_space<vmem>>
    %dma_start3A_36 = tpu.memref_squeeze %dma_start3A_35 : memref<1x112xi32, #tpu.memory_space<vmem>> -> memref<112xi32, #tpu.memory_space<vmem>>
    %dma_start3A_37 = arith.constant 0 : i32
    %dma_start3A_38 = arith.constant 0 : i32
    %dma_start3A_39 = tpu.memref_slice %arg6[%dma_start3A_37, %dma_start3A_38] : memref<20008x64xf32, #tpu.memory_space<vmem_shared>> -> memref<20008x64xf32, #tpu.memory_space<vmem_shared>>
    tpu.enqueue_indirect_dma source(%dma_start3A_33 : memref<112x64xf32, #tpu.memory_space<vmem>>) target(%dma_start3A_39 : memref<20008x64xf32, #tpu.memory_space<vmem_shared>>) offsets(%dma_start3A_36 : memref<112xi32, #tpu.memory_space<vmem>>) semaphore(%arg17 : memref<!tpu.dma_semaphore, #tpu.memory_space<semaphore_mem>>) {add = true}
    %dma_start3A_40 = arith.constant 2 : i32
    %dma_start3A_41 = arith.constant 0 : i32
    %dma_start3A_42 = arith.constant 0 : i32
    %dma_start3A_43 = arith.constant 0 : i32
    %dma_start3A_44 = tpu.memref_slice %arg9[%dma_start3A_40, %dma_start3A_42, %dma_start3A_43] : memref<6x112x64xf32, #tpu.memory_space<vmem>> -> memref<1x112x64xf32, #tpu.memory_space<vmem>>
    %dma_start3A_45 = tpu.memref_squeeze %dma_start3A_44 : memref<1x112x64xf32, #tpu.memory_space<vmem>> -> memref<112x64xf32, #tpu.memory_space<vmem>>
    %dma_start3A_46 = arith.constant 0 : i32
    %dma_start3A_47 = tpu.memref_slice %arg8[%dma_start3A_41, %dma_start3A_46] : memref<12x112xi32, #tpu.memory_space<vmem>> -> memref<1x112xi32, #tpu.memory_space<vmem>>
    %dma_start3A_48 = tpu.memref_squeeze %dma_start3A_47 : memref<1x112xi32, #tpu.memory_space<vmem>> -> memref<112xi32, #tpu.memory_space<vmem>>
    %dma_start3A_49 = arith.constant 0 : i32
    %dma_start3A_50 = arith.constant 0 : i32
    %dma_start3A_51 = tpu.memref_slice %arg6[%dma_start3A_49, %dma_start3A_50] : memref<20008x64xf32, #tpu.memory_space<vmem_shared>> -> memref<20008x64xf32, #tpu.memory_space<vmem_shared>>
    tpu.enqueue_indirect_dma source(%dma_start3A_45 : memref<112x64xf32, #tpu.memory_space<vmem>>) target(%dma_start3A_51 : memref<20008x64xf32, #tpu.memory_space<vmem_shared>>) offsets(%dma_start3A_48 : memref<112xi32, #tpu.memory_space<vmem>>) semaphore(%arg18 : memref<!tpu.dma_semaphore, #tpu.memory_space<semaphore_mem>>) {add = true}
    %dma_start3A_52 = arith.constant 3 : i32
    %dma_start3A_53 = arith.constant 0 : i32
    %dma_start3A_54 = arith.constant 0 : i32
    %dma_start3A_55 = arith.constant 0 : i32
    %dma_start3A_56 = tpu.memref_slice %arg9[%dma_start3A_52, %dma_start3A_54, %dma_start3A_55] : memref<6x112x64xf32, #tpu.memory_space<vmem>> -> memref<1x112x64xf32, #tpu.memory_space<vmem>>
    %dma_start3A_57 = tpu.memref_squeeze %dma_start3A_56 : memref<1x112x64xf32, #tpu.memory_space<vmem>> -> memref<112x64xf32, #tpu.memory_space<vmem>>
    %dma_start3A_58 = arith.constant 0 : i32
    %dma_start3A_59 = tpu.memref_slice %arg8[%dma_start3A_53, %dma_start3A_58] : memref<12x112xi32, #tpu.memory_space<vmem>> -> memref<1x112xi32, #tpu.memory_space<vmem>>
    %dma_start3A_60 = tpu.memref_squeeze %dma_start3A_59 : memref<1x112xi32, #tpu.memory_space<vmem>> -> memref<112xi32, #tpu.memory_space<vmem>>
    %dma_start3A_61 = arith.constant 0 : i32
    %dma_start3A_62 = arith.constant 0 : i32
    %dma_start3A_63 = tpu.memref_slice %arg6[%dma_start3A_61, %dma_start3A_62] : memref<20008x64xf32, #tpu.memory_space<vmem_shared>> -> memref<20008x64xf32, #tpu.memory_space<vmem_shared>>
    tpu.enqueue_indirect_dma source(%dma_start3A_57 : memref<112x64xf32, #tpu.memory_space<vmem>>) target(%dma_start3A_63 : memref<20008x64xf32, #tpu.memory_space<vmem_shared>>) offsets(%dma_start3A_60 : memref<112xi32, #tpu.memory_space<vmem>>) semaphore(%arg19 : memref<!tpu.dma_semaphore, #tpu.memory_space<semaphore_mem>>) {add = true}
    %dma_start3A_64 = arith.constant 4 : i32
    %dma_start3A_65 = arith.constant 0 : i32
    %dma_start3A_66 = arith.constant 0 : i32
    %dma_start3A_67 = arith.constant 0 : i32
    %dma_start3A_68 = tpu.memref_slice %arg9[%dma_start3A_64, %dma_start3A_66, %dma_start3A_67] : memref<6x112x64xf32, #tpu.memory_space<vmem>> -> memref<1x112x64xf32, #tpu.memory_space<vmem>>
    %dma_start3A_69 = tpu.memref_squeeze %dma_start3A_68 : memref<1x112x64xf32, #tpu.memory_space<vmem>> -> memref<112x64xf32, #tpu.memory_space<vmem>>
    %dma_start3A_70 = arith.constant 0 : i32
    %dma_start3A_71 = tpu.memref_slice %arg8[%dma_start3A_65, %dma_start3A_70] : memref<12x112xi32, #tpu.memory_space<vmem>> -> memref<1x112xi32, #tpu.memory_space<vmem>>
    %dma_start3A_72 = tpu.memref_squeeze %dma_start3A_71 : memref<1x112xi32, #tpu.memory_space<vmem>> -> memref<112xi32, #tpu.memory_space<vmem>>
    %dma_start3A_73 = arith.constant 0 : i32
    %dma_start3A_74 = arith.constant 0 : i32
    %dma_start3A_75 = tpu.memref_slice %arg6[%dma_start3A_73, %dma_start3A_74] : memref<20008x64xf32, #tpu.memory_space<vmem_shared>> -> memref<20008x64xf32, #tpu.memory_space<vmem_shared>>
    tpu.enqueue_indirect_dma source(%dma_start3A_69 : memref<112x64xf32, #tpu.memory_space<vmem>>) target(%dma_start3A_75 : memref<20008x64xf32, #tpu.memory_space<vmem_shared>>) offsets(%dma_start3A_72 : memref<112xi32, #tpu.memory_space<vmem>>) semaphore(%arg20 : memref<!tpu.dma_semaphore, #tpu.memory_space<semaphore_mem>>) {add = true}
    %dma_start3A_76 = arith.constant 5 : i32
    %dma_start3A_77 = arith.constant 0 : i32
    %dma_start3A_78 = arith.constant 0 : i32
    %dma_start3A_79 = arith.constant 0 : i32
    %dma_start3A_80 = tpu.memref_slice %arg9[%dma_start3A_76, %dma_start3A_78, %dma_start3A_79] : memref<6x112x64xf32, #tpu.memory_space<vmem>> -> memref<1x112x64xf32, #tpu.memory_space<vmem>>
    %dma_start3A_81 = tpu.memref_squeeze %dma_start3A_80 : memref<1x112x64xf32, #tpu.memory_space<vmem>> -> memref<112x64xf32, #tpu.memory_space<vmem>>
    %dma_start3A_82 = arith.constant 0 : i32
    %dma_start3A_83 = tpu.memref_slice %arg8[%dma_start3A_77, %dma_start3A_82] : memref<12x112xi32, #tpu.memory_space<vmem>> -> memref<1x112xi32, #tpu.memory_space<vmem>>
    %dma_start3A_84 = tpu.memref_squeeze %dma_start3A_83 : memref<1x112xi32, #tpu.memory_space<vmem>> -> memref<112xi32, #tpu.memory_space<vmem>>
    %dma_start3A_85 = arith.constant 0 : i32
    %dma_start3A_86 = arith.constant 0 : i32
    %dma_start3A_87 = tpu.memref_slice %arg6[%dma_start3A_85, %dma_start3A_86] : memref<20008x64xf32, #tpu.memory_space<vmem_shared>> -> memref<20008x64xf32, #tpu.memory_space<vmem_shared>>
    tpu.enqueue_indirect_dma source(%dma_start3A_81 : memref<112x64xf32, #tpu.memory_space<vmem>>) target(%dma_start3A_87 : memref<20008x64xf32, #tpu.memory_space<vmem_shared>>) offsets(%dma_start3A_84 : memref<112xi32, #tpu.memory_space<vmem>>) semaphore(%arg21 : memref<!tpu.dma_semaphore, #tpu.memory_space<semaphore_mem>>) {add = true}
    %scan3A_88 = arith.constant 0 : i32
    %scan3A_89 = arith.constant 0 : i32
    %scan3A_90 = arith.constant 15 : i32
    %scan3A_91 = arith.addi %scan3A_89, %scan3A_90 : i32
    %scan3A_92 = arith.constant 1 : i32
    scf.for %scan3A_172 = %scan3A_89 to %scan3A_91 step %scan3A_92  : i32 {
      %mul3A = arith.constant 180 : i32
      %mul3A_173 = arith.muli %arg1, %mul3A : i32
      %mul3A_174 = arith.constant 12 : i32
      %mul3A_175 = arith.muli %scan3A_172, %mul3A_174 : i32
      %add3A = arith.addi %mul3A_173, %mul3A_175 : i32
      "tpu.region"() ({
        %run_scoped3A = tpu.sem_alloc : memref<!tpu.dma_semaphore, #tpu.memory_space<semaphore_mem>>
        %dma_start3A_752 = arith.constant 0 : i32
        %dma_start3A_753 = tpu.memref_slice %arg3[%arg0, %add3A, %dma_start3A_752] : memref<2x2880x112xi32, #tpu.memory_space<hbm>> -> memref<1x12x112xi32, #tpu.memory_space<hbm>>
        %dma_start3A_754 = tpu.memref_squeeze %dma_start3A_753 : memref<1x12x112xi32, #tpu.memory_space<hbm>> -> memref<12x112xi32, #tpu.memory_space<hbm>>
        %dma_start3A_755 = arith.constant 0 : i32
        %dma_start3A_756 = tpu.memref_slice %arg3[%arg0, %add3A, %dma_start3A_755] : memref<2x2880x112xi32, #tpu.memory_space<hbm>> -> memref<1x12x112xi32, #tpu.memory_space<hbm>>
        %dma_start3A_757 = tpu.memref_squeeze %dma_start3A_756 : memref<1x12x112xi32, #tpu.memory_space<hbm>> -> memref<12x112xi32, #tpu.memory_space<hbm>>
        tpu.enqueue_dma source(%dma_start3A_757 : memref<12x112xi32, #tpu.memory_space<hbm>>) target(%arg7 : memref<12x112xi32, #tpu.memory_space<vmem>>) target_semaphore(%run_scoped3A : memref<!tpu.dma_semaphore, #tpu.memory_space<semaphore_mem>>)
        %dma_wait3A_758 = arith.constant 0 : i32
        %dma_wait3A_759 = tpu.memref_slice %arg3[%arg0, %add3A, %dma_wait3A_758] : memref<2x2880x112xi32, #tpu.memory_space<hbm>> -> memref<1x12x112xi32, #tpu.memory_space<hbm>>
        %dma_wait3A_760 = tpu.memref_squeeze %dma_wait3A_759 : memref<1x12x112xi32, #tpu.memory_space<hbm>> -> memref<12x112xi32, #tpu.memory_space<hbm>>
        %dma_wait3A_761 = arith.constant 0 : i32
        %dma_wait3A_762 = tpu.memref_slice %arg3[%arg0, %add3A, %dma_wait3A_761] : memref<2x2880x112xi32, #tpu.memory_space<hbm>> -> memref<1x12x112xi32, #tpu.memory_space<hbm>>
        %dma_wait3A_763 = tpu.memref_squeeze %dma_wait3A_762 : memref<1x12x112xi32, #tpu.memory_space<hbm>> -> memref<12x112xi32, #tpu.memory_space<hbm>>
        tpu.wait_dma2 semaphore(%run_scoped3A : memref<!tpu.dma_semaphore, #tpu.memory_space<semaphore_mem>>) src(%dma_wait3A_763 : memref<12x112xi32, #tpu.memory_space<hbm>>) dst(%arg7 : memref<12x112xi32, #tpu.memory_space<vmem>>)
        tpu.yield
      }) : () -> ()
      "tpu.region"() ({
        %run_scoped3A = tpu.sem_alloc : memref<!tpu.dma_semaphore, #tpu.memory_space<semaphore_mem>>
        %dma_start3A_752 = arith.constant 0 : i32
        %dma_start3A_753 = tpu.memref_slice %arg4[%add3A, %dma_start3A_752] : memref<2880x112xi32, #tpu.memory_space<hbm>> -> memref<12x112xi32, #tpu.memory_space<hbm>>
        %dma_start3A_754 = arith.constant 0 : i32
        %dma_start3A_755 = tpu.memref_slice %arg4[%add3A, %dma_start3A_754] : memref<2880x112xi32, #tpu.memory_space<hbm>> -> memref<12x112xi32, #tpu.memory_space<hbm>>
        tpu.enqueue_dma source(%dma_start3A_755 : memref<12x112xi32, #tpu.memory_space<hbm>>) target(%arg8 : memref<12x112xi32, #tpu.memory_space<vmem>>) target_semaphore(%run_scoped3A : memref<!tpu.dma_semaphore, #tpu.memory_space<semaphore_mem>>)
        %dma_wait3A_756 = arith.constant 0 : i32
        %dma_wait3A_757 = tpu.memref_slice %arg4[%add3A, %dma_wait3A_756] : memref<2880x112xi32, #tpu.memory_space<hbm>> -> memref<12x112xi32, #tpu.memory_space<hbm>>
        %dma_wait3A_758 = arith.constant 0 : i32
        %dma_wait3A_759 = tpu.memref_slice %arg4[%add3A, %dma_wait3A_758] : memref<2880x112xi32, #tpu.memory_space<hbm>> -> memref<12x112xi32, #tpu.memory_space<hbm>>
        tpu.wait_dma2 semaphore(%run_scoped3A : memref<!tpu.dma_semaphore, #tpu.memory_space<semaphore_mem>>) src(%dma_wait3A_759 : memref<12x112xi32, #tpu.memory_space<hbm>>) dst(%arg8 : memref<12x112xi32, #tpu.memory_space<vmem>>)
        tpu.yield
      }) : () -> ()
      %dma_wait3A_176 = arith.constant 0 : i32
      %dma_wait3A_177 = arith.constant 0 : i32
      %dma_wait3A_178 = arith.constant 0 : i32
      %dma_wait3A_179 = arith.constant 0 : i32
      %dma_wait3A_180 = tpu.memref_slice %arg9[%dma_wait3A_176, %dma_wait3A_178, %dma_wait3A_179] : memref<6x112x64xf32, #tpu.memory_space<vmem>> -> memref<1x112x64xf32, #tpu.memory_space<vmem>>
      %dma_wait3A_181 = tpu.memref_squeeze %dma_wait3A_180 : memref<1x112x64xf32, #tpu.memory_space<vmem>> -> memref<112x64xf32, #tpu.memory_space<vmem>>
      %dma_wait3A_182 = arith.constant 0 : i32
      %dma_wait3A_183 = tpu.memref_slice %arg8[%dma_wait3A_177, %dma_wait3A_182] : memref<12x112xi32, #tpu.memory_space<vmem>> -> memref<1x112xi32, #tpu.memory_space<vmem>>
      %dma_wait3A_184 = tpu.memref_squeeze %dma_wait3A_183 : memref<1x112xi32, #tpu.memory_space<vmem>> -> memref<112xi32, #tpu.memory_space<vmem>>
      %dma_wait3A_185 = arith.constant 0 : i32
      %dma_wait3A_186 = arith.constant 0 : i32
      %dma_wait3A_187 = tpu.memref_slice %arg6[%dma_wait3A_185, %dma_wait3A_186] : memref<20008x64xf32, #tpu.memory_space<vmem_shared>> -> memref<20008x64xf32, #tpu.memory_space<vmem_shared>>
      tpu.wait_indirect_dma semaphore(%arg16 : memref<!tpu.dma_semaphore, #tpu.memory_space<semaphore_mem>>) src(%dma_wait3A_181 : memref<112x64xf32, #tpu.memory_space<vmem>>) dst(%dma_wait3A_187 : memref<20008x64xf32, #tpu.memory_space<vmem_shared>>)
      %dma_start3A_188 = arith.constant 0 : i32
      %dma_start3A_189 = arith.constant 0 : i32
      %dma_start3A_190 = arith.constant 0 : i32
      %dma_start3A_191 = arith.constant 0 : i32
      %dma_start3A_192 = tpu.memref_slice %arg9[%dma_start3A_189, %dma_start3A_190, %dma_start3A_191] : memref<6x112x64xf32, #tpu.memory_space<vmem>> -> memref<1x112x64xf32, #tpu.memory_space<vmem>>
      %dma_start3A_193 = tpu.memref_squeeze %dma_start3A_192 : memref<1x112x64xf32, #tpu.memory_space<vmem>> -> memref<112x64xf32, #tpu.memory_space<vmem>>
      %dma_start3A_194 = arith.constant 0 : i32
      %dma_start3A_195 = tpu.memref_slice %arg7[%dma_start3A_188, %dma_start3A_194] : memref<12x112xi32, #tpu.memory_space<vmem>> -> memref<1x112xi32, #tpu.memory_space<vmem>>
      %dma_start3A_196 = tpu.memref_squeeze %dma_start3A_195 : memref<1x112xi32, #tpu.memory_space<vmem>> -> memref<112xi32, #tpu.memory_space<vmem>>
      %dma_start3A_197 = arith.constant 0 : i32
      %dma_start3A_198 = arith.constant 0 : i32
      %dma_start3A_199 = tpu.memref_slice %arg2[%dma_start3A_197, %dma_start3A_198] : memref<40000x64xf32, #tpu.memory_space<hbm>> -> memref<40000x64xf32, #tpu.memory_space<hbm>>
      tpu.enqueue_indirect_dma source(%dma_start3A_199 : memref<40000x64xf32, #tpu.memory_space<hbm>>) target(%dma_start3A_193 : memref<112x64xf32, #tpu.memory_space<vmem>>) offsets(%dma_start3A_196 : memref<112xi32, #tpu.memory_space<vmem>>) semaphore(%arg10 : memref<!tpu.dma_semaphore, #tpu.memory_space<semaphore_mem>>)
      %dma_wait3A_200 = arith.constant 1 : i32
      %dma_wait3A_201 = arith.constant 0 : i32
      %dma_wait3A_202 = arith.constant 0 : i32
      %dma_wait3A_203 = arith.constant 0 : i32
      %dma_wait3A_204 = tpu.memref_slice %arg9[%dma_wait3A_200, %dma_wait3A_202, %dma_wait3A_203] : memref<6x112x64xf32, #tpu.memory_space<vmem>> -> memref<1x112x64xf32, #tpu.memory_space<vmem>>
      %dma_wait3A_205 = tpu.memref_squeeze %dma_wait3A_204 : memref<1x112x64xf32, #tpu.memory_space<vmem>> -> memref<112x64xf32, #tpu.memory_space<vmem>>
      %dma_wait3A_206 = arith.constant 0 : i32
      %dma_wait3A_207 = tpu.memref_slice %arg8[%dma_wait3A_201, %dma_wait3A_206] : memref<12x112xi32, #tpu.memory_space<vmem>> -> memref<1x112xi32, #tpu.memory_space<vmem>>
      %dma_wait3A_208 = tpu.memref_squeeze %dma_wait3A_207 : memref<1x112xi32, #tpu.memory_space<vmem>> -> memref<112xi32, #tpu.memory_space<vmem>>
      %dma_wait3A_209 = arith.constant 0 : i32
      %dma_wait3A_210 = arith.constant 0 : i32
      %dma_wait3A_211 = tpu.memref_slice %arg6[%dma_wait3A_209, %dma_wait3A_210] : memref<20008x64xf32, #tpu.memory_space<vmem_shared>> -> memref<20008x64xf32, #tpu.memory_space<vmem_shared>>
      tpu.wait_indirect_dma semaphore(%arg17 : memref<!tpu.dma_semaphore, #tpu.memory_space<semaphore_mem>>) src(%dma_wait3A_205 : memref<112x64xf32, #tpu.memory_space<vmem>>) dst(%dma_wait3A_211 : memref<20008x64xf32, #tpu.memory_space<vmem_shared>>)
      %dma_start3A_212 = arith.constant 1 : i32
      %dma_start3A_213 = arith.constant 1 : i32
      %dma_start3A_214 = arith.constant 0 : i32
      %dma_start3A_215 = arith.constant 0 : i32
      %dma_start3A_216 = tpu.memref_slice %arg9[%dma_start3A_213, %dma_start3A_214, %dma_start3A_215] : memref<6x112x64xf32, #tpu.memory_space<vmem>> -> memref<1x112x64xf32, #tpu.memory_space<vmem>>
      %dma_start3A_217 = tpu.memref_squeeze %dma_start3A_216 : memref<1x112x64xf32, #tpu.memory_space<vmem>> -> memref<112x64xf32, #tpu.memory_space<vmem>>
      %dma_start3A_218 = arith.constant 0 : i32
      %dma_start3A_219 = tpu.memref_slice %arg7[%dma_start3A_212, %dma_start3A_218] : memref<12x112xi32, #tpu.memory_space<vmem>> -> memref<1x112xi32, #tpu.memory_space<vmem>>
      %dma_start3A_220 = tpu.memref_squeeze %dma_start3A_219 : memref<1x112xi32, #tpu.memory_space<vmem>> -> memref<112xi32, #tpu.memory_space<vmem>>
      %dma_start3A_221 = arith.constant 0 : i32
      %dma_start3A_222 = arith.constant 0 : i32
      %dma_start3A_223 = tpu.memref_slice %arg2[%dma_start3A_221, %dma_start3A_222] : memref<40000x64xf32, #tpu.memory_space<hbm>> -> memref<40000x64xf32, #tpu.memory_space<hbm>>
      tpu.enqueue_indirect_dma source(%dma_start3A_223 : memref<40000x64xf32, #tpu.memory_space<hbm>>) target(%dma_start3A_217 : memref<112x64xf32, #tpu.memory_space<vmem>>) offsets(%dma_start3A_220 : memref<112xi32, #tpu.memory_space<vmem>>) semaphore(%arg11 : memref<!tpu.dma_semaphore, #tpu.memory_space<semaphore_mem>>)
      %dma_wait3A_224 = arith.constant 2 : i32
      %dma_wait3A_225 = arith.constant 0 : i32
      %dma_wait3A_226 = arith.constant 0 : i32
      %dma_wait3A_227 = arith.constant 0 : i32
      %dma_wait3A_228 = tpu.memref_slice %arg9[%dma_wait3A_224, %dma_wait3A_226, %dma_wait3A_227] : memref<6x112x64xf32, #tpu.memory_space<vmem>> -> memref<1x112x64xf32, #tpu.memory_space<vmem>>
      %dma_wait3A_229 = tpu.memref_squeeze %dma_wait3A_228 : memref<1x112x64xf32, #tpu.memory_space<vmem>> -> memref<112x64xf32, #tpu.memory_space<vmem>>
      %dma_wait3A_230 = arith.constant 0 : i32
      %dma_wait3A_231 = tpu.memref_slice %arg8[%dma_wait3A_225, %dma_wait3A_230] : memref<12x112xi32, #tpu.memory_space<vmem>> -> memref<1x112xi32, #tpu.memory_space<vmem>>
      %dma_wait3A_232 = tpu.memref_squeeze %dma_wait3A_231 : memref<1x112xi32, #tpu.memory_space<vmem>> -> memref<112xi32, #tpu.memory_space<vmem>>
      %dma_wait3A_233 = arith.constant 0 : i32
      %dma_wait3A_234 = arith.constant 0 : i32
      %dma_wait3A_235 = tpu.memref_slice %arg6[%dma_wait3A_233, %dma_wait3A_234] : memref<20008x64xf32, #tpu.memory_space<vmem_shared>> -> memref<20008x64xf32, #tpu.memory_space<vmem_shared>>
      tpu.wait_indirect_dma semaphore(%arg18 : memref<!tpu.dma_semaphore, #tpu.memory_space<semaphore_mem>>) src(%dma_wait3A_229 : memref<112x64xf32, #tpu.memory_space<vmem>>) dst(%dma_wait3A_235 : memref<20008x64xf32, #tpu.memory_space<vmem_shared>>)
      %dma_start3A_236 = arith.constant 2 : i32
      %dma_start3A_237 = arith.constant 2 : i32
      %dma_start3A_238 = arith.constant 0 : i32
      %dma_start3A_239 = arith.constant 0 : i32
      %dma_start3A_240 = tpu.memref_slice %arg9[%dma_start3A_237, %dma_start3A_238, %dma_start3A_239] : memref<6x112x64xf32, #tpu.memory_space<vmem>> -> memref<1x112x64xf32, #tpu.memory_space<vmem>>
      %dma_start3A_241 = tpu.memref_squeeze %dma_start3A_240 : memref<1x112x64xf32, #tpu.memory_space<vmem>> -> memref<112x64xf32, #tpu.memory_space<vmem>>
      %dma_start3A_242 = arith.constant 0 : i32
      %dma_start3A_243 = tpu.memref_slice %arg7[%dma_start3A_236, %dma_start3A_242] : memref<12x112xi32, #tpu.memory_space<vmem>> -> memref<1x112xi32, #tpu.memory_space<vmem>>
      %dma_start3A_244 = tpu.memref_squeeze %dma_start3A_243 : memref<1x112xi32, #tpu.memory_space<vmem>> -> memref<112xi32, #tpu.memory_space<vmem>>
      %dma_start3A_245 = arith.constant 0 : i32
      %dma_start3A_246 = arith.constant 0 : i32
      %dma_start3A_247 = tpu.memref_slice %arg2[%dma_start3A_245, %dma_start3A_246] : memref<40000x64xf32, #tpu.memory_space<hbm>> -> memref<40000x64xf32, #tpu.memory_space<hbm>>
      tpu.enqueue_indirect_dma source(%dma_start3A_247 : memref<40000x64xf32, #tpu.memory_space<hbm>>) target(%dma_start3A_241 : memref<112x64xf32, #tpu.memory_space<vmem>>) offsets(%dma_start3A_244 : memref<112xi32, #tpu.memory_space<vmem>>) semaphore(%arg12 : memref<!tpu.dma_semaphore, #tpu.memory_space<semaphore_mem>>)
      %dma_wait3A_248 = arith.constant 3 : i32
      %dma_wait3A_249 = arith.constant 0 : i32
      %dma_wait3A_250 = arith.constant 0 : i32
      %dma_wait3A_251 = arith.constant 0 : i32
      %dma_wait3A_252 = tpu.memref_slice %arg9[%dma_wait3A_248, %dma_wait3A_250, %dma_wait3A_251] : memref<6x112x64xf32, #tpu.memory_space<vmem>> -> memref<1x112x64xf32, #tpu.memory_space<vmem>>
      %dma_wait3A_253 = tpu.memref_squeeze %dma_wait3A_252 : memref<1x112x64xf32, #tpu.memory_space<vmem>> -> memref<112x64xf32, #tpu.memory_space<vmem>>
      %dma_wait3A_254 = arith.constant 0 : i32
      %dma_wait3A_255 = tpu.memref_slice %arg8[%dma_wait3A_249, %dma_wait3A_254] : memref<12x112xi32, #tpu.memory_space<vmem>> -> memref<1x112xi32, #tpu.memory_space<vmem>>
      %dma_wait3A_256 = tpu.memref_squeeze %dma_wait3A_255 : memref<1x112xi32, #tpu.memory_space<vmem>> -> memref<112xi32, #tpu.memory_space<vmem>>
      %dma_wait3A_257 = arith.constant 0 : i32
      %dma_wait3A_258 = arith.constant 0 : i32
      %dma_wait3A_259 = tpu.memref_slice %arg6[%dma_wait3A_257, %dma_wait3A_258] : memref<20008x64xf32, #tpu.memory_space<vmem_shared>> -> memref<20008x64xf32, #tpu.memory_space<vmem_shared>>
      tpu.wait_indirect_dma semaphore(%arg19 : memref<!tpu.dma_semaphore, #tpu.memory_space<semaphore_mem>>) src(%dma_wait3A_253 : memref<112x64xf32, #tpu.memory_space<vmem>>) dst(%dma_wait3A_259 : memref<20008x64xf32, #tpu.memory_space<vmem_shared>>)
      %dma_start3A_260 = arith.constant 3 : i32
      %dma_start3A_261 = arith.constant 3 : i32
      %dma_start3A_262 = arith.constant 0 : i32
      %dma_start3A_263 = arith.constant 0 : i32
      %dma_start3A_264 = tpu.memref_slice %arg9[%dma_start3A_261, %dma_start3A_262, %dma_start3A_263] : memref<6x112x64xf32, #tpu.memory_space<vmem>> -> memref<1x112x64xf32, #tpu.memory_space<vmem>>
      %dma_start3A_265 = tpu.memref_squeeze %dma_start3A_264 : memref<1x112x64xf32, #tpu.memory_space<vmem>> -> memref<112x64xf32, #tpu.memory_space<vmem>>
      %dma_start3A_266 = arith.constant 0 : i32
      %dma_start3A_267 = tpu.memref_slice %arg7[%dma_start3A_260, %dma_start3A_266] : memref<12x112xi32, #tpu.memory_space<vmem>> -> memref<1x112xi32, #tpu.memory_space<vmem>>
      %dma_start3A_268 = tpu.memref_squeeze %dma_start3A_267 : memref<1x112xi32, #tpu.memory_space<vmem>> -> memref<112xi32, #tpu.memory_space<vmem>>
      %dma_start3A_269 = arith.constant 0 : i32
      %dma_start3A_270 = arith.constant 0 : i32
      %dma_start3A_271 = tpu.memref_slice %arg2[%dma_start3A_269, %dma_start3A_270] : memref<40000x64xf32, #tpu.memory_space<hbm>> -> memref<40000x64xf32, #tpu.memory_space<hbm>>
      tpu.enqueue_indirect_dma source(%dma_start3A_271 : memref<40000x64xf32, #tpu.memory_space<hbm>>) target(%dma_start3A_265 : memref<112x64xf32, #tpu.memory_space<vmem>>) offsets(%dma_start3A_268 : memref<112xi32, #tpu.memory_space<vmem>>) semaphore(%arg13 : memref<!tpu.dma_semaphore, #tpu.memory_space<semaphore_mem>>)
      %dma_wait3A_272 = arith.constant 4 : i32
      %dma_wait3A_273 = arith.constant 0 : i32
      %dma_wait3A_274 = arith.constant 0 : i32
      %dma_wait3A_275 = arith.constant 0 : i32
      %dma_wait3A_276 = tpu.memref_slice %arg9[%dma_wait3A_272, %dma_wait3A_274, %dma_wait3A_275] : memref<6x112x64xf32, #tpu.memory_space<vmem>> -> memref<1x112x64xf32, #tpu.memory_space<vmem>>
      %dma_wait3A_277 = tpu.memref_squeeze %dma_wait3A_276 : memref<1x112x64xf32, #tpu.memory_space<vmem>> -> memref<112x64xf32, #tpu.memory_space<vmem>>
      %dma_wait3A_278 = arith.constant 0 : i32
      %dma_wait3A_279 = tpu.memref_slice %arg8[%dma_wait3A_273, %dma_wait3A_278] : memref<12x112xi32, #tpu.memory_space<vmem>> -> memref<1x112xi32, #tpu.memory_space<vmem>>
      %dma_wait3A_280 = tpu.memref_squeeze %dma_wait3A_279 : memref<1x112xi32, #tpu.memory_space<vmem>> -> memref<112xi32, #tpu.memory_space<vmem>>
      %dma_wait3A_281 = arith.constant 0 : i32
      %dma_wait3A_282 = arith.constant 0 : i32
      %dma_wait3A_283 = tpu.memref_slice %arg6[%dma_wait3A_281, %dma_wait3A_282] : memref<20008x64xf32, #tpu.memory_space<vmem_shared>> -> memref<20008x64xf32, #tpu.memory_space<vmem_shared>>
      tpu.wait_indirect_dma semaphore(%arg20 : memref<!tpu.dma_semaphore, #tpu.memory_space<semaphore_mem>>) src(%dma_wait3A_277 : memref<112x64xf32, #tpu.memory_space<vmem>>) dst(%dma_wait3A_283 : memref<20008x64xf32, #tpu.memory_space<vmem_shared>>)
      %dma_start3A_284 = arith.constant 4 : i32
      %dma_start3A_285 = arith.constant 4 : i32
      %dma_start3A_286 = arith.constant 0 : i32
      %dma_start3A_287 = arith.constant 0 : i32
      %dma_start3A_288 = tpu.memref_slice %arg9[%dma_start3A_285, %dma_start3A_286, %dma_start3A_287] : memref<6x112x64xf32, #tpu.memory_space<vmem>> -> memref<1x112x64xf32, #tpu.memory_space<vmem>>
      %dma_start3A_289 = tpu.memref_squeeze %dma_start3A_288 : memref<1x112x64xf32, #tpu.memory_space<vmem>> -> memref<112x64xf32, #tpu.memory_space<vmem>>
      %dma_start3A_290 = arith.constant 0 : i32
      %dma_start3A_291 = tpu.memref_slice %arg7[%dma_start3A_284, %dma_start3A_290] : memref<12x112xi32, #tpu.memory_space<vmem>> -> memref<1x112xi32, #tpu.memory_space<vmem>>
      %dma_start3A_292 = tpu.memref_squeeze %dma_start3A_291 : memref<1x112xi32, #tpu.memory_space<vmem>> -> memref<112xi32, #tpu.memory_space<vmem>>
      %dma_start3A_293 = arith.constant 0 : i32
      %dma_start3A_294 = arith.constant 0 : i32
      %dma_start3A_295 = tpu.memref_slice %arg2[%dma_start3A_293, %dma_start3A_294] : memref<40000x64xf32, #tpu.memory_space<hbm>> -> memref<40000x64xf32, #tpu.memory_space<hbm>>
      tpu.enqueue_indirect_dma source(%dma_start3A_295 : memref<40000x64xf32, #tpu.memory_space<hbm>>) target(%dma_start3A_289 : memref<112x64xf32, #tpu.memory_space<vmem>>) offsets(%dma_start3A_292 : memref<112xi32, #tpu.memory_space<vmem>>) semaphore(%arg14 : memref<!tpu.dma_semaphore, #tpu.memory_space<semaphore_mem>>)
      %dma_wait3A_296 = arith.constant 0 : i32
      %dma_wait3A_297 = arith.constant 0 : i32
      %dma_wait3A_298 = arith.constant 0 : i32
      %dma_wait3A_299 = arith.constant 0 : i32
      %dma_wait3A_300 = tpu.memref_slice %arg9[%dma_wait3A_297, %dma_wait3A_298, %dma_wait3A_299] : memref<6x112x64xf32, #tpu.memory_space<vmem>> -> memref<1x112x64xf32, #tpu.memory_space<vmem>>
      %dma_wait3A_301 = tpu.memref_squeeze %dma_wait3A_300 : memref<1x112x64xf32, #tpu.memory_space<vmem>> -> memref<112x64xf32, #tpu.memory_space<vmem>>
      %dma_wait3A_302 = arith.constant 0 : i32
      %dma_wait3A_303 = tpu.memref_slice %arg7[%dma_wait3A_296, %dma_wait3A_302] : memref<12x112xi32, #tpu.memory_space<vmem>> -> memref<1x112xi32, #tpu.memory_space<vmem>>
      %dma_wait3A_304 = tpu.memref_squeeze %dma_wait3A_303 : memref<1x112xi32, #tpu.memory_space<vmem>> -> memref<112xi32, #tpu.memory_space<vmem>>
      %dma_wait3A_305 = arith.constant 0 : i32
      %dma_wait3A_306 = arith.constant 0 : i32
      %dma_wait3A_307 = tpu.memref_slice %arg2[%dma_wait3A_305, %dma_wait3A_306] : memref<40000x64xf32, #tpu.memory_space<hbm>> -> memref<40000x64xf32, #tpu.memory_space<hbm>>
      tpu.wait_indirect_dma semaphore(%arg10 : memref<!tpu.dma_semaphore, #tpu.memory_space<semaphore_mem>>) src(%dma_wait3A_307 : memref<40000x64xf32, #tpu.memory_space<hbm>>) dst(%dma_wait3A_301 : memref<112x64xf32, #tpu.memory_space<vmem>>)
      %dma_start3A_308 = arith.constant 0 : i32
      %dma_start3A_309 = arith.constant 0 : i32
      %dma_start3A_310 = arith.constant 0 : i32
      %dma_start3A_311 = arith.constant 0 : i32
      %dma_start3A_312 = tpu.memref_slice %arg9[%dma_start3A_308, %dma_start3A_310, %dma_start3A_311] : memref<6x112x64xf32, #tpu.memory_space<vmem>> -> memref<1x112x64xf32, #tpu.memory_space<vmem>>
      %dma_start3A_313 = tpu.memref_squeeze %dma_start3A_312 : memref<1x112x64xf32, #tpu.memory_space<vmem>> -> memref<112x64xf32, #tpu.memory_space<vmem>>
      %dma_start3A_314 = arith.constant 0 : i32
      %dma_start3A_315 = tpu.memref_slice %arg8[%dma_start3A_309, %dma_start3A_314] : memref<12x112xi32, #tpu.memory_space<vmem>> -> memref<1x112xi32, #tpu.memory_space<vmem>>
      %dma_start3A_316 = tpu.memref_squeeze %dma_start3A_315 : memref<1x112xi32, #tpu.memory_space<vmem>> -> memref<112xi32, #tpu.memory_space<vmem>>
      %dma_start3A_317 = arith.constant 0 : i32
      %dma_start3A_318 = arith.constant 0 : i32
      %dma_start3A_319 = tpu.memref_slice %arg6[%dma_start3A_317, %dma_start3A_318] : memref<20008x64xf32, #tpu.memory_space<vmem_shared>> -> memref<20008x64xf32, #tpu.memory_space<vmem_shared>>
      tpu.enqueue_indirect_dma source(%dma_start3A_313 : memref<112x64xf32, #tpu.memory_space<vmem>>) target(%dma_start3A_319 : memref<20008x64xf32, #tpu.memory_space<vmem_shared>>) offsets(%dma_start3A_316 : memref<112xi32, #tpu.memory_space<vmem>>) semaphore(%arg16 : memref<!tpu.dma_semaphore, #tpu.memory_space<semaphore_mem>>) {add = true}
      %dma_wait3A_320 = arith.constant 5 : i32
      %dma_wait3A_321 = arith.constant 0 : i32
      %dma_wait3A_322 = arith.constant 0 : i32
      %dma_wait3A_323 = arith.constant 0 : i32
      %dma_wait3A_324 = tpu.memref_slice %arg9[%dma_wait3A_320, %dma_wait3A_322, %dma_wait3A_323] : memref<6x112x64xf32, #tpu.memory_space<vmem>> -> memref<1x112x64xf32, #tpu.memory_space<vmem>>
      %dma_wait3A_325 = tpu.memref_squeeze %dma_wait3A_324 : memref<1x112x64xf32, #tpu.memory_space<vmem>> -> memref<112x64xf32, #tpu.memory_space<vmem>>
      %dma_wait3A_326 = arith.constant 0 : i32
      %dma_wait3A_327 = tpu.memref_slice %arg8[%dma_wait3A_321, %dma_wait3A_326] : memref<12x112xi32, #tpu.memory_space<vmem>> -> memref<1x112xi32, #tpu.memory_space<vmem>>
      %dma_wait3A_328 = tpu.memref_squeeze %dma_wait3A_327 : memref<1x112xi32, #tpu.memory_space<vmem>> -> memref<112xi32, #tpu.memory_space<vmem>>
      %dma_wait3A_329 = arith.constant 0 : i32
      %dma_wait3A_330 = arith.constant 0 : i32
      %dma_wait3A_331 = tpu.memref_slice %arg6[%dma_wait3A_329, %dma_wait3A_330] : memref<20008x64xf32, #tpu.memory_space<vmem_shared>> -> memref<20008x64xf32, #tpu.memory_space<vmem_shared>>
      tpu.wait_indirect_dma semaphore(%arg21 : memref<!tpu.dma_semaphore, #tpu.memory_space<semaphore_mem>>) src(%dma_wait3A_325 : memref<112x64xf32, #tpu.memory_space<vmem>>) dst(%dma_wait3A_331 : memref<20008x64xf32, #tpu.memory_space<vmem_shared>>)
      %dma_start3A_332 = arith.constant 5 : i32
      %dma_start3A_333 = arith.constant 5 : i32
      %dma_start3A_334 = arith.constant 0 : i32
      %dma_start3A_335 = arith.constant 0 : i32
      %dma_start3A_336 = tpu.memref_slice %arg9[%dma_start3A_333, %dma_start3A_334, %dma_start3A_335] : memref<6x112x64xf32, #tpu.memory_space<vmem>> -> memref<1x112x64xf32, #tpu.memory_space<vmem>>
      %dma_start3A_337 = tpu.memref_squeeze %dma_start3A_336 : memref<1x112x64xf32, #tpu.memory_space<vmem>> -> memref<112x64xf32, #tpu.memory_space<vmem>>
      %dma_start3A_338 = arith.constant 0 : i32
      %dma_start3A_339 = tpu.memref_slice %arg7[%dma_start3A_332, %dma_start3A_338] : memref<12x112xi32, #tpu.memory_space<vmem>> -> memref<1x112xi32, #tpu.memory_space<vmem>>
      %dma_start3A_340 = tpu.memref_squeeze %dma_start3A_339 : memref<1x112xi32, #tpu.memory_space<vmem>> -> memref<112xi32, #tpu.memory_space<vmem>>
      %dma_start3A_341 = arith.constant 0 : i32
      %dma_start3A_342 = arith.constant 0 : i32
      %dma_start3A_343 = tpu.memref_slice %arg2[%dma_start3A_341, %dma_start3A_342] : memref<40000x64xf32, #tpu.memory_space<hbm>> -> memref<40000x64xf32, #tpu.memory_space<hbm>>
      tpu.enqueue_indirect_dma source(%dma_start3A_343 : memref<40000x64xf32, #tpu.memory_space<hbm>>) target(%dma_start3A_337 : memref<112x64xf32, #tpu.memory_space<vmem>>) offsets(%dma_start3A_340 : memref<112xi32, #tpu.memory_space<vmem>>) semaphore(%arg15 : memref<!tpu.dma_semaphore, #tpu.memory_space<semaphore_mem>>)
      %dma_wait3A_344 = arith.constant 1 : i32
      %dma_wait3A_345 = arith.constant 1 : i32
      %dma_wait3A_346 = arith.constant 0 : i32
      %dma_wait3A_347 = arith.constant 0 : i32
      %dma_wait3A_348 = tpu.memref_slice %arg9[%dma_wait3A_345, %dma_wait3A_346, %dma_wait3A_347] : memref<6x112x64xf32, #tpu.memory_space<vmem>> -> memref<1x112x64xf32, #tpu.memory_space<vmem>>
      %dma_wait3A_349 = tpu.memref_squeeze %dma_wait3A_348 : memref<1x112x64xf32, #tpu.memory_space<vmem>> -> memref<112x64xf32, #tpu.memory_space<vmem>>
      %dma_wait3A_350 = arith.constant 0 : i32
      %dma_wait3A_351 = tpu.memref_slice %arg7[%dma_wait3A_344, %dma_wait3A_350] : memref<12x112xi32, #tpu.memory_space<vmem>> -> memref<1x112xi32, #tpu.memory_space<vmem>>
      %dma_wait3A_352 = tpu.memref_squeeze %dma_wait3A_351 : memref<1x112xi32, #tpu.memory_space<vmem>> -> memref<112xi32, #tpu.memory_space<vmem>>
      %dma_wait3A_353 = arith.constant 0 : i32
      %dma_wait3A_354 = arith.constant 0 : i32
      %dma_wait3A_355 = tpu.memref_slice %arg2[%dma_wait3A_353, %dma_wait3A_354] : memref<40000x64xf32, #tpu.memory_space<hbm>> -> memref<40000x64xf32, #tpu.memory_space<hbm>>
      tpu.wait_indirect_dma semaphore(%arg11 : memref<!tpu.dma_semaphore, #tpu.memory_space<semaphore_mem>>) src(%dma_wait3A_355 : memref<40000x64xf32, #tpu.memory_space<hbm>>) dst(%dma_wait3A_349 : memref<112x64xf32, #tpu.memory_space<vmem>>)
      %dma_start3A_356 = arith.constant 1 : i32
      %dma_start3A_357 = arith.constant 1 : i32
      %dma_start3A_358 = arith.constant 0 : i32
      %dma_start3A_359 = arith.constant 0 : i32
      %dma_start3A_360 = tpu.memref_slice %arg9[%dma_start3A_356, %dma_start3A_358, %dma_start3A_359] : memref<6x112x64xf32, #tpu.memory_space<vmem>> -> memref<1x112x64xf32, #tpu.memory_space<vmem>>
      %dma_start3A_361 = tpu.memref_squeeze %dma_start3A_360 : memref<1x112x64xf32, #tpu.memory_space<vmem>> -> memref<112x64xf32, #tpu.memory_space<vmem>>
      %dma_start3A_362 = arith.constant 0 : i32
      %dma_start3A_363 = tpu.memref_slice %arg8[%dma_start3A_357, %dma_start3A_362] : memref<12x112xi32, #tpu.memory_space<vmem>> -> memref<1x112xi32, #tpu.memory_space<vmem>>
      %dma_start3A_364 = tpu.memref_squeeze %dma_start3A_363 : memref<1x112xi32, #tpu.memory_space<vmem>> -> memref<112xi32, #tpu.memory_space<vmem>>
      %dma_start3A_365 = arith.constant 0 : i32
      %dma_start3A_366 = arith.constant 0 : i32
      %dma_start3A_367 = tpu.memref_slice %arg6[%dma_start3A_365, %dma_start3A_366] : memref<20008x64xf32, #tpu.memory_space<vmem_shared>> -> memref<20008x64xf32, #tpu.memory_space<vmem_shared>>
      tpu.enqueue_indirect_dma source(%dma_start3A_361 : memref<112x64xf32, #tpu.memory_space<vmem>>) target(%dma_start3A_367 : memref<20008x64xf32, #tpu.memory_space<vmem_shared>>) offsets(%dma_start3A_364 : memref<112xi32, #tpu.memory_space<vmem>>) semaphore(%arg17 : memref<!tpu.dma_semaphore, #tpu.memory_space<semaphore_mem>>) {add = true}
      %dma_wait3A_368 = arith.constant 0 : i32
      %dma_wait3A_369 = arith.constant 0 : i32
      %dma_wait3A_370 = arith.constant 0 : i32
      %dma_wait3A_371 = arith.constant 0 : i32
      %dma_wait3A_372 = tpu.memref_slice %arg9[%dma_wait3A_368, %dma_wait3A_370, %dma_wait3A_371] : memref<6x112x64xf32, #tpu.memory_space<vmem>> -> memref<1x112x64xf32, #tpu.memory_space<vmem>>
      %dma_wait3A_373 = tpu.memref_squeeze %dma_wait3A_372 : memref<1x112x64xf32, #tpu.memory_space<vmem>> -> memref<112x64xf32, #tpu.memory_space<vmem>>
      %dma_wait3A_374 = arith.constant 0 : i32
      %dma_wait3A_375 = tpu.memref_slice %arg8[%dma_wait3A_369, %dma_wait3A_374] : memref<12x112xi32, #tpu.memory_space<vmem>> -> memref<1x112xi32, #tpu.memory_space<vmem>>
      %dma_wait3A_376 = tpu.memref_squeeze %dma_wait3A_375 : memref<1x112xi32, #tpu.memory_space<vmem>> -> memref<112xi32, #tpu.memory_space<vmem>>
      %dma_wait3A_377 = arith.constant 0 : i32
      %dma_wait3A_378 = arith.constant 0 : i32
      %dma_wait3A_379 = tpu.memref_slice %arg6[%dma_wait3A_377, %dma_wait3A_378] : memref<20008x64xf32, #tpu.memory_space<vmem_shared>> -> memref<20008x64xf32, #tpu.memory_space<vmem_shared>>
      tpu.wait_indirect_dma semaphore(%arg16 : memref<!tpu.dma_semaphore, #tpu.memory_space<semaphore_mem>>) src(%dma_wait3A_373 : memref<112x64xf32, #tpu.memory_space<vmem>>) dst(%dma_wait3A_379 : memref<20008x64xf32, #tpu.memory_space<vmem_shared>>)
      %dma_start3A_380 = arith.constant 6 : i32
      %dma_start3A_381 = arith.constant 0 : i32
      %dma_start3A_382 = arith.constant 0 : i32
      %dma_start3A_383 = arith.constant 0 : i32
      %dma_start3A_384 = tpu.memref_slice %arg9[%dma_start3A_381, %dma_start3A_382, %dma_start3A_383] : memref<6x112x64xf32, #tpu.memory_space<vmem>> -> memref<1x112x64xf32, #tpu.memory_space<vmem>>
      %dma_start3A_385 = tpu.memref_squeeze %dma_start3A_384 : memref<1x112x64xf32, #tpu.memory_space<vmem>> -> memref<112x64xf32, #tpu.memory_space<vmem>>
      %dma_start3A_386 = arith.constant 0 : i32
      %dma_start3A_387 = tpu.memref_slice %arg7[%dma_start3A_380, %dma_start3A_386] : memref<12x112xi32, #tpu.memory_space<vmem>> -> memref<1x112xi32, #tpu.memory_space<vmem>>
      %dma_start3A_388 = tpu.memref_squeeze %dma_start3A_387 : memref<1x112xi32, #tpu.memory_space<vmem>> -> memref<112xi32, #tpu.memory_space<vmem>>
      %dma_start3A_389 = arith.constant 0 : i32
      %dma_start3A_390 = arith.constant 0 : i32
      %dma_start3A_391 = tpu.memref_slice %arg2[%dma_start3A_389, %dma_start3A_390] : memref<40000x64xf32, #tpu.memory_space<hbm>> -> memref<40000x64xf32, #tpu.memory_space<hbm>>
      tpu.enqueue_indirect_dma source(%dma_start3A_391 : memref<40000x64xf32, #tpu.memory_space<hbm>>) target(%dma_start3A_385 : memref<112x64xf32, #tpu.memory_space<vmem>>) offsets(%dma_start3A_388 : memref<112xi32, #tpu.memory_space<vmem>>) semaphore(%arg10 : memref<!tpu.dma_semaphore, #tpu.memory_space<semaphore_mem>>)
      %dma_wait3A_392 = arith.constant 2 : i32
      %dma_wait3A_393 = arith.constant 2 : i32
      %dma_wait3A_394 = arith.constant 0 : i32
      %dma_wait3A_395 = arith.constant 0 : i32
      %dma_wait3A_396 = tpu.memref_slice %arg9[%dma_wait3A_393, %dma_wait3A_394, %dma_wait3A_395] : memref<6x112x64xf32, #tpu.memory_space<vmem>> -> memref<1x112x64xf32, #tpu.memory_space<vmem>>
      %dma_wait3A_397 = tpu.memref_squeeze %dma_wait3A_396 : memref<1x112x64xf32, #tpu.memory_space<vmem>> -> memref<112x64xf32, #tpu.memory_space<vmem>>
      %dma_wait3A_398 = arith.constant 0 : i32
      %dma_wait3A_399 = tpu.memref_slice %arg7[%dma_wait3A_392, %dma_wait3A_398] : memref<12x112xi32, #tpu.memory_space<vmem>> -> memref<1x112xi32, #tpu.memory_space<vmem>>
      %dma_wait3A_400 = tpu.memref_squeeze %dma_wait3A_399 : memref<1x112xi32, #tpu.memory_space<vmem>> -> memref<112xi32, #tpu.memory_space<vmem>>
      %dma_wait3A_401 = arith.constant 0 : i32
      %dma_wait3A_402 = arith.constant 0 : i32
      %dma_wait3A_403 = tpu.memref_slice %arg2[%dma_wait3A_401, %dma_wait3A_402] : memref<40000x64xf32, #tpu.memory_space<hbm>> -> memref<40000x64xf32, #tpu.memory_space<hbm>>
      tpu.wait_indirect_dma semaphore(%arg12 : memref<!tpu.dma_semaphore, #tpu.memory_space<semaphore_mem>>) src(%dma_wait3A_403 : memref<40000x64xf32, #tpu.memory_space<hbm>>) dst(%dma_wait3A_397 : memref<112x64xf32, #tpu.memory_space<vmem>>)
      %dma_start3A_404 = arith.constant 2 : i32
      %dma_start3A_405 = arith.constant 2 : i32
      %dma_start3A_406 = arith.constant 0 : i32
      %dma_start3A_407 = arith.constant 0 : i32
      %dma_start3A_408 = tpu.memref_slice %arg9[%dma_start3A_404, %dma_start3A_406, %dma_start3A_407] : memref<6x112x64xf32, #tpu.memory_space<vmem>> -> memref<1x112x64xf32, #tpu.memory_space<vmem>>
      %dma_start3A_409 = tpu.memref_squeeze %dma_start3A_408 : memref<1x112x64xf32, #tpu.memory_space<vmem>> -> memref<112x64xf32, #tpu.memory_space<vmem>>
      %dma_start3A_410 = arith.constant 0 : i32
      %dma_start3A_411 = tpu.memref_slice %arg8[%dma_start3A_405, %dma_start3A_410] : memref<12x112xi32, #tpu.memory_space<vmem>> -> memref<1x112xi32, #tpu.memory_space<vmem>>
      %dma_start3A_412 = tpu.memref_squeeze %dma_start3A_411 : memref<1x112xi32, #tpu.memory_space<vmem>> -> memref<112xi32, #tpu.memory_space<vmem>>
      %dma_start3A_413 = arith.constant 0 : i32
      %dma_start3A_414 = arith.constant 0 : i32
      %dma_start3A_415 = tpu.memref_slice %arg6[%dma_start3A_413, %dma_start3A_414] : memref<20008x64xf32, #tpu.memory_space<vmem_shared>> -> memref<20008x64xf32, #tpu.memory_space<vmem_shared>>
      tpu.enqueue_indirect_dma source(%dma_start3A_409 : memref<112x64xf32, #tpu.memory_space<vmem>>) target(%dma_start3A_415 : memref<20008x64xf32, #tpu.memory_space<vmem_shared>>) offsets(%dma_start3A_412 : memref<112xi32, #tpu.memory_space<vmem>>) semaphore(%arg18 : memref<!tpu.dma_semaphore, #tpu.memory_space<semaphore_mem>>) {add = true}
      %dma_wait3A_416 = arith.constant 1 : i32
      %dma_wait3A_417 = arith.constant 0 : i32
      %dma_wait3A_418 = arith.constant 0 : i32
      %dma_wait3A_419 = arith.constant 0 : i32
      %dma_wait3A_420 = tpu.memref_slice %arg9[%dma_wait3A_416, %dma_wait3A_418, %dma_wait3A_419] : memref<6x112x64xf32, #tpu.memory_space<vmem>> -> memref<1x112x64xf32, #tpu.memory_space<vmem>>
      %dma_wait3A_421 = tpu.memref_squeeze %dma_wait3A_420 : memref<1x112x64xf32, #tpu.memory_space<vmem>> -> memref<112x64xf32, #tpu.memory_space<vmem>>
      %dma_wait3A_422 = arith.constant 0 : i32
      %dma_wait3A_423 = tpu.memref_slice %arg8[%dma_wait3A_417, %dma_wait3A_422] : memref<12x112xi32, #tpu.memory_space<vmem>> -> memref<1x112xi32, #tpu.memory_space<vmem>>
      %dma_wait3A_424 = tpu.memref_squeeze %dma_wait3A_423 : memref<1x112xi32, #tpu.memory_space<vmem>> -> memref<112xi32, #tpu.memory_space<vmem>>
      %dma_wait3A_425 = arith.constant 0 : i32
      %dma_wait3A_426 = arith.constant 0 : i32
      %dma_wait3A_427 = tpu.memref_slice %arg6[%dma_wait3A_425, %dma_wait3A_426] : memref<20008x64xf32, #tpu.memory_space<vmem_shared>> -> memref<20008x64xf32, #tpu.memory_space<vmem_shared>>
      tpu.wait_indirect_dma semaphore(%arg17 : memref<!tpu.dma_semaphore, #tpu.memory_space<semaphore_mem>>) src(%dma_wait3A_421 : memref<112x64xf32, #tpu.memory_space<vmem>>) dst(%dma_wait3A_427 : memref<20008x64xf32, #tpu.memory_space<vmem_shared>>)
      %dma_start3A_428 = arith.constant 7 : i32
      %dma_start3A_429 = arith.constant 1 : i32
      %dma_start3A_430 = arith.constant 0 : i32
      %dma_start3A_431 = arith.constant 0 : i32
      %dma_start3A_432 = tpu.memref_slice %arg9[%dma_start3A_429, %dma_start3A_430, %dma_start3A_431] : memref<6x112x64xf32, #tpu.memory_space<vmem>> -> memref<1x112x64xf32, #tpu.memory_space<vmem>>
      %dma_start3A_433 = tpu.memref_squeeze %dma_start3A_432 : memref<1x112x64xf32, #tpu.memory_space<vmem>> -> memref<112x64xf32, #tpu.memory_space<vmem>>
      %dma_start3A_434 = arith.constant 0 : i32
      %dma_start3A_435 = tpu.memref_slice %arg7[%dma_start3A_428, %dma_start3A_434] : memref<12x112xi32, #tpu.memory_space<vmem>> -> memref<1x112xi32, #tpu.memory_space<vmem>>
      %dma_start3A_436 = tpu.memref_squeeze %dma_start3A_435 : memref<1x112xi32, #tpu.memory_space<vmem>> -> memref<112xi32, #tpu.memory_space<vmem>>
      %dma_start3A_437 = arith.constant 0 : i32
      %dma_start3A_438 = arith.constant 0 : i32
      %dma_start3A_439 = tpu.memref_slice %arg2[%dma_start3A_437, %dma_start3A_438] : memref<40000x64xf32, #tpu.memory_space<hbm>> -> memref<40000x64xf32, #tpu.memory_space<hbm>>
      tpu.enqueue_indirect_dma source(%dma_start3A_439 : memref<40000x64xf32, #tpu.memory_space<hbm>>) target(%dma_start3A_433 : memref<112x64xf32, #tpu.memory_space<vmem>>) offsets(%dma_start3A_436 : memref<112xi32, #tpu.memory_space<vmem>>) semaphore(%arg11 : memref<!tpu.dma_semaphore, #tpu.memory_space<semaphore_mem>>)
      %dma_wait3A_440 = arith.constant 3 : i32
      %dma_wait3A_441 = arith.constant 3 : i32
      %dma_wait3A_442 = arith.constant 0 : i32
      %dma_wait3A_443 = arith.constant 0 : i32
      %dma_wait3A_444 = tpu.memref_slice %arg9[%dma_wait3A_441, %dma_wait3A_442, %dma_wait3A_443] : memref<6x112x64xf32, #tpu.memory_space<vmem>> -> memref<1x112x64xf32, #tpu.memory_space<vmem>>
      %dma_wait3A_445 = tpu.memref_squeeze %dma_wait3A_444 : memref<1x112x64xf32, #tpu.memory_space<vmem>> -> memref<112x64xf32, #tpu.memory_space<vmem>>
      %dma_wait3A_446 = arith.constant 0 : i32
      %dma_wait3A_447 = tpu.memref_slice %arg7[%dma_wait3A_440, %dma_wait3A_446] : memref<12x112xi32, #tpu.memory_space<vmem>> -> memref<1x112xi32, #tpu.memory_space<vmem>>
      %dma_wait3A_448 = tpu.memref_squeeze %dma_wait3A_447 : memref<1x112xi32, #tpu.memory_space<vmem>> -> memref<112xi32, #tpu.memory_space<vmem>>
      %dma_wait3A_449 = arith.constant 0 : i32
      %dma_wait3A_450 = arith.constant 0 : i32
      %dma_wait3A_451 = tpu.memref_slice %arg2[%dma_wait3A_449, %dma_wait3A_450] : memref<40000x64xf32, #tpu.memory_space<hbm>> -> memref<40000x64xf32, #tpu.memory_space<hbm>>
      tpu.wait_indirect_dma semaphore(%arg13 : memref<!tpu.dma_semaphore, #tpu.memory_space<semaphore_mem>>) src(%dma_wait3A_451 : memref<40000x64xf32, #tpu.memory_space<hbm>>) dst(%dma_wait3A_445 : memref<112x64xf32, #tpu.memory_space<vmem>>)
      %dma_start3A_452 = arith.constant 3 : i32
      %dma_start3A_453 = arith.constant 3 : i32
      %dma_start3A_454 = arith.constant 0 : i32
      %dma_start3A_455 = arith.constant 0 : i32
      %dma_start3A_456 = tpu.memref_slice %arg9[%dma_start3A_452, %dma_start3A_454, %dma_start3A_455] : memref<6x112x64xf32, #tpu.memory_space<vmem>> -> memref<1x112x64xf32, #tpu.memory_space<vmem>>
      %dma_start3A_457 = tpu.memref_squeeze %dma_start3A_456 : memref<1x112x64xf32, #tpu.memory_space<vmem>> -> memref<112x64xf32, #tpu.memory_space<vmem>>
      %dma_start3A_458 = arith.constant 0 : i32
      %dma_start3A_459 = tpu.memref_slice %arg8[%dma_start3A_453, %dma_start3A_458] : memref<12x112xi32, #tpu.memory_space<vmem>> -> memref<1x112xi32, #tpu.memory_space<vmem>>
      %dma_start3A_460 = tpu.memref_squeeze %dma_start3A_459 : memref<1x112xi32, #tpu.memory_space<vmem>> -> memref<112xi32, #tpu.memory_space<vmem>>
      %dma_start3A_461 = arith.constant 0 : i32
      %dma_start3A_462 = arith.constant 0 : i32
      %dma_start3A_463 = tpu.memref_slice %arg6[%dma_start3A_461, %dma_start3A_462] : memref<20008x64xf32, #tpu.memory_space<vmem_shared>> -> memref<20008x64xf32, #tpu.memory_space<vmem_shared>>
      tpu.enqueue_indirect_dma source(%dma_start3A_457 : memref<112x64xf32, #tpu.memory_space<vmem>>) target(%dma_start3A_463 : memref<20008x64xf32, #tpu.memory_space<vmem_shared>>) offsets(%dma_start3A_460 : memref<112xi32, #tpu.memory_space<vmem>>) semaphore(%arg19 : memref<!tpu.dma_semaphore, #tpu.memory_space<semaphore_mem>>) {add = true}
      %dma_wait3A_464 = arith.constant 2 : i32
      %dma_wait3A_465 = arith.constant 0 : i32
      %dma_wait3A_466 = arith.constant 0 : i32
      %dma_wait3A_467 = arith.constant 0 : i32
      %dma_wait3A_468 = tpu.memref_slice %arg9[%dma_wait3A_464, %dma_wait3A_466, %dma_wait3A_467] : memref<6x112x64xf32, #tpu.memory_space<vmem>> -> memref<1x112x64xf32, #tpu.memory_space<vmem>>
      %dma_wait3A_469 = tpu.memref_squeeze %dma_wait3A_468 : memref<1x112x64xf32, #tpu.memory_space<vmem>> -> memref<112x64xf32, #tpu.memory_space<vmem>>
      %dma_wait3A_470 = arith.constant 0 : i32
      %dma_wait3A_471 = tpu.memref_slice %arg8[%dma_wait3A_465, %dma_wait3A_470] : memref<12x112xi32, #tpu.memory_space<vmem>> -> memref<1x112xi32, #tpu.memory_space<vmem>>
      %dma_wait3A_472 = tpu.memref_squeeze %dma_wait3A_471 : memref<1x112xi32, #tpu.memory_space<vmem>> -> memref<112xi32, #tpu.memory_space<vmem>>
      %dma_wait3A_473 = arith.constant 0 : i32
      %dma_wait3A_474 = arith.constant 0 : i32
      %dma_wait3A_475 = tpu.memref_slice %arg6[%dma_wait3A_473, %dma_wait3A_474] : memref<20008x64xf32, #tpu.memory_space<vmem_shared>> -> memref<20008x64xf32, #tpu.memory_space<vmem_shared>>
      tpu.wait_indirect_dma semaphore(%arg18 : memref<!tpu.dma_semaphore, #tpu.memory_space<semaphore_mem>>) src(%dma_wait3A_469 : memref<112x64xf32, #tpu.memory_space<vmem>>) dst(%dma_wait3A_475 : memref<20008x64xf32, #tpu.memory_space<vmem_shared>>)
      %dma_start3A_476 = arith.constant 8 : i32
      %dma_start3A_477 = arith.constant 2 : i32
      %dma_start3A_478 = arith.constant 0 : i32
      %dma_start3A_479 = arith.constant 0 : i32
      %dma_start3A_480 = tpu.memref_slice %arg9[%dma_start3A_477, %dma_start3A_478, %dma_start3A_479] : memref<6x112x64xf32, #tpu.memory_space<vmem>> -> memref<1x112x64xf32, #tpu.memory_space<vmem>>
      %dma_start3A_481 = tpu.memref_squeeze %dma_start3A_480 : memref<1x112x64xf32, #tpu.memory_space<vmem>> -> memref<112x64xf32, #tpu.memory_space<vmem>>
      %dma_start3A_482 = arith.constant 0 : i32
      %dma_start3A_483 = tpu.memref_slice %arg7[%dma_start3A_476, %dma_start3A_482] : memref<12x112xi32, #tpu.memory_space<vmem>> -> memref<1x112xi32, #tpu.memory_space<vmem>>
      %dma_start3A_484 = tpu.memref_squeeze %dma_start3A_483 : memref<1x112xi32, #tpu.memory_space<vmem>> -> memref<112xi32, #tpu.memory_space<vmem>>
      %dma_start3A_485 = arith.constant 0 : i32
      %dma_start3A_486 = arith.constant 0 : i32
      %dma_start3A_487 = tpu.memref_slice %arg2[%dma_start3A_485, %dma_start3A_486] : memref<40000x64xf32, #tpu.memory_space<hbm>> -> memref<40000x64xf32, #tpu.memory_space<hbm>>
      tpu.enqueue_indirect_dma source(%dma_start3A_487 : memref<40000x64xf32, #tpu.memory_space<hbm>>) target(%dma_start3A_481 : memref<112x64xf32, #tpu.memory_space<vmem>>) offsets(%dma_start3A_484 : memref<112xi32, #tpu.memory_space<vmem>>) semaphore(%arg12 : memref<!tpu.dma_semaphore, #tpu.memory_space<semaphore_mem>>)
      %dma_wait3A_488 = arith.constant 4 : i32
      %dma_wait3A_489 = arith.constant 4 : i32
      %dma_wait3A_490 = arith.constant 0 : i32
      %dma_wait3A_491 = arith.constant 0 : i32
      %dma_wait3A_492 = tpu.memref_slice %arg9[%dma_wait3A_489, %dma_wait3A_490, %dma_wait3A_491] : memref<6x112x64xf32, #tpu.memory_space<vmem>> -> memref<1x112x64xf32, #tpu.memory_space<vmem>>
      %dma_wait3A_493 = tpu.memref_squeeze %dma_wait3A_492 : memref<1x112x64xf32, #tpu.memory_space<vmem>> -> memref<112x64xf32, #tpu.memory_space<vmem>>
      %dma_wait3A_494 = arith.constant 0 : i32
      %dma_wait3A_495 = tpu.memref_slice %arg7[%dma_wait3A_488, %dma_wait3A_494] : memref<12x112xi32, #tpu.memory_space<vmem>> -> memref<1x112xi32, #tpu.memory_space<vmem>>
      %dma_wait3A_496 = tpu.memref_squeeze %dma_wait3A_495 : memref<1x112xi32, #tpu.memory_space<vmem>> -> memref<112xi32, #tpu.memory_space<vmem>>
      %dma_wait3A_497 = arith.constant 0 : i32
      %dma_wait3A_498 = arith.constant 0 : i32
      %dma_wait3A_499 = tpu.memref_slice %arg2[%dma_wait3A_497, %dma_wait3A_498] : memref<40000x64xf32, #tpu.memory_space<hbm>> -> memref<40000x64xf32, #tpu.memory_space<hbm>>
      tpu.wait_indirect_dma semaphore(%arg14 : memref<!tpu.dma_semaphore, #tpu.memory_space<semaphore_mem>>) src(%dma_wait3A_499 : memref<40000x64xf32, #tpu.memory_space<hbm>>) dst(%dma_wait3A_493 : memref<112x64xf32, #tpu.memory_space<vmem>>)
      %dma_start3A_500 = arith.constant 4 : i32
      %dma_start3A_501 = arith.constant 4 : i32
      %dma_start3A_502 = arith.constant 0 : i32
      %dma_start3A_503 = arith.constant 0 : i32
      %dma_start3A_504 = tpu.memref_slice %arg9[%dma_start3A_500, %dma_start3A_502, %dma_start3A_503] : memref<6x112x64xf32, #tpu.memory_space<vmem>> -> memref<1x112x64xf32, #tpu.memory_space<vmem>>
      %dma_start3A_505 = tpu.memref_squeeze %dma_start3A_504 : memref<1x112x64xf32, #tpu.memory_space<vmem>> -> memref<112x64xf32, #tpu.memory_space<vmem>>
      %dma_start3A_506 = arith.constant 0 : i32
      %dma_start3A_507 = tpu.memref_slice %arg8[%dma_start3A_501, %dma_start3A_506] : memref<12x112xi32, #tpu.memory_space<vmem>> -> memref<1x112xi32, #tpu.memory_space<vmem>>
      %dma_start3A_508 = tpu.memref_squeeze %dma_start3A_507 : memref<1x112xi32, #tpu.memory_space<vmem>> -> memref<112xi32, #tpu.memory_space<vmem>>
      %dma_start3A_509 = arith.constant 0 : i32
      %dma_start3A_510 = arith.constant 0 : i32
      %dma_start3A_511 = tpu.memref_slice %arg6[%dma_start3A_509, %dma_start3A_510] : memref<20008x64xf32, #tpu.memory_space<vmem_shared>> -> memref<20008x64xf32, #tpu.memory_space<vmem_shared>>
      tpu.enqueue_indirect_dma source(%dma_start3A_505 : memref<112x64xf32, #tpu.memory_space<vmem>>) target(%dma_start3A_511 : memref<20008x64xf32, #tpu.memory_space<vmem_shared>>) offsets(%dma_start3A_508 : memref<112xi32, #tpu.memory_space<vmem>>) semaphore(%arg20 : memref<!tpu.dma_semaphore, #tpu.memory_space<semaphore_mem>>) {add = true}
      %dma_wait3A_512 = arith.constant 3 : i32
      %dma_wait3A_513 = arith.constant 0 : i32
      %dma_wait3A_514 = arith.constant 0 : i32
      %dma_wait3A_515 = arith.constant 0 : i32
      %dma_wait3A_516 = tpu.memref_slice %arg9[%dma_wait3A_512, %dma_wait3A_514, %dma_wait3A_515] : memref<6x112x64xf32, #tpu.memory_space<vmem>> -> memref<1x112x64xf32, #tpu.memory_space<vmem>>
      %dma_wait3A_517 = tpu.memref_squeeze %dma_wait3A_516 : memref<1x112x64xf32, #tpu.memory_space<vmem>> -> memref<112x64xf32, #tpu.memory_space<vmem>>
      %dma_wait3A_518 = arith.constant 0 : i32
      %dma_wait3A_519 = tpu.memref_slice %arg8[%dma_wait3A_513, %dma_wait3A_518] : memref<12x112xi32, #tpu.memory_space<vmem>> -> memref<1x112xi32, #tpu.memory_space<vmem>>
      %dma_wait3A_520 = tpu.memref_squeeze %dma_wait3A_519 : memref<1x112xi32, #tpu.memory_space<vmem>> -> memref<112xi32, #tpu.memory_space<vmem>>
      %dma_wait3A_521 = arith.constant 0 : i32
      %dma_wait3A_522 = arith.constant 0 : i32
      %dma_wait3A_523 = tpu.memref_slice %arg6[%dma_wait3A_521, %dma_wait3A_522] : memref<20008x64xf32, #tpu.memory_space<vmem_shared>> -> memref<20008x64xf32, #tpu.memory_space<vmem_shared>>
      tpu.wait_indirect_dma semaphore(%arg19 : memref<!tpu.dma_semaphore, #tpu.memory_space<semaphore_mem>>) src(%dma_wait3A_517 : memref<112x64xf32, #tpu.memory_space<vmem>>) dst(%dma_wait3A_523 : memref<20008x64xf32, #tpu.memory_space<vmem_shared>>)
      %dma_start3A_524 = arith.constant 9 : i32
      %dma_start3A_525 = arith.constant 3 : i32
      %dma_start3A_526 = arith.constant 0 : i32
      %dma_start3A_527 = arith.constant 0 : i32
      %dma_start3A_528 = tpu.memref_slice %arg9[%dma_start3A_525, %dma_start3A_526, %dma_start3A_527] : memref<6x112x64xf32, #tpu.memory_space<vmem>> -> memref<1x112x64xf32, #tpu.memory_space<vmem>>
      %dma_start3A_529 = tpu.memref_squeeze %dma_start3A_528 : memref<1x112x64xf32, #tpu.memory_space<vmem>> -> memref<112x64xf32, #tpu.memory_space<vmem>>
      %dma_start3A_530 = arith.constant 0 : i32
      %dma_start3A_531 = tpu.memref_slice %arg7[%dma_start3A_524, %dma_start3A_530] : memref<12x112xi32, #tpu.memory_space<vmem>> -> memref<1x112xi32, #tpu.memory_space<vmem>>
      %dma_start3A_532 = tpu.memref_squeeze %dma_start3A_531 : memref<1x112xi32, #tpu.memory_space<vmem>> -> memref<112xi32, #tpu.memory_space<vmem>>
      %dma_start3A_533 = arith.constant 0 : i32
      %dma_start3A_534 = arith.constant 0 : i32
      %dma_start3A_535 = tpu.memref_slice %arg2[%dma_start3A_533, %dma_start3A_534] : memref<40000x64xf32, #tpu.memory_space<hbm>> -> memref<40000x64xf32, #tpu.memory_space<hbm>>
      tpu.enqueue_indirect_dma source(%dma_start3A_535 : memref<40000x64xf32, #tpu.memory_space<hbm>>) target(%dma_start3A_529 : memref<112x64xf32, #tpu.memory_space<vmem>>) offsets(%dma_start3A_532 : memref<112xi32, #tpu.memory_space<vmem>>) semaphore(%arg13 : memref<!tpu.dma_semaphore, #tpu.memory_space<semaphore_mem>>)
      %dma_wait3A_536 = arith.constant 5 : i32
      %dma_wait3A_537 = arith.constant 5 : i32
      %dma_wait3A_538 = arith.constant 0 : i32
      %dma_wait3A_539 = arith.constant 0 : i32
      %dma_wait3A_540 = tpu.memref_slice %arg9[%dma_wait3A_537, %dma_wait3A_538, %dma_wait3A_539] : memref<6x112x64xf32, #tpu.memory_space<vmem>> -> memref<1x112x64xf32, #tpu.memory_space<vmem>>
      %dma_wait3A_541 = tpu.memref_squeeze %dma_wait3A_540 : memref<1x112x64xf32, #tpu.memory_space<vmem>> -> memref<112x64xf32, #tpu.memory_space<vmem>>
      %dma_wait3A_542 = arith.constant 0 : i32
      %dma_wait3A_543 = tpu.memref_slice %arg7[%dma_wait3A_536, %dma_wait3A_542] : memref<12x112xi32, #tpu.memory_space<vmem>> -> memref<1x112xi32, #tpu.memory_space<vmem>>
      %dma_wait3A_544 = tpu.memref_squeeze %dma_wait3A_543 : memref<1x112xi32, #tpu.memory_space<vmem>> -> memref<112xi32, #tpu.memory_space<vmem>>
      %dma_wait3A_545 = arith.constant 0 : i32
      %dma_wait3A_546 = arith.constant 0 : i32
      %dma_wait3A_547 = tpu.memref_slice %arg2[%dma_wait3A_545, %dma_wait3A_546] : memref<40000x64xf32, #tpu.memory_space<hbm>> -> memref<40000x64xf32, #tpu.memory_space<hbm>>
      tpu.wait_indirect_dma semaphore(%arg15 : memref<!tpu.dma_semaphore, #tpu.memory_space<semaphore_mem>>) src(%dma_wait3A_547 : memref<40000x64xf32, #tpu.memory_space<hbm>>) dst(%dma_wait3A_541 : memref<112x64xf32, #tpu.memory_space<vmem>>)
      %dma_start3A_548 = arith.constant 5 : i32
      %dma_start3A_549 = arith.constant 5 : i32
      %dma_start3A_550 = arith.constant 0 : i32
      %dma_start3A_551 = arith.constant 0 : i32
      %dma_start3A_552 = tpu.memref_slice %arg9[%dma_start3A_548, %dma_start3A_550, %dma_start3A_551] : memref<6x112x64xf32, #tpu.memory_space<vmem>> -> memref<1x112x64xf32, #tpu.memory_space<vmem>>
      %dma_start3A_553 = tpu.memref_squeeze %dma_start3A_552 : memref<1x112x64xf32, #tpu.memory_space<vmem>> -> memref<112x64xf32, #tpu.memory_space<vmem>>
      %dma_start3A_554 = arith.constant 0 : i32
      %dma_start3A_555 = tpu.memref_slice %arg8[%dma_start3A_549, %dma_start3A_554] : memref<12x112xi32, #tpu.memory_space<vmem>> -> memref<1x112xi32, #tpu.memory_space<vmem>>
      %dma_start3A_556 = tpu.memref_squeeze %dma_start3A_555 : memref<1x112xi32, #tpu.memory_space<vmem>> -> memref<112xi32, #tpu.memory_space<vmem>>
      %dma_start3A_557 = arith.constant 0 : i32
      %dma_start3A_558 = arith.constant 0 : i32
      %dma_start3A_559 = tpu.memref_slice %arg6[%dma_start3A_557, %dma_start3A_558] : memref<20008x64xf32, #tpu.memory_space<vmem_shared>> -> memref<20008x64xf32, #tpu.memory_space<vmem_shared>>
      tpu.enqueue_indirect_dma source(%dma_start3A_553 : memref<112x64xf32, #tpu.memory_space<vmem>>) target(%dma_start3A_559 : memref<20008x64xf32, #tpu.memory_space<vmem_shared>>) offsets(%dma_start3A_556 : memref<112xi32, #tpu.memory_space<vmem>>) semaphore(%arg21 : memref<!tpu.dma_semaphore, #tpu.memory_space<semaphore_mem>>) {add = true}
      %dma_wait3A_560 = arith.constant 4 : i32
      %dma_wait3A_561 = arith.constant 0 : i32
      %dma_wait3A_562 = arith.constant 0 : i32
      %dma_wait3A_563 = arith.constant 0 : i32
      %dma_wait3A_564 = tpu.memref_slice %arg9[%dma_wait3A_560, %dma_wait3A_562, %dma_wait3A_563] : memref<6x112x64xf32, #tpu.memory_space<vmem>> -> memref<1x112x64xf32, #tpu.memory_space<vmem>>
      %dma_wait3A_565 = tpu.memref_squeeze %dma_wait3A_564 : memref<1x112x64xf32, #tpu.memory_space<vmem>> -> memref<112x64xf32, #tpu.memory_space<vmem>>
      %dma_wait3A_566 = arith.constant 0 : i32
      %dma_wait3A_567 = tpu.memref_slice %arg8[%dma_wait3A_561, %dma_wait3A_566] : memref<12x112xi32, #tpu.memory_space<vmem>> -> memref<1x112xi32, #tpu.memory_space<vmem>>
      %dma_wait3A_568 = tpu.memref_squeeze %dma_wait3A_567 : memref<1x112xi32, #tpu.memory_space<vmem>> -> memref<112xi32, #tpu.memory_space<vmem>>
      %dma_wait3A_569 = arith.constant 0 : i32
      %dma_wait3A_570 = arith.constant 0 : i32
      %dma_wait3A_571 = tpu.memref_slice %arg6[%dma_wait3A_569, %dma_wait3A_570] : memref<20008x64xf32, #tpu.memory_space<vmem_shared>> -> memref<20008x64xf32, #tpu.memory_space<vmem_shared>>
      tpu.wait_indirect_dma semaphore(%arg20 : memref<!tpu.dma_semaphore, #tpu.memory_space<semaphore_mem>>) src(%dma_wait3A_565 : memref<112x64xf32, #tpu.memory_space<vmem>>) dst(%dma_wait3A_571 : memref<20008x64xf32, #tpu.memory_space<vmem_shared>>)
      %dma_start3A_572 = arith.constant 10 : i32
      %dma_start3A_573 = arith.constant 4 : i32
      %dma_start3A_574 = arith.constant 0 : i32
      %dma_start3A_575 = arith.constant 0 : i32
      %dma_start3A_576 = tpu.memref_slice %arg9[%dma_start3A_573, %dma_start3A_574, %dma_start3A_575] : memref<6x112x64xf32, #tpu.memory_space<vmem>> -> memref<1x112x64xf32, #tpu.memory_space<vmem>>
      %dma_start3A_577 = tpu.memref_squeeze %dma_start3A_576 : memref<1x112x64xf32, #tpu.memory_space<vmem>> -> memref<112x64xf32, #tpu.memory_space<vmem>>
      %dma_start3A_578 = arith.constant 0 : i32
      %dma_start3A_579 = tpu.memref_slice %arg7[%dma_start3A_572, %dma_start3A_578] : memref<12x112xi32, #tpu.memory_space<vmem>> -> memref<1x112xi32, #tpu.memory_space<vmem>>
      %dma_start3A_580 = tpu.memref_squeeze %dma_start3A_579 : memref<1x112xi32, #tpu.memory_space<vmem>> -> memref<112xi32, #tpu.memory_space<vmem>>
      %dma_start3A_581 = arith.constant 0 : i32
      %dma_start3A_582 = arith.constant 0 : i32
      %dma_start3A_583 = tpu.memref_slice %arg2[%dma_start3A_581, %dma_start3A_582] : memref<40000x64xf32, #tpu.memory_space<hbm>> -> memref<40000x64xf32, #tpu.memory_space<hbm>>
      tpu.enqueue_indirect_dma source(%dma_start3A_583 : memref<40000x64xf32, #tpu.memory_space<hbm>>) target(%dma_start3A_577 : memref<112x64xf32, #tpu.memory_space<vmem>>) offsets(%dma_start3A_580 : memref<112xi32, #tpu.memory_space<vmem>>) semaphore(%arg14 : memref<!tpu.dma_semaphore, #tpu.memory_space<semaphore_mem>>)
      %dma_wait3A_584 = arith.constant 6 : i32
      %dma_wait3A_585 = arith.constant 0 : i32
      %dma_wait3A_586 = arith.constant 0 : i32
      %dma_wait3A_587 = arith.constant 0 : i32
      %dma_wait3A_588 = tpu.memref_slice %arg9[%dma_wait3A_585, %dma_wait3A_586, %dma_wait3A_587] : memref<6x112x64xf32, #tpu.memory_space<vmem>> -> memref<1x112x64xf32, #tpu.memory_space<vmem>>
      %dma_wait3A_589 = tpu.memref_squeeze %dma_wait3A_588 : memref<1x112x64xf32, #tpu.memory_space<vmem>> -> memref<112x64xf32, #tpu.memory_space<vmem>>
      %dma_wait3A_590 = arith.constant 0 : i32
      %dma_wait3A_591 = tpu.memref_slice %arg7[%dma_wait3A_584, %dma_wait3A_590] : memref<12x112xi32, #tpu.memory_space<vmem>> -> memref<1x112xi32, #tpu.memory_space<vmem>>
      %dma_wait3A_592 = tpu.memref_squeeze %dma_wait3A_591 : memref<1x112xi32, #tpu.memory_space<vmem>> -> memref<112xi32, #tpu.memory_space<vmem>>
      %dma_wait3A_593 = arith.constant 0 : i32
      %dma_wait3A_594 = arith.constant 0 : i32
      %dma_wait3A_595 = tpu.memref_slice %arg2[%dma_wait3A_593, %dma_wait3A_594] : memref<40000x64xf32, #tpu.memory_space<hbm>> -> memref<40000x64xf32, #tpu.memory_space<hbm>>
      tpu.wait_indirect_dma semaphore(%arg10 : memref<!tpu.dma_semaphore, #tpu.memory_space<semaphore_mem>>) src(%dma_wait3A_595 : memref<40000x64xf32, #tpu.memory_space<hbm>>) dst(%dma_wait3A_589 : memref<112x64xf32, #tpu.memory_space<vmem>>)
      %dma_start3A_596 = arith.constant 0 : i32
      %dma_start3A_597 = arith.constant 6 : i32
      %dma_start3A_598 = arith.constant 0 : i32
      %dma_start3A_599 = arith.constant 0 : i32
      %dma_start3A_600 = tpu.memref_slice %arg9[%dma_start3A_596, %dma_start3A_598, %dma_start3A_599] : memref<6x112x64xf32, #tpu.memory_space<vmem>> -> memref<1x112x64xf32, #tpu.memory_space<vmem>>
      %dma_start3A_601 = tpu.memref_squeeze %dma_start3A_600 : memref<1x112x64xf32, #tpu.memory_space<vmem>> -> memref<112x64xf32, #tpu.memory_space<vmem>>
      %dma_start3A_602 = arith.constant 0 : i32
      %dma_start3A_603 = tpu.memref_slice %arg8[%dma_start3A_597, %dma_start3A_602] : memref<12x112xi32, #tpu.memory_space<vmem>> -> memref<1x112xi32, #tpu.memory_space<vmem>>
      %dma_start3A_604 = tpu.memref_squeeze %dma_start3A_603 : memref<1x112xi32, #tpu.memory_space<vmem>> -> memref<112xi32, #tpu.memory_space<vmem>>
      %dma_start3A_605 = arith.constant 0 : i32
      %dma_start3A_606 = arith.constant 0 : i32
      %dma_start3A_607 = tpu.memref_slice %arg6[%dma_start3A_605, %dma_start3A_606] : memref<20008x64xf32, #tpu.memory_space<vmem_shared>> -> memref<20008x64xf32, #tpu.memory_space<vmem_shared>>
      tpu.enqueue_indirect_dma source(%dma_start3A_601 : memref<112x64xf32, #tpu.memory_space<vmem>>) target(%dma_start3A_607 : memref<20008x64xf32, #tpu.memory_space<vmem_shared>>) offsets(%dma_start3A_604 : memref<112xi32, #tpu.memory_space<vmem>>) semaphore(%arg16 : memref<!tpu.dma_semaphore, #tpu.memory_space<semaphore_mem>>) {add = true}
      %dma_wait3A_608 = arith.constant 5 : i32
      %dma_wait3A_609 = arith.constant 0 : i32
      %dma_wait3A_610 = arith.constant 0 : i32
      %dma_wait3A_611 = arith.constant 0 : i32
      %dma_wait3A_612 = tpu.memref_slice %arg9[%dma_wait3A_608, %dma_wait3A_610, %dma_wait3A_611] : memref<6x112x64xf32, #tpu.memory_space<vmem>> -> memref<1x112x64xf32, #tpu.memory_space<vmem>>
      %dma_wait3A_613 = tpu.memref_squeeze %dma_wait3A_612 : memref<1x112x64xf32, #tpu.memory_space<vmem>> -> memref<112x64xf32, #tpu.memory_space<vmem>>
      %dma_wait3A_614 = arith.constant 0 : i32
      %dma_wait3A_615 = tpu.memref_slice %arg8[%dma_wait3A_609, %dma_wait3A_614] : memref<12x112xi32, #tpu.memory_space<vmem>> -> memref<1x112xi32, #tpu.memory_space<vmem>>
      %dma_wait3A_616 = tpu.memref_squeeze %dma_wait3A_615 : memref<1x112xi32, #tpu.memory_space<vmem>> -> memref<112xi32, #tpu.memory_space<vmem>>
      %dma_wait3A_617 = arith.constant 0 : i32
      %dma_wait3A_618 = arith.constant 0 : i32
      %dma_wait3A_619 = tpu.memref_slice %arg6[%dma_wait3A_617, %dma_wait3A_618] : memref<20008x64xf32, #tpu.memory_space<vmem_shared>> -> memref<20008x64xf32, #tpu.memory_space<vmem_shared>>
      tpu.wait_indirect_dma semaphore(%arg21 : memref<!tpu.dma_semaphore, #tpu.memory_space<semaphore_mem>>) src(%dma_wait3A_613 : memref<112x64xf32, #tpu.memory_space<vmem>>) dst(%dma_wait3A_619 : memref<20008x64xf32, #tpu.memory_space<vmem_shared>>)
      %dma_start3A_620 = arith.constant 11 : i32
      %dma_start3A_621 = arith.constant 5 : i32
      %dma_start3A_622 = arith.constant 0 : i32
      %dma_start3A_623 = arith.constant 0 : i32
      %dma_start3A_624 = tpu.memref_slice %arg9[%dma_start3A_621, %dma_start3A_622, %dma_start3A_623] : memref<6x112x64xf32, #tpu.memory_space<vmem>> -> memref<1x112x64xf32, #tpu.memory_space<vmem>>
      %dma_start3A_625 = tpu.memref_squeeze %dma_start3A_624 : memref<1x112x64xf32, #tpu.memory_space<vmem>> -> memref<112x64xf32, #tpu.memory_space<vmem>>
      %dma_start3A_626 = arith.constant 0 : i32
      %dma_start3A_627 = tpu.memref_slice %arg7[%dma_start3A_620, %dma_start3A_626] : memref<12x112xi32, #tpu.memory_space<vmem>> -> memref<1x112xi32, #tpu.memory_space<vmem>>
      %dma_start3A_628 = tpu.memref_squeeze %dma_start3A_627 : memref<1x112xi32, #tpu.memory_space<vmem>> -> memref<112xi32, #tpu.memory_space<vmem>>
      %dma_start3A_629 = arith.constant 0 : i32
      %dma_start3A_630 = arith.constant 0 : i32
      %dma_start3A_631 = tpu.memref_slice %arg2[%dma_start3A_629, %dma_start3A_630] : memref<40000x64xf32, #tpu.memory_space<hbm>> -> memref<40000x64xf32, #tpu.memory_space<hbm>>
      tpu.enqueue_indirect_dma source(%dma_start3A_631 : memref<40000x64xf32, #tpu.memory_space<hbm>>) target(%dma_start3A_625 : memref<112x64xf32, #tpu.memory_space<vmem>>) offsets(%dma_start3A_628 : memref<112xi32, #tpu.memory_space<vmem>>) semaphore(%arg15 : memref<!tpu.dma_semaphore, #tpu.memory_space<semaphore_mem>>)
      %dma_wait3A_632 = arith.constant 7 : i32
      %dma_wait3A_633 = arith.constant 1 : i32
      %dma_wait3A_634 = arith.constant 0 : i32
      %dma_wait3A_635 = arith.constant 0 : i32
      %dma_wait3A_636 = tpu.memref_slice %arg9[%dma_wait3A_633, %dma_wait3A_634, %dma_wait3A_635] : memref<6x112x64xf32, #tpu.memory_space<vmem>> -> memref<1x112x64xf32, #tpu.memory_space<vmem>>
      %dma_wait3A_637 = tpu.memref_squeeze %dma_wait3A_636 : memref<1x112x64xf32, #tpu.memory_space<vmem>> -> memref<112x64xf32, #tpu.memory_space<vmem>>
      %dma_wait3A_638 = arith.constant 0 : i32
      %dma_wait3A_639 = tpu.memref_slice %arg7[%dma_wait3A_632, %dma_wait3A_638] : memref<12x112xi32, #tpu.memory_space<vmem>> -> memref<1x112xi32, #tpu.memory_space<vmem>>
      %dma_wait3A_640 = tpu.memref_squeeze %dma_wait3A_639 : memref<1x112xi32, #tpu.memory_space<vmem>> -> memref<112xi32, #tpu.memory_space<vmem>>
      %dma_wait3A_641 = arith.constant 0 : i32
      %dma_wait3A_642 = arith.constant 0 : i32
      %dma_wait3A_643 = tpu.memref_slice %arg2[%dma_wait3A_641, %dma_wait3A_642] : memref<40000x64xf32, #tpu.memory_space<hbm>> -> memref<40000x64xf32, #tpu.memory_space<hbm>>
      tpu.wait_indirect_dma semaphore(%arg11 : memref<!tpu.dma_semaphore, #tpu.memory_space<semaphore_mem>>) src(%dma_wait3A_643 : memref<40000x64xf32, #tpu.memory_space<hbm>>) dst(%dma_wait3A_637 : memref<112x64xf32, #tpu.memory_space<vmem>>)
      %dma_start3A_644 = arith.constant 1 : i32
      %dma_start3A_645 = arith.constant 7 : i32
      %dma_start3A_646 = arith.constant 0 : i32
      %dma_start3A_647 = arith.constant 0 : i32
      %dma_start3A_648 = tpu.memref_slice %arg9[%dma_start3A_644, %dma_start3A_646, %dma_start3A_647] : memref<6x112x64xf32, #tpu.memory_space<vmem>> -> memref<1x112x64xf32, #tpu.memory_space<vmem>>
      %dma_start3A_649 = tpu.memref_squeeze %dma_start3A_648 : memref<1x112x64xf32, #tpu.memory_space<vmem>> -> memref<112x64xf32, #tpu.memory_space<vmem>>
      %dma_start3A_650 = arith.constant 0 : i32
      %dma_start3A_651 = tpu.memref_slice %arg8[%dma_start3A_645, %dma_start3A_650] : memref<12x112xi32, #tpu.memory_space<vmem>> -> memref<1x112xi32, #tpu.memory_space<vmem>>
      %dma_start3A_652 = tpu.memref_squeeze %dma_start3A_651 : memref<1x112xi32, #tpu.memory_space<vmem>> -> memref<112xi32, #tpu.memory_space<vmem>>
      %dma_start3A_653 = arith.constant 0 : i32
      %dma_start3A_654 = arith.constant 0 : i32
      %dma_start3A_655 = tpu.memref_slice %arg6[%dma_start3A_653, %dma_start3A_654] : memref<20008x64xf32, #tpu.memory_space<vmem_shared>> -> memref<20008x64xf32, #tpu.memory_space<vmem_shared>>
      tpu.enqueue_indirect_dma source(%dma_start3A_649 : memref<112x64xf32, #tpu.memory_space<vmem>>) target(%dma_start3A_655 : memref<20008x64xf32, #tpu.memory_space<vmem_shared>>) offsets(%dma_start3A_652 : memref<112xi32, #tpu.memory_space<vmem>>) semaphore(%arg17 : memref<!tpu.dma_semaphore, #tpu.memory_space<semaphore_mem>>) {add = true}
      %dma_wait3A_656 = arith.constant 8 : i32
      %dma_wait3A_657 = arith.constant 2 : i32
      %dma_wait3A_658 = arith.constant 0 : i32
      %dma_wait3A_659 = arith.constant 0 : i32
      %dma_wait3A_660 = tpu.memref_slice %arg9[%dma_wait3A_657, %dma_wait3A_658, %dma_wait3A_659] : memref<6x112x64xf32, #tpu.memory_space<vmem>> -> memref<1x112x64xf32, #tpu.memory_space<vmem>>
      %dma_wait3A_661 = tpu.memref_squeeze %dma_wait3A_660 : memref<1x112x64xf32, #tpu.memory_space<vmem>> -> memref<112x64xf32, #tpu.memory_space<vmem>>
      %dma_wait3A_662 = arith.constant 0 : i32
      %dma_wait3A_663 = tpu.memref_slice %arg7[%dma_wait3A_656, %dma_wait3A_662] : memref<12x112xi32, #tpu.memory_space<vmem>> -> memref<1x112xi32, #tpu.memory_space<vmem>>
      %dma_wait3A_664 = tpu.memref_squeeze %dma_wait3A_663 : memref<1x112xi32, #tpu.memory_space<vmem>> -> memref<112xi32, #tpu.memory_space<vmem>>
      %dma_wait3A_665 = arith.constant 0 : i32
      %dma_wait3A_666 = arith.constant 0 : i32
      %dma_wait3A_667 = tpu.memref_slice %arg2[%dma_wait3A_665, %dma_wait3A_666] : memref<40000x64xf32, #tpu.memory_space<hbm>> -> memref<40000x64xf32, #tpu.memory_space<hbm>>
      tpu.wait_indirect_dma semaphore(%arg12 : memref<!tpu.dma_semaphore, #tpu.memory_space<semaphore_mem>>) src(%dma_wait3A_667 : memref<40000x64xf32, #tpu.memory_space<hbm>>) dst(%dma_wait3A_661 : memref<112x64xf32, #tpu.memory_space<vmem>>)
      %dma_start3A_668 = arith.constant 2 : i32
      %dma_start3A_669 = arith.constant 8 : i32
      %dma_start3A_670 = arith.constant 0 : i32
      %dma_start3A_671 = arith.constant 0 : i32
      %dma_start3A_672 = tpu.memref_slice %arg9[%dma_start3A_668, %dma_start3A_670, %dma_start3A_671] : memref<6x112x64xf32, #tpu.memory_space<vmem>> -> memref<1x112x64xf32, #tpu.memory_space<vmem>>
      %dma_start3A_673 = tpu.memref_squeeze %dma_start3A_672 : memref<1x112x64xf32, #tpu.memory_space<vmem>> -> memref<112x64xf32, #tpu.memory_space<vmem>>
      %dma_start3A_674 = arith.constant 0 : i32
      %dma_start3A_675 = tpu.memref_slice %arg8[%dma_start3A_669, %dma_start3A_674] : memref<12x112xi32, #tpu.memory_space<vmem>> -> memref<1x112xi32, #tpu.memory_space<vmem>>
      %dma_start3A_676 = tpu.memref_squeeze %dma_start3A_675 : memref<1x112xi32, #tpu.memory_space<vmem>> -> memref<112xi32, #tpu.memory_space<vmem>>
      %dma_start3A_677 = arith.constant 0 : i32
      %dma_start3A_678 = arith.constant 0 : i32
      %dma_start3A_679 = tpu.memref_slice %arg6[%dma_start3A_677, %dma_start3A_678] : memref<20008x64xf32, #tpu.memory_space<vmem_shared>> -> memref<20008x64xf32, #tpu.memory_space<vmem_shared>>
      tpu.enqueue_indirect_dma source(%dma_start3A_673 : memref<112x64xf32, #tpu.memory_space<vmem>>) target(%dma_start3A_679 : memref<20008x64xf32, #tpu.memory_space<vmem_shared>>) offsets(%dma_start3A_676 : memref<112xi32, #tpu.memory_space<vmem>>) semaphore(%arg18 : memref<!tpu.dma_semaphore, #tpu.memory_space<semaphore_mem>>) {add = true}
      %dma_wait3A_680 = arith.constant 9 : i32
      %dma_wait3A_681 = arith.constant 3 : i32
      %dma_wait3A_682 = arith.constant 0 : i32
      %dma_wait3A_683 = arith.constant 0 : i32
      %dma_wait3A_684 = tpu.memref_slice %arg9[%dma_wait3A_681, %dma_wait3A_682, %dma_wait3A_683] : memref<6x112x64xf32, #tpu.memory_space<vmem>> -> memref<1x112x64xf32, #tpu.memory_space<vmem>>
      %dma_wait3A_685 = tpu.memref_squeeze %dma_wait3A_684 : memref<1x112x64xf32, #tpu.memory_space<vmem>> -> memref<112x64xf32, #tpu.memory_space<vmem>>
      %dma_wait3A_686 = arith.constant 0 : i32
      %dma_wait3A_687 = tpu.memref_slice %arg7[%dma_wait3A_680, %dma_wait3A_686] : memref<12x112xi32, #tpu.memory_space<vmem>> -> memref<1x112xi32, #tpu.memory_space<vmem>>
      %dma_wait3A_688 = tpu.memref_squeeze %dma_wait3A_687 : memref<1x112xi32, #tpu.memory_space<vmem>> -> memref<112xi32, #tpu.memory_space<vmem>>
      %dma_wait3A_689 = arith.constant 0 : i32
      %dma_wait3A_690 = arith.constant 0 : i32
      %dma_wait3A_691 = tpu.memref_slice %arg2[%dma_wait3A_689, %dma_wait3A_690] : memref<40000x64xf32, #tpu.memory_space<hbm>> -> memref<40000x64xf32, #tpu.memory_space<hbm>>
      tpu.wait_indirect_dma semaphore(%arg13 : memref<!tpu.dma_semaphore, #tpu.memory_space<semaphore_mem>>) src(%dma_wait3A_691 : memref<40000x64xf32, #tpu.memory_space<hbm>>) dst(%dma_wait3A_685 : memref<112x64xf32, #tpu.memory_space<vmem>>)
      %dma_start3A_692 = arith.constant 3 : i32
      %dma_start3A_693 = arith.constant 9 : i32
      %dma_start3A_694 = arith.constant 0 : i32
      %dma_start3A_695 = arith.constant 0 : i32
      %dma_start3A_696 = tpu.memref_slice %arg9[%dma_start3A_692, %dma_start3A_694, %dma_start3A_695] : memref<6x112x64xf32, #tpu.memory_space<vmem>> -> memref<1x112x64xf32, #tpu.memory_space<vmem>>
      %dma_start3A_697 = tpu.memref_squeeze %dma_start3A_696 : memref<1x112x64xf32, #tpu.memory_space<vmem>> -> memref<112x64xf32, #tpu.memory_space<vmem>>
      %dma_start3A_698 = arith.constant 0 : i32
      %dma_start3A_699 = tpu.memref_slice %arg8[%dma_start3A_693, %dma_start3A_698] : memref<12x112xi32, #tpu.memory_space<vmem>> -> memref<1x112xi32, #tpu.memory_space<vmem>>
      %dma_start3A_700 = tpu.memref_squeeze %dma_start3A_699 : memref<1x112xi32, #tpu.memory_space<vmem>> -> memref<112xi32, #tpu.memory_space<vmem>>
      %dma_start3A_701 = arith.constant 0 : i32
      %dma_start3A_702 = arith.constant 0 : i32
      %dma_start3A_703 = tpu.memref_slice %arg6[%dma_start3A_701, %dma_start3A_702] : memref<20008x64xf32, #tpu.memory_space<vmem_shared>> -> memref<20008x64xf32, #tpu.memory_space<vmem_shared>>
      tpu.enqueue_indirect_dma source(%dma_start3A_697 : memref<112x64xf32, #tpu.memory_space<vmem>>) target(%dma_start3A_703 : memref<20008x64xf32, #tpu.memory_space<vmem_shared>>) offsets(%dma_start3A_700 : memref<112xi32, #tpu.memory_space<vmem>>) semaphore(%arg19 : memref<!tpu.dma_semaphore, #tpu.memory_space<semaphore_mem>>) {add = true}
      %dma_wait3A_704 = arith.constant 10 : i32
      %dma_wait3A_705 = arith.constant 4 : i32
      %dma_wait3A_706 = arith.constant 0 : i32
      %dma_wait3A_707 = arith.constant 0 : i32
      %dma_wait3A_708 = tpu.memref_slice %arg9[%dma_wait3A_705, %dma_wait3A_706, %dma_wait3A_707] : memref<6x112x64xf32, #tpu.memory_space<vmem>> -> memref<1x112x64xf32, #tpu.memory_space<vmem>>
      %dma_wait3A_709 = tpu.memref_squeeze %dma_wait3A_708 : memref<1x112x64xf32, #tpu.memory_space<vmem>> -> memref<112x64xf32, #tpu.memory_space<vmem>>
      %dma_wait3A_710 = arith.constant 0 : i32
      %dma_wait3A_711 = tpu.memref_slice %arg7[%dma_wait3A_704, %dma_wait3A_710] : memref<12x112xi32, #tpu.memory_space<vmem>> -> memref<1x112xi32, #tpu.memory_space<vmem>>
      %dma_wait3A_712 = tpu.memref_squeeze %dma_wait3A_711 : memref<1x112xi32, #tpu.memory_space<vmem>> -> memref<112xi32, #tpu.memory_space<vmem>>
      %dma_wait3A_713 = arith.constant 0 : i32
      %dma_wait3A_714 = arith.constant 0 : i32
      %dma_wait3A_715 = tpu.memref_slice %arg2[%dma_wait3A_713, %dma_wait3A_714] : memref<40000x64xf32, #tpu.memory_space<hbm>> -> memref<40000x64xf32, #tpu.memory_space<hbm>>
      tpu.wait_indirect_dma semaphore(%arg14 : memref<!tpu.dma_semaphore, #tpu.memory_space<semaphore_mem>>) src(%dma_wait3A_715 : memref<40000x64xf32, #tpu.memory_space<hbm>>) dst(%dma_wait3A_709 : memref<112x64xf32, #tpu.memory_space<vmem>>)
      %dma_start3A_716 = arith.constant 4 : i32
      %dma_start3A_717 = arith.constant 10 : i32
      %dma_start3A_718 = arith.constant 0 : i32
      %dma_start3A_719 = arith.constant 0 : i32
      %dma_start3A_720 = tpu.memref_slice %arg9[%dma_start3A_716, %dma_start3A_718, %dma_start3A_719] : memref<6x112x64xf32, #tpu.memory_space<vmem>> -> memref<1x112x64xf32, #tpu.memory_space<vmem>>
      %dma_start3A_721 = tpu.memref_squeeze %dma_start3A_720 : memref<1x112x64xf32, #tpu.memory_space<vmem>> -> memref<112x64xf32, #tpu.memory_space<vmem>>
      %dma_start3A_722 = arith.constant 0 : i32
      %dma_start3A_723 = tpu.memref_slice %arg8[%dma_start3A_717, %dma_start3A_722] : memref<12x112xi32, #tpu.memory_space<vmem>> -> memref<1x112xi32, #tpu.memory_space<vmem>>
      %dma_start3A_724 = tpu.memref_squeeze %dma_start3A_723 : memref<1x112xi32, #tpu.memory_space<vmem>> -> memref<112xi32, #tpu.memory_space<vmem>>
      %dma_start3A_725 = arith.constant 0 : i32
      %dma_start3A_726 = arith.constant 0 : i32
      %dma_start3A_727 = tpu.memref_slice %arg6[%dma_start3A_725, %dma_start3A_726] : memref<20008x64xf32, #tpu.memory_space<vmem_shared>> -> memref<20008x64xf32, #tpu.memory_space<vmem_shared>>
      tpu.enqueue_indirect_dma source(%dma_start3A_721 : memref<112x64xf32, #tpu.memory_space<vmem>>) target(%dma_start3A_727 : memref<20008x64xf32, #tpu.memory_space<vmem_shared>>) offsets(%dma_start3A_724 : memref<112xi32, #tpu.memory_space<vmem>>) semaphore(%arg20 : memref<!tpu.dma_semaphore, #tpu.memory_space<semaphore_mem>>) {add = true}
      %dma_wait3A_728 = arith.constant 11 : i32
      %dma_wait3A_729 = arith.constant 5 : i32
      %dma_wait3A_730 = arith.constant 0 : i32
      %dma_wait3A_731 = arith.constant 0 : i32
      %dma_wait3A_732 = tpu.memref_slice %arg9[%dma_wait3A_729, %dma_wait3A_730, %dma_wait3A_731] : memref<6x112x64xf32, #tpu.memory_space<vmem>> -> memref<1x112x64xf32, #tpu.memory_space<vmem>>
      %dma_wait3A_733 = tpu.memref_squeeze %dma_wait3A_732 : memref<1x112x64xf32, #tpu.memory_space<vmem>> -> memref<112x64xf32, #tpu.memory_space<vmem>>
      %dma_wait3A_734 = arith.constant 0 : i32
      %dma_wait3A_735 = tpu.memref_slice %arg7[%dma_wait3A_728, %dma_wait3A_734] : memref<12x112xi32, #tpu.memory_space<vmem>> -> memref<1x112xi32, #tpu.memory_space<vmem>>
      %dma_wait3A_736 = tpu.memref_squeeze %dma_wait3A_735 : memref<1x112xi32, #tpu.memory_space<vmem>> -> memref<112xi32, #tpu.memory_space<vmem>>
      %dma_wait3A_737 = arith.constant 0 : i32
      %dma_wait3A_738 = arith.constant 0 : i32
      %dma_wait3A_739 = tpu.memref_slice %arg2[%dma_wait3A_737, %dma_wait3A_738] : memref<40000x64xf32, #tpu.memory_space<hbm>> -> memref<40000x64xf32, #tpu.memory_space<hbm>>
      tpu.wait_indirect_dma semaphore(%arg15 : memref<!tpu.dma_semaphore, #tpu.memory_space<semaphore_mem>>) src(%dma_wait3A_739 : memref<40000x64xf32, #tpu.memory_space<hbm>>) dst(%dma_wait3A_733 : memref<112x64xf32, #tpu.memory_space<vmem>>)
      %dma_start3A_740 = arith.constant 5 : i32
      %dma_start3A_741 = arith.constant 11 : i32
      %dma_start3A_742 = arith.constant 0 : i32
      %dma_start3A_743 = arith.constant 0 : i32
      %dma_start3A_744 = tpu.memref_slice %arg9[%dma_start3A_740, %dma_start3A_742, %dma_start3A_743] : memref<6x112x64xf32, #tpu.memory_space<vmem>> -> memref<1x112x64xf32, #tpu.memory_space<vmem>>
      %dma_start3A_745 = tpu.memref_squeeze %dma_start3A_744 : memref<1x112x64xf32, #tpu.memory_space<vmem>> -> memref<112x64xf32, #tpu.memory_space<vmem>>
      %dma_start3A_746 = arith.constant 0 : i32
      %dma_start3A_747 = tpu.memref_slice %arg8[%dma_start3A_741, %dma_start3A_746] : memref<12x112xi32, #tpu.memory_space<vmem>> -> memref<1x112xi32, #tpu.memory_space<vmem>>
      %dma_start3A_748 = tpu.memref_squeeze %dma_start3A_747 : memref<1x112xi32, #tpu.memory_space<vmem>> -> memref<112xi32, #tpu.memory_space<vmem>>
      %dma_start3A_749 = arith.constant 0 : i32
      %dma_start3A_750 = arith.constant 0 : i32
      %dma_start3A_751 = tpu.memref_slice %arg6[%dma_start3A_749, %dma_start3A_750] : memref<20008x64xf32, #tpu.memory_space<vmem_shared>> -> memref<20008x64xf32, #tpu.memory_space<vmem_shared>>
      tpu.enqueue_indirect_dma source(%dma_start3A_745 : memref<112x64xf32, #tpu.memory_space<vmem>>) target(%dma_start3A_751 : memref<20008x64xf32, #tpu.memory_space<vmem_shared>>) offsets(%dma_start3A_748 : memref<112xi32, #tpu.memory_space<vmem>>) semaphore(%arg21 : memref<!tpu.dma_semaphore, #tpu.memory_space<semaphore_mem>>) {add = true}
    }
    %scan3A_93 = arith.constant 15 : i32
    %dma_wait3A = arith.constant 0 : i32
    %dma_wait3A_94 = arith.constant 0 : i32
    %dma_wait3A_95 = arith.constant 0 : i32
    %dma_wait3A_96 = arith.constant 0 : i32
    %dma_wait3A_97 = tpu.memref_slice %arg9[%dma_wait3A, %dma_wait3A_95, %dma_wait3A_96] : memref<6x112x64xf32, #tpu.memory_space<vmem>> -> memref<1x112x64xf32, #tpu.memory_space<vmem>>
    %dma_wait3A_98 = tpu.memref_squeeze %dma_wait3A_97 : memref<1x112x64xf32, #tpu.memory_space<vmem>> -> memref<112x64xf32, #tpu.memory_space<vmem>>
    %dma_wait3A_99 = arith.constant 0 : i32
    %dma_wait3A_100 = tpu.memref_slice %arg8[%dma_wait3A_94, %dma_wait3A_99] : memref<12x112xi32, #tpu.memory_space<vmem>> -> memref<1x112xi32, #tpu.memory_space<vmem>>
    %dma_wait3A_101 = tpu.memref_squeeze %dma_wait3A_100 : memref<1x112xi32, #tpu.memory_space<vmem>> -> memref<112xi32, #tpu.memory_space<vmem>>
    %dma_wait3A_102 = arith.constant 0 : i32
    %dma_wait3A_103 = arith.constant 0 : i32
    %dma_wait3A_104 = tpu.memref_slice %arg6[%dma_wait3A_102, %dma_wait3A_103] : memref<20008x64xf32, #tpu.memory_space<vmem_shared>> -> memref<20008x64xf32, #tpu.memory_space<vmem_shared>>
    tpu.wait_indirect_dma semaphore(%arg16 : memref<!tpu.dma_semaphore, #tpu.memory_space<semaphore_mem>>) src(%dma_wait3A_98 : memref<112x64xf32, #tpu.memory_space<vmem>>) dst(%dma_wait3A_104 : memref<20008x64xf32, #tpu.memory_space<vmem_shared>>)
    %dma_wait3A_105 = arith.constant 1 : i32
    %dma_wait3A_106 = arith.constant 0 : i32
    %dma_wait3A_107 = arith.constant 0 : i32
    %dma_wait3A_108 = arith.constant 0 : i32
    %dma_wait3A_109 = tpu.memref_slice %arg9[%dma_wait3A_105, %dma_wait3A_107, %dma_wait3A_108] : memref<6x112x64xf32, #tpu.memory_space<vmem>> -> memref<1x112x64xf32, #tpu.memory_space<vmem>>
    %dma_wait3A_110 = tpu.memref_squeeze %dma_wait3A_109 : memref<1x112x64xf32, #tpu.memory_space<vmem>> -> memref<112x64xf32, #tpu.memory_space<vmem>>
    %dma_wait3A_111 = arith.constant 0 : i32
    %dma_wait3A_112 = tpu.memref_slice %arg8[%dma_wait3A_106, %dma_wait3A_111] : memref<12x112xi32, #tpu.memory_space<vmem>> -> memref<1x112xi32, #tpu.memory_space<vmem>>
    %dma_wait3A_113 = tpu.memref_squeeze %dma_wait3A_112 : memref<1x112xi32, #tpu.memory_space<vmem>> -> memref<112xi32, #tpu.memory_space<vmem>>
    %dma_wait3A_114 = arith.constant 0 : i32
    %dma_wait3A_115 = arith.constant 0 : i32
    %dma_wait3A_116 = tpu.memref_slice %arg6[%dma_wait3A_114, %dma_wait3A_115] : memref<20008x64xf32, #tpu.memory_space<vmem_shared>> -> memref<20008x64xf32, #tpu.memory_space<vmem_shared>>
    tpu.wait_indirect_dma semaphore(%arg17 : memref<!tpu.dma_semaphore, #tpu.memory_space<semaphore_mem>>) src(%dma_wait3A_110 : memref<112x64xf32, #tpu.memory_space<vmem>>) dst(%dma_wait3A_116 : memref<20008x64xf32, #tpu.memory_space<vmem_shared>>)
    %dma_wait3A_117 = arith.constant 2 : i32
    %dma_wait3A_118 = arith.constant 0 : i32
    %dma_wait3A_119 = arith.constant 0 : i32
    %dma_wait3A_120 = arith.constant 0 : i32
    %dma_wait3A_121 = tpu.memref_slice %arg9[%dma_wait3A_117, %dma_wait3A_119, %dma_wait3A_120] : memref<6x112x64xf32, #tpu.memory_space<vmem>> -> memref<1x112x64xf32, #tpu.memory_space<vmem>>
    %dma_wait3A_122 = tpu.memref_squeeze %dma_wait3A_121 : memref<1x112x64xf32, #tpu.memory_space<vmem>> -> memref<112x64xf32, #tpu.memory_space<vmem>>
    %dma_wait3A_123 = arith.constant 0 : i32
    %dma_wait3A_124 = tpu.memref_slice %arg8[%dma_wait3A_118, %dma_wait3A_123] : memref<12x112xi32, #tpu.memory_space<vmem>> -> memref<1x112xi32, #tpu.memory_space<vmem>>
    %dma_wait3A_125 = tpu.memref_squeeze %dma_wait3A_124 : memref<1x112xi32, #tpu.memory_space<vmem>> -> memref<112xi32, #tpu.memory_space<vmem>>
    %dma_wait3A_126 = arith.constant 0 : i32
    %dma_wait3A_127 = arith.constant 0 : i32
    %dma_wait3A_128 = tpu.memref_slice %arg6[%dma_wait3A_126, %dma_wait3A_127] : memref<20008x64xf32, #tpu.memory_space<vmem_shared>> -> memref<20008x64xf32, #tpu.memory_space<vmem_shared>>
    tpu.wait_indirect_dma semaphore(%arg18 : memref<!tpu.dma_semaphore, #tpu.memory_space<semaphore_mem>>) src(%dma_wait3A_122 : memref<112x64xf32, #tpu.memory_space<vmem>>) dst(%dma_wait3A_128 : memref<20008x64xf32, #tpu.memory_space<vmem_shared>>)
    %dma_wait3A_129 = arith.constant 3 : i32
    %dma_wait3A_130 = arith.constant 0 : i32
    %dma_wait3A_131 = arith.constant 0 : i32
    %dma_wait3A_132 = arith.constant 0 : i32
    %dma_wait3A_133 = tpu.memref_slice %arg9[%dma_wait3A_129, %dma_wait3A_131, %dma_wait3A_132] : memref<6x112x64xf32, #tpu.memory_space<vmem>> -> memref<1x112x64xf32, #tpu.memory_space<vmem>>
    %dma_wait3A_134 = tpu.memref_squeeze %dma_wait3A_133 : memref<1x112x64xf32, #tpu.memory_space<vmem>> -> memref<112x64xf32, #tpu.memory_space<vmem>>
    %dma_wait3A_135 = arith.constant 0 : i32
    %dma_wait3A_136 = tpu.memref_slice %arg8[%dma_wait3A_130, %dma_wait3A_135] : memref<12x112xi32, #tpu.memory_space<vmem>> -> memref<1x112xi32, #tpu.memory_space<vmem>>
    %dma_wait3A_137 = tpu.memref_squeeze %dma_wait3A_136 : memref<1x112xi32, #tpu.memory_space<vmem>> -> memref<112xi32, #tpu.memory_space<vmem>>
    %dma_wait3A_138 = arith.constant 0 : i32
    %dma_wait3A_139 = arith.constant 0 : i32
    %dma_wait3A_140 = tpu.memref_slice %arg6[%dma_wait3A_138, %dma_wait3A_139] : memref<20008x64xf32, #tpu.memory_space<vmem_shared>> -> memref<20008x64xf32, #tpu.memory_space<vmem_shared>>
    tpu.wait_indirect_dma semaphore(%arg19 : memref<!tpu.dma_semaphore, #tpu.memory_space<semaphore_mem>>) src(%dma_wait3A_134 : memref<112x64xf32, #tpu.memory_space<vmem>>) dst(%dma_wait3A_140 : memref<20008x64xf32, #tpu.memory_space<vmem_shared>>)
    %dma_wait3A_141 = arith.constant 4 : i32
    %dma_wait3A_142 = arith.constant 0 : i32
    %dma_wait3A_143 = arith.constant 0 : i32
    %dma_wait3A_144 = arith.constant 0 : i32
    %dma_wait3A_145 = tpu.memref_slice %arg9[%dma_wait3A_141, %dma_wait3A_143, %dma_wait3A_144] : memref<6x112x64xf32, #tpu.memory_space<vmem>> -> memref<1x112x64xf32, #tpu.memory_space<vmem>>
    %dma_wait3A_146 = tpu.memref_squeeze %dma_wait3A_145 : memref<1x112x64xf32, #tpu.memory_space<vmem>> -> memref<112x64xf32, #tpu.memory_space<vmem>>
    %dma_wait3A_147 = arith.constant 0 : i32
    %dma_wait3A_148 = tpu.memref_slice %arg8[%dma_wait3A_142, %dma_wait3A_147] : memref<12x112xi32, #tpu.memory_space<vmem>> -> memref<1x112xi32, #tpu.memory_space<vmem>>
    %dma_wait3A_149 = tpu.memref_squeeze %dma_wait3A_148 : memref<1x112xi32, #tpu.memory_space<vmem>> -> memref<112xi32, #tpu.memory_space<vmem>>
    %dma_wait3A_150 = arith.constant 0 : i32
    %dma_wait3A_151 = arith.constant 0 : i32
    %dma_wait3A_152 = tpu.memref_slice %arg6[%dma_wait3A_150, %dma_wait3A_151] : memref<20008x64xf32, #tpu.memory_space<vmem_shared>> -> memref<20008x64xf32, #tpu.memory_space<vmem_shared>>
    tpu.wait_indirect_dma semaphore(%arg20 : memref<!tpu.dma_semaphore, #tpu.memory_space<semaphore_mem>>) src(%dma_wait3A_146 : memref<112x64xf32, #tpu.memory_space<vmem>>) dst(%dma_wait3A_152 : memref<20008x64xf32, #tpu.memory_space<vmem_shared>>)
    %dma_wait3A_153 = arith.constant 5 : i32
    %dma_wait3A_154 = arith.constant 0 : i32
    %dma_wait3A_155 = arith.constant 0 : i32
    %dma_wait3A_156 = arith.constant 0 : i32
    %dma_wait3A_157 = tpu.memref_slice %arg9[%dma_wait3A_153, %dma_wait3A_155, %dma_wait3A_156] : memref<6x112x64xf32, #tpu.memory_space<vmem>> -> memref<1x112x64xf32, #tpu.memory_space<vmem>>
    %dma_wait3A_158 = tpu.memref_squeeze %dma_wait3A_157 : memref<1x112x64xf32, #tpu.memory_space<vmem>> -> memref<112x64xf32, #tpu.memory_space<vmem>>
    %dma_wait3A_159 = arith.constant 0 : i32
    %dma_wait3A_160 = tpu.memref_slice %arg8[%dma_wait3A_154, %dma_wait3A_159] : memref<12x112xi32, #tpu.memory_space<vmem>> -> memref<1x112xi32, #tpu.memory_space<vmem>>
    %dma_wait3A_161 = tpu.memref_squeeze %dma_wait3A_160 : memref<1x112xi32, #tpu.memory_space<vmem>> -> memref<112xi32, #tpu.memory_space<vmem>>
    %dma_wait3A_162 = arith.constant 0 : i32
    %dma_wait3A_163 = arith.constant 0 : i32
    %dma_wait3A_164 = tpu.memref_slice %arg6[%dma_wait3A_162, %dma_wait3A_163] : memref<20008x64xf32, #tpu.memory_space<vmem_shared>> -> memref<20008x64xf32, #tpu.memory_space<vmem_shared>>
    tpu.wait_indirect_dma semaphore(%arg21 : memref<!tpu.dma_semaphore, #tpu.memory_space<semaphore_mem>>) src(%dma_wait3A_158 : memref<112x64xf32, #tpu.memory_space<vmem>>) dst(%dma_wait3A_164 : memref<20008x64xf32, #tpu.memory_space<vmem_shared>>)
    %barrier3A_165 = arith.constant 0 : index
    tpu.barrier barrier_id(%barrier3A_165)
    %scan3A_166 = arith.constant 0 : i32
    %scan3A_167 = arith.constant 0 : i32
    %scan3A_168 = arith.constant 2 : i32
    %scan3A_169 = arith.addi %scan3A_167, %scan3A_168 : i32
    %scan3A_170 = arith.constant 1 : i32
    scf.for %scan3A_172 = %scan3A_167 to %scan3A_169 step %scan3A_170  : i32 {
      %mul3A = arith.constant 16 : i32
      %mul3A_173 = arith.muli %mul3A, %scan3A_172 : i32
      %add3A = arith.addi %arg1, %mul3A_173 : i32
      %lt3A = arith.constant 20 : i32
      %lt3A_174 = arith.cmpi slt, %add3A, %lt3A : i32
      %convert_element_type3A = arith.extui %lt3A_174 : i1 to i32
      %cond3A = arith.constant 0 : i32
      %cond3A_175 = arith.cmpi ne, %convert_element_type3A, %cond3A : i32
      scf.if %cond3A_175 {
        %mul3A_176 = arith.constant 1000 : i32
        %mul3A_177 = arith.muli %add3A, %mul3A_176 : i32
        %mul3A_178 = arith.constant 1000 : i32
        %mul3A_179 = arith.muli %add3A, %mul3A_178 : i32
        "tpu.region"() ({
          %run_scoped3A = tpu.sem_alloc : memref<!tpu.dma_semaphore, #tpu.memory_space<semaphore_mem>>
          %dma_start3A_180 = arith.constant 0 : i32
          %dma_start3A_181 = tpu.memref_slice %arg5[%arg0, %mul3A_179, %dma_start3A_180] : memref<2x20000x64xf32, #tpu.memory_space<hbm>> -> memref<1x1000x64xf32, #tpu.memory_space<hbm>>
          %dma_start3A_182 = tpu.memref_squeeze %dma_start3A_181 : memref<1x1000x64xf32, #tpu.memory_space<hbm>> -> memref<1000x64xf32, #tpu.memory_space<hbm>>
          %dma_start3A_183 = arith.constant 0 : i32
          %dma_start3A_184 = tpu.memref_slice %arg6[%mul3A_177, %dma_start3A_183] : memref<20008x64xf32, #tpu.memory_space<vmem_shared>> -> memref<1000x64xf32, #tpu.memory_space<vmem_shared>>
          tpu.enqueue_dma source(%dma_start3A_184 : memref<1000x64xf32, #tpu.memory_space<vmem_shared>>) target(%dma_start3A_182 : memref<1000x64xf32, #tpu.memory_space<hbm>>) target_semaphore(%run_scoped3A : memref<!tpu.dma_semaphore, #tpu.memory_space<semaphore_mem>>)
          %dma_wait3A_185 = arith.constant 0 : i32
          %dma_wait3A_186 = tpu.memref_slice %arg5[%arg0, %mul3A_179, %dma_wait3A_185] : memref<2x20000x64xf32, #tpu.memory_space<hbm>> -> memref<1x1000x64xf32, #tpu.memory_space<hbm>>
          %dma_wait3A_187 = tpu.memref_squeeze %dma_wait3A_186 : memref<1x1000x64xf32, #tpu.memory_space<hbm>> -> memref<1000x64xf32, #tpu.memory_space<hbm>>
          %dma_wait3A_188 = arith.constant 0 : i32
          %dma_wait3A_189 = tpu.memref_slice %arg6[%mul3A_177, %dma_wait3A_188] : memref<20008x64xf32, #tpu.memory_space<vmem_shared>> -> memref<1000x64xf32, #tpu.memory_space<vmem_shared>>
          tpu.wait_dma2 semaphore(%run_scoped3A : memref<!tpu.dma_semaphore, #tpu.memory_space<semaphore_mem>>) src(%dma_wait3A_189 : memref<1000x64xf32, #tpu.memory_space<vmem_shared>>) dst(%dma_wait3A_187 : memref<1000x64xf32, #tpu.memory_space<hbm>>)
          tpu.yield
        }) : () -> ()
      } else {
      }
    }
    %scan3A_171 = arith.constant 2 : i32
    return
  }
}

#map = affine_map<(d0, d1) -> (0, 0)>
#map1 = affine_map<(d0, d1) -> (0, 0, 0)>
module attributes {stable_mosaic.version = 14 : i64} {
  func.func @_sc_body(%arg0: i32, %arg1: i32, %arg2: memref<40000x64xf32, #tpu.memory_space<hbm>>, %arg3: memref<2x2880x112xi32, #tpu.memory_space<hbm>>, %arg4: memref<2880x112xi32, #tpu.memory_space<hbm>>, %arg5: memref<2x20000x64xf32, #tpu.memory_space<hbm>>, %arg6: memref<2x20000x16xf32, #tpu.memory_space<hbm>>, %arg7: memref<20008x64xf32, #tpu.memory_space<vmem_shared>>, %arg8: memref<20008x16xf32, #tpu.memory_space<vmem_shared>>, %arg9: memref<112x16xf32, #tpu.memory_space<vmem>>, %arg10: memref<112x16xf32, #tpu.memory_space<vmem>>, %arg11: memref<12x112xi32, #tpu.memory_space<vmem>>, %arg12: memref<12x112xi32, #tpu.memory_space<vmem>>, %arg13: memref<3x112x64xf32, #tpu.memory_space<vmem>>, %arg14: memref<!tpu.dma_semaphore, #tpu.memory_space<semaphore_mem>>, %arg15: memref<!tpu.dma_semaphore, #tpu.memory_space<semaphore_mem>>, %arg16: memref<!tpu.dma_semaphore, #tpu.memory_space<semaphore_mem>>, %arg17: memref<!tpu.dma_semaphore, #tpu.memory_space<semaphore_mem>>, %arg18: memref<!tpu.dma_semaphore, #tpu.memory_space<semaphore_mem>>, %arg19: memref<!tpu.dma_semaphore, #tpu.memory_space<semaphore_mem>>, %arg20: memref<!tpu.dma_semaphore, #tpu.memory_space<semaphore_mem>>) attributes {dimension_semantics = [#tpu.dimension_semantics<core_parallel>, #tpu.dimension_semantics<subcore_parallel>], iteration_bounds = array<i64: 2, 16>, scalar_prefetch = 0 : i64, scratch_operands = 14 : i64, tpu.core_type = #tpu.core_type<sc_vector_subcore>, window_params = [{transform_indices = #map}, {transform_indices = #map1}, {transform_indices = #map}, {transform_indices = #map1}, {transform_indices = #map1}]} {
    %scan3A = arith.constant 0 : i32
    %scan3A_0 = arith.constant 0 : i32
    %scan3A_1 = arith.constant 112 : i32
    %scan3A_2 = arith.addi %scan3A_0, %scan3A_1 : i32
    %scan3A_3 = arith.constant 1 : i32
    scf.for %scan3A_112 = %scan3A_0 to %scan3A_2 step %scan3A_3  : i32 {
      %scan3A_113 = arith.constant 0 : i32
      %scan3A_114 = arith.constant 4 : i32
      %scan3A_115 = arith.addi %scan3A_113, %scan3A_114 : i32
      %scan3A_116 = arith.constant 1 : i32
      scf.for %scan3A_118 = %scan3A_113 to %scan3A_115 step %scan3A_116  : i32 {
        %broadcast_in_dim3A = arith.constant 0.000000e+00 : f32
        %broadcast_in_dim3A_119 = vector.broadcast %broadcast_in_dim3A : f32 to vector<16xf32>
        %mul3A = arith.constant 16 : i32
        %mul3A_120 = arith.muli %scan3A_118, %mul3A : i32
        %swap3A = arith.constant 0 : i32
        %swap3A_121 = arith.index_cast %swap3A : i32 to index
        %swap3A_122 = arith.index_cast %scan3A_112 : i32 to index
        %swap3A_123 = arith.index_cast %mul3A_120 : i32 to index
        %swap3A_124 = tpu.vector_load %arg13[%swap3A_121, %swap3A_122, %swap3A_123] {strides = array<i32>} : memref<3x112x64xf32, #tpu.memory_space<vmem>>, vector<1x1x16xf32>,
        %swap3A_125 = vector.shape_cast %swap3A_124 : vector<1x1x16xf32> to vector<16xf32>
        %swap3A_126 = vector.shape_cast %broadcast_in_dim3A_119 : vector<16xf32> to vector<1x1x16xf32>
        tpu.vector_store %arg13[%swap3A_121, %swap3A_122, %swap3A_123], %swap3A_126 {strides = array<i32>} : memref<3x112x64xf32, #tpu.memory_space<vmem>>, vector<1x1x16xf32>,
        %broadcast_in_dim3A_127 = arith.constant 0.000000e+00 : f32
        %broadcast_in_dim3A_128 = vector.broadcast %broadcast_in_dim3A_127 : f32 to vector<16xf32>
        %mul3A_129 = arith.constant 16 : i32
        %mul3A_130 = arith.muli %scan3A_118, %mul3A_129 : i32
        %swap3A_131 = arith.constant 1 : i32
        %swap3A_132 = arith.index_cast %swap3A_131 : i32 to index
        %swap3A_133 = arith.index_cast %scan3A_112 : i32 to index
        %swap3A_134 = arith.index_cast %mul3A_130 : i32 to index
        %swap3A_135 = tpu.vector_load %arg13[%swap3A_132, %swap3A_133, %swap3A_134] {strides = array<i32>} : memref<3x112x64xf32, #tpu.memory_space<vmem>>, vector<1x1x16xf32>,
        %swap3A_136 = vector.shape_cast %swap3A_135 : vector<1x1x16xf32> to vector<16xf32>
        %swap3A_137 = vector.shape_cast %broadcast_in_dim3A_128 : vector<16xf32> to vector<1x1x16xf32>
        tpu.vector_store %arg13[%swap3A_132, %swap3A_133, %swap3A_134], %swap3A_137 {strides = array<i32>} : memref<3x112x64xf32, #tpu.memory_space<vmem>>, vector<1x1x16xf32>,
        %broadcast_in_dim3A_138 = arith.constant 0.000000e+00 : f32
        %broadcast_in_dim3A_139 = vector.broadcast %broadcast_in_dim3A_138 : f32 to vector<16xf32>
        %mul3A_140 = arith.constant 16 : i32
        %mul3A_141 = arith.muli %scan3A_118, %mul3A_140 : i32
        %swap3A_142 = arith.constant 2 : i32
        %swap3A_143 = arith.index_cast %swap3A_142 : i32 to index
        %swap3A_144 = arith.index_cast %scan3A_112 : i32 to index
        %swap3A_145 = arith.index_cast %mul3A_141 : i32 to index
        %swap3A_146 = tpu.vector_load %arg13[%swap3A_143, %swap3A_144, %swap3A_145] {strides = array<i32>} : memref<3x112x64xf32, #tpu.memory_space<vmem>>, vector<1x1x16xf32>,
        %swap3A_147 = vector.shape_cast %swap3A_146 : vector<1x1x16xf32> to vector<16xf32>
        %swap3A_148 = vector.shape_cast %broadcast_in_dim3A_139 : vector<16xf32> to vector<1x1x16xf32>
        tpu.vector_store %arg13[%swap3A_143, %swap3A_144, %swap3A_145], %swap3A_148 {strides = array<i32>} : memref<3x112x64xf32, #tpu.memory_space<vmem>>, vector<1x1x16xf32>,
      }
      %scan3A_117 = arith.constant 4 : i32
    }
    %scan3A_4 = arith.constant 112 : i32
    %scan3A_5 = arith.constant 0 : i32
    %scan3A_6 = arith.constant 0 : i32
    %scan3A_7 = arith.constant 7 : i32
    %scan3A_8 = arith.addi %scan3A_6, %scan3A_7 : i32
    %scan3A_9 = arith.constant 1 : i32
    scf.for %scan3A_112 = %scan3A_6 to %scan3A_8 step %scan3A_9  : i32 {
      %broadcast_in_dim3A = arith.constant 0 : i32
      %broadcast_in_dim3A_113 = vector.broadcast %broadcast_in_dim3A : i32 to vector<16xi32>
      %mul3A = arith.constant 16 : i32
      %mul3A_114 = arith.muli %scan3A_112, %mul3A : i32
      %swap3A = arith.constant 0 : i32
      %swap3A_115 = arith.index_cast %swap3A : i32 to index
      %swap3A_116 = arith.index_cast %mul3A_114 : i32 to index
      %swap3A_117 = tpu.vector_load %arg12[%swap3A_115, %swap3A_116] {strides = array<i32>} : memref<12x112xi32, #tpu.memory_space<vmem>>, vector<1x16xi32>,
      %swap3A_118 = vector.shape_cast %swap3A_117 : vector<1x16xi32> to vector<16xi32>
      %swap3A_119 = vector.shape_cast %broadcast_in_dim3A_113 : vector<16xi32> to vector<1x16xi32>
      tpu.vector_store %arg12[%swap3A_115, %swap3A_116], %swap3A_119 {strides = array<i32>} : memref<12x112xi32, #tpu.memory_space<vmem>>, vector<1x16xi32>,
    }
    %scan3A_10 = arith.constant 7 : i32
    %scan3A_11 = arith.constant 0 : i32
    %scan3A_12 = arith.constant 0 : i32
    %scan3A_13 = arith.constant 112 : i32
    %scan3A_14 = arith.addi %scan3A_12, %scan3A_13 : i32
    %scan3A_15 = arith.constant 1 : i32
    scf.for %scan3A_112 = %scan3A_12 to %scan3A_14 step %scan3A_15  : i32 {
      %broadcast_in_dim3A = arith.constant 0.000000e+00 : f32
      %broadcast_in_dim3A_113 = vector.broadcast %broadcast_in_dim3A : f32 to vector<16xf32>
      %swap3A = arith.index_cast %scan3A_112 : i32 to index
      %swap3A_114 = arith.constant 0 : index
      %swap3A_115 = tpu.vector_load %arg10[%swap3A, %swap3A_114] {strides = array<i32>} : memref<112x16xf32, #tpu.memory_space<vmem>>, vector<1x16xf32>,
      %swap3A_116 = vector.shape_cast %swap3A_115 : vector<1x16xf32> to vector<16xf32>
      %swap3A_117 = vector.shape_cast %broadcast_in_dim3A_113 : vector<16xf32> to vector<1x16xf32>
      tpu.vector_store %arg10[%swap3A, %swap3A_114], %swap3A_117 {strides = array<i32>} : memref<112x16xf32, #tpu.memory_space<vmem>>, vector<1x16xf32>,
      %broadcast_in_dim3A_118 = arith.constant 1.000000e+00 : f32
      %broadcast_in_dim3A_119 = vector.broadcast %broadcast_in_dim3A_118 : f32 to vector<16xf32>
      %swap3A_120 = arith.index_cast %scan3A_112 : i32 to index
      %swap3A_121 = arith.constant 0 : index
      %swap3A_122 = tpu.vector_load %arg9[%swap3A_120, %swap3A_121] {strides = array<i32>} : memref<112x16xf32, #tpu.memory_space<vmem>>, vector<1x16xf32>,
      %swap3A_123 = vector.shape_cast %swap3A_122 : vector<1x16xf32> to vector<16xf32>
      %swap3A_124 = vector.shape_cast %broadcast_in_dim3A_119 : vector<16xf32> to vector<1x16xf32>
      tpu.vector_store %arg9[%swap3A_120, %swap3A_121], %swap3A_124 {strides = array<i32>} : memref<112x16xf32, #tpu.memory_space<vmem>>, vector<1x16xf32>,
    }
    %scan3A_16 = arith.constant 112 : i32
    %scan3A_17 = arith.constant 0 : i32
    %scan3A_18 = arith.constant 0 : i32
    %scan3A_19 = arith.constant 13 : i32
    %scan3A_20 = arith.addi %scan3A_18, %scan3A_19 : i32
    %scan3A_21 = arith.constant 1 : i32
    scf.for %scan3A_112 = %scan3A_18 to %scan3A_20 step %scan3A_21  : i32 {
      %mul3A = arith.constant 16 : i32
      %mul3A_113 = arith.muli %mul3A, %scan3A_112 : i32
      %add3A = arith.addi %arg1, %mul3A_113 : i32
      %lt3A = arith.constant 178 : i32
      %lt3A_114 = arith.cmpi slt, %add3A, %lt3A : i32
      %convert_element_type3A = arith.extui %lt3A_114 : i1 to i32
      %cond3A = arith.constant 0 : i32
      %cond3A_115 = arith.cmpi ne, %convert_element_type3A, %cond3A : i32
      scf.if %cond3A_115 {
        %mul3A_120 = arith.constant 112 : i32
        %mul3A_121 = arith.muli %add3A, %mul3A_120 : i32
        %run_scoped3A = arith.constant 0 : i32
        "tpu.region"() ({
          %run_scoped3A_124 = tpu.sem_alloc : memref<!tpu.dma_semaphore, #tpu.memory_space<semaphore_mem>>
          %dma_start3A_125 = arith.constant 0 : i32
          %dma_start3A_126 = arith.constant 0 : i32
          %dma_start3A_127 = tpu.memref_slice %arg13[%run_scoped3A, %dma_start3A_125, %dma_start3A_126] : memref<3x112x64xf32, #tpu.memory_space<vmem>> -> memref<1x112x64xf32, #tpu.memory_space<vmem>>
          %dma_start3A_128 = tpu.memref_squeeze %dma_start3A_127 : memref<1x112x64xf32, #tpu.memory_space<vmem>> -> memref<112x64xf32, #tpu.memory_space<vmem>>
          %dma_start3A_129 = arith.constant 0 : i32
          %dma_start3A_130 = tpu.memref_slice %arg7[%mul3A_121, %dma_start3A_129] : memref<20008x64xf32, #tpu.memory_space<vmem_shared>> -> memref<112x64xf32, #tpu.memory_space<vmem_shared>>
          %dma_start3A_131 = arith.constant 0 : i32
          %dma_start3A_132 = tpu.memref_slice %arg7[%mul3A_121, %dma_start3A_131] : memref<20008x64xf32, #tpu.memory_space<vmem_shared>> -> memref<112x64xf32, #tpu.memory_space<vmem_shared>>
          %dma_start3A_133 = arith.constant 0 : i32
          %dma_start3A_134 = arith.constant 0 : i32
          %dma_start3A_135 = tpu.memref_slice %arg13[%run_scoped3A, %dma_start3A_133, %dma_start3A_134] : memref<3x112x64xf32, #tpu.memory_space<vmem>> -> memref<1x112x64xf32, #tpu.memory_space<vmem>>
          %dma_start3A_136 = tpu.memref_squeeze %dma_start3A_135 : memref<1x112x64xf32, #tpu.memory_space<vmem>> -> memref<112x64xf32, #tpu.memory_space<vmem>>
          tpu.enqueue_dma source(%dma_start3A_136 : memref<112x64xf32, #tpu.memory_space<vmem>>) target(%dma_start3A_132 : memref<112x64xf32, #tpu.memory_space<vmem_shared>>) target_semaphore(%run_scoped3A_124 : memref<!tpu.dma_semaphore, #tpu.memory_space<semaphore_mem>>)
          %dma_wait3A_137 = arith.constant 0 : i32
          %dma_wait3A_138 = arith.constant 0 : i32
          %dma_wait3A_139 = tpu.memref_slice %arg13[%run_scoped3A, %dma_wait3A_137, %dma_wait3A_138] : memref<3x112x64xf32, #tpu.memory_space<vmem>> -> memref<1x112x64xf32, #tpu.memory_space<vmem>>
          %dma_wait3A_140 = tpu.memref_squeeze %dma_wait3A_139 : memref<1x112x64xf32, #tpu.memory_space<vmem>> -> memref<112x64xf32, #tpu.memory_space<vmem>>
          %dma_wait3A_141 = arith.constant 0 : i32
          %dma_wait3A_142 = tpu.memref_slice %arg7[%mul3A_121, %dma_wait3A_141] : memref<20008x64xf32, #tpu.memory_space<vmem_shared>> -> memref<112x64xf32, #tpu.memory_space<vmem_shared>>
          %dma_wait3A_143 = arith.constant 0 : i32
          %dma_wait3A_144 = tpu.memref_slice %arg7[%mul3A_121, %dma_wait3A_143] : memref<20008x64xf32, #tpu.memory_space<vmem_shared>> -> memref<112x64xf32, #tpu.memory_space<vmem_shared>>
          %dma_wait3A_145 = arith.constant 0 : i32
          %dma_wait3A_146 = arith.constant 0 : i32
          %dma_wait3A_147 = tpu.memref_slice %arg13[%run_scoped3A, %dma_wait3A_145, %dma_wait3A_146] : memref<3x112x64xf32, #tpu.memory_space<vmem>> -> memref<1x112x64xf32, #tpu.memory_space<vmem>>
          %dma_wait3A_148 = tpu.memref_squeeze %dma_wait3A_147 : memref<1x112x64xf32, #tpu.memory_space<vmem>> -> memref<112x64xf32, #tpu.memory_space<vmem>>
          tpu.wait_dma2 semaphore(%run_scoped3A_124 : memref<!tpu.dma_semaphore, #tpu.memory_space<semaphore_mem>>) src(%dma_wait3A_148 : memref<112x64xf32, #tpu.memory_space<vmem>>) dst(%dma_wait3A_144 : memref<112x64xf32, #tpu.memory_space<vmem_shared>>)
          tpu.yield
        }) : () -> ()
        %mul3A_122 = arith.constant 112 : i32
        %mul3A_123 = arith.muli %add3A, %mul3A_122 : i32
        "tpu.region"() ({
          %run_scoped3A_124 = tpu.sem_alloc : memref<!tpu.dma_semaphore, #tpu.memory_space<semaphore_mem>>
          %dma_start3A_125 = arith.constant 0 : i32
          %dma_start3A_126 = tpu.memref_slice %arg8[%mul3A_123, %dma_start3A_125] : memref<20008x16xf32, #tpu.memory_space<vmem_shared>> -> memref<112x16xf32, #tpu.memory_space<vmem_shared>>
          %dma_start3A_127 = arith.constant 0 : i32
          %dma_start3A_128 = tpu.memref_slice %arg8[%mul3A_123, %dma_start3A_127] : memref<20008x16xf32, #tpu.memory_space<vmem_shared>> -> memref<112x16xf32, #tpu.memory_space<vmem_shared>>
          tpu.enqueue_dma source(%arg10 : memref<112x16xf32, #tpu.memory_space<vmem>>) target(%dma_start3A_128 : memref<112x16xf32, #tpu.memory_space<vmem_shared>>) target_semaphore(%run_scoped3A_124 : memref<!tpu.dma_semaphore, #tpu.memory_space<semaphore_mem>>)
          %dma_wait3A_129 = arith.constant 0 : i32
          %dma_wait3A_130 = tpu.memref_slice %arg8[%mul3A_123, %dma_wait3A_129] : memref<20008x16xf32, #tpu.memory_space<vmem_shared>> -> memref<112x16xf32, #tpu.memory_space<vmem_shared>>
          %dma_wait3A_131 = arith.constant 0 : i32
          %dma_wait3A_132 = tpu.memref_slice %arg8[%mul3A_123, %dma_wait3A_131] : memref<20008x16xf32, #tpu.memory_space<vmem_shared>> -> memref<112x16xf32, #tpu.memory_space<vmem_shared>>
          tpu.wait_dma2 semaphore(%run_scoped3A_124 : memref<!tpu.dma_semaphore, #tpu.memory_space<semaphore_mem>>) src(%arg10 : memref<112x16xf32, #tpu.memory_space<vmem>>) dst(%dma_wait3A_132 : memref<112x16xf32, #tpu.memory_space<vmem_shared>>)
          tpu.yield
        }) : () -> ()
      } else {
      }
      %eq3A = arith.constant 178 : i32
      %eq3A_116 = arith.cmpi eq, %add3A, %eq3A : i32
      %convert_element_type3A_117 = arith.extui %eq3A_116 : i1 to i32
      %cond3A_118 = arith.constant 0 : i32
      %cond3A_119 = arith.cmpi ne, %convert_element_type3A_117, %cond3A_118 : i32
      scf.if %cond3A_119 {
        %run_scoped3A = arith.constant 0 : i32
        "tpu.region"() ({
          %run_scoped3A_120 = tpu.sem_alloc : memref<!tpu.dma_semaphore, #tpu.memory_space<semaphore_mem>>
          %dma_start3A_121 = arith.constant 0 : i32
          %dma_start3A_122 = arith.constant 0 : i32
          %dma_start3A_123 = tpu.memref_slice %arg13[%run_scoped3A, %dma_start3A_121, %dma_start3A_122] : memref<3x112x64xf32, #tpu.memory_space<vmem>> -> memref<1x72x64xf32, #tpu.memory_space<vmem>>
          %dma_start3A_124 = tpu.memref_squeeze %dma_start3A_123 : memref<1x72x64xf32, #tpu.memory_space<vmem>> -> memref<72x64xf32, #tpu.memory_space<vmem>>
          %dma_start3A_125 = arith.constant 19936 : i32
          %dma_start3A_126 = arith.constant 0 : i32
          %dma_start3A_127 = tpu.memref_slice %arg7[%dma_start3A_125, %dma_start3A_126] : memref<20008x64xf32, #tpu.memory_space<vmem_shared>> -> memref<72x64xf32, #tpu.memory_space<vmem_shared>>
          %dma_start3A_128 = arith.constant 19936 : i32
          %dma_start3A_129 = arith.constant 0 : i32
          %dma_start3A_130 = tpu.memref_slice %arg7[%dma_start3A_128, %dma_start3A_129] : memref<20008x64xf32, #tpu.memory_space<vmem_shared>> -> memref<72x64xf32, #tpu.memory_space<vmem_shared>>
          %dma_start3A_131 = arith.constant 0 : i32
          %dma_start3A_132 = arith.constant 0 : i32
          %dma_start3A_133 = tpu.memref_slice %arg13[%run_scoped3A, %dma_start3A_131, %dma_start3A_132] : memref<3x112x64xf32, #tpu.memory_space<vmem>> -> memref<1x72x64xf32, #tpu.memory_space<vmem>>
          %dma_start3A_134 = tpu.memref_squeeze %dma_start3A_133 : memref<1x72x64xf32, #tpu.memory_space<vmem>> -> memref<72x64xf32, #tpu.memory_space<vmem>>
          tpu.enqueue_dma source(%dma_start3A_134 : memref<72x64xf32, #tpu.memory_space<vmem>>) target(%dma_start3A_130 : memref<72x64xf32, #tpu.memory_space<vmem_shared>>) target_semaphore(%run_scoped3A_120 : memref<!tpu.dma_semaphore, #tpu.memory_space<semaphore_mem>>)
          %dma_wait3A_135 = arith.constant 0 : i32
          %dma_wait3A_136 = arith.constant 0 : i32
          %dma_wait3A_137 = tpu.memref_slice %arg13[%run_scoped3A, %dma_wait3A_135, %dma_wait3A_136] : memref<3x112x64xf32, #tpu.memory_space<vmem>> -> memref<1x72x64xf32, #tpu.memory_space<vmem>>
          %dma_wait3A_138 = tpu.memref_squeeze %dma_wait3A_137 : memref<1x72x64xf32, #tpu.memory_space<vmem>> -> memref<72x64xf32, #tpu.memory_space<vmem>>
          %dma_wait3A_139 = arith.constant 19936 : i32
          %dma_wait3A_140 = arith.constant 0 : i32
          %dma_wait3A_141 = tpu.memref_slice %arg7[%dma_wait3A_139, %dma_wait3A_140] : memref<20008x64xf32, #tpu.memory_space<vmem_shared>> -> memref<72x64xf32, #tpu.memory_space<vmem_shared>>
          %dma_wait3A_142 = arith.constant 19936 : i32
          %dma_wait3A_143 = arith.constant 0 : i32
          %dma_wait3A_144 = tpu.memref_slice %arg7[%dma_wait3A_142, %dma_wait3A_143] : memref<20008x64xf32, #tpu.memory_space<vmem_shared>> -> memref<72x64xf32, #tpu.memory_space<vmem_shared>>
          %dma_wait3A_145 = arith.constant 0 : i32
          %dma_wait3A_146 = arith.constant 0 : i32
          %dma_wait3A_147 = tpu.memref_slice %arg13[%run_scoped3A, %dma_wait3A_145, %dma_wait3A_146] : memref<3x112x64xf32, #tpu.memory_space<vmem>> -> memref<1x72x64xf32, #tpu.memory_space<vmem>>
          %dma_wait3A_148 = tpu.memref_squeeze %dma_wait3A_147 : memref<1x72x64xf32, #tpu.memory_space<vmem>> -> memref<72x64xf32, #tpu.memory_space<vmem>>
          tpu.wait_dma2 semaphore(%run_scoped3A_120 : memref<!tpu.dma_semaphore, #tpu.memory_space<semaphore_mem>>) src(%dma_wait3A_148 : memref<72x64xf32, #tpu.memory_space<vmem>>) dst(%dma_wait3A_144 : memref<72x64xf32, #tpu.memory_space<vmem_shared>>)
          tpu.yield
        }) : () -> ()
        "tpu.region"() ({
          %run_scoped3A_120 = tpu.sem_alloc : memref<!tpu.dma_semaphore, #tpu.memory_space<semaphore_mem>>
          %dma_start3A_121 = arith.constant 0 : i32
          %dma_start3A_122 = arith.constant 0 : i32
          %dma_start3A_123 = tpu.memref_slice %arg10[%dma_start3A_121, %dma_start3A_122] : memref<112x16xf32, #tpu.memory_space<vmem>> -> memref<72x16xf32, #tpu.memory_space<vmem>>
          %dma_start3A_124 = arith.constant 19936 : i32
          %dma_start3A_125 = arith.constant 0 : i32
          %dma_start3A_126 = tpu.memref_slice %arg8[%dma_start3A_124, %dma_start3A_125] : memref<20008x16xf32, #tpu.memory_space<vmem_shared>> -> memref<72x16xf32, #tpu.memory_space<vmem_shared>>
          %dma_start3A_127 = arith.constant 19936 : i32
          %dma_start3A_128 = arith.constant 0 : i32
          %dma_start3A_129 = tpu.memref_slice %arg8[%dma_start3A_127, %dma_start3A_128] : memref<20008x16xf32, #tpu.memory_space<vmem_shared>> -> memref<72x16xf32, #tpu.memory_space<vmem_shared>>
          %dma_start3A_130 = arith.constant 0 : i32
          %dma_start3A_131 = arith.constant 0 : i32
          %dma_start3A_132 = tpu.memref_slice %arg10[%dma_start3A_130, %dma_start3A_131] : memref<112x16xf32, #tpu.memory_space<vmem>> -> memref<72x16xf32, #tpu.memory_space<vmem>>
          tpu.enqueue_dma source(%dma_start3A_132 : memref<72x16xf32, #tpu.memory_space<vmem>>) target(%dma_start3A_129 : memref<72x16xf32, #tpu.memory_space<vmem_shared>>) target_semaphore(%run_scoped3A_120 : memref<!tpu.dma_semaphore, #tpu.memory_space<semaphore_mem>>)
          %dma_wait3A_133 = arith.constant 0 : i32
          %dma_wait3A_134 = arith.constant 0 : i32
          %dma_wait3A_135 = tpu.memref_slice %arg10[%dma_wait3A_133, %dma_wait3A_134] : memref<112x16xf32, #tpu.memory_space<vmem>> -> memref<72x16xf32, #tpu.memory_space<vmem>>
          %dma_wait3A_136 = arith.constant 19936 : i32
          %dma_wait3A_137 = arith.constant 0 : i32
          %dma_wait3A_138 = tpu.memref_slice %arg8[%dma_wait3A_136, %dma_wait3A_137] : memref<20008x16xf32, #tpu.memory_space<vmem_shared>> -> memref<72x16xf32, #tpu.memory_space<vmem_shared>>
          %dma_wait3A_139 = arith.constant 19936 : i32
          %dma_wait3A_140 = arith.constant 0 : i32
          %dma_wait3A_141 = tpu.memref_slice %arg8[%dma_wait3A_139, %dma_wait3A_140] : memref<20008x16xf32, #tpu.memory_space<vmem_shared>> -> memref<72x16xf32, #tpu.memory_space<vmem_shared>>
          %dma_wait3A_142 = arith.constant 0 : i32
          %dma_wait3A_143 = arith.constant 0 : i32
          %dma_wait3A_144 = tpu.memref_slice %arg10[%dma_wait3A_142, %dma_wait3A_143] : memref<112x16xf32, #tpu.memory_space<vmem>> -> memref<72x16xf32, #tpu.memory_space<vmem>>
          tpu.wait_dma2 semaphore(%run_scoped3A_120 : memref<!tpu.dma_semaphore, #tpu.memory_space<semaphore_mem>>) src(%dma_wait3A_144 : memref<72x16xf32, #tpu.memory_space<vmem>>) dst(%dma_wait3A_141 : memref<72x16xf32, #tpu.memory_space<vmem_shared>>)
          tpu.yield
        }) : () -> ()
      } else {
      }
    }
    %scan3A_22 = arith.constant 13 : i32
    %barrier3A = arith.constant 0 : index
    tpu.barrier barrier_id(%barrier3A)
    %dma_start3A = arith.constant 0 : i32
    %dma_start3A_23 = arith.constant 0 : i32
    %dma_start3A_24 = arith.constant 0 : i32
    %dma_start3A_25 = arith.constant 0 : i32
    %dma_start3A_26 = tpu.memref_slice %arg13[%dma_start3A, %dma_start3A_24, %dma_start3A_25] : memref<3x112x64xf32, #tpu.memory_space<vmem>> -> memref<1x112x64xf32, #tpu.memory_space<vmem>>
    %dma_start3A_27 = tpu.memref_squeeze %dma_start3A_26 : memref<1x112x64xf32, #tpu.memory_space<vmem>> -> memref<112x64xf32, #tpu.memory_space<vmem>>
    %dma_start3A_28 = arith.constant 0 : i32
    %dma_start3A_29 = tpu.memref_slice %arg12[%dma_start3A_23, %dma_start3A_28] : memref<12x112xi32, #tpu.memory_space<vmem>> -> memref<1x112xi32, #tpu.memory_space<vmem>>
    %dma_start3A_30 = tpu.memref_squeeze %dma_start3A_29 : memref<1x112xi32, #tpu.memory_space<vmem>> -> memref<112xi32, #tpu.memory_space<vmem>>
    %dma_start3A_31 = arith.constant 0 : i32
    %dma_start3A_32 = arith.constant 0 : i32
    %dma_start3A_33 = tpu.memref_slice %arg7[%dma_start3A_31, %dma_start3A_32] : memref<20008x64xf32, #tpu.memory_space<vmem_shared>> -> memref<20008x64xf32, #tpu.memory_space<vmem_shared>>
    tpu.enqueue_indirect_dma source(%dma_start3A_27 : memref<112x64xf32, #tpu.memory_space<vmem>>) target(%dma_start3A_33 : memref<20008x64xf32, #tpu.memory_space<vmem_shared>>) offsets(%dma_start3A_30 : memref<112xi32, #tpu.memory_space<vmem>>) semaphore(%arg17 : memref<!tpu.dma_semaphore, #tpu.memory_space<semaphore_mem>>) {add = true}
    %dma_start3A_34 = arith.constant 1 : i32
    %dma_start3A_35 = arith.constant 0 : i32
    %dma_start3A_36 = arith.constant 0 : i32
    %dma_start3A_37 = arith.constant 0 : i32
    %dma_start3A_38 = tpu.memref_slice %arg13[%dma_start3A_34, %dma_start3A_36, %dma_start3A_37] : memref<3x112x64xf32, #tpu.memory_space<vmem>> -> memref<1x112x64xf32, #tpu.memory_space<vmem>>
    %dma_start3A_39 = tpu.memref_squeeze %dma_start3A_38 : memref<1x112x64xf32, #tpu.memory_space<vmem>> -> memref<112x64xf32, #tpu.memory_space<vmem>>
    %dma_start3A_40 = arith.constant 0 : i32
    %dma_start3A_41 = tpu.memref_slice %arg12[%dma_start3A_35, %dma_start3A_40] : memref<12x112xi32, #tpu.memory_space<vmem>> -> memref<1x112xi32, #tpu.memory_space<vmem>>
    %dma_start3A_42 = tpu.memref_squeeze %dma_start3A_41 : memref<1x112xi32, #tpu.memory_space<vmem>> -> memref<112xi32, #tpu.memory_space<vmem>>
    %dma_start3A_43 = arith.constant 0 : i32
    %dma_start3A_44 = arith.constant 0 : i32
    %dma_start3A_45 = tpu.memref_slice %arg7[%dma_start3A_43, %dma_start3A_44] : memref<20008x64xf32, #tpu.memory_space<vmem_shared>> -> memref<20008x64xf32, #tpu.memory_space<vmem_shared>>
    tpu.enqueue_indirect_dma source(%dma_start3A_39 : memref<112x64xf32, #tpu.memory_space<vmem>>) target(%dma_start3A_45 : memref<20008x64xf32, #tpu.memory_space<vmem_shared>>) offsets(%dma_start3A_42 : memref<112xi32, #tpu.memory_space<vmem>>) semaphore(%arg18 : memref<!tpu.dma_semaphore, #tpu.memory_space<semaphore_mem>>) {add = true}
    %dma_start3A_46 = arith.constant 2 : i32
    %dma_start3A_47 = arith.constant 0 : i32
    %dma_start3A_48 = arith.constant 0 : i32
    %dma_start3A_49 = arith.constant 0 : i32
    %dma_start3A_50 = tpu.memref_slice %arg13[%dma_start3A_46, %dma_start3A_48, %dma_start3A_49] : memref<3x112x64xf32, #tpu.memory_space<vmem>> -> memref<1x112x64xf32, #tpu.memory_space<vmem>>
    %dma_start3A_51 = tpu.memref_squeeze %dma_start3A_50 : memref<1x112x64xf32, #tpu.memory_space<vmem>> -> memref<112x64xf32, #tpu.memory_space<vmem>>
    %dma_start3A_52 = arith.constant 0 : i32
    %dma_start3A_53 = tpu.memref_slice %arg12[%dma_start3A_47, %dma_start3A_52] : memref<12x112xi32, #tpu.memory_space<vmem>> -> memref<1x112xi32, #tpu.memory_space<vmem>>
    %dma_start3A_54 = tpu.memref_squeeze %dma_start3A_53 : memref<1x112xi32, #tpu.memory_space<vmem>> -> memref<112xi32, #tpu.memory_space<vmem>>
    %dma_start3A_55 = arith.constant 0 : i32
    %dma_start3A_56 = arith.constant 0 : i32
    %dma_start3A_57 = tpu.memref_slice %arg7[%dma_start3A_55, %dma_start3A_56] : memref<20008x64xf32, #tpu.memory_space<vmem_shared>> -> memref<20008x64xf32, #tpu.memory_space<vmem_shared>>
    tpu.enqueue_indirect_dma source(%dma_start3A_51 : memref<112x64xf32, #tpu.memory_space<vmem>>) target(%dma_start3A_57 : memref<20008x64xf32, #tpu.memory_space<vmem_shared>>) offsets(%dma_start3A_54 : memref<112xi32, #tpu.memory_space<vmem>>) semaphore(%arg19 : memref<!tpu.dma_semaphore, #tpu.memory_space<semaphore_mem>>) {add = true}
    %scan3A_58 = arith.constant 0 : i32
    %scan3A_59 = arith.constant 0 : i32
    %scan3A_60 = arith.constant 15 : i32
    %scan3A_61 = arith.addi %scan3A_59, %scan3A_60 : i32
    %scan3A_62 = arith.constant 1 : i32
    scf.for %scan3A_112 = %scan3A_59 to %scan3A_61 step %scan3A_62  : i32 {
      %mul3A = arith.constant 180 : i32
      %mul3A_113 = arith.muli %arg1, %mul3A : i32
      %mul3A_114 = arith.constant 12 : i32
      %mul3A_115 = arith.muli %scan3A_112, %mul3A_114 : i32
      %add3A = arith.addi %mul3A_113, %mul3A_115 : i32
      "tpu.region"() ({
        %run_scoped3A = tpu.sem_alloc : memref<!tpu.dma_semaphore, #tpu.memory_space<semaphore_mem>>
        %dma_start3A_776 = arith.constant 0 : i32
        %dma_start3A_777 = tpu.memref_slice %arg3[%arg0, %add3A, %dma_start3A_776] : memref<2x2880x112xi32, #tpu.memory_space<hbm>> -> memref<1x12x112xi32, #tpu.memory_space<hbm>>
        %dma_start3A_778 = tpu.memref_squeeze %dma_start3A_777 : memref<1x12x112xi32, #tpu.memory_space<hbm>> -> memref<12x112xi32, #tpu.memory_space<hbm>>
        %dma_start3A_779 = arith.constant 0 : i32
        %dma_start3A_780 = tpu.memref_slice %arg3[%arg0, %add3A, %dma_start3A_779] : memref<2x2880x112xi32, #tpu.memory_space<hbm>> -> memref<1x12x112xi32, #tpu.memory_space<hbm>>
        %dma_start3A_781 = tpu.memref_squeeze %dma_start3A_780 : memref<1x12x112xi32, #tpu.memory_space<hbm>> -> memref<12x112xi32, #tpu.memory_space<hbm>>
        tpu.enqueue_dma source(%dma_start3A_781 : memref<12x112xi32, #tpu.memory_space<hbm>>) target(%arg11 : memref<12x112xi32, #tpu.memory_space<vmem>>) target_semaphore(%run_scoped3A : memref<!tpu.dma_semaphore, #tpu.memory_space<semaphore_mem>>)
        %dma_wait3A_782 = arith.constant 0 : i32
        %dma_wait3A_783 = tpu.memref_slice %arg3[%arg0, %add3A, %dma_wait3A_782] : memref<2x2880x112xi32, #tpu.memory_space<hbm>> -> memref<1x12x112xi32, #tpu.memory_space<hbm>>
        %dma_wait3A_784 = tpu.memref_squeeze %dma_wait3A_783 : memref<1x12x112xi32, #tpu.memory_space<hbm>> -> memref<12x112xi32, #tpu.memory_space<hbm>>
        %dma_wait3A_785 = arith.constant 0 : i32
        %dma_wait3A_786 = tpu.memref_slice %arg3[%arg0, %add3A, %dma_wait3A_785] : memref<2x2880x112xi32, #tpu.memory_space<hbm>> -> memref<1x12x112xi32, #tpu.memory_space<hbm>>
        %dma_wait3A_787 = tpu.memref_squeeze %dma_wait3A_786 : memref<1x12x112xi32, #tpu.memory_space<hbm>> -> memref<12x112xi32, #tpu.memory_space<hbm>>
        tpu.wait_dma2 semaphore(%run_scoped3A : memref<!tpu.dma_semaphore, #tpu.memory_space<semaphore_mem>>) src(%dma_wait3A_787 : memref<12x112xi32, #tpu.memory_space<hbm>>) dst(%arg11 : memref<12x112xi32, #tpu.memory_space<vmem>>)
        tpu.yield
      }) : () -> ()
      "tpu.region"() ({
        %run_scoped3A = tpu.sem_alloc : memref<!tpu.dma_semaphore, #tpu.memory_space<semaphore_mem>>
        %dma_start3A_776 = arith.constant 0 : i32
        %dma_start3A_777 = tpu.memref_slice %arg4[%add3A, %dma_start3A_776] : memref<2880x112xi32, #tpu.memory_space<hbm>> -> memref<12x112xi32, #tpu.memory_space<hbm>>
        %dma_start3A_778 = arith.constant 0 : i32
        %dma_start3A_779 = tpu.memref_slice %arg4[%add3A, %dma_start3A_778] : memref<2880x112xi32, #tpu.memory_space<hbm>> -> memref<12x112xi32, #tpu.memory_space<hbm>>
        tpu.enqueue_dma source(%dma_start3A_779 : memref<12x112xi32, #tpu.memory_space<hbm>>) target(%arg12 : memref<12x112xi32, #tpu.memory_space<vmem>>) target_semaphore(%run_scoped3A : memref<!tpu.dma_semaphore, #tpu.memory_space<semaphore_mem>>)
        %dma_wait3A_780 = arith.constant 0 : i32
        %dma_wait3A_781 = tpu.memref_slice %arg4[%add3A, %dma_wait3A_780] : memref<2880x112xi32, #tpu.memory_space<hbm>> -> memref<12x112xi32, #tpu.memory_space<hbm>>
        %dma_wait3A_782 = arith.constant 0 : i32
        %dma_wait3A_783 = tpu.memref_slice %arg4[%add3A, %dma_wait3A_782] : memref<2880x112xi32, #tpu.memory_space<hbm>> -> memref<12x112xi32, #tpu.memory_space<hbm>>
        tpu.wait_dma2 semaphore(%run_scoped3A : memref<!tpu.dma_semaphore, #tpu.memory_space<semaphore_mem>>) src(%dma_wait3A_783 : memref<12x112xi32, #tpu.memory_space<hbm>>) dst(%arg12 : memref<12x112xi32, #tpu.memory_space<vmem>>)
        tpu.yield
      }) : () -> ()
      %dma_wait3A_116 = arith.constant 0 : i32
      %dma_wait3A_117 = arith.constant 0 : i32
      %dma_wait3A_118 = arith.constant 0 : i32
      %dma_wait3A_119 = arith.constant 0 : i32
      %dma_wait3A_120 = tpu.memref_slice %arg13[%dma_wait3A_116, %dma_wait3A_118, %dma_wait3A_119] : memref<3x112x64xf32, #tpu.memory_space<vmem>> -> memref<1x112x64xf32, #tpu.memory_space<vmem>>
      %dma_wait3A_121 = tpu.memref_squeeze %dma_wait3A_120 : memref<1x112x64xf32, #tpu.memory_space<vmem>> -> memref<112x64xf32, #tpu.memory_space<vmem>>
      %dma_wait3A_122 = arith.constant 0 : i32
      %dma_wait3A_123 = tpu.memref_slice %arg12[%dma_wait3A_117, %dma_wait3A_122] : memref<12x112xi32, #tpu.memory_space<vmem>> -> memref<1x112xi32, #tpu.memory_space<vmem>>
      %dma_wait3A_124 = tpu.memref_squeeze %dma_wait3A_123 : memref<1x112xi32, #tpu.memory_space<vmem>> -> memref<112xi32, #tpu.memory_space<vmem>>
      %dma_wait3A_125 = arith.constant 0 : i32
      %dma_wait3A_126 = arith.constant 0 : i32
      %dma_wait3A_127 = tpu.memref_slice %arg7[%dma_wait3A_125, %dma_wait3A_126] : memref<20008x64xf32, #tpu.memory_space<vmem_shared>> -> memref<20008x64xf32, #tpu.memory_space<vmem_shared>>
      tpu.wait_indirect_dma semaphore(%arg17 : memref<!tpu.dma_semaphore, #tpu.memory_space<semaphore_mem>>) src(%dma_wait3A_121 : memref<112x64xf32, #tpu.memory_space<vmem>>) dst(%dma_wait3A_127 : memref<20008x64xf32, #tpu.memory_space<vmem_shared>>)
      %dma_start3A_128 = arith.constant 0 : i32
      %dma_start3A_129 = arith.constant 0 : i32
      %dma_start3A_130 = arith.constant 0 : i32
      %dma_start3A_131 = arith.constant 0 : i32
      %dma_start3A_132 = tpu.memref_slice %arg13[%dma_start3A_129, %dma_start3A_130, %dma_start3A_131] : memref<3x112x64xf32, #tpu.memory_space<vmem>> -> memref<1x112x64xf32, #tpu.memory_space<vmem>>
      %dma_start3A_133 = tpu.memref_squeeze %dma_start3A_132 : memref<1x112x64xf32, #tpu.memory_space<vmem>> -> memref<112x64xf32, #tpu.memory_space<vmem>>
      %dma_start3A_134 = arith.constant 0 : i32
      %dma_start3A_135 = tpu.memref_slice %arg11[%dma_start3A_128, %dma_start3A_134] : memref<12x112xi32, #tpu.memory_space<vmem>> -> memref<1x112xi32, #tpu.memory_space<vmem>>
      %dma_start3A_136 = tpu.memref_squeeze %dma_start3A_135 : memref<1x112xi32, #tpu.memory_space<vmem>> -> memref<112xi32, #tpu.memory_space<vmem>>
      %dma_start3A_137 = arith.constant 0 : i32
      %dma_start3A_138 = arith.constant 0 : i32
      %dma_start3A_139 = tpu.memref_slice %arg2[%dma_start3A_137, %dma_start3A_138] : memref<40000x64xf32, #tpu.memory_space<hbm>> -> memref<40000x64xf32, #tpu.memory_space<hbm>>
      tpu.enqueue_indirect_dma source(%dma_start3A_139 : memref<40000x64xf32, #tpu.memory_space<hbm>>) target(%dma_start3A_133 : memref<112x64xf32, #tpu.memory_space<vmem>>) offsets(%dma_start3A_136 : memref<112xi32, #tpu.memory_space<vmem>>) semaphore(%arg14 : memref<!tpu.dma_semaphore, #tpu.memory_space<semaphore_mem>>)
      %dma_wait3A_140 = arith.constant 1 : i32
      %dma_wait3A_141 = arith.constant 0 : i32
      %dma_wait3A_142 = arith.constant 0 : i32
      %dma_wait3A_143 = arith.constant 0 : i32
      %dma_wait3A_144 = tpu.memref_slice %arg13[%dma_wait3A_140, %dma_wait3A_142, %dma_wait3A_143] : memref<3x112x64xf32, #tpu.memory_space<vmem>> -> memref<1x112x64xf32, #tpu.memory_space<vmem>>
      %dma_wait3A_145 = tpu.memref_squeeze %dma_wait3A_144 : memref<1x112x64xf32, #tpu.memory_space<vmem>> -> memref<112x64xf32, #tpu.memory_space<vmem>>
      %dma_wait3A_146 = arith.constant 0 : i32
      %dma_wait3A_147 = tpu.memref_slice %arg12[%dma_wait3A_141, %dma_wait3A_146] : memref<12x112xi32, #tpu.memory_space<vmem>> -> memref<1x112xi32, #tpu.memory_space<vmem>>
      %dma_wait3A_148 = tpu.memref_squeeze %dma_wait3A_147 : memref<1x112xi32, #tpu.memory_space<vmem>> -> memref<112xi32, #tpu.memory_space<vmem>>
      %dma_wait3A_149 = arith.constant 0 : i32
      %dma_wait3A_150 = arith.constant 0 : i32
      %dma_wait3A_151 = tpu.memref_slice %arg7[%dma_wait3A_149, %dma_wait3A_150] : memref<20008x64xf32, #tpu.memory_space<vmem_shared>> -> memref<20008x64xf32, #tpu.memory_space<vmem_shared>>
      tpu.wait_indirect_dma semaphore(%arg18 : memref<!tpu.dma_semaphore, #tpu.memory_space<semaphore_mem>>) src(%dma_wait3A_145 : memref<112x64xf32, #tpu.memory_space<vmem>>) dst(%dma_wait3A_151 : memref<20008x64xf32, #tpu.memory_space<vmem_shared>>)
      %dma_start3A_152 = arith.constant 1 : i32
      %dma_start3A_153 = arith.constant 1 : i32
      %dma_start3A_154 = arith.constant 0 : i32
      %dma_start3A_155 = arith.constant 0 : i32
      %dma_start3A_156 = tpu.memref_slice %arg13[%dma_start3A_153, %dma_start3A_154, %dma_start3A_155] : memref<3x112x64xf32, #tpu.memory_space<vmem>> -> memref<1x112x64xf32, #tpu.memory_space<vmem>>
      %dma_start3A_157 = tpu.memref_squeeze %dma_start3A_156 : memref<1x112x64xf32, #tpu.memory_space<vmem>> -> memref<112x64xf32, #tpu.memory_space<vmem>>
      %dma_start3A_158 = arith.constant 0 : i32
      %dma_start3A_159 = tpu.memref_slice %arg11[%dma_start3A_152, %dma_start3A_158] : memref<12x112xi32, #tpu.memory_space<vmem>> -> memref<1x112xi32, #tpu.memory_space<vmem>>
      %dma_start3A_160 = tpu.memref_squeeze %dma_start3A_159 : memref<1x112xi32, #tpu.memory_space<vmem>> -> memref<112xi32, #tpu.memory_space<vmem>>
      %dma_start3A_161 = arith.constant 0 : i32
      %dma_start3A_162 = arith.constant 0 : i32
      %dma_start3A_163 = tpu.memref_slice %arg2[%dma_start3A_161, %dma_start3A_162] : memref<40000x64xf32, #tpu.memory_space<hbm>> -> memref<40000x64xf32, #tpu.memory_space<hbm>>
      tpu.enqueue_indirect_dma source(%dma_start3A_163 : memref<40000x64xf32, #tpu.memory_space<hbm>>) target(%dma_start3A_157 : memref<112x64xf32, #tpu.memory_space<vmem>>) offsets(%dma_start3A_160 : memref<112xi32, #tpu.memory_space<vmem>>) semaphore(%arg15 : memref<!tpu.dma_semaphore, #tpu.memory_space<semaphore_mem>>)
      %dma_wait3A_164 = arith.constant 2 : i32
      %dma_wait3A_165 = arith.constant 0 : i32
      %dma_wait3A_166 = arith.constant 0 : i32
      %dma_wait3A_167 = arith.constant 0 : i32
      %dma_wait3A_168 = tpu.memref_slice %arg13[%dma_wait3A_164, %dma_wait3A_166, %dma_wait3A_167] : memref<3x112x64xf32, #tpu.memory_space<vmem>> -> memref<1x112x64xf32, #tpu.memory_space<vmem>>
      %dma_wait3A_169 = tpu.memref_squeeze %dma_wait3A_168 : memref<1x112x64xf32, #tpu.memory_space<vmem>> -> memref<112x64xf32, #tpu.memory_space<vmem>>
      %dma_wait3A_170 = arith.constant 0 : i32
      %dma_wait3A_171 = tpu.memref_slice %arg12[%dma_wait3A_165, %dma_wait3A_170] : memref<12x112xi32, #tpu.memory_space<vmem>> -> memref<1x112xi32, #tpu.memory_space<vmem>>
      %dma_wait3A_172 = tpu.memref_squeeze %dma_wait3A_171 : memref<1x112xi32, #tpu.memory_space<vmem>> -> memref<112xi32, #tpu.memory_space<vmem>>
      %dma_wait3A_173 = arith.constant 0 : i32
      %dma_wait3A_174 = arith.constant 0 : i32
      %dma_wait3A_175 = tpu.memref_slice %arg7[%dma_wait3A_173, %dma_wait3A_174] : memref<20008x64xf32, #tpu.memory_space<vmem_shared>> -> memref<20008x64xf32, #tpu.memory_space<vmem_shared>>
      tpu.wait_indirect_dma semaphore(%arg19 : memref<!tpu.dma_semaphore, #tpu.memory_space<semaphore_mem>>) src(%dma_wait3A_169 : memref<112x64xf32, #tpu.memory_space<vmem>>) dst(%dma_wait3A_175 : memref<20008x64xf32, #tpu.memory_space<vmem_shared>>)
      %dma_start3A_176 = arith.constant 2 : i32
      %dma_start3A_177 = arith.constant 2 : i32
      %dma_start3A_178 = arith.constant 0 : i32
      %dma_start3A_179 = arith.constant 0 : i32
      %dma_start3A_180 = tpu.memref_slice %arg13[%dma_start3A_177, %dma_start3A_178, %dma_start3A_179] : memref<3x112x64xf32, #tpu.memory_space<vmem>> -> memref<1x112x64xf32, #tpu.memory_space<vmem>>
      %dma_start3A_181 = tpu.memref_squeeze %dma_start3A_180 : memref<1x112x64xf32, #tpu.memory_space<vmem>> -> memref<112x64xf32, #tpu.memory_space<vmem>>
      %dma_start3A_182 = arith.constant 0 : i32
      %dma_start3A_183 = tpu.memref_slice %arg11[%dma_start3A_176, %dma_start3A_182] : memref<12x112xi32, #tpu.memory_space<vmem>> -> memref<1x112xi32, #tpu.memory_space<vmem>>
      %dma_start3A_184 = tpu.memref_squeeze %dma_start3A_183 : memref<1x112xi32, #tpu.memory_space<vmem>> -> memref<112xi32, #tpu.memory_space<vmem>>
      %dma_start3A_185 = arith.constant 0 : i32
      %dma_start3A_186 = arith.constant 0 : i32
      %dma_start3A_187 = tpu.memref_slice %arg2[%dma_start3A_185, %dma_start3A_186] : memref<40000x64xf32, #tpu.memory_space<hbm>> -> memref<40000x64xf32, #tpu.memory_space<hbm>>
      tpu.enqueue_indirect_dma source(%dma_start3A_187 : memref<40000x64xf32, #tpu.memory_space<hbm>>) target(%dma_start3A_181 : memref<112x64xf32, #tpu.memory_space<vmem>>) offsets(%dma_start3A_184 : memref<112xi32, #tpu.memory_space<vmem>>) semaphore(%arg16 : memref<!tpu.dma_semaphore, #tpu.memory_space<semaphore_mem>>)
      %dma_wait3A_188 = arith.constant 0 : i32
      %dma_wait3A_189 = arith.constant 0 : i32
      %dma_wait3A_190 = arith.constant 0 : i32
      %dma_wait3A_191 = arith.constant 0 : i32
      %dma_wait3A_192 = tpu.memref_slice %arg13[%dma_wait3A_189, %dma_wait3A_190, %dma_wait3A_191] : memref<3x112x64xf32, #tpu.memory_space<vmem>> -> memref<1x112x64xf32, #tpu.memory_space<vmem>>
      %dma_wait3A_193 = tpu.memref_squeeze %dma_wait3A_192 : memref<1x112x64xf32, #tpu.memory_space<vmem>> -> memref<112x64xf32, #tpu.memory_space<vmem>>
      %dma_wait3A_194 = arith.constant 0 : i32
      %dma_wait3A_195 = tpu.memref_slice %arg11[%dma_wait3A_188, %dma_wait3A_194] : memref<12x112xi32, #tpu.memory_space<vmem>> -> memref<1x112xi32, #tpu.memory_space<vmem>>
      %dma_wait3A_196 = tpu.memref_squeeze %dma_wait3A_195 : memref<1x112xi32, #tpu.memory_space<vmem>> -> memref<112xi32, #tpu.memory_space<vmem>>
      %dma_wait3A_197 = arith.constant 0 : i32
      %dma_wait3A_198 = arith.constant 0 : i32
      %dma_wait3A_199 = tpu.memref_slice %arg2[%dma_wait3A_197, %dma_wait3A_198] : memref<40000x64xf32, #tpu.memory_space<hbm>> -> memref<40000x64xf32, #tpu.memory_space<hbm>>
      tpu.wait_indirect_dma semaphore(%arg14 : memref<!tpu.dma_semaphore, #tpu.memory_space<semaphore_mem>>) src(%dma_wait3A_199 : memref<40000x64xf32, #tpu.memory_space<hbm>>) dst(%dma_wait3A_193 : memref<112x64xf32, #tpu.memory_space<vmem>>)
      %dma_start3A_200 = arith.constant 0 : i32
      %dma_start3A_201 = arith.constant 0 : i32
      %dma_start3A_202 = arith.constant 0 : i32
      %dma_start3A_203 = arith.constant 0 : i32
      %dma_start3A_204 = tpu.memref_slice %arg13[%dma_start3A_200, %dma_start3A_202, %dma_start3A_203] : memref<3x112x64xf32, #tpu.memory_space<vmem>> -> memref<1x112x64xf32, #tpu.memory_space<vmem>>
      %dma_start3A_205 = tpu.memref_squeeze %dma_start3A_204 : memref<1x112x64xf32, #tpu.memory_space<vmem>> -> memref<112x64xf32, #tpu.memory_space<vmem>>
      %dma_start3A_206 = arith.constant 0 : i32
      %dma_start3A_207 = tpu.memref_slice %arg12[%dma_start3A_201, %dma_start3A_206] : memref<12x112xi32, #tpu.memory_space<vmem>> -> memref<1x112xi32, #tpu.memory_space<vmem>>
      %dma_start3A_208 = tpu.memref_squeeze %dma_start3A_207 : memref<1x112xi32, #tpu.memory_space<vmem>> -> memref<112xi32, #tpu.memory_space<vmem>>
      %dma_start3A_209 = arith.constant 0 : i32
      %dma_start3A_210 = arith.constant 0 : i32
      %dma_start3A_211 = tpu.memref_slice %arg7[%dma_start3A_209, %dma_start3A_210] : memref<20008x64xf32, #tpu.memory_space<vmem_shared>> -> memref<20008x64xf32, #tpu.memory_space<vmem_shared>>
      tpu.enqueue_indirect_dma source(%dma_start3A_205 : memref<112x64xf32, #tpu.memory_space<vmem>>) target(%dma_start3A_211 : memref<20008x64xf32, #tpu.memory_space<vmem_shared>>) offsets(%dma_start3A_208 : memref<112xi32, #tpu.memory_space<vmem>>) semaphore(%arg17 : memref<!tpu.dma_semaphore, #tpu.memory_space<semaphore_mem>>) {add = true}
      %dma_start3A_212 = arith.constant 0 : i32
      %dma_start3A_213 = arith.constant 0 : i32
      %dma_start3A_214 = tpu.memref_slice %arg12[%dma_start3A_212, %dma_start3A_213] : memref<12x112xi32, #tpu.memory_space<vmem>> -> memref<1x112xi32, #tpu.memory_space<vmem>>
      %dma_start3A_215 = tpu.memref_squeeze %dma_start3A_214 : memref<1x112xi32, #tpu.memory_space<vmem>> -> memref<112xi32, #tpu.memory_space<vmem>>
      %dma_start3A_216 = arith.constant 0 : i32
      %dma_start3A_217 = arith.constant 0 : i32
      %dma_start3A_218 = tpu.memref_slice %arg8[%dma_start3A_216, %dma_start3A_217] : memref<20008x16xf32, #tpu.memory_space<vmem_shared>> -> memref<20008x16xf32, #tpu.memory_space<vmem_shared>>
      tpu.enqueue_indirect_dma source(%arg9 : memref<112x16xf32, #tpu.memory_space<vmem>>) target(%dma_start3A_218 : memref<20008x16xf32, #tpu.memory_space<vmem_shared>>) offsets(%dma_start3A_215 : memref<112xi32, #tpu.memory_space<vmem>>) semaphore(%arg20 : memref<!tpu.dma_semaphore, #tpu.memory_space<semaphore_mem>>) {add = true}
      %dma_wait3A_219 = arith.constant 0 : i32
      %dma_wait3A_220 = arith.constant 0 : i32
      %dma_wait3A_221 = arith.constant 0 : i32
      %dma_wait3A_222 = arith.constant 0 : i32
      %dma_wait3A_223 = tpu.memref_slice %arg13[%dma_wait3A_219, %dma_wait3A_221, %dma_wait3A_222] : memref<3x112x64xf32, #tpu.memory_space<vmem>> -> memref<1x112x64xf32, #tpu.memory_space<vmem>>
      %dma_wait3A_224 = tpu.memref_squeeze %dma_wait3A_223 : memref<1x112x64xf32, #tpu.memory_space<vmem>> -> memref<112x64xf32, #tpu.memory_space<vmem>>
      %dma_wait3A_225 = arith.constant 0 : i32
      %dma_wait3A_226 = tpu.memref_slice %arg12[%dma_wait3A_220, %dma_wait3A_225] : memref<12x112xi32, #tpu.memory_space<vmem>> -> memref<1x112xi32, #tpu.memory_space<vmem>>
      %dma_wait3A_227 = tpu.memref_squeeze %dma_wait3A_226 : memref<1x112xi32, #tpu.memory_space<vmem>> -> memref<112xi32, #tpu.memory_space<vmem>>
      %dma_wait3A_228 = arith.constant 0 : i32
      %dma_wait3A_229 = arith.constant 0 : i32
      %dma_wait3A_230 = tpu.memref_slice %arg7[%dma_wait3A_228, %dma_wait3A_229] : memref<20008x64xf32, #tpu.memory_space<vmem_shared>> -> memref<20008x64xf32, #tpu.memory_space<vmem_shared>>
      tpu.wait_indirect_dma semaphore(%arg17 : memref<!tpu.dma_semaphore, #tpu.memory_space<semaphore_mem>>) src(%dma_wait3A_224 : memref<112x64xf32, #tpu.memory_space<vmem>>) dst(%dma_wait3A_230 : memref<20008x64xf32, #tpu.memory_space<vmem_shared>>)
      %dma_start3A_231 = arith.constant 3 : i32
      %dma_start3A_232 = arith.constant 0 : i32
      %dma_start3A_233 = arith.constant 0 : i32
      %dma_start3A_234 = arith.constant 0 : i32
      %dma_start3A_235 = tpu.memref_slice %arg13[%dma_start3A_232, %dma_start3A_233, %dma_start3A_234] : memref<3x112x64xf32, #tpu.memory_space<vmem>> -> memref<1x112x64xf32, #tpu.memory_space<vmem>>
      %dma_start3A_236 = tpu.memref_squeeze %dma_start3A_235 : memref<1x112x64xf32, #tpu.memory_space<vmem>> -> memref<112x64xf32, #tpu.memory_space<vmem>>
      %dma_start3A_237 = arith.constant 0 : i32
      %dma_start3A_238 = tpu.memref_slice %arg11[%dma_start3A_231, %dma_start3A_237] : memref<12x112xi32, #tpu.memory_space<vmem>> -> memref<1x112xi32, #tpu.memory_space<vmem>>
      %dma_start3A_239 = tpu.memref_squeeze %dma_start3A_238 : memref<1x112xi32, #tpu.memory_space<vmem>> -> memref<112xi32, #tpu.memory_space<vmem>>
      %dma_start3A_240 = arith.constant 0 : i32
      %dma_start3A_241 = arith.constant 0 : i32
      %dma_start3A_242 = tpu.memref_slice %arg2[%dma_start3A_240, %dma_start3A_241] : memref<40000x64xf32, #tpu.memory_space<hbm>> -> memref<40000x64xf32, #tpu.memory_space<hbm>>
      tpu.enqueue_indirect_dma source(%dma_start3A_242 : memref<40000x64xf32, #tpu.memory_space<hbm>>) target(%dma_start3A_236 : memref<112x64xf32, #tpu.memory_space<vmem>>) offsets(%dma_start3A_239 : memref<112xi32, #tpu.memory_space<vmem>>) semaphore(%arg14 : memref<!tpu.dma_semaphore, #tpu.memory_space<semaphore_mem>>)
      %dma_wait3A_243 = arith.constant 1 : i32
      %dma_wait3A_244 = arith.constant 1 : i32
      %dma_wait3A_245 = arith.constant 0 : i32
      %dma_wait3A_246 = arith.constant 0 : i32
      %dma_wait3A_247 = tpu.memref_slice %arg13[%dma_wait3A_244, %dma_wait3A_245, %dma_wait3A_246] : memref<3x112x64xf32, #tpu.memory_space<vmem>> -> memref<1x112x64xf32, #tpu.memory_space<vmem>>
      %dma_wait3A_248 = tpu.memref_squeeze %dma_wait3A_247 : memref<1x112x64xf32, #tpu.memory_space<vmem>> -> memref<112x64xf32, #tpu.memory_space<vmem>>
      %dma_wait3A_249 = arith.constant 0 : i32
      %dma_wait3A_250 = tpu.memref_slice %arg11[%dma_wait3A_243, %dma_wait3A_249] : memref<12x112xi32, #tpu.memory_space<vmem>> -> memref<1x112xi32, #tpu.memory_space<vmem>>
      %dma_wait3A_251 = tpu.memref_squeeze %dma_wait3A_250 : memref<1x112xi32, #tpu.memory_space<vmem>> -> memref<112xi32, #tpu.memory_space<vmem>>
      %dma_wait3A_252 = arith.constant 0 : i32
      %dma_wait3A_253 = arith.constant 0 : i32
      %dma_wait3A_254 = tpu.memref_slice %arg2[%dma_wait3A_252, %dma_wait3A_253] : memref<40000x64xf32, #tpu.memory_space<hbm>> -> memref<40000x64xf32, #tpu.memory_space<hbm>>
      tpu.wait_indirect_dma semaphore(%arg15 : memref<!tpu.dma_semaphore, #tpu.memory_space<semaphore_mem>>) src(%dma_wait3A_254 : memref<40000x64xf32, #tpu.memory_space<hbm>>) dst(%dma_wait3A_248 : memref<112x64xf32, #tpu.memory_space<vmem>>)
      %dma_start3A_255 = arith.constant 1 : i32
      %dma_start3A_256 = arith.constant 1 : i32
      %dma_start3A_257 = arith.constant 0 : i32
      %dma_start3A_258 = arith.constant 0 : i32
      %dma_start3A_259 = tpu.memref_slice %arg13[%dma_start3A_255, %dma_start3A_257, %dma_start3A_258] : memref<3x112x64xf32, #tpu.memory_space<vmem>> -> memref<1x112x64xf32, #tpu.memory_space<vmem>>
      %dma_start3A_260 = tpu.memref_squeeze %dma_start3A_259 : memref<1x112x64xf32, #tpu.memory_space<vmem>> -> memref<112x64xf32, #tpu.memory_space<vmem>>
      %dma_start3A_261 = arith.constant 0 : i32
      %dma_start3A_262 = tpu.memref_slice %arg12[%dma_start3A_256, %dma_start3A_261] : memref<12x112xi32, #tpu.memory_space<vmem>> -> memref<1x112xi32, #tpu.memory_space<vmem>>
      %dma_start3A_263 = tpu.memref_squeeze %dma_start3A_262 : memref<1x112xi32, #tpu.memory_space<vmem>> -> memref<112xi32, #tpu.memory_space<vmem>>
      %dma_start3A_264 = arith.constant 0 : i32
      %dma_start3A_265 = arith.constant 0 : i32
      %dma_start3A_266 = tpu.memref_slice %arg7[%dma_start3A_264, %dma_start3A_265] : memref<20008x64xf32, #tpu.memory_space<vmem_shared>> -> memref<20008x64xf32, #tpu.memory_space<vmem_shared>>
      tpu.enqueue_indirect_dma source(%dma_start3A_260 : memref<112x64xf32, #tpu.memory_space<vmem>>) target(%dma_start3A_266 : memref<20008x64xf32, #tpu.memory_space<vmem_shared>>) offsets(%dma_start3A_263 : memref<112xi32, #tpu.memory_space<vmem>>) semaphore(%arg18 : memref<!tpu.dma_semaphore, #tpu.memory_space<semaphore_mem>>) {add = true}
      %dma_start3A_267 = arith.constant 1 : i32
      %dma_start3A_268 = arith.constant 0 : i32
      %dma_start3A_269 = tpu.memref_slice %arg12[%dma_start3A_267, %dma_start3A_268] : memref<12x112xi32, #tpu.memory_space<vmem>> -> memref<1x112xi32, #tpu.memory_space<vmem>>
      %dma_start3A_270 = tpu.memref_squeeze %dma_start3A_269 : memref<1x112xi32, #tpu.memory_space<vmem>> -> memref<112xi32, #tpu.memory_space<vmem>>
      %dma_start3A_271 = arith.constant 0 : i32
      %dma_start3A_272 = arith.constant 0 : i32
      %dma_start3A_273 = tpu.memref_slice %arg8[%dma_start3A_271, %dma_start3A_272] : memref<20008x16xf32, #tpu.memory_space<vmem_shared>> -> memref<20008x16xf32, #tpu.memory_space<vmem_shared>>
      tpu.enqueue_indirect_dma source(%arg9 : memref<112x16xf32, #tpu.memory_space<vmem>>) target(%dma_start3A_273 : memref<20008x16xf32, #tpu.memory_space<vmem_shared>>) offsets(%dma_start3A_270 : memref<112xi32, #tpu.memory_space<vmem>>) semaphore(%arg20 : memref<!tpu.dma_semaphore, #tpu.memory_space<semaphore_mem>>) {add = true}
      %dma_wait3A_274 = arith.constant 1 : i32
      %dma_wait3A_275 = arith.constant 0 : i32
      %dma_wait3A_276 = arith.constant 0 : i32
      %dma_wait3A_277 = arith.constant 0 : i32
      %dma_wait3A_278 = tpu.memref_slice %arg13[%dma_wait3A_274, %dma_wait3A_276, %dma_wait3A_277] : memref<3x112x64xf32, #tpu.memory_space<vmem>> -> memref<1x112x64xf32, #tpu.memory_space<vmem>>
      %dma_wait3A_279 = tpu.memref_squeeze %dma_wait3A_278 : memref<1x112x64xf32, #tpu.memory_space<vmem>> -> memref<112x64xf32, #tpu.memory_space<vmem>>
      %dma_wait3A_280 = arith.constant 0 : i32
      %dma_wait3A_281 = tpu.memref_slice %arg12[%dma_wait3A_275, %dma_wait3A_280] : memref<12x112xi32, #tpu.memory_space<vmem>> -> memref<1x112xi32, #tpu.memory_space<vmem>>
      %dma_wait3A_282 = tpu.memref_squeeze %dma_wait3A_281 : memref<1x112xi32, #tpu.memory_space<vmem>> -> memref<112xi32, #tpu.memory_space<vmem>>
      %dma_wait3A_283 = arith.constant 0 : i32
      %dma_wait3A_284 = arith.constant 0 : i32
      %dma_wait3A_285 = tpu.memref_slice %arg7[%dma_wait3A_283, %dma_wait3A_284] : memref<20008x64xf32, #tpu.memory_space<vmem_shared>> -> memref<20008x64xf32, #tpu.memory_space<vmem_shared>>
      tpu.wait_indirect_dma semaphore(%arg18 : memref<!tpu.dma_semaphore, #tpu.memory_space<semaphore_mem>>) src(%dma_wait3A_279 : memref<112x64xf32, #tpu.memory_space<vmem>>) dst(%dma_wait3A_285 : memref<20008x64xf32, #tpu.memory_space<vmem_shared>>)
      %dma_start3A_286 = arith.constant 4 : i32
      %dma_start3A_287 = arith.constant 1 : i32
      %dma_start3A_288 = arith.constant 0 : i32
      %dma_start3A_289 = arith.constant 0 : i32
      %dma_start3A_290 = tpu.memref_slice %arg13[%dma_start3A_287, %dma_start3A_288, %dma_start3A_289] : memref<3x112x64xf32, #tpu.memory_space<vmem>> -> memref<1x112x64xf32, #tpu.memory_space<vmem>>
      %dma_start3A_291 = tpu.memref_squeeze %dma_start3A_290 : memref<1x112x64xf32, #tpu.memory_space<vmem>> -> memref<112x64xf32, #tpu.memory_space<vmem>>
      %dma_start3A_292 = arith.constant 0 : i32
      %dma_start3A_293 = tpu.memref_slice %arg11[%dma_start3A_286, %dma_start3A_292] : memref<12x112xi32, #tpu.memory_space<vmem>> -> memref<1x112xi32, #tpu.memory_space<vmem>>
      %dma_start3A_294 = tpu.memref_squeeze %dma_start3A_293 : memref<1x112xi32, #tpu.memory_space<vmem>> -> memref<112xi32, #tpu.memory_space<vmem>>
      %dma_start3A_295 = arith.constant 0 : i32
      %dma_start3A_296 = arith.constant 0 : i32
      %dma_start3A_297 = tpu.memref_slice %arg2[%dma_start3A_295, %dma_start3A_296] : memref<40000x64xf32, #tpu.memory_space<hbm>> -> memref<40000x64xf32, #tpu.memory_space<hbm>>
      tpu.enqueue_indirect_dma source(%dma_start3A_297 : memref<40000x64xf32, #tpu.memory_space<hbm>>) target(%dma_start3A_291 : memref<112x64xf32, #tpu.memory_space<vmem>>) offsets(%dma_start3A_294 : memref<112xi32, #tpu.memory_space<vmem>>) semaphore(%arg15 : memref<!tpu.dma_semaphore, #tpu.memory_space<semaphore_mem>>)
      %dma_wait3A_298 = arith.constant 2 : i32
      %dma_wait3A_299 = arith.constant 2 : i32
      %dma_wait3A_300 = arith.constant 0 : i32
      %dma_wait3A_301 = arith.constant 0 : i32
      %dma_wait3A_302 = tpu.memref_slice %arg13[%dma_wait3A_299, %dma_wait3A_300, %dma_wait3A_301] : memref<3x112x64xf32, #tpu.memory_space<vmem>> -> memref<1x112x64xf32, #tpu.memory_space<vmem>>
      %dma_wait3A_303 = tpu.memref_squeeze %dma_wait3A_302 : memref<1x112x64xf32, #tpu.memory_space<vmem>> -> memref<112x64xf32, #tpu.memory_space<vmem>>
      %dma_wait3A_304 = arith.constant 0 : i32
      %dma_wait3A_305 = tpu.memref_slice %arg11[%dma_wait3A_298, %dma_wait3A_304] : memref<12x112xi32, #tpu.memory_space<vmem>> -> memref<1x112xi32, #tpu.memory_space<vmem>>
      %dma_wait3A_306 = tpu.memref_squeeze %dma_wait3A_305 : memref<1x112xi32, #tpu.memory_space<vmem>> -> memref<112xi32, #tpu.memory_space<vmem>>
      %dma_wait3A_307 = arith.constant 0 : i32
      %dma_wait3A_308 = arith.constant 0 : i32
      %dma_wait3A_309 = tpu.memref_slice %arg2[%dma_wait3A_307, %dma_wait3A_308] : memref<40000x64xf32, #tpu.memory_space<hbm>> -> memref<40000x64xf32, #tpu.memory_space<hbm>>
      tpu.wait_indirect_dma semaphore(%arg16 : memref<!tpu.dma_semaphore, #tpu.memory_space<semaphore_mem>>) src(%dma_wait3A_309 : memref<40000x64xf32, #tpu.memory_space<hbm>>) dst(%dma_wait3A_303 : memref<112x64xf32, #tpu.memory_space<vmem>>)
      %dma_start3A_310 = arith.constant 2 : i32
      %dma_start3A_311 = arith.constant 2 : i32
      %dma_start3A_312 = arith.constant 0 : i32
      %dma_start3A_313 = arith.constant 0 : i32
      %dma_start3A_314 = tpu.memref_slice %arg13[%dma_start3A_310, %dma_start3A_312, %dma_start3A_313] : memref<3x112x64xf32, #tpu.memory_space<vmem>> -> memref<1x112x64xf32, #tpu.memory_space<vmem>>
      %dma_start3A_315 = tpu.memref_squeeze %dma_start3A_314 : memref<1x112x64xf32, #tpu.memory_space<vmem>> -> memref<112x64xf32, #tpu.memory_space<vmem>>
      %dma_start3A_316 = arith.constant 0 : i32
      %dma_start3A_317 = tpu.memref_slice %arg12[%dma_start3A_311, %dma_start3A_316] : memref<12x112xi32, #tpu.memory_space<vmem>> -> memref<1x112xi32, #tpu.memory_space<vmem>>
      %dma_start3A_318 = tpu.memref_squeeze %dma_start3A_317 : memref<1x112xi32, #tpu.memory_space<vmem>> -> memref<112xi32, #tpu.memory_space<vmem>>
      %dma_start3A_319 = arith.constant 0 : i32
      %dma_start3A_320 = arith.constant 0 : i32
      %dma_start3A_321 = tpu.memref_slice %arg7[%dma_start3A_319, %dma_start3A_320] : memref<20008x64xf32, #tpu.memory_space<vmem_shared>> -> memref<20008x64xf32, #tpu.memory_space<vmem_shared>>
      tpu.enqueue_indirect_dma source(%dma_start3A_315 : memref<112x64xf32, #tpu.memory_space<vmem>>) target(%dma_start3A_321 : memref<20008x64xf32, #tpu.memory_space<vmem_shared>>) offsets(%dma_start3A_318 : memref<112xi32, #tpu.memory_space<vmem>>) semaphore(%arg19 : memref<!tpu.dma_semaphore, #tpu.memory_space<semaphore_mem>>) {add = true}
      %dma_start3A_322 = arith.constant 2 : i32
      %dma_start3A_323 = arith.constant 0 : i32
      %dma_start3A_324 = tpu.memref_slice %arg12[%dma_start3A_322, %dma_start3A_323] : memref<12x112xi32, #tpu.memory_space<vmem>> -> memref<1x112xi32, #tpu.memory_space<vmem>>
      %dma_start3A_325 = tpu.memref_squeeze %dma_start3A_324 : memref<1x112xi32, #tpu.memory_space<vmem>> -> memref<112xi32, #tpu.memory_space<vmem>>
      %dma_start3A_326 = arith.constant 0 : i32
      %dma_start3A_327 = arith.constant 0 : i32
      %dma_start3A_328 = tpu.memref_slice %arg8[%dma_start3A_326, %dma_start3A_327] : memref<20008x16xf32, #tpu.memory_space<vmem_shared>> -> memref<20008x16xf32, #tpu.memory_space<vmem_shared>>
      tpu.enqueue_indirect_dma source(%arg9 : memref<112x16xf32, #tpu.memory_space<vmem>>) target(%dma_start3A_328 : memref<20008x16xf32, #tpu.memory_space<vmem_shared>>) offsets(%dma_start3A_325 : memref<112xi32, #tpu.memory_space<vmem>>) semaphore(%arg20 : memref<!tpu.dma_semaphore, #tpu.memory_space<semaphore_mem>>) {add = true}
      %dma_wait3A_329 = arith.constant 2 : i32
      %dma_wait3A_330 = arith.constant 0 : i32
      %dma_wait3A_331 = arith.constant 0 : i32
      %dma_wait3A_332 = arith.constant 0 : i32
      %dma_wait3A_333 = tpu.memref_slice %arg13[%dma_wait3A_329, %dma_wait3A_331, %dma_wait3A_332] : memref<3x112x64xf32, #tpu.memory_space<vmem>> -> memref<1x112x64xf32, #tpu.memory_space<vmem>>
      %dma_wait3A_334 = tpu.memref_squeeze %dma_wait3A_333 : memref<1x112x64xf32, #tpu.memory_space<vmem>> -> memref<112x64xf32, #tpu.memory_space<vmem>>
      %dma_wait3A_335 = arith.constant 0 : i32
      %dma_wait3A_336 = tpu.memref_slice %arg12[%dma_wait3A_330, %dma_wait3A_335] : memref<12x112xi32, #tpu.memory_space<vmem>> -> memref<1x112xi32, #tpu.memory_space<vmem>>
      %dma_wait3A_337 = tpu.memref_squeeze %dma_wait3A_336 : memref<1x112xi32, #tpu.memory_space<vmem>> -> memref<112xi32, #tpu.memory_space<vmem>>
      %dma_wait3A_338 = arith.constant 0 : i32
      %dma_wait3A_339 = arith.constant 0 : i32
      %dma_wait3A_340 = tpu.memref_slice %arg7[%dma_wait3A_338, %dma_wait3A_339] : memref<20008x64xf32, #tpu.memory_space<vmem_shared>> -> memref<20008x64xf32, #tpu.memory_space<vmem_shared>>
      tpu.wait_indirect_dma semaphore(%arg19 : memref<!tpu.dma_semaphore, #tpu.memory_space<semaphore_mem>>) src(%dma_wait3A_334 : memref<112x64xf32, #tpu.memory_space<vmem>>) dst(%dma_wait3A_340 : memref<20008x64xf32, #tpu.memory_space<vmem_shared>>)
      %dma_start3A_341 = arith.constant 5 : i32
      %dma_start3A_342 = arith.constant 2 : i32
      %dma_start3A_343 = arith.constant 0 : i32
      %dma_start3A_344 = arith.constant 0 : i32
      %dma_start3A_345 = tpu.memref_slice %arg13[%dma_start3A_342, %dma_start3A_343, %dma_start3A_344] : memref<3x112x64xf32, #tpu.memory_space<vmem>> -> memref<1x112x64xf32, #tpu.memory_space<vmem>>
      %dma_start3A_346 = tpu.memref_squeeze %dma_start3A_345 : memref<1x112x64xf32, #tpu.memory_space<vmem>> -> memref<112x64xf32, #tpu.memory_space<vmem>>
      %dma_start3A_347 = arith.constant 0 : i32
      %dma_start3A_348 = tpu.memref_slice %arg11[%dma_start3A_341, %dma_start3A_347] : memref<12x112xi32, #tpu.memory_space<vmem>> -> memref<1x112xi32, #tpu.memory_space<vmem>>
      %dma_start3A_349 = tpu.memref_squeeze %dma_start3A_348 : memref<1x112xi32, #tpu.memory_space<vmem>> -> memref<112xi32, #tpu.memory_space<vmem>>
      %dma_start3A_350 = arith.constant 0 : i32
      %dma_start3A_351 = arith.constant 0 : i32
      %dma_start3A_352 = tpu.memref_slice %arg2[%dma_start3A_350, %dma_start3A_351] : memref<40000x64xf32, #tpu.memory_space<hbm>> -> memref<40000x64xf32, #tpu.memory_space<hbm>>
      tpu.enqueue_indirect_dma source(%dma_start3A_352 : memref<40000x64xf32, #tpu.memory_space<hbm>>) target(%dma_start3A_346 : memref<112x64xf32, #tpu.memory_space<vmem>>) offsets(%dma_start3A_349 : memref<112xi32, #tpu.memory_space<vmem>>) semaphore(%arg16 : memref<!tpu.dma_semaphore, #tpu.memory_space<semaphore_mem>>)
      %dma_wait3A_353 = arith.constant 3 : i32
      %dma_wait3A_354 = arith.constant 0 : i32
      %dma_wait3A_355 = arith.constant 0 : i32
      %dma_wait3A_356 = arith.constant 0 : i32
      %dma_wait3A_357 = tpu.memref_slice %arg13[%dma_wait3A_354, %dma_wait3A_355, %dma_wait3A_356] : memref<3x112x64xf32, #tpu.memory_space<vmem>> -> memref<1x112x64xf32, #tpu.memory_space<vmem>>
      %dma_wait3A_358 = tpu.memref_squeeze %dma_wait3A_357 : memref<1x112x64xf32, #tpu.memory_space<vmem>> -> memref<112x64xf32, #tpu.memory_space<vmem>>
      %dma_wait3A_359 = arith.constant 0 : i32
      %dma_wait3A_360 = tpu.memref_slice %arg11[%dma_wait3A_353, %dma_wait3A_359] : memref<12x112xi32, #tpu.memory_space<vmem>> -> memref<1x112xi32, #tpu.memory_space<vmem>>
      %dma_wait3A_361 = tpu.memref_squeeze %dma_wait3A_360 : memref<1x112xi32, #tpu.memory_space<vmem>> -> memref<112xi32, #tpu.memory_space<vmem>>
      %dma_wait3A_362 = arith.constant 0 : i32
      %dma_wait3A_363 = arith.constant 0 : i32
      %dma_wait3A_364 = tpu.memref_slice %arg2[%dma_wait3A_362, %dma_wait3A_363] : memref<40000x64xf32, #tpu.memory_space<hbm>> -> memref<40000x64xf32, #tpu.memory_space<hbm>>
      tpu.wait_indirect_dma semaphore(%arg14 : memref<!tpu.dma_semaphore, #tpu.memory_space<semaphore_mem>>) src(%dma_wait3A_364 : memref<40000x64xf32, #tpu.memory_space<hbm>>) dst(%dma_wait3A_358 : memref<112x64xf32, #tpu.memory_space<vmem>>)
      %dma_start3A_365 = arith.constant 0 : i32
      %dma_start3A_366 = arith.constant 3 : i32
      %dma_start3A_367 = arith.constant 0 : i32
      %dma_start3A_368 = arith.constant 0 : i32
      %dma_start3A_369 = tpu.memref_slice %arg13[%dma_start3A_365, %dma_start3A_367, %dma_start3A_368] : memref<3x112x64xf32, #tpu.memory_space<vmem>> -> memref<1x112x64xf32, #tpu.memory_space<vmem>>
      %dma_start3A_370 = tpu.memref_squeeze %dma_start3A_369 : memref<1x112x64xf32, #tpu.memory_space<vmem>> -> memref<112x64xf32, #tpu.memory_space<vmem>>
      %dma_start3A_371 = arith.constant 0 : i32
      %dma_start3A_372 = tpu.memref_slice %arg12[%dma_start3A_366, %dma_start3A_371] : memref<12x112xi32, #tpu.memory_space<vmem>> -> memref<1x112xi32, #tpu.memory_space<vmem>>
      %dma_start3A_373 = tpu.memref_squeeze %dma_start3A_372 : memref<1x112xi32, #tpu.memory_space<vmem>> -> memref<112xi32, #tpu.memory_space<vmem>>
      %dma_start3A_374 = arith.constant 0 : i32
      %dma_start3A_375 = arith.constant 0 : i32
      %dma_start3A_376 = tpu.memref_slice %arg7[%dma_start3A_374, %dma_start3A_375] : memref<20008x64xf32, #tpu.memory_space<vmem_shared>> -> memref<20008x64xf32, #tpu.memory_space<vmem_shared>>
      tpu.enqueue_indirect_dma source(%dma_start3A_370 : memref<112x64xf32, #tpu.memory_space<vmem>>) target(%dma_start3A_376 : memref<20008x64xf32, #tpu.memory_space<vmem_shared>>) offsets(%dma_start3A_373 : memref<112xi32, #tpu.memory_space<vmem>>) semaphore(%arg17 : memref<!tpu.dma_semaphore, #tpu.memory_space<semaphore_mem>>) {add = true}
      %dma_start3A_377 = arith.constant 3 : i32
      %dma_start3A_378 = arith.constant 0 : i32
      %dma_start3A_379 = tpu.memref_slice %arg12[%dma_start3A_377, %dma_start3A_378] : memref<12x112xi32, #tpu.memory_space<vmem>> -> memref<1x112xi32, #tpu.memory_space<vmem>>
      %dma_start3A_380 = tpu.memref_squeeze %dma_start3A_379 : memref<1x112xi32, #tpu.memory_space<vmem>> -> memref<112xi32, #tpu.memory_space<vmem>>
      %dma_start3A_381 = arith.constant 0 : i32
      %dma_start3A_382 = arith.constant 0 : i32
      %dma_start3A_383 = tpu.memref_slice %arg8[%dma_start3A_381, %dma_start3A_382] : memref<20008x16xf32, #tpu.memory_space<vmem_shared>> -> memref<20008x16xf32, #tpu.memory_space<vmem_shared>>
      tpu.enqueue_indirect_dma source(%arg9 : memref<112x16xf32, #tpu.memory_space<vmem>>) target(%dma_start3A_383 : memref<20008x16xf32, #tpu.memory_space<vmem_shared>>) offsets(%dma_start3A_380 : memref<112xi32, #tpu.memory_space<vmem>>) semaphore(%arg20 : memref<!tpu.dma_semaphore, #tpu.memory_space<semaphore_mem>>) {add = true}
      %dma_wait3A_384 = arith.constant 0 : i32
      %dma_wait3A_385 = arith.constant 0 : i32
      %dma_wait3A_386 = arith.constant 0 : i32
      %dma_wait3A_387 = arith.constant 0 : i32
      %dma_wait3A_388 = tpu.memref_slice %arg13[%dma_wait3A_384, %dma_wait3A_386, %dma_wait3A_387] : memref<3x112x64xf32, #tpu.memory_space<vmem>> -> memref<1x112x64xf32, #tpu.memory_space<vmem>>
      %dma_wait3A_389 = tpu.memref_squeeze %dma_wait3A_388 : memref<1x112x64xf32, #tpu.memory_space<vmem>> -> memref<112x64xf32, #tpu.memory_space<vmem>>
      %dma_wait3A_390 = arith.constant 0 : i32
      %dma_wait3A_391 = tpu.memref_slice %arg12[%dma_wait3A_385, %dma_wait3A_390] : memref<12x112xi32, #tpu.memory_space<vmem>> -> memref<1x112xi32, #tpu.memory_space<vmem>>
      %dma_wait3A_392 = tpu.memref_squeeze %dma_wait3A_391 : memref<1x112xi32, #tpu.memory_space<vmem>> -> memref<112xi32, #tpu.memory_space<vmem>>
      %dma_wait3A_393 = arith.constant 0 : i32
      %dma_wait3A_394 = arith.constant 0 : i32
      %dma_wait3A_395 = tpu.memref_slice %arg7[%dma_wait3A_393, %dma_wait3A_394] : memref<20008x64xf32, #tpu.memory_space<vmem_shared>> -> memref<20008x64xf32, #tpu.memory_space<vmem_shared>>
      tpu.wait_indirect_dma semaphore(%arg17 : memref<!tpu.dma_semaphore, #tpu.memory_space<semaphore_mem>>) src(%dma_wait3A_389 : memref<112x64xf32, #tpu.memory_space<vmem>>) dst(%dma_wait3A_395 : memref<20008x64xf32, #tpu.memory_space<vmem_shared>>)
      %dma_start3A_396 = arith.constant 6 : i32
      %dma_start3A_397 = arith.constant 0 : i32
      %dma_start3A_398 = arith.constant 0 : i32
      %dma_start3A_399 = arith.constant 0 : i32
      %dma_start3A_400 = tpu.memref_slice %arg13[%dma_start3A_397, %dma_start3A_398, %dma_start3A_399] : memref<3x112x64xf32, #tpu.memory_space<vmem>> -> memref<1x112x64xf32, #tpu.memory_space<vmem>>
      %dma_start3A_401 = tpu.memref_squeeze %dma_start3A_400 : memref<1x112x64xf32, #tpu.memory_space<vmem>> -> memref<112x64xf32, #tpu.memory_space<vmem>>
      %dma_start3A_402 = arith.constant 0 : i32
      %dma_start3A_403 = tpu.memref_slice %arg11[%dma_start3A_396, %dma_start3A_402] : memref<12x112xi32, #tpu.memory_space<vmem>> -> memref<1x112xi32, #tpu.memory_space<vmem>>
      %dma_start3A_404 = tpu.memref_squeeze %dma_start3A_403 : memref<1x112xi32, #tpu.memory_space<vmem>> -> memref<112xi32, #tpu.memory_space<vmem>>
      %dma_start3A_405 = arith.constant 0 : i32
      %dma_start3A_406 = arith.constant 0 : i32
      %dma_start3A_407 = tpu.memref_slice %arg2[%dma_start3A_405, %dma_start3A_406] : memref<40000x64xf32, #tpu.memory_space<hbm>> -> memref<40000x64xf32, #tpu.memory_space<hbm>>
      tpu.enqueue_indirect_dma source(%dma_start3A_407 : memref<40000x64xf32, #tpu.memory_space<hbm>>) target(%dma_start3A_401 : memref<112x64xf32, #tpu.memory_space<vmem>>) offsets(%dma_start3A_404 : memref<112xi32, #tpu.memory_space<vmem>>) semaphore(%arg14 : memref<!tpu.dma_semaphore, #tpu.memory_space<semaphore_mem>>)
      %dma_wait3A_408 = arith.constant 4 : i32
      %dma_wait3A_409 = arith.constant 1 : i32
      %dma_wait3A_410 = arith.constant 0 : i32
      %dma_wait3A_411 = arith.constant 0 : i32
      %dma_wait3A_412 = tpu.memref_slice %arg13[%dma_wait3A_409, %dma_wait3A_410, %dma_wait3A_411] : memref<3x112x64xf32, #tpu.memory_space<vmem>> -> memref<1x112x64xf32, #tpu.memory_space<vmem>>
      %dma_wait3A_413 = tpu.memref_squeeze %dma_wait3A_412 : memref<1x112x64xf32, #tpu.memory_space<vmem>> -> memref<112x64xf32, #tpu.memory_space<vmem>>
      %dma_wait3A_414 = arith.constant 0 : i32
      %dma_wait3A_415 = tpu.memref_slice %arg11[%dma_wait3A_408, %dma_wait3A_414] : memref<12x112xi32, #tpu.memory_space<vmem>> -> memref<1x112xi32, #tpu.memory_space<vmem>>
      %dma_wait3A_416 = tpu.memref_squeeze %dma_wait3A_415 : memref<1x112xi32, #tpu.memory_space<vmem>> -> memref<112xi32, #tpu.memory_space<vmem>>
      %dma_wait3A_417 = arith.constant 0 : i32
      %dma_wait3A_418 = arith.constant 0 : i32
      %dma_wait3A_419 = tpu.memref_slice %arg2[%dma_wait3A_417, %dma_wait3A_418] : memref<40000x64xf32, #tpu.memory_space<hbm>> -> memref<40000x64xf32, #tpu.memory_space<hbm>>
      tpu.wait_indirect_dma semaphore(%arg15 : memref<!tpu.dma_semaphore, #tpu.memory_space<semaphore_mem>>) src(%dma_wait3A_419 : memref<40000x64xf32, #tpu.memory_space<hbm>>) dst(%dma_wait3A_413 : memref<112x64xf32, #tpu.memory_space<vmem>>)
      %dma_start3A_420 = arith.constant 1 : i32
      %dma_start3A_421 = arith.constant 4 : i32
      %dma_start3A_422 = arith.constant 0 : i32
      %dma_start3A_423 = arith.constant 0 : i32
      %dma_start3A_424 = tpu.memref_slice %arg13[%dma_start3A_420, %dma_start3A_422, %dma_start3A_423] : memref<3x112x64xf32, #tpu.memory_space<vmem>> -> memref<1x112x64xf32, #tpu.memory_space<vmem>>
      %dma_start3A_425 = tpu.memref_squeeze %dma_start3A_424 : memref<1x112x64xf32, #tpu.memory_space<vmem>> -> memref<112x64xf32, #tpu.memory_space<vmem>>
      %dma_start3A_426 = arith.constant 0 : i32
      %dma_start3A_427 = tpu.memref_slice %arg12[%dma_start3A_421, %dma_start3A_426] : memref<12x112xi32, #tpu.memory_space<vmem>> -> memref<1x112xi32, #tpu.memory_space<vmem>>
      %dma_start3A_428 = tpu.memref_squeeze %dma_start3A_427 : memref<1x112xi32, #tpu.memory_space<vmem>> -> memref<112xi32, #tpu.memory_space<vmem>>
      %dma_start3A_429 = arith.constant 0 : i32
      %dma_start3A_430 = arith.constant 0 : i32
      %dma_start3A_431 = tpu.memref_slice %arg7[%dma_start3A_429, %dma_start3A_430] : memref<20008x64xf32, #tpu.memory_space<vmem_shared>> -> memref<20008x64xf32, #tpu.memory_space<vmem_shared>>
      tpu.enqueue_indirect_dma source(%dma_start3A_425 : memref<112x64xf32, #tpu.memory_space<vmem>>) target(%dma_start3A_431 : memref<20008x64xf32, #tpu.memory_space<vmem_shared>>) offsets(%dma_start3A_428 : memref<112xi32, #tpu.memory_space<vmem>>) semaphore(%arg18 : memref<!tpu.dma_semaphore, #tpu.memory_space<semaphore_mem>>) {add = true}
      %dma_start3A_432 = arith.constant 4 : i32
      %dma_start3A_433 = arith.constant 0 : i32
      %dma_start3A_434 = tpu.memref_slice %arg12[%dma_start3A_432, %dma_start3A_433] : memref<12x112xi32, #tpu.memory_space<vmem>> -> memref<1x112xi32, #tpu.memory_space<vmem>>
      %dma_start3A_435 = tpu.memref_squeeze %dma_start3A_434 : memref<1x112xi32, #tpu.memory_space<vmem>> -> memref<112xi32, #tpu.memory_space<vmem>>
      %dma_start3A_436 = arith.constant 0 : i32
      %dma_start3A_437 = arith.constant 0 : i32
      %dma_start3A_438 = tpu.memref_slice %arg8[%dma_start3A_436, %dma_start3A_437] : memref<20008x16xf32, #tpu.memory_space<vmem_shared>> -> memref<20008x16xf32, #tpu.memory_space<vmem_shared>>
      tpu.enqueue_indirect_dma source(%arg9 : memref<112x16xf32, #tpu.memory_space<vmem>>) target(%dma_start3A_438 : memref<20008x16xf32, #tpu.memory_space<vmem_shared>>) offsets(%dma_start3A_435 : memref<112xi32, #tpu.memory_space<vmem>>) semaphore(%arg20 : memref<!tpu.dma_semaphore, #tpu.memory_space<semaphore_mem>>) {add = true}
      %dma_wait3A_439 = arith.constant 1 : i32
      %dma_wait3A_440 = arith.constant 0 : i32
      %dma_wait3A_441 = arith.constant 0 : i32
      %dma_wait3A_442 = arith.constant 0 : i32
      %dma_wait3A_443 = tpu.memref_slice %arg13[%dma_wait3A_439, %dma_wait3A_441, %dma_wait3A_442] : memref<3x112x64xf32, #tpu.memory_space<vmem>> -> memref<1x112x64xf32, #tpu.memory_space<vmem>>
      %dma_wait3A_444 = tpu.memref_squeeze %dma_wait3A_443 : memref<1x112x64xf32, #tpu.memory_space<vmem>> -> memref<112x64xf32, #tpu.memory_space<vmem>>
      %dma_wait3A_445 = arith.constant 0 : i32
      %dma_wait3A_446 = tpu.memref_slice %arg12[%dma_wait3A_440, %dma_wait3A_445] : memref<12x112xi32, #tpu.memory_space<vmem>> -> memref<1x112xi32, #tpu.memory_space<vmem>>
      %dma_wait3A_447 = tpu.memref_squeeze %dma_wait3A_446 : memref<1x112xi32, #tpu.memory_space<vmem>> -> memref<112xi32, #tpu.memory_space<vmem>>
      %dma_wait3A_448 = arith.constant 0 : i32
      %dma_wait3A_449 = arith.constant 0 : i32
      %dma_wait3A_450 = tpu.memref_slice %arg7[%dma_wait3A_448, %dma_wait3A_449] : memref<20008x64xf32, #tpu.memory_space<vmem_shared>> -> memref<20008x64xf32, #tpu.memory_space<vmem_shared>>
      tpu.wait_indirect_dma semaphore(%arg18 : memref<!tpu.dma_semaphore, #tpu.memory_space<semaphore_mem>>) src(%dma_wait3A_444 : memref<112x64xf32, #tpu.memory_space<vmem>>) dst(%dma_wait3A_450 : memref<20008x64xf32, #tpu.memory_space<vmem_shared>>)
      %dma_start3A_451 = arith.constant 7 : i32
      %dma_start3A_452 = arith.constant 1 : i32
      %dma_start3A_453 = arith.constant 0 : i32
      %dma_start3A_454 = arith.constant 0 : i32
      %dma_start3A_455 = tpu.memref_slice %arg13[%dma_start3A_452, %dma_start3A_453, %dma_start3A_454] : memref<3x112x64xf32, #tpu.memory_space<vmem>> -> memref<1x112x64xf32, #tpu.memory_space<vmem>>
      %dma_start3A_456 = tpu.memref_squeeze %dma_start3A_455 : memref<1x112x64xf32, #tpu.memory_space<vmem>> -> memref<112x64xf32, #tpu.memory_space<vmem>>
      %dma_start3A_457 = arith.constant 0 : i32
      %dma_start3A_458 = tpu.memref_slice %arg11[%dma_start3A_451, %dma_start3A_457] : memref<12x112xi32, #tpu.memory_space<vmem>> -> memref<1x112xi32, #tpu.memory_space<vmem>>
      %dma_start3A_459 = tpu.memref_squeeze %dma_start3A_458 : memref<1x112xi32, #tpu.memory_space<vmem>> -> memref<112xi32, #tpu.memory_space<vmem>>
      %dma_start3A_460 = arith.constant 0 : i32
      %dma_start3A_461 = arith.constant 0 : i32
      %dma_start3A_462 = tpu.memref_slice %arg2[%dma_start3A_460, %dma_start3A_461] : memref<40000x64xf32, #tpu.memory_space<hbm>> -> memref<40000x64xf32, #tpu.memory_space<hbm>>
      tpu.enqueue_indirect_dma source(%dma_start3A_462 : memref<40000x64xf32, #tpu.memory_space<hbm>>) target(%dma_start3A_456 : memref<112x64xf32, #tpu.memory_space<vmem>>) offsets(%dma_start3A_459 : memref<112xi32, #tpu.memory_space<vmem>>) semaphore(%arg15 : memref<!tpu.dma_semaphore, #tpu.memory_space<semaphore_mem>>)
      %dma_wait3A_463 = arith.constant 5 : i32
      %dma_wait3A_464 = arith.constant 2 : i32
      %dma_wait3A_465 = arith.constant 0 : i32
      %dma_wait3A_466 = arith.constant 0 : i32
      %dma_wait3A_467 = tpu.memref_slice %arg13[%dma_wait3A_464, %dma_wait3A_465, %dma_wait3A_466] : memref<3x112x64xf32, #tpu.memory_space<vmem>> -> memref<1x112x64xf32, #tpu.memory_space<vmem>>
      %dma_wait3A_468 = tpu.memref_squeeze %dma_wait3A_467 : memref<1x112x64xf32, #tpu.memory_space<vmem>> -> memref<112x64xf32, #tpu.memory_space<vmem>>
      %dma_wait3A_469 = arith.constant 0 : i32
      %dma_wait3A_470 = tpu.memref_slice %arg11[%dma_wait3A_463, %dma_wait3A_469] : memref<12x112xi32, #tpu.memory_space<vmem>> -> memref<1x112xi32, #tpu.memory_space<vmem>>
      %dma_wait3A_471 = tpu.memref_squeeze %dma_wait3A_470 : memref<1x112xi32, #tpu.memory_space<vmem>> -> memref<112xi32, #tpu.memory_space<vmem>>
      %dma_wait3A_472 = arith.constant 0 : i32
      %dma_wait3A_473 = arith.constant 0 : i32
      %dma_wait3A_474 = tpu.memref_slice %arg2[%dma_wait3A_472, %dma_wait3A_473] : memref<40000x64xf32, #tpu.memory_space<hbm>> -> memref<40000x64xf32, #tpu.memory_space<hbm>>
      tpu.wait_indirect_dma semaphore(%arg16 : memref<!tpu.dma_semaphore, #tpu.memory_space<semaphore_mem>>) src(%dma_wait3A_474 : memref<40000x64xf32, #tpu.memory_space<hbm>>) dst(%dma_wait3A_468 : memref<112x64xf32, #tpu.memory_space<vmem>>)
      %dma_start3A_475 = arith.constant 2 : i32
      %dma_start3A_476 = arith.constant 5 : i32
      %dma_start3A_477 = arith.constant 0 : i32
      %dma_start3A_478 = arith.constant 0 : i32
      %dma_start3A_479 = tpu.memref_slice %arg13[%dma_start3A_475, %dma_start3A_477, %dma_start3A_478] : memref<3x112x64xf32, #tpu.memory_space<vmem>> -> memref<1x112x64xf32, #tpu.memory_space<vmem>>
      %dma_start3A_480 = tpu.memref_squeeze %dma_start3A_479 : memref<1x112x64xf32, #tpu.memory_space<vmem>> -> memref<112x64xf32, #tpu.memory_space<vmem>>
      %dma_start3A_481 = arith.constant 0 : i32
      %dma_start3A_482 = tpu.memref_slice %arg12[%dma_start3A_476, %dma_start3A_481] : memref<12x112xi32, #tpu.memory_space<vmem>> -> memref<1x112xi32, #tpu.memory_space<vmem>>
      %dma_start3A_483 = tpu.memref_squeeze %dma_start3A_482 : memref<1x112xi32, #tpu.memory_space<vmem>> -> memref<112xi32, #tpu.memory_space<vmem>>
      %dma_start3A_484 = arith.constant 0 : i32
      %dma_start3A_485 = arith.constant 0 : i32
      %dma_start3A_486 = tpu.memref_slice %arg7[%dma_start3A_484, %dma_start3A_485] : memref<20008x64xf32, #tpu.memory_space<vmem_shared>> -> memref<20008x64xf32, #tpu.memory_space<vmem_shared>>
      tpu.enqueue_indirect_dma source(%dma_start3A_480 : memref<112x64xf32, #tpu.memory_space<vmem>>) target(%dma_start3A_486 : memref<20008x64xf32, #tpu.memory_space<vmem_shared>>) offsets(%dma_start3A_483 : memref<112xi32, #tpu.memory_space<vmem>>) semaphore(%arg19 : memref<!tpu.dma_semaphore, #tpu.memory_space<semaphore_mem>>) {add = true}
      %dma_start3A_487 = arith.constant 5 : i32
      %dma_start3A_488 = arith.constant 0 : i32
      %dma_start3A_489 = tpu.memref_slice %arg12[%dma_start3A_487, %dma_start3A_488] : memref<12x112xi32, #tpu.memory_space<vmem>> -> memref<1x112xi32, #tpu.memory_space<vmem>>
      %dma_start3A_490 = tpu.memref_squeeze %dma_start3A_489 : memref<1x112xi32, #tpu.memory_space<vmem>> -> memref<112xi32, #tpu.memory_space<vmem>>
      %dma_start3A_491 = arith.constant 0 : i32
      %dma_start3A_492 = arith.constant 0 : i32
      %dma_start3A_493 = tpu.memref_slice %arg8[%dma_start3A_491, %dma_start3A_492] : memref<20008x16xf32, #tpu.memory_space<vmem_shared>> -> memref<20008x16xf32, #tpu.memory_space<vmem_shared>>
      tpu.enqueue_indirect_dma source(%arg9 : memref<112x16xf32, #tpu.memory_space<vmem>>) target(%dma_start3A_493 : memref<20008x16xf32, #tpu.memory_space<vmem_shared>>) offsets(%dma_start3A_490 : memref<112xi32, #tpu.memory_space<vmem>>) semaphore(%arg20 : memref<!tpu.dma_semaphore, #tpu.memory_space<semaphore_mem>>) {add = true}
      %dma_wait3A_494 = arith.constant 2 : i32
      %dma_wait3A_495 = arith.constant 0 : i32
      %dma_wait3A_496 = arith.constant 0 : i32
      %dma_wait3A_497 = arith.constant 0 : i32
      %dma_wait3A_498 = tpu.memref_slice %arg13[%dma_wait3A_494, %dma_wait3A_496, %dma_wait3A_497] : memref<3x112x64xf32, #tpu.memory_space<vmem>> -> memref<1x112x64xf32, #tpu.memory_space<vmem>>
      %dma_wait3A_499 = tpu.memref_squeeze %dma_wait3A_498 : memref<1x112x64xf32, #tpu.memory_space<vmem>> -> memref<112x64xf32, #tpu.memory_space<vmem>>
      %dma_wait3A_500 = arith.constant 0 : i32
      %dma_wait3A_501 = tpu.memref_slice %arg12[%dma_wait3A_495, %dma_wait3A_500] : memref<12x112xi32, #tpu.memory_space<vmem>> -> memref<1x112xi32, #tpu.memory_space<vmem>>
      %dma_wait3A_502 = tpu.memref_squeeze %dma_wait3A_501 : memref<1x112xi32, #tpu.memory_space<vmem>> -> memref<112xi32, #tpu.memory_space<vmem>>
      %dma_wait3A_503 = arith.constant 0 : i32
      %dma_wait3A_504 = arith.constant 0 : i32
      %dma_wait3A_505 = tpu.memref_slice %arg7[%dma_wait3A_503, %dma_wait3A_504] : memref<20008x64xf32, #tpu.memory_space<vmem_shared>> -> memref<20008x64xf32, #tpu.memory_space<vmem_shared>>
      tpu.wait_indirect_dma semaphore(%arg19 : memref<!tpu.dma_semaphore, #tpu.memory_space<semaphore_mem>>) src(%dma_wait3A_499 : memref<112x64xf32, #tpu.memory_space<vmem>>) dst(%dma_wait3A_505 : memref<20008x64xf32, #tpu.memory_space<vmem_shared>>)
      %dma_start3A_506 = arith.constant 8 : i32
      %dma_start3A_507 = arith.constant 2 : i32
      %dma_start3A_508 = arith.constant 0 : i32
      %dma_start3A_509 = arith.constant 0 : i32
      %dma_start3A_510 = tpu.memref_slice %arg13[%dma_start3A_507, %dma_start3A_508, %dma_start3A_509] : memref<3x112x64xf32, #tpu.memory_space<vmem>> -> memref<1x112x64xf32, #tpu.memory_space<vmem>>
      %dma_start3A_511 = tpu.memref_squeeze %dma_start3A_510 : memref<1x112x64xf32, #tpu.memory_space<vmem>> -> memref<112x64xf32, #tpu.memory_space<vmem>>
      %dma_start3A_512 = arith.constant 0 : i32
      %dma_start3A_513 = tpu.memref_slice %arg11[%dma_start3A_506, %dma_start3A_512] : memref<12x112xi32, #tpu.memory_space<vmem>> -> memref<1x112xi32, #tpu.memory_space<vmem>>
      %dma_start3A_514 = tpu.memref_squeeze %dma_start3A_513 : memref<1x112xi32, #tpu.memory_space<vmem>> -> memref<112xi32, #tpu.memory_space<vmem>>
      %dma_start3A_515 = arith.constant 0 : i32
      %dma_start3A_516 = arith.constant 0 : i32
      %dma_start3A_517 = tpu.memref_slice %arg2[%dma_start3A_515, %dma_start3A_516] : memref<40000x64xf32, #tpu.memory_space<hbm>> -> memref<40000x64xf32, #tpu.memory_space<hbm>>
      tpu.enqueue_indirect_dma source(%dma_start3A_517 : memref<40000x64xf32, #tpu.memory_space<hbm>>) target(%dma_start3A_511 : memref<112x64xf32, #tpu.memory_space<vmem>>) offsets(%dma_start3A_514 : memref<112xi32, #tpu.memory_space<vmem>>) semaphore(%arg16 : memref<!tpu.dma_semaphore, #tpu.memory_space<semaphore_mem>>)
      %dma_wait3A_518 = arith.constant 6 : i32
      %dma_wait3A_519 = arith.constant 0 : i32
      %dma_wait3A_520 = arith.constant 0 : i32
      %dma_wait3A_521 = arith.constant 0 : i32
      %dma_wait3A_522 = tpu.memref_slice %arg13[%dma_wait3A_519, %dma_wait3A_520, %dma_wait3A_521] : memref<3x112x64xf32, #tpu.memory_space<vmem>> -> memref<1x112x64xf32, #tpu.memory_space<vmem>>
      %dma_wait3A_523 = tpu.memref_squeeze %dma_wait3A_522 : memref<1x112x64xf32, #tpu.memory_space<vmem>> -> memref<112x64xf32, #tpu.memory_space<vmem>>
      %dma_wait3A_524 = arith.constant 0 : i32
      %dma_wait3A_525 = tpu.memref_slice %arg11[%dma_wait3A_518, %dma_wait3A_524] : memref<12x112xi32, #tpu.memory_space<vmem>> -> memref<1x112xi32, #tpu.memory_space<vmem>>
      %dma_wait3A_526 = tpu.memref_squeeze %dma_wait3A_525 : memref<1x112xi32, #tpu.memory_space<vmem>> -> memref<112xi32, #tpu.memory_space<vmem>>
      %dma_wait3A_527 = arith.constant 0 : i32
      %dma_wait3A_528 = arith.constant 0 : i32
      %dma_wait3A_529 = tpu.memref_slice %arg2[%dma_wait3A_527, %dma_wait3A_528] : memref<40000x64xf32, #tpu.memory_space<hbm>> -> memref<40000x64xf32, #tpu.memory_space<hbm>>
      tpu.wait_indirect_dma semaphore(%arg14 : memref<!tpu.dma_semaphore, #tpu.memory_space<semaphore_mem>>) src(%dma_wait3A_529 : memref<40000x64xf32, #tpu.memory_space<hbm>>) dst(%dma_wait3A_523 : memref<112x64xf32, #tpu.memory_space<vmem>>)
      %dma_start3A_530 = arith.constant 0 : i32
      %dma_start3A_531 = arith.constant 6 : i32
      %dma_start3A_532 = arith.constant 0 : i32
      %dma_start3A_533 = arith.constant 0 : i32
      %dma_start3A_534 = tpu.memref_slice %arg13[%dma_start3A_530, %dma_start3A_532, %dma_start3A_533] : memref<3x112x64xf32, #tpu.memory_space<vmem>> -> memref<1x112x64xf32, #tpu.memory_space<vmem>>
      %dma_start3A_535 = tpu.memref_squeeze %dma_start3A_534 : memref<1x112x64xf32, #tpu.memory_space<vmem>> -> memref<112x64xf32, #tpu.memory_space<vmem>>
      %dma_start3A_536 = arith.constant 0 : i32
      %dma_start3A_537 = tpu.memref_slice %arg12[%dma_start3A_531, %dma_start3A_536] : memref<12x112xi32, #tpu.memory_space<vmem>> -> memref<1x112xi32, #tpu.memory_space<vmem>>
      %dma_start3A_538 = tpu.memref_squeeze %dma_start3A_537 : memref<1x112xi32, #tpu.memory_space<vmem>> -> memref<112xi32, #tpu.memory_space<vmem>>
      %dma_start3A_539 = arith.constant 0 : i32
      %dma_start3A_540 = arith.constant 0 : i32
      %dma_start3A_541 = tpu.memref_slice %arg7[%dma_start3A_539, %dma_start3A_540] : memref<20008x64xf32, #tpu.memory_space<vmem_shared>> -> memref<20008x64xf32, #tpu.memory_space<vmem_shared>>
      tpu.enqueue_indirect_dma source(%dma_start3A_535 : memref<112x64xf32, #tpu.memory_space<vmem>>) target(%dma_start3A_541 : memref<20008x64xf32, #tpu.memory_space<vmem_shared>>) offsets(%dma_start3A_538 : memref<112xi32, #tpu.memory_space<vmem>>) semaphore(%arg17 : memref<!tpu.dma_semaphore, #tpu.memory_space<semaphore_mem>>) {add = true}
      %dma_start3A_542 = arith.constant 6 : i32
      %dma_start3A_543 = arith.constant 0 : i32
      %dma_start3A_544 = tpu.memref_slice %arg12[%dma_start3A_542, %dma_start3A_543] : memref<12x112xi32, #tpu.memory_space<vmem>> -> memref<1x112xi32, #tpu.memory_space<vmem>>
      %dma_start3A_545 = tpu.memref_squeeze %dma_start3A_544 : memref<1x112xi32, #tpu.memory_space<vmem>> -> memref<112xi32, #tpu.memory_space<vmem>>
      %dma_start3A_546 = arith.constant 0 : i32
      %dma_start3A_547 = arith.constant 0 : i32
      %dma_start3A_548 = tpu.memref_slice %arg8[%dma_start3A_546, %dma_start3A_547] : memref<20008x16xf32, #tpu.memory_space<vmem_shared>> -> memref<20008x16xf32, #tpu.memory_space<vmem_shared>>
      tpu.enqueue_indirect_dma source(%arg9 : memref<112x16xf32, #tpu.memory_space<vmem>>) target(%dma_start3A_548 : memref<20008x16xf32, #tpu.memory_space<vmem_shared>>) offsets(%dma_start3A_545 : memref<112xi32, #tpu.memory_space<vmem>>) semaphore(%arg20 : memref<!tpu.dma_semaphore, #tpu.memory_space<semaphore_mem>>) {add = true}
      %dma_wait3A_549 = arith.constant 0 : i32
      %dma_wait3A_550 = arith.constant 0 : i32
      %dma_wait3A_551 = arith.constant 0 : i32
      %dma_wait3A_552 = arith.constant 0 : i32
      %dma_wait3A_553 = tpu.memref_slice %arg13[%dma_wait3A_549, %dma_wait3A_551, %dma_wait3A_552] : memref<3x112x64xf32, #tpu.memory_space<vmem>> -> memref<1x112x64xf32, #tpu.memory_space<vmem>>
      %dma_wait3A_554 = tpu.memref_squeeze %dma_wait3A_553 : memref<1x112x64xf32, #tpu.memory_space<vmem>> -> memref<112x64xf32, #tpu.memory_space<vmem>>
      %dma_wait3A_555 = arith.constant 0 : i32
      %dma_wait3A_556 = tpu.memref_slice %arg12[%dma_wait3A_550, %dma_wait3A_555] : memref<12x112xi32, #tpu.memory_space<vmem>> -> memref<1x112xi32, #tpu.memory_space<vmem>>
      %dma_wait3A_557 = tpu.memref_squeeze %dma_wait3A_556 : memref<1x112xi32, #tpu.memory_space<vmem>> -> memref<112xi32, #tpu.memory_space<vmem>>
      %dma_wait3A_558 = arith.constant 0 : i32
      %dma_wait3A_559 = arith.constant 0 : i32
      %dma_wait3A_560 = tpu.memref_slice %arg7[%dma_wait3A_558, %dma_wait3A_559] : memref<20008x64xf32, #tpu.memory_space<vmem_shared>> -> memref<20008x64xf32, #tpu.memory_space<vmem_shared>>
      tpu.wait_indirect_dma semaphore(%arg17 : memref<!tpu.dma_semaphore, #tpu.memory_space<semaphore_mem>>) src(%dma_wait3A_554 : memref<112x64xf32, #tpu.memory_space<vmem>>) dst(%dma_wait3A_560 : memref<20008x64xf32, #tpu.memory_space<vmem_shared>>)
      %dma_start3A_561 = arith.constant 9 : i32
      %dma_start3A_562 = arith.constant 0 : i32
      %dma_start3A_563 = arith.constant 0 : i32
      %dma_start3A_564 = arith.constant 0 : i32
      %dma_start3A_565 = tpu.memref_slice %arg13[%dma_start3A_562, %dma_start3A_563, %dma_start3A_564] : memref<3x112x64xf32, #tpu.memory_space<vmem>> -> memref<1x112x64xf32, #tpu.memory_space<vmem>>
      %dma_start3A_566 = tpu.memref_squeeze %dma_start3A_565 : memref<1x112x64xf32, #tpu.memory_space<vmem>> -> memref<112x64xf32, #tpu.memory_space<vmem>>
      %dma_start3A_567 = arith.constant 0 : i32
      %dma_start3A_568 = tpu.memref_slice %arg11[%dma_start3A_561, %dma_start3A_567] : memref<12x112xi32, #tpu.memory_space<vmem>> -> memref<1x112xi32, #tpu.memory_space<vmem>>
      %dma_start3A_569 = tpu.memref_squeeze %dma_start3A_568 : memref<1x112xi32, #tpu.memory_space<vmem>> -> memref<112xi32, #tpu.memory_space<vmem>>
      %dma_start3A_570 = arith.constant 0 : i32
      %dma_start3A_571 = arith.constant 0 : i32
      %dma_start3A_572 = tpu.memref_slice %arg2[%dma_start3A_570, %dma_start3A_571] : memref<40000x64xf32, #tpu.memory_space<hbm>> -> memref<40000x64xf32, #tpu.memory_space<hbm>>
      tpu.enqueue_indirect_dma source(%dma_start3A_572 : memref<40000x64xf32, #tpu.memory_space<hbm>>) target(%dma_start3A_566 : memref<112x64xf32, #tpu.memory_space<vmem>>) offsets(%dma_start3A_569 : memref<112xi32, #tpu.memory_space<vmem>>) semaphore(%arg14 : memref<!tpu.dma_semaphore, #tpu.memory_space<semaphore_mem>>)
      %dma_wait3A_573 = arith.constant 7 : i32
      %dma_wait3A_574 = arith.constant 1 : i32
      %dma_wait3A_575 = arith.constant 0 : i32
      %dma_wait3A_576 = arith.constant 0 : i32
      %dma_wait3A_577 = tpu.memref_slice %arg13[%dma_wait3A_574, %dma_wait3A_575, %dma_wait3A_576] : memref<3x112x64xf32, #tpu.memory_space<vmem>> -> memref<1x112x64xf32, #tpu.memory_space<vmem>>
      %dma_wait3A_578 = tpu.memref_squeeze %dma_wait3A_577 : memref<1x112x64xf32, #tpu.memory_space<vmem>> -> memref<112x64xf32, #tpu.memory_space<vmem>>
      %dma_wait3A_579 = arith.constant 0 : i32
      %dma_wait3A_580 = tpu.memref_slice %arg11[%dma_wait3A_573, %dma_wait3A_579] : memref<12x112xi32, #tpu.memory_space<vmem>> -> memref<1x112xi32, #tpu.memory_space<vmem>>
      %dma_wait3A_581 = tpu.memref_squeeze %dma_wait3A_580 : memref<1x112xi32, #tpu.memory_space<vmem>> -> memref<112xi32, #tpu.memory_space<vmem>>
      %dma_wait3A_582 = arith.constant 0 : i32
      %dma_wait3A_583 = arith.constant 0 : i32
      %dma_wait3A_584 = tpu.memref_slice %arg2[%dma_wait3A_582, %dma_wait3A_583] : memref<40000x64xf32, #tpu.memory_space<hbm>> -> memref<40000x64xf32, #tpu.memory_space<hbm>>
      tpu.wait_indirect_dma semaphore(%arg15 : memref<!tpu.dma_semaphore, #tpu.memory_space<semaphore_mem>>) src(%dma_wait3A_584 : memref<40000x64xf32, #tpu.memory_space<hbm>>) dst(%dma_wait3A_578 : memref<112x64xf32, #tpu.memory_space<vmem>>)
      %dma_start3A_585 = arith.constant 1 : i32
      %dma_start3A_586 = arith.constant 7 : i32
      %dma_start3A_587 = arith.constant 0 : i32
      %dma_start3A_588 = arith.constant 0 : i32
      %dma_start3A_589 = tpu.memref_slice %arg13[%dma_start3A_585, %dma_start3A_587, %dma_start3A_588] : memref<3x112x64xf32, #tpu.memory_space<vmem>> -> memref<1x112x64xf32, #tpu.memory_space<vmem>>
      %dma_start3A_590 = tpu.memref_squeeze %dma_start3A_589 : memref<1x112x64xf32, #tpu.memory_space<vmem>> -> memref<112x64xf32, #tpu.memory_space<vmem>>
      %dma_start3A_591 = arith.constant 0 : i32
      %dma_start3A_592 = tpu.memref_slice %arg12[%dma_start3A_586, %dma_start3A_591] : memref<12x112xi32, #tpu.memory_space<vmem>> -> memref<1x112xi32, #tpu.memory_space<vmem>>
      %dma_start3A_593 = tpu.memref_squeeze %dma_start3A_592 : memref<1x112xi32, #tpu.memory_space<vmem>> -> memref<112xi32, #tpu.memory_space<vmem>>
      %dma_start3A_594 = arith.constant 0 : i32
      %dma_start3A_595 = arith.constant 0 : i32
      %dma_start3A_596 = tpu.memref_slice %arg7[%dma_start3A_594, %dma_start3A_595] : memref<20008x64xf32, #tpu.memory_space<vmem_shared>> -> memref<20008x64xf32, #tpu.memory_space<vmem_shared>>
      tpu.enqueue_indirect_dma source(%dma_start3A_590 : memref<112x64xf32, #tpu.memory_space<vmem>>) target(%dma_start3A_596 : memref<20008x64xf32, #tpu.memory_space<vmem_shared>>) offsets(%dma_start3A_593 : memref<112xi32, #tpu.memory_space<vmem>>) semaphore(%arg18 : memref<!tpu.dma_semaphore, #tpu.memory_space<semaphore_mem>>) {add = true}
      %dma_start3A_597 = arith.constant 7 : i32
      %dma_start3A_598 = arith.constant 0 : i32
      %dma_start3A_599 = tpu.memref_slice %arg12[%dma_start3A_597, %dma_start3A_598] : memref<12x112xi32, #tpu.memory_space<vmem>> -> memref<1x112xi32, #tpu.memory_space<vmem>>
      %dma_start3A_600 = tpu.memref_squeeze %dma_start3A_599 : memref<1x112xi32, #tpu.memory_space<vmem>> -> memref<112xi32, #tpu.memory_space<vmem>>
      %dma_start3A_601 = arith.constant 0 : i32
      %dma_start3A_602 = arith.constant 0 : i32
      %dma_start3A_603 = tpu.memref_slice %arg8[%dma_start3A_601, %dma_start3A_602] : memref<20008x16xf32, #tpu.memory_space<vmem_shared>> -> memref<20008x16xf32, #tpu.memory_space<vmem_shared>>
      tpu.enqueue_indirect_dma source(%arg9 : memref<112x16xf32, #tpu.memory_space<vmem>>) target(%dma_start3A_603 : memref<20008x16xf32, #tpu.memory_space<vmem_shared>>) offsets(%dma_start3A_600 : memref<112xi32, #tpu.memory_space<vmem>>) semaphore(%arg20 : memref<!tpu.dma_semaphore, #tpu.memory_space<semaphore_mem>>) {add = true}
      %dma_wait3A_604 = arith.constant 1 : i32
      %dma_wait3A_605 = arith.constant 0 : i32
      %dma_wait3A_606 = arith.constant 0 : i32
      %dma_wait3A_607 = arith.constant 0 : i32
      %dma_wait3A_608 = tpu.memref_slice %arg13[%dma_wait3A_604, %dma_wait3A_606, %dma_wait3A_607] : memref<3x112x64xf32, #tpu.memory_space<vmem>> -> memref<1x112x64xf32, #tpu.memory_space<vmem>>
      %dma_wait3A_609 = tpu.memref_squeeze %dma_wait3A_608 : memref<1x112x64xf32, #tpu.memory_space<vmem>> -> memref<112x64xf32, #tpu.memory_space<vmem>>
      %dma_wait3A_610 = arith.constant 0 : i32
      %dma_wait3A_611 = tpu.memref_slice %arg12[%dma_wait3A_605, %dma_wait3A_610] : memref<12x112xi32, #tpu.memory_space<vmem>> -> memref<1x112xi32, #tpu.memory_space<vmem>>
      %dma_wait3A_612 = tpu.memref_squeeze %dma_wait3A_611 : memref<1x112xi32, #tpu.memory_space<vmem>> -> memref<112xi32, #tpu.memory_space<vmem>>
      %dma_wait3A_613 = arith.constant 0 : i32
      %dma_wait3A_614 = arith.constant 0 : i32
      %dma_wait3A_615 = tpu.memref_slice %arg7[%dma_wait3A_613, %dma_wait3A_614] : memref<20008x64xf32, #tpu.memory_space<vmem_shared>> -> memref<20008x64xf32, #tpu.memory_space<vmem_shared>>
      tpu.wait_indirect_dma semaphore(%arg18 : memref<!tpu.dma_semaphore, #tpu.memory_space<semaphore_mem>>) src(%dma_wait3A_609 : memref<112x64xf32, #tpu.memory_space<vmem>>) dst(%dma_wait3A_615 : memref<20008x64xf32, #tpu.memory_space<vmem_shared>>)
      %dma_start3A_616 = arith.constant 10 : i32
      %dma_start3A_617 = arith.constant 1 : i32
      %dma_start3A_618 = arith.constant 0 : i32
      %dma_start3A_619 = arith.constant 0 : i32
      %dma_start3A_620 = tpu.memref_slice %arg13[%dma_start3A_617, %dma_start3A_618, %dma_start3A_619] : memref<3x112x64xf32, #tpu.memory_space<vmem>> -> memref<1x112x64xf32, #tpu.memory_space<vmem>>
      %dma_start3A_621 = tpu.memref_squeeze %dma_start3A_620 : memref<1x112x64xf32, #tpu.memory_space<vmem>> -> memref<112x64xf32, #tpu.memory_space<vmem>>
      %dma_start3A_622 = arith.constant 0 : i32
      %dma_start3A_623 = tpu.memref_slice %arg11[%dma_start3A_616, %dma_start3A_622] : memref<12x112xi32, #tpu.memory_space<vmem>> -> memref<1x112xi32, #tpu.memory_space<vmem>>
      %dma_start3A_624 = tpu.memref_squeeze %dma_start3A_623 : memref<1x112xi32, #tpu.memory_space<vmem>> -> memref<112xi32, #tpu.memory_space<vmem>>
      %dma_start3A_625 = arith.constant 0 : i32
      %dma_start3A_626 = arith.constant 0 : i32
      %dma_start3A_627 = tpu.memref_slice %arg2[%dma_start3A_625, %dma_start3A_626] : memref<40000x64xf32, #tpu.memory_space<hbm>> -> memref<40000x64xf32, #tpu.memory_space<hbm>>
      tpu.enqueue_indirect_dma source(%dma_start3A_627 : memref<40000x64xf32, #tpu.memory_space<hbm>>) target(%dma_start3A_621 : memref<112x64xf32, #tpu.memory_space<vmem>>) offsets(%dma_start3A_624 : memref<112xi32, #tpu.memory_space<vmem>>) semaphore(%arg15 : memref<!tpu.dma_semaphore, #tpu.memory_space<semaphore_mem>>)
      %dma_wait3A_628 = arith.constant 8 : i32
      %dma_wait3A_629 = arith.constant 2 : i32
      %dma_wait3A_630 = arith.constant 0 : i32
      %dma_wait3A_631 = arith.constant 0 : i32
      %dma_wait3A_632 = tpu.memref_slice %arg13[%dma_wait3A_629, %dma_wait3A_630, %dma_wait3A_631] : memref<3x112x64xf32, #tpu.memory_space<vmem>> -> memref<1x112x64xf32, #tpu.memory_space<vmem>>
      %dma_wait3A_633 = tpu.memref_squeeze %dma_wait3A_632 : memref<1x112x64xf32, #tpu.memory_space<vmem>> -> memref<112x64xf32, #tpu.memory_space<vmem>>
      %dma_wait3A_634 = arith.constant 0 : i32
      %dma_wait3A_635 = tpu.memref_slice %arg11[%dma_wait3A_628, %dma_wait3A_634] : memref<12x112xi32, #tpu.memory_space<vmem>> -> memref<1x112xi32, #tpu.memory_space<vmem>>
      %dma_wait3A_636 = tpu.memref_squeeze %dma_wait3A_635 : memref<1x112xi32, #tpu.memory_space<vmem>> -> memref<112xi32, #tpu.memory_space<vmem>>
      %dma_wait3A_637 = arith.constant 0 : i32
      %dma_wait3A_638 = arith.constant 0 : i32
      %dma_wait3A_639 = tpu.memref_slice %arg2[%dma_wait3A_637, %dma_wait3A_638] : memref<40000x64xf32, #tpu.memory_space<hbm>> -> memref<40000x64xf32, #tpu.memory_space<hbm>>
      tpu.wait_indirect_dma semaphore(%arg16 : memref<!tpu.dma_semaphore, #tpu.memory_space<semaphore_mem>>) src(%dma_wait3A_639 : memref<40000x64xf32, #tpu.memory_space<hbm>>) dst(%dma_wait3A_633 : memref<112x64xf32, #tpu.memory_space<vmem>>)
      %dma_start3A_640 = arith.constant 2 : i32
      %dma_start3A_641 = arith.constant 8 : i32
      %dma_start3A_642 = arith.constant 0 : i32
      %dma_start3A_643 = arith.constant 0 : i32
      %dma_start3A_644 = tpu.memref_slice %arg13[%dma_start3A_640, %dma_start3A_642, %dma_start3A_643] : memref<3x112x64xf32, #tpu.memory_space<vmem>> -> memref<1x112x64xf32, #tpu.memory_space<vmem>>
      %dma_start3A_645 = tpu.memref_squeeze %dma_start3A_644 : memref<1x112x64xf32, #tpu.memory_space<vmem>> -> memref<112x64xf32, #tpu.memory_space<vmem>>
      %dma_start3A_646 = arith.constant 0 : i32
      %dma_start3A_647 = tpu.memref_slice %arg12[%dma_start3A_641, %dma_start3A_646] : memref<12x112xi32, #tpu.memory_space<vmem>> -> memref<1x112xi32, #tpu.memory_space<vmem>>
      %dma_start3A_648 = tpu.memref_squeeze %dma_start3A_647 : memref<1x112xi32, #tpu.memory_space<vmem>> -> memref<112xi32, #tpu.memory_space<vmem>>
      %dma_start3A_649 = arith.constant 0 : i32
      %dma_start3A_650 = arith.constant 0 : i32
      %dma_start3A_651 = tpu.memref_slice %arg7[%dma_start3A_649, %dma_start3A_650] : memref<20008x64xf32, #tpu.memory_space<vmem_shared>> -> memref<20008x64xf32, #tpu.memory_space<vmem_shared>>
      tpu.enqueue_indirect_dma source(%dma_start3A_645 : memref<112x64xf32, #tpu.memory_space<vmem>>) target(%dma_start3A_651 : memref<20008x64xf32, #tpu.memory_space<vmem_shared>>) offsets(%dma_start3A_648 : memref<112xi32, #tpu.memory_space<vmem>>) semaphore(%arg19 : memref<!tpu.dma_semaphore, #tpu.memory_space<semaphore_mem>>) {add = true}
      %dma_start3A_652 = arith.constant 8 : i32
      %dma_start3A_653 = arith.constant 0 : i32
      %dma_start3A_654 = tpu.memref_slice %arg12[%dma_start3A_652, %dma_start3A_653] : memref<12x112xi32, #tpu.memory_space<vmem>> -> memref<1x112xi32, #tpu.memory_space<vmem>>
      %dma_start3A_655 = tpu.memref_squeeze %dma_start3A_654 : memref<1x112xi32, #tpu.memory_space<vmem>> -> memref<112xi32, #tpu.memory_space<vmem>>
      %dma_start3A_656 = arith.constant 0 : i32
      %dma_start3A_657 = arith.constant 0 : i32
      %dma_start3A_658 = tpu.memref_slice %arg8[%dma_start3A_656, %dma_start3A_657] : memref<20008x16xf32, #tpu.memory_space<vmem_shared>> -> memref<20008x16xf32, #tpu.memory_space<vmem_shared>>
      tpu.enqueue_indirect_dma source(%arg9 : memref<112x16xf32, #tpu.memory_space<vmem>>) target(%dma_start3A_658 : memref<20008x16xf32, #tpu.memory_space<vmem_shared>>) offsets(%dma_start3A_655 : memref<112xi32, #tpu.memory_space<vmem>>) semaphore(%arg20 : memref<!tpu.dma_semaphore, #tpu.memory_space<semaphore_mem>>) {add = true}
      %dma_wait3A_659 = arith.constant 2 : i32
      %dma_wait3A_660 = arith.constant 0 : i32
      %dma_wait3A_661 = arith.constant 0 : i32
      %dma_wait3A_662 = arith.constant 0 : i32
      %dma_wait3A_663 = tpu.memref_slice %arg13[%dma_wait3A_659, %dma_wait3A_661, %dma_wait3A_662] : memref<3x112x64xf32, #tpu.memory_space<vmem>> -> memref<1x112x64xf32, #tpu.memory_space<vmem>>
      %dma_wait3A_664 = tpu.memref_squeeze %dma_wait3A_663 : memref<1x112x64xf32, #tpu.memory_space<vmem>> -> memref<112x64xf32, #tpu.memory_space<vmem>>
      %dma_wait3A_665 = arith.constant 0 : i32
      %dma_wait3A_666 = tpu.memref_slice %arg12[%dma_wait3A_660, %dma_wait3A_665] : memref<12x112xi32, #tpu.memory_space<vmem>> -> memref<1x112xi32, #tpu.memory_space<vmem>>
      %dma_wait3A_667 = tpu.memref_squeeze %dma_wait3A_666 : memref<1x112xi32, #tpu.memory_space<vmem>> -> memref<112xi32, #tpu.memory_space<vmem>>
      %dma_wait3A_668 = arith.constant 0 : i32
      %dma_wait3A_669 = arith.constant 0 : i32
      %dma_wait3A_670 = tpu.memref_slice %arg7[%dma_wait3A_668, %dma_wait3A_669] : memref<20008x64xf32, #tpu.memory_space<vmem_shared>> -> memref<20008x64xf32, #tpu.memory_space<vmem_shared>>
      tpu.wait_indirect_dma semaphore(%arg19 : memref<!tpu.dma_semaphore, #tpu.memory_space<semaphore_mem>>) src(%dma_wait3A_664 : memref<112x64xf32, #tpu.memory_space<vmem>>) dst(%dma_wait3A_670 : memref<20008x64xf32, #tpu.memory_space<vmem_shared>>)
      %dma_start3A_671 = arith.constant 11 : i32
      %dma_start3A_672 = arith.constant 2 : i32
      %dma_start3A_673 = arith.constant 0 : i32
      %dma_start3A_674 = arith.constant 0 : i32
      %dma_start3A_675 = tpu.memref_slice %arg13[%dma_start3A_672, %dma_start3A_673, %dma_start3A_674] : memref<3x112x64xf32, #tpu.memory_space<vmem>> -> memref<1x112x64xf32, #tpu.memory_space<vmem>>
      %dma_start3A_676 = tpu.memref_squeeze %dma_start3A_675 : memref<1x112x64xf32, #tpu.memory_space<vmem>> -> memref<112x64xf32, #tpu.memory_space<vmem>>
      %dma_start3A_677 = arith.constant 0 : i32
      %dma_start3A_678 = tpu.memref_slice %arg11[%dma_start3A_671, %dma_start3A_677] : memref<12x112xi32, #tpu.memory_space<vmem>> -> memref<1x112xi32, #tpu.memory_space<vmem>>
      %dma_start3A_679 = tpu.memref_squeeze %dma_start3A_678 : memref<1x112xi32, #tpu.memory_space<vmem>> -> memref<112xi32, #tpu.memory_space<vmem>>
      %dma_start3A_680 = arith.constant 0 : i32
      %dma_start3A_681 = arith.constant 0 : i32
      %dma_start3A_682 = tpu.memref_slice %arg2[%dma_start3A_680, %dma_start3A_681] : memref<40000x64xf32, #tpu.memory_space<hbm>> -> memref<40000x64xf32, #tpu.memory_space<hbm>>
      tpu.enqueue_indirect_dma source(%dma_start3A_682 : memref<40000x64xf32, #tpu.memory_space<hbm>>) target(%dma_start3A_676 : memref<112x64xf32, #tpu.memory_space<vmem>>) offsets(%dma_start3A_679 : memref<112xi32, #tpu.memory_space<vmem>>) semaphore(%arg16 : memref<!tpu.dma_semaphore, #tpu.memory_space<semaphore_mem>>)
      %dma_wait3A_683 = arith.constant 9 : i32
      %dma_wait3A_684 = arith.constant 0 : i32
      %dma_wait3A_685 = arith.constant 0 : i32
      %dma_wait3A_686 = arith.constant 0 : i32
      %dma_wait3A_687 = tpu.memref_slice %arg13[%dma_wait3A_684, %dma_wait3A_685, %dma_wait3A_686] : memref<3x112x64xf32, #tpu.memory_space<vmem>> -> memref<1x112x64xf32, #tpu.memory_space<vmem>>
      %dma_wait3A_688 = tpu.memref_squeeze %dma_wait3A_687 : memref<1x112x64xf32, #tpu.memory_space<vmem>> -> memref<112x64xf32, #tpu.memory_space<vmem>>
      %dma_wait3A_689 = arith.constant 0 : i32
      %dma_wait3A_690 = tpu.memref_slice %arg11[%dma_wait3A_683, %dma_wait3A_689] : memref<12x112xi32, #tpu.memory_space<vmem>> -> memref<1x112xi32, #tpu.memory_space<vmem>>
      %dma_wait3A_691 = tpu.memref_squeeze %dma_wait3A_690 : memref<1x112xi32, #tpu.memory_space<vmem>> -> memref<112xi32, #tpu.memory_space<vmem>>
      %dma_wait3A_692 = arith.constant 0 : i32
      %dma_wait3A_693 = arith.constant 0 : i32
      %dma_wait3A_694 = tpu.memref_slice %arg2[%dma_wait3A_692, %dma_wait3A_693] : memref<40000x64xf32, #tpu.memory_space<hbm>> -> memref<40000x64xf32, #tpu.memory_space<hbm>>
      tpu.wait_indirect_dma semaphore(%arg14 : memref<!tpu.dma_semaphore, #tpu.memory_space<semaphore_mem>>) src(%dma_wait3A_694 : memref<40000x64xf32, #tpu.memory_space<hbm>>) dst(%dma_wait3A_688 : memref<112x64xf32, #tpu.memory_space<vmem>>)
      %dma_start3A_695 = arith.constant 0 : i32
      %dma_start3A_696 = arith.constant 9 : i32
      %dma_start3A_697 = arith.constant 0 : i32
      %dma_start3A_698 = arith.constant 0 : i32
      %dma_start3A_699 = tpu.memref_slice %arg13[%dma_start3A_695, %dma_start3A_697, %dma_start3A_698] : memref<3x112x64xf32, #tpu.memory_space<vmem>> -> memref<1x112x64xf32, #tpu.memory_space<vmem>>
      %dma_start3A_700 = tpu.memref_squeeze %dma_start3A_699 : memref<1x112x64xf32, #tpu.memory_space<vmem>> -> memref<112x64xf32, #tpu.memory_space<vmem>>
      %dma_start3A_701 = arith.constant 0 : i32
      %dma_start3A_702 = tpu.memref_slice %arg12[%dma_start3A_696, %dma_start3A_701] : memref<12x112xi32, #tpu.memory_space<vmem>> -> memref<1x112xi32, #tpu.memory_space<vmem>>
      %dma_start3A_703 = tpu.memref_squeeze %dma_start3A_702 : memref<1x112xi32, #tpu.memory_space<vmem>> -> memref<112xi32, #tpu.memory_space<vmem>>
      %dma_start3A_704 = arith.constant 0 : i32
      %dma_start3A_705 = arith.constant 0 : i32
      %dma_start3A_706 = tpu.memref_slice %arg7[%dma_start3A_704, %dma_start3A_705] : memref<20008x64xf32, #tpu.memory_space<vmem_shared>> -> memref<20008x64xf32, #tpu.memory_space<vmem_shared>>
      tpu.enqueue_indirect_dma source(%dma_start3A_700 : memref<112x64xf32, #tpu.memory_space<vmem>>) target(%dma_start3A_706 : memref<20008x64xf32, #tpu.memory_space<vmem_shared>>) offsets(%dma_start3A_703 : memref<112xi32, #tpu.memory_space<vmem>>) semaphore(%arg17 : memref<!tpu.dma_semaphore, #tpu.memory_space<semaphore_mem>>) {add = true}
      %dma_start3A_707 = arith.constant 9 : i32
      %dma_start3A_708 = arith.constant 0 : i32
      %dma_start3A_709 = tpu.memref_slice %arg12[%dma_start3A_707, %dma_start3A_708] : memref<12x112xi32, #tpu.memory_space<vmem>> -> memref<1x112xi32, #tpu.memory_space<vmem>>
      %dma_start3A_710 = tpu.memref_squeeze %dma_start3A_709 : memref<1x112xi32, #tpu.memory_space<vmem>> -> memref<112xi32, #tpu.memory_space<vmem>>
      %dma_start3A_711 = arith.constant 0 : i32
      %dma_start3A_712 = arith.constant 0 : i32
      %dma_start3A_713 = tpu.memref_slice %arg8[%dma_start3A_711, %dma_start3A_712] : memref<20008x16xf32, #tpu.memory_space<vmem_shared>> -> memref<20008x16xf32, #tpu.memory_space<vmem_shared>>
      tpu.enqueue_indirect_dma source(%arg9 : memref<112x16xf32, #tpu.memory_space<vmem>>) target(%dma_start3A_713 : memref<20008x16xf32, #tpu.memory_space<vmem_shared>>) offsets(%dma_start3A_710 : memref<112xi32, #tpu.memory_space<vmem>>) semaphore(%arg20 : memref<!tpu.dma_semaphore, #tpu.memory_space<semaphore_mem>>) {add = true}
      %dma_wait3A_714 = arith.constant 10 : i32
      %dma_wait3A_715 = arith.constant 1 : i32
      %dma_wait3A_716 = arith.constant 0 : i32
      %dma_wait3A_717 = arith.constant 0 : i32
      %dma_wait3A_718 = tpu.memref_slice %arg13[%dma_wait3A_715, %dma_wait3A_716, %dma_wait3A_717] : memref<3x112x64xf32, #tpu.memory_space<vmem>> -> memref<1x112x64xf32, #tpu.memory_space<vmem>>
      %dma_wait3A_719 = tpu.memref_squeeze %dma_wait3A_718 : memref<1x112x64xf32, #tpu.memory_space<vmem>> -> memref<112x64xf32, #tpu.memory_space<vmem>>
      %dma_wait3A_720 = arith.constant 0 : i32
      %dma_wait3A_721 = tpu.memref_slice %arg11[%dma_wait3A_714, %dma_wait3A_720] : memref<12x112xi32, #tpu.memory_space<vmem>> -> memref<1x112xi32, #tpu.memory_space<vmem>>
      %dma_wait3A_722 = tpu.memref_squeeze %dma_wait3A_721 : memref<1x112xi32, #tpu.memory_space<vmem>> -> memref<112xi32, #tpu.memory_space<vmem>>
      %dma_wait3A_723 = arith.constant 0 : i32
      %dma_wait3A_724 = arith.constant 0 : i32
      %dma_wait3A_725 = tpu.memref_slice %arg2[%dma_wait3A_723, %dma_wait3A_724] : memref<40000x64xf32, #tpu.memory_space<hbm>> -> memref<40000x64xf32, #tpu.memory_space<hbm>>
      tpu.wait_indirect_dma semaphore(%arg15 : memref<!tpu.dma_semaphore, #tpu.memory_space<semaphore_mem>>) src(%dma_wait3A_725 : memref<40000x64xf32, #tpu.memory_space<hbm>>) dst(%dma_wait3A_719 : memref<112x64xf32, #tpu.memory_space<vmem>>)
      %dma_start3A_726 = arith.constant 1 : i32
      %dma_start3A_727 = arith.constant 10 : i32
      %dma_start3A_728 = arith.constant 0 : i32
      %dma_start3A_729 = arith.constant 0 : i32
      %dma_start3A_730 = tpu.memref_slice %arg13[%dma_start3A_726, %dma_start3A_728, %dma_start3A_729] : memref<3x112x64xf32, #tpu.memory_space<vmem>> -> memref<1x112x64xf32, #tpu.memory_space<vmem>>
      %dma_start3A_731 = tpu.memref_squeeze %dma_start3A_730 : memref<1x112x64xf32, #tpu.memory_space<vmem>> -> memref<112x64xf32, #tpu.memory_space<vmem>>
      %dma_start3A_732 = arith.constant 0 : i32
      %dma_start3A_733 = tpu.memref_slice %arg12[%dma_start3A_727, %dma_start3A_732] : memref<12x112xi32, #tpu.memory_space<vmem>> -> memref<1x112xi32, #tpu.memory_space<vmem>>
      %dma_start3A_734 = tpu.memref_squeeze %dma_start3A_733 : memref<1x112xi32, #tpu.memory_space<vmem>> -> memref<112xi32, #tpu.memory_space<vmem>>
      %dma_start3A_735 = arith.constant 0 : i32
      %dma_start3A_736 = arith.constant 0 : i32
      %dma_start3A_737 = tpu.memref_slice %arg7[%dma_start3A_735, %dma_start3A_736] : memref<20008x64xf32, #tpu.memory_space<vmem_shared>> -> memref<20008x64xf32, #tpu.memory_space<vmem_shared>>
      tpu.enqueue_indirect_dma source(%dma_start3A_731 : memref<112x64xf32, #tpu.memory_space<vmem>>) target(%dma_start3A_737 : memref<20008x64xf32, #tpu.memory_space<vmem_shared>>) offsets(%dma_start3A_734 : memref<112xi32, #tpu.memory_space<vmem>>) semaphore(%arg18 : memref<!tpu.dma_semaphore, #tpu.memory_space<semaphore_mem>>) {add = true}
      %dma_start3A_738 = arith.constant 10 : i32
      %dma_start3A_739 = arith.constant 0 : i32
      %dma_start3A_740 = tpu.memref_slice %arg12[%dma_start3A_738, %dma_start3A_739] : memref<12x112xi32, #tpu.memory_space<vmem>> -> memref<1x112xi32, #tpu.memory_space<vmem>>
      %dma_start3A_741 = tpu.memref_squeeze %dma_start3A_740 : memref<1x112xi32, #tpu.memory_space<vmem>> -> memref<112xi32, #tpu.memory_space<vmem>>
      %dma_start3A_742 = arith.constant 0 : i32
      %dma_start3A_743 = arith.constant 0 : i32
      %dma_start3A_744 = tpu.memref_slice %arg8[%dma_start3A_742, %dma_start3A_743] : memref<20008x16xf32, #tpu.memory_space<vmem_shared>> -> memref<20008x16xf32, #tpu.memory_space<vmem_shared>>
      tpu.enqueue_indirect_dma source(%arg9 : memref<112x16xf32, #tpu.memory_space<vmem>>) target(%dma_start3A_744 : memref<20008x16xf32, #tpu.memory_space<vmem_shared>>) offsets(%dma_start3A_741 : memref<112xi32, #tpu.memory_space<vmem>>) semaphore(%arg20 : memref<!tpu.dma_semaphore, #tpu.memory_space<semaphore_mem>>) {add = true}
      %dma_wait3A_745 = arith.constant 11 : i32
      %dma_wait3A_746 = arith.constant 2 : i32
      %dma_wait3A_747 = arith.constant 0 : i32
      %dma_wait3A_748 = arith.constant 0 : i32
      %dma_wait3A_749 = tpu.memref_slice %arg13[%dma_wait3A_746, %dma_wait3A_747, %dma_wait3A_748] : memref<3x112x64xf32, #tpu.memory_space<vmem>> -> memref<1x112x64xf32, #tpu.memory_space<vmem>>
      %dma_wait3A_750 = tpu.memref_squeeze %dma_wait3A_749 : memref<1x112x64xf32, #tpu.memory_space<vmem>> -> memref<112x64xf32, #tpu.memory_space<vmem>>
      %dma_wait3A_751 = arith.constant 0 : i32
      %dma_wait3A_752 = tpu.memref_slice %arg11[%dma_wait3A_745, %dma_wait3A_751] : memref<12x112xi32, #tpu.memory_space<vmem>> -> memref<1x112xi32, #tpu.memory_space<vmem>>
      %dma_wait3A_753 = tpu.memref_squeeze %dma_wait3A_752 : memref<1x112xi32, #tpu.memory_space<vmem>> -> memref<112xi32, #tpu.memory_space<vmem>>
      %dma_wait3A_754 = arith.constant 0 : i32
      %dma_wait3A_755 = arith.constant 0 : i32
      %dma_wait3A_756 = tpu.memref_slice %arg2[%dma_wait3A_754, %dma_wait3A_755] : memref<40000x64xf32, #tpu.memory_space<hbm>> -> memref<40000x64xf32, #tpu.memory_space<hbm>>
      tpu.wait_indirect_dma semaphore(%arg16 : memref<!tpu.dma_semaphore, #tpu.memory_space<semaphore_mem>>) src(%dma_wait3A_756 : memref<40000x64xf32, #tpu.memory_space<hbm>>) dst(%dma_wait3A_750 : memref<112x64xf32, #tpu.memory_space<vmem>>)
      %dma_start3A_757 = arith.constant 2 : i32
      %dma_start3A_758 = arith.constant 11 : i32
      %dma_start3A_759 = arith.constant 0 : i32
      %dma_start3A_760 = arith.constant 0 : i32
      %dma_start3A_761 = tpu.memref_slice %arg13[%dma_start3A_757, %dma_start3A_759, %dma_start3A_760] : memref<3x112x64xf32, #tpu.memory_space<vmem>> -> memref<1x112x64xf32, #tpu.memory_space<vmem>>
      %dma_start3A_762 = tpu.memref_squeeze %dma_start3A_761 : memref<1x112x64xf32, #tpu.memory_space<vmem>> -> memref<112x64xf32, #tpu.memory_space<vmem>>
      %dma_start3A_763 = arith.constant 0 : i32
      %dma_start3A_764 = tpu.memref_slice %arg12[%dma_start3A_758, %dma_start3A_763] : memref<12x112xi32, #tpu.memory_space<vmem>> -> memref<1x112xi32, #tpu.memory_space<vmem>>
      %dma_start3A_765 = tpu.memref_squeeze %dma_start3A_764 : memref<1x112xi32, #tpu.memory_space<vmem>> -> memref<112xi32, #tpu.memory_space<vmem>>
      %dma_start3A_766 = arith.constant 0 : i32
      %dma_start3A_767 = arith.constant 0 : i32
      %dma_start3A_768 = tpu.memref_slice %arg7[%dma_start3A_766, %dma_start3A_767] : memref<20008x64xf32, #tpu.memory_space<vmem_shared>> -> memref<20008x64xf32, #tpu.memory_space<vmem_shared>>
      tpu.enqueue_indirect_dma source(%dma_start3A_762 : memref<112x64xf32, #tpu.memory_space<vmem>>) target(%dma_start3A_768 : memref<20008x64xf32, #tpu.memory_space<vmem_shared>>) offsets(%dma_start3A_765 : memref<112xi32, #tpu.memory_space<vmem>>) semaphore(%arg19 : memref<!tpu.dma_semaphore, #tpu.memory_space<semaphore_mem>>) {add = true}
      %dma_start3A_769 = arith.constant 11 : i32
      %dma_start3A_770 = arith.constant 0 : i32
      %dma_start3A_771 = tpu.memref_slice %arg12[%dma_start3A_769, %dma_start3A_770] : memref<12x112xi32, #tpu.memory_space<vmem>> -> memref<1x112xi32, #tpu.memory_space<vmem>>
      %dma_start3A_772 = tpu.memref_squeeze %dma_start3A_771 : memref<1x112xi32, #tpu.memory_space<vmem>> -> memref<112xi32, #tpu.memory_space<vmem>>
      %dma_start3A_773 = arith.constant 0 : i32
      %dma_start3A_774 = arith.constant 0 : i32
      %dma_start3A_775 = tpu.memref_slice %arg8[%dma_start3A_773, %dma_start3A_774] : memref<20008x16xf32, #tpu.memory_space<vmem_shared>> -> memref<20008x16xf32, #tpu.memory_space<vmem_shared>>
      tpu.enqueue_indirect_dma source(%arg9 : memref<112x16xf32, #tpu.memory_space<vmem>>) target(%dma_start3A_775 : memref<20008x16xf32, #tpu.memory_space<vmem_shared>>) offsets(%dma_start3A_772 : memref<112xi32, #tpu.memory_space<vmem>>) semaphore(%arg20 : memref<!tpu.dma_semaphore, #tpu.memory_space<semaphore_mem>>) {add = true}
    }
    %scan3A_63 = arith.constant 15 : i32
    %dma_wait3A = arith.constant 0 : i32
    %dma_wait3A_64 = arith.constant 0 : i32
    %dma_wait3A_65 = arith.constant 0 : i32
    %dma_wait3A_66 = arith.constant 0 : i32
    %dma_wait3A_67 = tpu.memref_slice %arg13[%dma_wait3A, %dma_wait3A_65, %dma_wait3A_66] : memref<3x112x64xf32, #tpu.memory_space<vmem>> -> memref<1x112x64xf32, #tpu.memory_space<vmem>>
    %dma_wait3A_68 = tpu.memref_squeeze %dma_wait3A_67 : memref<1x112x64xf32, #tpu.memory_space<vmem>> -> memref<112x64xf32, #tpu.memory_space<vmem>>
    %dma_wait3A_69 = arith.constant 0 : i32
    %dma_wait3A_70 = tpu.memref_slice %arg12[%dma_wait3A_64, %dma_wait3A_69] : memref<12x112xi32, #tpu.memory_space<vmem>> -> memref<1x112xi32, #tpu.memory_space<vmem>>
    %dma_wait3A_71 = tpu.memref_squeeze %dma_wait3A_70 : memref<1x112xi32, #tpu.memory_space<vmem>> -> memref<112xi32, #tpu.memory_space<vmem>>
    %dma_wait3A_72 = arith.constant 0 : i32
    %dma_wait3A_73 = arith.constant 0 : i32
    %dma_wait3A_74 = tpu.memref_slice %arg7[%dma_wait3A_72, %dma_wait3A_73] : memref<20008x64xf32, #tpu.memory_space<vmem_shared>> -> memref<20008x64xf32, #tpu.memory_space<vmem_shared>>
    tpu.wait_indirect_dma semaphore(%arg17 : memref<!tpu.dma_semaphore, #tpu.memory_space<semaphore_mem>>) src(%dma_wait3A_68 : memref<112x64xf32, #tpu.memory_space<vmem>>) dst(%dma_wait3A_74 : memref<20008x64xf32, #tpu.memory_space<vmem_shared>>)
    %dma_wait3A_75 = arith.constant 1 : i32
    %dma_wait3A_76 = arith.constant 0 : i32
    %dma_wait3A_77 = arith.constant 0 : i32
    %dma_wait3A_78 = arith.constant 0 : i32
    %dma_wait3A_79 = tpu.memref_slice %arg13[%dma_wait3A_75, %dma_wait3A_77, %dma_wait3A_78] : memref<3x112x64xf32, #tpu.memory_space<vmem>> -> memref<1x112x64xf32, #tpu.memory_space<vmem>>
    %dma_wait3A_80 = tpu.memref_squeeze %dma_wait3A_79 : memref<1x112x64xf32, #tpu.memory_space<vmem>> -> memref<112x64xf32, #tpu.memory_space<vmem>>
    %dma_wait3A_81 = arith.constant 0 : i32
    %dma_wait3A_82 = tpu.memref_slice %arg12[%dma_wait3A_76, %dma_wait3A_81] : memref<12x112xi32, #tpu.memory_space<vmem>> -> memref<1x112xi32, #tpu.memory_space<vmem>>
    %dma_wait3A_83 = tpu.memref_squeeze %dma_wait3A_82 : memref<1x112xi32, #tpu.memory_space<vmem>> -> memref<112xi32, #tpu.memory_space<vmem>>
    %dma_wait3A_84 = arith.constant 0 : i32
    %dma_wait3A_85 = arith.constant 0 : i32
    %dma_wait3A_86 = tpu.memref_slice %arg7[%dma_wait3A_84, %dma_wait3A_85] : memref<20008x64xf32, #tpu.memory_space<vmem_shared>> -> memref<20008x64xf32, #tpu.memory_space<vmem_shared>>
    tpu.wait_indirect_dma semaphore(%arg18 : memref<!tpu.dma_semaphore, #tpu.memory_space<semaphore_mem>>) src(%dma_wait3A_80 : memref<112x64xf32, #tpu.memory_space<vmem>>) dst(%dma_wait3A_86 : memref<20008x64xf32, #tpu.memory_space<vmem_shared>>)
    %dma_wait3A_87 = arith.constant 2 : i32
    %dma_wait3A_88 = arith.constant 0 : i32
    %dma_wait3A_89 = arith.constant 0 : i32
    %dma_wait3A_90 = arith.constant 0 : i32
    %dma_wait3A_91 = tpu.memref_slice %arg13[%dma_wait3A_87, %dma_wait3A_89, %dma_wait3A_90] : memref<3x112x64xf32, #tpu.memory_space<vmem>> -> memref<1x112x64xf32, #tpu.memory_space<vmem>>
    %dma_wait3A_92 = tpu.memref_squeeze %dma_wait3A_91 : memref<1x112x64xf32, #tpu.memory_space<vmem>> -> memref<112x64xf32, #tpu.memory_space<vmem>>
    %dma_wait3A_93 = arith.constant 0 : i32
    %dma_wait3A_94 = tpu.memref_slice %arg12[%dma_wait3A_88, %dma_wait3A_93] : memref<12x112xi32, #tpu.memory_space<vmem>> -> memref<1x112xi32, #tpu.memory_space<vmem>>
    %dma_wait3A_95 = tpu.memref_squeeze %dma_wait3A_94 : memref<1x112xi32, #tpu.memory_space<vmem>> -> memref<112xi32, #tpu.memory_space<vmem>>
    %dma_wait3A_96 = arith.constant 0 : i32
    %dma_wait3A_97 = arith.constant 0 : i32
    %dma_wait3A_98 = tpu.memref_slice %arg7[%dma_wait3A_96, %dma_wait3A_97] : memref<20008x64xf32, #tpu.memory_space<vmem_shared>> -> memref<20008x64xf32, #tpu.memory_space<vmem_shared>>
    tpu.wait_indirect_dma semaphore(%arg19 : memref<!tpu.dma_semaphore, #tpu.memory_space<semaphore_mem>>) src(%dma_wait3A_92 : memref<112x64xf32, #tpu.memory_space<vmem>>) dst(%dma_wait3A_98 : memref<20008x64xf32, #tpu.memory_space<vmem_shared>>)
    %scan3A_99 = arith.constant 0 : i32
    %scan3A_100 = arith.constant 0 : i32
    %scan3A_101 = arith.constant 180 : i32
    %scan3A_102 = arith.addi %scan3A_100, %scan3A_101 : i32
    %scan3A_103 = arith.constant 1 : i32
    scf.for %scan3A_112 = %scan3A_100 to %scan3A_102 step %scan3A_103  : i32 {
      %dma_wait3A_113 = arith.constant 0 : i32
      %dma_wait3A_114 = arith.constant 0 : i32
      %dma_wait3A_115 = tpu.memref_slice %arg12[%dma_wait3A_113, %dma_wait3A_114] : memref<12x112xi32, #tpu.memory_space<vmem>> -> memref<1x112xi32, #tpu.memory_space<vmem>>
      %dma_wait3A_116 = tpu.memref_squeeze %dma_wait3A_115 : memref<1x112xi32, #tpu.memory_space<vmem>> -> memref<112xi32, #tpu.memory_space<vmem>>
      %dma_wait3A_117 = arith.constant 0 : i32
      %dma_wait3A_118 = arith.constant 0 : i32
      %dma_wait3A_119 = tpu.memref_slice %arg8[%dma_wait3A_117, %dma_wait3A_118] : memref<20008x16xf32, #tpu.memory_space<vmem_shared>> -> memref<20008x16xf32, #tpu.memory_space<vmem_shared>>
      tpu.wait_indirect_dma semaphore(%arg20 : memref<!tpu.dma_semaphore, #tpu.memory_space<semaphore_mem>>) src(%arg9 : memref<112x16xf32, #tpu.memory_space<vmem>>) dst(%dma_wait3A_119 : memref<20008x16xf32, #tpu.memory_space<vmem_shared>>)
    }
    %scan3A_104 = arith.constant 180 : i32
    %barrier3A_105 = arith.constant 0 : index
    tpu.barrier barrier_id(%barrier3A_105)
    %scan3A_106 = arith.constant 0 : i32
    %scan3A_107 = arith.constant 0 : i32
    %scan3A_108 = arith.constant 2 : i32
    %scan3A_109 = arith.addi %scan3A_107, %scan3A_108 : i32
    %scan3A_110 = arith.constant 1 : i32
    scf.for %scan3A_112 = %scan3A_107 to %scan3A_109 step %scan3A_110  : i32 {
      %mul3A = arith.constant 16 : i32
      %mul3A_113 = arith.muli %mul3A, %scan3A_112 : i32
      %add3A = arith.addi %arg1, %mul3A_113 : i32
      %lt3A = arith.constant 20 : i32
      %lt3A_114 = arith.cmpi slt, %add3A, %lt3A : i32
      %convert_element_type3A = arith.extui %lt3A_114 : i1 to i32
      %cond3A = arith.constant 0 : i32
      %cond3A_115 = arith.cmpi ne, %convert_element_type3A, %cond3A : i32
      scf.if %cond3A_115 {
        %mul3A_116 = arith.constant 1000 : i32
        %mul3A_117 = arith.muli %add3A, %mul3A_116 : i32
        %mul3A_118 = arith.constant 1000 : i32
        %mul3A_119 = arith.muli %add3A, %mul3A_118 : i32
        "tpu.region"() ({
          %run_scoped3A = tpu.sem_alloc : memref<!tpu.dma_semaphore, #tpu.memory_space<semaphore_mem>>
          %dma_start3A_124 = arith.constant 0 : i32
          %dma_start3A_125 = tpu.memref_slice %arg5[%arg0, %mul3A_119, %dma_start3A_124] : memref<2x20000x64xf32, #tpu.memory_space<hbm>> -> memref<1x1000x64xf32, #tpu.memory_space<hbm>>
          %dma_start3A_126 = tpu.memref_squeeze %dma_start3A_125 : memref<1x1000x64xf32, #tpu.memory_space<hbm>> -> memref<1000x64xf32, #tpu.memory_space<hbm>>
          %dma_start3A_127 = arith.constant 0 : i32
          %dma_start3A_128 = tpu.memref_slice %arg7[%mul3A_117, %dma_start3A_127] : memref<20008x64xf32, #tpu.memory_space<vmem_shared>> -> memref<1000x64xf32, #tpu.memory_space<vmem_shared>>
          tpu.enqueue_dma source(%dma_start3A_128 : memref<1000x64xf32, #tpu.memory_space<vmem_shared>>) target(%dma_start3A_126 : memref<1000x64xf32, #tpu.memory_space<hbm>>) target_semaphore(%run_scoped3A : memref<!tpu.dma_semaphore, #tpu.memory_space<semaphore_mem>>)
          %dma_wait3A_129 = arith.constant 0 : i32
          %dma_wait3A_130 = tpu.memref_slice %arg5[%arg0, %mul3A_119, %dma_wait3A_129] : memref<2x20000x64xf32, #tpu.memory_space<hbm>> -> memref<1x1000x64xf32, #tpu.memory_space<hbm>>
          %dma_wait3A_131 = tpu.memref_squeeze %dma_wait3A_130 : memref<1x1000x64xf32, #tpu.memory_space<hbm>> -> memref<1000x64xf32, #tpu.memory_space<hbm>>
          %dma_wait3A_132 = arith.constant 0 : i32
          %dma_wait3A_133 = tpu.memref_slice %arg7[%mul3A_117, %dma_wait3A_132] : memref<20008x64xf32, #tpu.memory_space<vmem_shared>> -> memref<1000x64xf32, #tpu.memory_space<vmem_shared>>
          tpu.wait_dma2 semaphore(%run_scoped3A : memref<!tpu.dma_semaphore, #tpu.memory_space<semaphore_mem>>) src(%dma_wait3A_133 : memref<1000x64xf32, #tpu.memory_space<vmem_shared>>) dst(%dma_wait3A_131 : memref<1000x64xf32, #tpu.memory_space<hbm>>)
          tpu.yield
        }) : () -> ()
        %mul3A_120 = arith.constant 1000 : i32
        %mul3A_121 = arith.muli %add3A, %mul3A_120 : i32
        %mul3A_122 = arith.constant 1000 : i32
        %mul3A_123 = arith.muli %add3A, %mul3A_122 : i32
        "tpu.region"() ({
          %run_scoped3A = tpu.sem_alloc : memref<!tpu.dma_semaphore, #tpu.memory_space<semaphore_mem>>
          %dma_start3A_124 = arith.constant 0 : i32
          %dma_start3A_125 = tpu.memref_slice %arg6[%arg0, %mul3A_123, %dma_start3A_124] : memref<2x20000x16xf32, #tpu.memory_space<hbm>> -> memref<1x1000x16xf32, #tpu.memory_space<hbm>>
          %dma_start3A_126 = tpu.memref_squeeze %dma_start3A_125 : memref<1x1000x16xf32, #tpu.memory_space<hbm>> -> memref<1000x16xf32, #tpu.memory_space<hbm>>
          %dma_start3A_127 = arith.constant 0 : i32
          %dma_start3A_128 = tpu.memref_slice %arg8[%mul3A_121, %dma_start3A_127] : memref<20008x16xf32, #tpu.memory_space<vmem_shared>> -> memref<1000x16xf32, #tpu.memory_space<vmem_shared>>
          tpu.enqueue_dma source(%dma_start3A_128 : memref<1000x16xf32, #tpu.memory_space<vmem_shared>>) target(%dma_start3A_126 : memref<1000x16xf32, #tpu.memory_space<hbm>>) target_semaphore(%run_scoped3A : memref<!tpu.dma_semaphore, #tpu.memory_space<semaphore_mem>>)
          %dma_wait3A_129 = arith.constant 0 : i32
          %dma_wait3A_130 = tpu.memref_slice %arg6[%arg0, %mul3A_123, %dma_wait3A_129] : memref<2x20000x16xf32, #tpu.memory_space<hbm>> -> memref<1x1000x16xf32, #tpu.memory_space<hbm>>
          %dma_wait3A_131 = tpu.memref_squeeze %dma_wait3A_130 : memref<1x1000x16xf32, #tpu.memory_space<hbm>> -> memref<1000x16xf32, #tpu.memory_space<hbm>>
          %dma_wait3A_132 = arith.constant 0 : i32
          %dma_wait3A_133 = tpu.memref_slice %arg8[%mul3A_121, %dma_wait3A_132] : memref<20008x16xf32, #tpu.memory_space<vmem_shared>> -> memref<1000x16xf32, #tpu.memory_space<vmem_shared>>
          tpu.wait_dma2 semaphore(%run_scoped3A : memref<!tpu.dma_semaphore, #tpu.memory_space<semaphore_mem>>) src(%dma_wait3A_133 : memref<1000x16xf32, #tpu.memory_space<vmem_shared>>) dst(%dma_wait3A_131 : memref<1000x16xf32, #tpu.memory_space<hbm>>)
          tpu.yield
        }) : () -> ()
      } else {
      }
    }
    %scan3A_111 = arith.constant 2 : i32
    return
  }
}

module attributes {stable_mosaic.version = 14 : i64} {
  func.func @_k1_body(%arg0: i32, %arg1: memref<1000x11xf32, #tpu.memory_space<vmem>>, %arg2: memref<11x128xf32, #tpu.memory_space<vmem>>, %arg3: memref<1x128xf32, #tpu.memory_space<vmem>>, %arg4: memref<128x128xf32, #tpu.memory_space<vmem>>, %arg5: memref<1x128xf32, #tpu.memory_space<vmem>>, %arg6: memref<2x128x128xf32, #tpu.memory_space<vmem>>, %arg7: memref<1000x128xf32, #tpu.memory_space<vmem>>, %arg8: memref<4x1000x64xf32, #tpu.memory_space<vmem>>) attributes {dimension_semantics = [#tpu.dimension_semantics<arbitrary>], iteration_bounds = array<i64: 10>, scalar_prefetch = 0 : i64, scratch_operands = 0 : i64, tpu.core_type = #tpu.core_type<tc>, window_params = [{transform_indices = @transform_0, window_bounds = array<i64: 1000, 11>}, {pipeline_mode = #tpu.pipeline_mode<synchronous>, transform_indices = @transform_1, window_bounds = array<i64: 11, 128>}, {pipeline_mode = #tpu.pipeline_mode<synchronous>, transform_indices = @transform_2, window_bounds = array<i64: 1, 128>}, {pipeline_mode = #tpu.pipeline_mode<synchronous>, transform_indices = @transform_3, window_bounds = array<i64: 128, 128>}, {pipeline_mode = #tpu.pipeline_mode<synchronous>, transform_indices = @transform_4, window_bounds = array<i64: 1, 128>}, {pipeline_mode = #tpu.pipeline_mode<synchronous>, transform_indices = @transform_5, window_bounds = array<i64: 2, 128, 128>}, {transform_indices = @transform_6, window_bounds = array<i64: 1000, 128>}, {transform_indices = @transform_7, window_bounds = array<i64: 4, 1000, 64>}]} {
    %get3A = arith.constant 0 : index
    %get3A_0 = arith.constant 0 : index
    %get3A_1 = vector.load %arg1[%get3A, %get3A_0] : memref<1000x11xf32, #tpu.memory_space<vmem>>, vector<1000x11xf32>
    %get3A_2 = arith.constant 0 : index
    %get3A_3 = arith.constant 0 : index
    %get3A_4 = vector.load %arg2[%get3A_2, %get3A_3] : memref<11x128xf32, #tpu.memory_space<vmem>>, vector<11x128xf32>
    %dot_general3A = arith.constant dense<0.000000e+00> : vector<1000x128xf32>
    %dot_general3A_5 = tpu.matmul %get3A_1, %get3A_4, %dot_general3A {dimension_numbers = #tpu.dot_dimension_numbers<[1], [0], [0], [1], [0, 0, 1, 1], [], []>, transpose_lhs_hint = false} : vector<1000x11xf32>, vector<11x128xf32>, vector<1000x128xf32> -> vector<1000x128xf32>
    %get3A_6 = arith.constant 0 : index
    %get3A_7 = arith.constant 0 : index
    %get3A_8 = vector.load %arg3[%get3A_6, %get3A_7] : memref<1x128xf32, #tpu.memory_space<vmem>>, vector<1x128xf32>
    %add3A = vector.broadcast %get3A_8 : vector<1x128xf32> to vector<1000x128xf32>
    %add3A_9 = arith.addf %dot_general3A_5, %add3A : vector<1000x128xf32>
    %ge3A = arith.constant 0.000000e+00 : f32
    %ge3A_10 = vector.broadcast %ge3A : f32 to vector<1000x128xf32>
    %ge3A_11 = arith.cmpf oge, %add3A_9, %ge3A_10 : vector<1000x128xf32>
    %mul3A = arith.constant 0.00999999977 : f32
    %mul3A_12 = vector.broadcast %mul3A : f32 to vector<1000x128xf32>
    %mul3A_13 = arith.mulf %mul3A_12, %add3A_9 : vector<1000x128xf32>
    %select_n3A = arith.select %ge3A_11, %add3A_9, %mul3A_13 : vector<1000x128xi1>, vector<1000x128xf32>
    %get3A_14 = arith.constant 0 : index
    %get3A_15 = arith.constant 0 : index
    %get3A_16 = vector.load %arg4[%get3A_14, %get3A_15] : memref<128x128xf32, #tpu.memory_space<vmem>>, vector<128x128xf32>
    %dot_general3A_17 = arith.constant dense<0.000000e+00> : vector<1000x128xf32>
    %dot_general3A_18 = tpu.matmul %select_n3A, %get3A_16, %dot_general3A_17 {dimension_numbers = #tpu.dot_dimension_numbers<[1], [0], [0], [1], [0, 0, 1, 1], [], []>, transpose_lhs_hint = false} : vector<1000x128xf32>, vector<128x128xf32>, vector<1000x128xf32> -> vector<1000x128xf32>
    %get3A_19 = arith.constant 0 : index
    %get3A_20 = arith.constant 0 : index
    %get3A_21 = vector.load %arg5[%get3A_19, %get3A_20] : memref<1x128xf32, #tpu.memory_space<vmem>>, vector<1x128xf32>
    %add3A_22 = vector.broadcast %get3A_21 : vector<1x128xf32> to vector<1000x128xf32>
    %add3A_23 = arith.addf %dot_general3A_18, %add3A_22 : vector<1000x128xf32>
    %ge3A_24 = arith.constant 0.000000e+00 : f32
    %ge3A_25 = vector.broadcast %ge3A_24 : f32 to vector<1000x128xf32>
    %ge3A_26 = arith.cmpf oge, %add3A_23, %ge3A_25 : vector<1000x128xf32>
    %mul3A_27 = arith.constant 0.00999999977 : f32
    %mul3A_28 = vector.broadcast %mul3A_27 : f32 to vector<1000x128xf32>
    %mul3A_29 = arith.mulf %mul3A_28, %add3A_23 : vector<1000x128xf32>
    %select_n3A_30 = arith.select %ge3A_26, %add3A_23, %mul3A_29 : vector<1000x128xi1>, vector<1000x128xf32>
    %swap3A = arith.constant 0 : index
    %swap3A_31 = arith.constant 0 : index
    %swap3A_32 = vector.load %arg7[%swap3A, %swap3A_31] : memref<1000x128xf32, #tpu.memory_space<vmem>>, vector<1000x128xf32>
    tpu.vector_store %arg7[%swap3A, %swap3A_31], %select_n3A_30 {strides = array<i32>} : memref<1000x128xf32, #tpu.memory_space<vmem>>, vector<1000x128xf32>,
    %get3A_33 = arith.constant 0 : index
    %get3A_34 = arith.constant 0 : index
    %get3A_35 = arith.constant 0 : index
    %get3A_36 = vector.load %arg6[%get3A_33, %get3A_34, %get3A_35] : memref<2x128x128xf32, #tpu.memory_space<vmem>>, vector<1x128x128xf32>
    %get3A_37 = vector.shape_cast %get3A_36 : vector<1x128x128xf32> to vector<128x128xf32>
    %dot_general3A_38 = arith.constant dense<0.000000e+00> : vector<1000x128xf32>
    %dot_general3A_39 = tpu.matmul %select_n3A_30, %get3A_37, %dot_general3A_38 {dimension_numbers = #tpu.dot_dimension_numbers<[1], [0], [0], [1], [0, 0, 1, 1], [], []>, transpose_lhs_hint = false} : vector<1000x128xf32>, vector<128x128xf32>, vector<1000x128xf32> -> vector<1000x128xf32>
    %get3A_40 = arith.constant 1 : index
    %get3A_41 = arith.constant 0 : index
    %get3A_42 = arith.constant 0 : index
    %get3A_43 = vector.load %arg6[%get3A_40, %get3A_41, %get3A_42] : memref<2x128x128xf32, #tpu.memory_space<vmem>>, vector<1x128x128xf32>
    %get3A_44 = vector.shape_cast %get3A_43 : vector<1x128x128xf32> to vector<128x128xf32>
    %dot_general3A_45 = arith.constant dense<0.000000e+00> : vector<1000x128xf32>
    %dot_general3A_46 = tpu.matmul %select_n3A_30, %get3A_44, %dot_general3A_45 {dimension_numbers = #tpu.dot_dimension_numbers<[1], [0], [0], [1], [0, 0, 1, 1], [], []>, transpose_lhs_hint = false} : vector<1000x128xf32>, vector<128x128xf32>, vector<1000x128xf32> -> vector<1000x128xf32>
    %slice3A = vector.extract_strided_slice %dot_general3A_39 {offsets = [0, 0], sizes = [1000, 64], strides = [1, 1]} : vector<1000x128xf32> to vector<1000x64xf32>
    %swap3A_47 = arith.constant 0 : index
    %swap3A_48 = arith.constant 0 : index
    %swap3A_49 = arith.constant 0 : index
    %swap3A_50 = vector.load %arg8[%swap3A_47, %swap3A_48, %swap3A_49] : memref<4x1000x64xf32, #tpu.memory_space<vmem>>, vector<1x1000x64xf32>
    %swap3A_51 = vector.shape_cast %swap3A_50 : vector<1x1000x64xf32> to vector<1000x64xf32>
    %swap3A_52 = vector.shape_cast %slice3A : vector<1000x64xf32> to vector<1x1000x64xf32>
    tpu.vector_store %arg8[%swap3A_47, %swap3A_48, %swap3A_49], %swap3A_52 {strides = array<i32>} : memref<4x1000x64xf32, #tpu.memory_space<vmem>>, vector<1x1000x64xf32>,
    %slice3A_53 = vector.extract_strided_slice %dot_general3A_46 {offsets = [0, 0], sizes = [1000, 64], strides = [1, 1]} : vector<1000x128xf32> to vector<1000x64xf32>
    %swap3A_54 = arith.constant 1 : index
    %swap3A_55 = arith.constant 0 : index
    %swap3A_56 = arith.constant 0 : index
    %swap3A_57 = vector.load %arg8[%swap3A_54, %swap3A_55, %swap3A_56] : memref<4x1000x64xf32, #tpu.memory_space<vmem>>, vector<1x1000x64xf32>
    %swap3A_58 = vector.shape_cast %swap3A_57 : vector<1x1000x64xf32> to vector<1000x64xf32>
    %swap3A_59 = vector.shape_cast %slice3A_53 : vector<1000x64xf32> to vector<1x1000x64xf32>
    tpu.vector_store %arg8[%swap3A_54, %swap3A_55, %swap3A_56], %swap3A_59 {strides = array<i32>} : memref<4x1000x64xf32, #tpu.memory_space<vmem>>, vector<1x1000x64xf32>,
    %slice3A_60 = vector.extract_strided_slice %dot_general3A_39 {offsets = [0, 64], sizes = [1000, 64], strides = [1, 1]} : vector<1000x128xf32> to vector<1000x64xf32>
    %swap3A_61 = arith.constant 2 : index
    %swap3A_62 = arith.constant 0 : index
    %swap3A_63 = arith.constant 0 : index
    %swap3A_64 = vector.load %arg8[%swap3A_61, %swap3A_62, %swap3A_63] : memref<4x1000x64xf32, #tpu.memory_space<vmem>>, vector<1x1000x64xf32>
    %swap3A_65 = vector.shape_cast %swap3A_64 : vector<1x1000x64xf32> to vector<1000x64xf32>
    %swap3A_66 = vector.shape_cast %slice3A_60 : vector<1000x64xf32> to vector<1x1000x64xf32>
    tpu.vector_store %arg8[%swap3A_61, %swap3A_62, %swap3A_63], %swap3A_66 {strides = array<i32>} : memref<4x1000x64xf32, #tpu.memory_space<vmem>>, vector<1x1000x64xf32>,
    %slice3A_67 = vector.extract_strided_slice %dot_general3A_46 {offsets = [0, 64], sizes = [1000, 64], strides = [1, 1]} : vector<1000x128xf32> to vector<1000x64xf32>
    %swap3A_68 = arith.constant 3 : index
    %swap3A_69 = arith.constant 0 : index
    %swap3A_70 = arith.constant 0 : index
    %swap3A_71 = vector.load %arg8[%swap3A_68, %swap3A_69, %swap3A_70] : memref<4x1000x64xf32, #tpu.memory_space<vmem>>, vector<1x1000x64xf32>
    %swap3A_72 = vector.shape_cast %swap3A_71 : vector<1x1000x64xf32> to vector<1000x64xf32>
    %swap3A_73 = vector.shape_cast %slice3A_67 : vector<1000x64xf32> to vector<1x1000x64xf32>
    tpu.vector_store %arg8[%swap3A_68, %swap3A_69, %swap3A_70], %swap3A_73 {strides = array<i32>} : memref<4x1000x64xf32, #tpu.memory_space<vmem>>, vector<1x1000x64xf32>,
    return
  }
  func.func @transform_0(%arg0: i32) -> (i32, i32) {
    %c0_i32 = arith.constant 0 : i32
    %c0_i32_0 = arith.constant 0 : i32
    return %arg0, %c0_i32 : i32, i32
  }
  func.func @transform_1(%arg0: i32) -> (i32, i32) {
    %c0_i32 = arith.constant 0 : i32
    %c0_i32_0 = arith.constant 0 : i32
    %c0_i32_1 = arith.constant 0 : i32
    return %c0_i32, %c0_i32_0 : i32, i32
  }
  func.func @transform_2(%arg0: i32) -> (i32, i32) {
    %c0_i32 = arith.constant 0 : i32
    %c0_i32_0 = arith.constant 0 : i32
    %c0_i32_1 = arith.constant 0 : i32
    return %c0_i32, %c0_i32_0 : i32, i32
  }
  func.func @transform_3(%arg0: i32) -> (i32, i32) {
    %c0_i32 = arith.constant 0 : i32
    %c0_i32_0 = arith.constant 0 : i32
    %c0_i32_1 = arith.constant 0 : i32
    return %c0_i32, %c0_i32_0 : i32, i32
  }
  func.func @transform_4(%arg0: i32) -> (i32, i32) {
    %c0_i32 = arith.constant 0 : i32
    %c0_i32_0 = arith.constant 0 : i32
    %c0_i32_1 = arith.constant 0 : i32
    return %c0_i32, %c0_i32_0 : i32, i32
  }
  func.func @transform_5(%arg0: i32) -> (i32, i32, i32) {
    %c0_i32 = arith.constant 0 : i32
    %c0_i32_0 = arith.constant 0 : i32
    %c0_i32_1 = arith.constant 0 : i32
    %c0_i32_2 = arith.constant 0 : i32
    return %c0_i32, %c0_i32_0, %c0_i32_1 : i32, i32, i32
  }
  func.func @transform_6(%arg0: i32) -> (i32, i32) {
    %c0_i32 = arith.constant 0 : i32
    %c0_i32_0 = arith.constant 0 : i32
    return %arg0, %c0_i32 : i32, i32
  }
  func.func @transform_7(%arg0: i32) -> (i32, i32, i32) {
    %c0_i32 = arith.constant 0 : i32
    %c0_i32_0 = arith.constant 0 : i32
    %c0_i32_1 = arith.constant 0 : i32
    return %c0_i32, %arg0, %c0_i32_0 : i32, i32, i32
  }
}

module attributes {stable_mosaic.version = 14 : i64} {
  func.func @_k2_body(%arg0: i32, %arg1: memref<1000x128xf32, #tpu.memory_space<vmem>>, %arg2: memref<128x128xf32, #tpu.memory_space<vmem>>, %arg3: memref<1x128xf32, #tpu.memory_space<vmem>>, %arg4: memref<1x1000x64xf32, #tpu.memory_space<vmem>>, %arg5: memref<1x1000x64xf32, #tpu.memory_space<vmem>>, %arg6: memref<1x1000x64xf32, #tpu.memory_space<vmem>>, %arg7: memref<1x1000x64xf32, #tpu.memory_space<vmem>>, %arg8: memref<1x1000x16xf32, #tpu.memory_space<vmem>>, %arg9: memref<1x1000x16xf32, #tpu.memory_space<vmem>>, %arg10: memref<2x128x128xf32, #tpu.memory_space<vmem>>, %arg11: memref<1000x128xf32, #tpu.memory_space<vmem>>, %arg12: memref<4x1000x64xf32, #tpu.memory_space<vmem>>) attributes {dimension_semantics = [#tpu.dimension_semantics<arbitrary>], iteration_bounds = array<i64: 10>, scalar_prefetch = 0 : i64, scratch_operands = 0 : i64, tpu.core_type = #tpu.core_type<tc>, window_params = [{transform_indices = @transform_0, window_bounds = array<i64: 1000, 128>}, {pipeline_mode = #tpu.pipeline_mode<synchronous>, transform_indices = @transform_1, window_bounds = array<i64: 128, 128>}, {pipeline_mode = #tpu.pipeline_mode<synchronous>, transform_indices = @transform_2, window_bounds = array<i64: 1, 128>}, {transform_indices = @transform_3, window_bounds = array<i64: 1, 1000, 64>}, {transform_indices = @transform_4, window_bounds = array<i64: 1, 1000, 64>}, {transform_indices = @transform_5, window_bounds = array<i64: 1, 1000, 64>}, {transform_indices = @transform_6, window_bounds = array<i64: 1, 1000, 64>}, {transform_indices = @transform_7, window_bounds = array<i64: 1, 1000, 16>}, {transform_indices = @transform_8, window_bounds = array<i64: 1, 1000, 16>}, {pipeline_mode = #tpu.pipeline_mode<synchronous>, transform_indices = @transform_9, window_bounds = array<i64: 2, 128, 128>}, {transform_indices = @transform_10, window_bounds = array<i64: 1000, 128>}, {transform_indices = @transform_11, window_bounds = array<i64: 4, 1000, 64>}]} {
    %get3A = arith.constant 0 : index
    %get3A_0 = arith.constant 0 : index
    %get3A_1 = vector.load %arg1[%get3A, %get3A_0] : memref<1000x128xf32, #tpu.memory_space<vmem>>, vector<1000x128xf32>
    %get3A_2 = arith.constant 0 : index
    %get3A_3 = arith.constant 0 : index
    %get3A_4 = arith.constant 0 : index
    %get3A_5 = vector.load %arg8[%get3A_2, %get3A_3, %get3A_4] : memref<1x1000x16xf32, #tpu.memory_space<vmem>>, vector<1x1000x16xf32>
    %get3A_6 = vector.shape_cast %get3A_5 : vector<1x1000x16xf32> to vector<1000x16xf32>
    %slice3A = vector.extract_strided_slice %get3A_6 {offsets = [0, 0], sizes = [1000, 1], strides = [1, 1]} : vector<1000x16xf32> to vector<1000x1xf32>
    %max3A = arith.constant 1.000000e+00 : f32
    %max3A_7 = vector.broadcast %max3A : f32 to vector<1000x1xf32>
    %max3A_8 = arith.maximumf %slice3A, %max3A_7 : vector<1000x1xf32>
    %get3A_9 = arith.constant 0 : index
    %get3A_10 = arith.constant 0 : index
    %get3A_11 = arith.constant 0 : index
    %get3A_12 = vector.load %arg9[%get3A_9, %get3A_10, %get3A_11] : memref<1x1000x16xf32, #tpu.memory_space<vmem>>, vector<1x1000x16xf32>
    %get3A_13 = vector.shape_cast %get3A_12 : vector<1x1000x16xf32> to vector<1000x16xf32>
    %slice3A_14 = vector.extract_strided_slice %get3A_13 {offsets = [0, 0], sizes = [1000, 1], strides = [1, 1]} : vector<1000x16xf32> to vector<1000x1xf32>
    %max3A_15 = arith.constant 1.000000e+00 : f32
    %max3A_16 = vector.broadcast %max3A_15 : f32 to vector<1000x1xf32>
    %max3A_17 = arith.maximumf %slice3A_14, %max3A_16 : vector<1000x1xf32>
    %get3A_18 = arith.constant 0 : index
    %get3A_19 = arith.constant 0 : index
    %get3A_20 = arith.constant 0 : index
    %get3A_21 = vector.load %arg4[%get3A_18, %get3A_19, %get3A_20] : memref<1x1000x64xf32, #tpu.memory_space<vmem>>, vector<1x1000x64xf32>
    %get3A_22 = vector.shape_cast %get3A_21 : vector<1x1000x64xf32> to vector<1000x64xf32>
    %div3A = vector.broadcast %max3A_8 : vector<1000x1xf32> to vector<1000x64xf32>
    %div3A_23 = arith.divf %get3A_22, %div3A : vector<1000x64xf32>
    %get3A_24 = arith.constant 0 : index
    %get3A_25 = arith.constant 0 : index
    %get3A_26 = arith.constant 0 : index
    %get3A_27 = vector.load %arg5[%get3A_24, %get3A_25, %get3A_26] : memref<1x1000x64xf32, #tpu.memory_space<vmem>>, vector<1x1000x64xf32>
    %get3A_28 = vector.shape_cast %get3A_27 : vector<1x1000x64xf32> to vector<1000x64xf32>
    %div3A_29 = vector.broadcast %max3A_17 : vector<1000x1xf32> to vector<1000x64xf32>
    %div3A_30 = arith.divf %get3A_28, %div3A_29 : vector<1000x64xf32>
    %add3A = arith.addf %div3A_23, %div3A_30 : vector<1000x64xf32>
    %get3A_31 = arith.constant 0 : index
    %get3A_32 = arith.constant 0 : index
    %get3A_33 = arith.constant 0 : index
    %get3A_34 = vector.load %arg6[%get3A_31, %get3A_32, %get3A_33] : memref<1x1000x64xf32, #tpu.memory_space<vmem>>, vector<1x1000x64xf32>
    %get3A_35 = vector.shape_cast %get3A_34 : vector<1x1000x64xf32> to vector<1000x64xf32>
    %div3A_36 = vector.broadcast %max3A_8 : vector<1000x1xf32> to vector<1000x64xf32>
    %div3A_37 = arith.divf %get3A_35, %div3A_36 : vector<1000x64xf32>
    %get3A_38 = arith.constant 0 : index
    %get3A_39 = arith.constant 0 : index
    %get3A_40 = arith.constant 0 : index
    %get3A_41 = vector.load %arg7[%get3A_38, %get3A_39, %get3A_40] : memref<1x1000x64xf32, #tpu.memory_space<vmem>>, vector<1x1000x64xf32>
    %get3A_42 = vector.shape_cast %get3A_41 : vector<1x1000x64xf32> to vector<1000x64xf32>
    %div3A_43 = vector.broadcast %max3A_17 : vector<1000x1xf32> to vector<1000x64xf32>
    %div3A_44 = arith.divf %get3A_42, %div3A_43 : vector<1000x64xf32>
    %add3A_45 = arith.addf %div3A_37, %div3A_44 : vector<1000x64xf32>
    %get3A_46 = arith.constant 0 : index
    %get3A_47 = arith.constant 0 : index
    %get3A_48 = vector.load %arg2[%get3A_46, %get3A_47] : memref<128x128xf32, #tpu.memory_space<vmem>>, vector<128x128xf32>
    %dot_general3A = arith.constant dense<0.000000e+00> : vector<1000x128xf32>
    %dot_general3A_49 = tpu.matmul %get3A_1, %get3A_48, %dot_general3A {dimension_numbers = #tpu.dot_dimension_numbers<[1], [0], [0], [1], [0, 0, 1, 1], [], []>, transpose_lhs_hint = false} : vector<1000x128xf32>, vector<128x128xf32>, vector<1000x128xf32> -> vector<1000x128xf32>
    %get3A_50 = arith.constant 0 : index
    %get3A_51 = arith.constant 0 : index
    %get3A_52 = vector.load %arg3[%get3A_50, %get3A_51] : memref<1x128xf32, #tpu.memory_space<vmem>>, vector<1x128xf32>
    %add3A_53 = vector.broadcast %get3A_52 : vector<1x128xf32> to vector<1000x128xf32>
    %add3A_54 = arith.addf %dot_general3A_49, %add3A_53 : vector<1000x128xf32>
    %concatenate3A = tpu.concatenate %add3A, %add3A_45 in 1 : vector<1000x64xf32>, vector<1000x64xf32> -> vector<1000x128xf32>
    %add3A_55 = arith.addf %add3A_54, %concatenate3A : vector<1000x128xf32>
    %swap3A = arith.constant 0 : index
    %swap3A_56 = arith.constant 0 : index
    %swap3A_57 = vector.load %arg11[%swap3A, %swap3A_56] : memref<1000x128xf32, #tpu.memory_space<vmem>>, vector<1000x128xf32>
    tpu.vector_store %arg11[%swap3A, %swap3A_56], %add3A_55 {strides = array<i32>} : memref<1000x128xf32, #tpu.memory_space<vmem>>, vector<1000x128xf32>,
    %get3A_58 = arith.constant 0 : index
    %get3A_59 = arith.constant 0 : index
    %get3A_60 = arith.constant 0 : index
    %get3A_61 = vector.load %arg10[%get3A_58, %get3A_59, %get3A_60] : memref<2x128x128xf32, #tpu.memory_space<vmem>>, vector<1x128x128xf32>
    %get3A_62 = vector.shape_cast %get3A_61 : vector<1x128x128xf32> to vector<128x128xf32>
    %dot_general3A_63 = arith.constant dense<0.000000e+00> : vector<1000x128xf32>
    %dot_general3A_64 = tpu.matmul %add3A_55, %get3A_62, %dot_general3A_63 {dimension_numbers = #tpu.dot_dimension_numbers<[1], [0], [0], [1], [0, 0, 1, 1], [], []>, transpose_lhs_hint = false} : vector<1000x128xf32>, vector<128x128xf32>, vector<1000x128xf32> -> vector<1000x128xf32>
    %get3A_65 = arith.constant 1 : index
    %get3A_66 = arith.constant 0 : index
    %get3A_67 = arith.constant 0 : index
    %get3A_68 = vector.load %arg10[%get3A_65, %get3A_66, %get3A_67] : memref<2x128x128xf32, #tpu.memory_space<vmem>>, vector<1x128x128xf32>
    %get3A_69 = vector.shape_cast %get3A_68 : vector<1x128x128xf32> to vector<128x128xf32>
    %dot_general3A_70 = arith.constant dense<0.000000e+00> : vector<1000x128xf32>
    %dot_general3A_71 = tpu.matmul %add3A_55, %get3A_69, %dot_general3A_70 {dimension_numbers = #tpu.dot_dimension_numbers<[1], [0], [0], [1], [0, 0, 1, 1], [], []>, transpose_lhs_hint = false} : vector<1000x128xf32>, vector<128x128xf32>, vector<1000x128xf32> -> vector<1000x128xf32>
    %slice3A_72 = vector.extract_strided_slice %dot_general3A_64 {offsets = [0, 0], sizes = [1000, 64], strides = [1, 1]} : vector<1000x128xf32> to vector<1000x64xf32>
    %swap3A_73 = arith.constant 0 : index
    %swap3A_74 = arith.constant 0 : index
    %swap3A_75 = arith.constant 0 : index
    %swap3A_76 = vector.load %arg12[%swap3A_73, %swap3A_74, %swap3A_75] : memref<4x1000x64xf32, #tpu.memory_space<vmem>>, vector<1x1000x64xf32>
    %swap3A_77 = vector.shape_cast %swap3A_76 : vector<1x1000x64xf32> to vector<1000x64xf32>
    %swap3A_78 = vector.shape_cast %slice3A_72 : vector<1000x64xf32> to vector<1x1000x64xf32>
    tpu.vector_store %arg12[%swap3A_73, %swap3A_74, %swap3A_75], %swap3A_78 {strides = array<i32>} : memref<4x1000x64xf32, #tpu.memory_space<vmem>>, vector<1x1000x64xf32>,
    %slice3A_79 = vector.extract_strided_slice %dot_general3A_71 {offsets = [0, 0], sizes = [1000, 64], strides = [1, 1]} : vector<1000x128xf32> to vector<1000x64xf32>
    %swap3A_80 = arith.constant 1 : index
    %swap3A_81 = arith.constant 0 : index
    %swap3A_82 = arith.constant 0 : index
    %swap3A_83 = vector.load %arg12[%swap3A_80, %swap3A_81, %swap3A_82] : memref<4x1000x64xf32, #tpu.memory_space<vmem>>, vector<1x1000x64xf32>
    %swap3A_84 = vector.shape_cast %swap3A_83 : vector<1x1000x64xf32> to vector<1000x64xf32>
    %swap3A_85 = vector.shape_cast %slice3A_79 : vector<1000x64xf32> to vector<1x1000x64xf32>
    tpu.vector_store %arg12[%swap3A_80, %swap3A_81, %swap3A_82], %swap3A_85 {strides = array<i32>} : memref<4x1000x64xf32, #tpu.memory_space<vmem>>, vector<1x1000x64xf32>,
    %slice3A_86 = vector.extract_strided_slice %dot_general3A_64 {offsets = [0, 64], sizes = [1000, 64], strides = [1, 1]} : vector<1000x128xf32> to vector<1000x64xf32>
    %swap3A_87 = arith.constant 2 : index
    %swap3A_88 = arith.constant 0 : index
    %swap3A_89 = arith.constant 0 : index
    %swap3A_90 = vector.load %arg12[%swap3A_87, %swap3A_88, %swap3A_89] : memref<4x1000x64xf32, #tpu.memory_space<vmem>>, vector<1x1000x64xf32>
    %swap3A_91 = vector.shape_cast %swap3A_90 : vector<1x1000x64xf32> to vector<1000x64xf32>
    %swap3A_92 = vector.shape_cast %slice3A_86 : vector<1000x64xf32> to vector<1x1000x64xf32>
    tpu.vector_store %arg12[%swap3A_87, %swap3A_88, %swap3A_89], %swap3A_92 {strides = array<i32>} : memref<4x1000x64xf32, #tpu.memory_space<vmem>>, vector<1x1000x64xf32>,
    %slice3A_93 = vector.extract_strided_slice %dot_general3A_71 {offsets = [0, 64], sizes = [1000, 64], strides = [1, 1]} : vector<1000x128xf32> to vector<1000x64xf32>
    %swap3A_94 = arith.constant 3 : index
    %swap3A_95 = arith.constant 0 : index
    %swap3A_96 = arith.constant 0 : index
    %swap3A_97 = vector.load %arg12[%swap3A_94, %swap3A_95, %swap3A_96] : memref<4x1000x64xf32, #tpu.memory_space<vmem>>, vector<1x1000x64xf32>
    %swap3A_98 = vector.shape_cast %swap3A_97 : vector<1x1000x64xf32> to vector<1000x64xf32>
    %swap3A_99 = vector.shape_cast %slice3A_93 : vector<1000x64xf32> to vector<1x1000x64xf32>
    tpu.vector_store %arg12[%swap3A_94, %swap3A_95, %swap3A_96], %swap3A_99 {strides = array<i32>} : memref<4x1000x64xf32, #tpu.memory_space<vmem>>, vector<1x1000x64xf32>,
    return
  }
  func.func @transform_0(%arg0: i32) -> (i32, i32) {
    %c0_i32 = arith.constant 0 : i32
    %c0_i32_0 = arith.constant 0 : i32
    return %arg0, %c0_i32 : i32, i32
  }
  func.func @transform_1(%arg0: i32) -> (i32, i32) {
    %c0_i32 = arith.constant 0 : i32
    %c0_i32_0 = arith.constant 0 : i32
    %c0_i32_1 = arith.constant 0 : i32
    return %c0_i32, %c0_i32_0 : i32, i32
  }
  func.func @transform_2(%arg0: i32) -> (i32, i32) {
    %c0_i32 = arith.constant 0 : i32
    %c0_i32_0 = arith.constant 0 : i32
    %c0_i32_1 = arith.constant 0 : i32
    return %c0_i32, %c0_i32_0 : i32, i32
  }
  func.func @transform_3(%arg0: i32) -> (i32, i32, i32) {
    %c0_i32 = arith.constant 0 : i32
    %c0_i32_0 = arith.constant 0 : i32
    %c0_i32_1 = arith.constant 0 : i32
    return %c0_i32, %arg0, %c0_i32_0 : i32, i32, i32
  }
  func.func @transform_4(%arg0: i32) -> (i32, i32, i32) {
    %add3A = arith.constant 10 : i32
    %add3A_0 = arith.addi %add3A, %arg0 : i32
    %c0_i32 = arith.constant 0 : i32
    %c0_i32_1 = arith.constant 0 : i32
    %c0_i32_2 = arith.constant 0 : i32
    return %c0_i32, %add3A_0, %c0_i32_1 : i32, i32, i32
  }
  func.func @transform_5(%arg0: i32) -> (i32, i32, i32) {
    %c1_i32 = arith.constant 1 : i32
    %c0_i32 = arith.constant 0 : i32
    %c0_i32_0 = arith.constant 0 : i32
    return %c1_i32, %arg0, %c0_i32 : i32, i32, i32
  }
  func.func @transform_6(%arg0: i32) -> (i32, i32, i32) {
    %add3A = arith.constant 10 : i32
    %add3A_0 = arith.addi %add3A, %arg0 : i32
    %c1_i32 = arith.constant 1 : i32
    %c0_i32 = arith.constant 0 : i32
    %c0_i32_1 = arith.constant 0 : i32
    return %c1_i32, %add3A_0, %c0_i32 : i32, i32, i32
  }
  func.func @transform_7(%arg0: i32) -> (i32, i32, i32) {
    %c0_i32 = arith.constant 0 : i32
    %c0_i32_0 = arith.constant 0 : i32
    %c0_i32_1 = arith.constant 0 : i32
    return %c0_i32, %arg0, %c0_i32_0 : i32, i32, i32
  }
  func.func @transform_8(%arg0: i32) -> (i32, i32, i32) {
    %add3A = arith.constant 10 : i32
    %add3A_0 = arith.addi %add3A, %arg0 : i32
    %c0_i32 = arith.constant 0 : i32
    %c0_i32_1 = arith.constant 0 : i32
    %c0_i32_2 = arith.constant 0 : i32
    return %c0_i32, %add3A_0, %c0_i32_1 : i32, i32, i32
  }
  func.func @transform_9(%arg0: i32) -> (i32, i32, i32) {
    %c0_i32 = arith.constant 0 : i32
    %c0_i32_0 = arith.constant 0 : i32
    %c0_i32_1 = arith.constant 0 : i32
    %c0_i32_2 = arith.constant 0 : i32
    return %c0_i32, %c0_i32_0, %c0_i32_1 : i32, i32, i32
  }
  func.func @transform_10(%arg0: i32) -> (i32, i32) {
    %c0_i32 = arith.constant 0 : i32
    %c0_i32_0 = arith.constant 0 : i32
    return %arg0, %c0_i32 : i32, i32
  }
  func.func @transform_11(%arg0: i32) -> (i32, i32, i32) {
    %c0_i32 = arith.constant 0 : i32
    %c0_i32_0 = arith.constant 0 : i32
    %c0_i32_1 = arith.constant 0 : i32
    return %c0_i32, %arg0, %c0_i32_0 : i32, i32, i32
  }
}

module attributes {stable_mosaic.version = 14 : i64} {
  func.func @_k3_body(%arg0: i32, %arg1: memref<1000x128xf32, #tpu.memory_space<vmem>>, %arg2: memref<128x128xf32, #tpu.memory_space<vmem>>, %arg3: memref<1x128xf32, #tpu.memory_space<vmem>>, %arg4: memref<1x1000x64xf32, #tpu.memory_space<vmem>>, %arg5: memref<1x1000x64xf32, #tpu.memory_space<vmem>>, %arg6: memref<1x1000x64xf32, #tpu.memory_space<vmem>>, %arg7: memref<1x1000x64xf32, #tpu.memory_space<vmem>>, %arg8: memref<1x1000x16xf32, #tpu.memory_space<vmem>>, %arg9: memref<1x1000x16xf32, #tpu.memory_space<vmem>>, %arg10: memref<128x128xf32, #tpu.memory_space<vmem>>, %arg11: memref<1x128xf32, #tpu.memory_space<vmem>>, %arg12: memref<128x2xf32, #tpu.memory_space<vmem>>, %arg13: memref<1x2xf32, #tpu.memory_space<vmem>>, %arg14: memref<1000x2xf32, #tpu.memory_space<vmem>>) attributes {dimension_semantics = [#tpu.dimension_semantics<arbitrary>], iteration_bounds = array<i64: 10>, scalar_prefetch = 0 : i64, scratch_operands = 0 : i64, tpu.core_type = #tpu.core_type<tc>, window_params = [{transform_indices = @transform_0, window_bounds = array<i64: 1000, 128>}, {pipeline_mode = #tpu.pipeline_mode<synchronous>, transform_indices = @transform_1, window_bounds = array<i64: 128, 128>}, {pipeline_mode = #tpu.pipeline_mode<synchronous>, transform_indices = @transform_2, window_bounds = array<i64: 1, 128>}, {transform_indices = @transform_3, window_bounds = array<i64: 1, 1000, 64>}, {transform_indices = @transform_4, window_bounds = array<i64: 1, 1000, 64>}, {transform_indices = @transform_5, window_bounds = array<i64: 1, 1000, 64>}, {transform_indices = @transform_6, window_bounds = array<i64: 1, 1000, 64>}, {transform_indices = @transform_7, window_bounds = array<i64: 1, 1000, 16>}, {transform_indices = @transform_8, window_bounds = array<i64: 1, 1000, 16>}, {pipeline_mode = #tpu.pipeline_mode<synchronous>, transform_indices = @transform_9, window_bounds = array<i64: 128, 128>}, {pipeline_mode = #tpu.pipeline_mode<synchronous>, transform_indices = @transform_10, window_bounds = array<i64: 1, 128>}, {pipeline_mode = #tpu.pipeline_mode<synchronous>, transform_indices = @transform_11, window_bounds = array<i64: 128, 2>}, {pipeline_mode = #tpu.pipeline_mode<synchronous>, transform_indices = @transform_12, window_bounds = array<i64: 1, 2>}, {transform_indices = @transform_13, window_bounds = array<i64: 1000, 2>}]} {
    %get3A = arith.constant 0 : index
    %get3A_0 = arith.constant 0 : index
    %get3A_1 = vector.load %arg1[%get3A, %get3A_0] : memref<1000x128xf32, #tpu.memory_space<vmem>>, vector<1000x128xf32>
    %get3A_2 = arith.constant 0 : index
    %get3A_3 = arith.constant 0 : index
    %get3A_4 = arith.constant 0 : index
    %get3A_5 = vector.load %arg8[%get3A_2, %get3A_3, %get3A_4] : memref<1x1000x16xf32, #tpu.memory_space<vmem>>, vector<1x1000x16xf32>
    %get3A_6 = vector.shape_cast %get3A_5 : vector<1x1000x16xf32> to vector<1000x16xf32>
    %slice3A = vector.extract_strided_slice %get3A_6 {offsets = [0, 0], sizes = [1000, 1], strides = [1, 1]} : vector<1000x16xf32> to vector<1000x1xf32>
    %max3A = arith.constant 1.000000e+00 : f32
    %max3A_7 = vector.broadcast %max3A : f32 to vector<1000x1xf32>
    %max3A_8 = arith.maximumf %slice3A, %max3A_7 : vector<1000x1xf32>
    %get3A_9 = arith.constant 0 : index
    %get3A_10 = arith.constant 0 : index
    %get3A_11 = arith.constant 0 : index
    %get3A_12 = vector.load %arg9[%get3A_9, %get3A_10, %get3A_11] : memref<1x1000x16xf32, #tpu.memory_space<vmem>>, vector<1x1000x16xf32>
    %get3A_13 = vector.shape_cast %get3A_12 : vector<1x1000x16xf32> to vector<1000x16xf32>
    %slice3A_14 = vector.extract_strided_slice %get3A_13 {offsets = [0, 0], sizes = [1000, 1], strides = [1, 1]} : vector<1000x16xf32> to vector<1000x1xf32>
    %max3A_15 = arith.constant 1.000000e+00 : f32
    %max3A_16 = vector.broadcast %max3A_15 : f32 to vector<1000x1xf32>
    %max3A_17 = arith.maximumf %slice3A_14, %max3A_16 : vector<1000x1xf32>
    %get3A_18 = arith.constant 0 : index
    %get3A_19 = arith.constant 0 : index
    %get3A_20 = arith.constant 0 : index
    %get3A_21 = vector.load %arg4[%get3A_18, %get3A_19, %get3A_20] : memref<1x1000x64xf32, #tpu.memory_space<vmem>>, vector<1x1000x64xf32>
    %get3A_22 = vector.shape_cast %get3A_21 : vector<1x1000x64xf32> to vector<1000x64xf32>
    %div3A = vector.broadcast %max3A_8 : vector<1000x1xf32> to vector<1000x64xf32>
    %div3A_23 = arith.divf %get3A_22, %div3A : vector<1000x64xf32>
    %get3A_24 = arith.constant 0 : index
    %get3A_25 = arith.constant 0 : index
    %get3A_26 = arith.constant 0 : index
    %get3A_27 = vector.load %arg5[%get3A_24, %get3A_25, %get3A_26] : memref<1x1000x64xf32, #tpu.memory_space<vmem>>, vector<1x1000x64xf32>
    %get3A_28 = vector.shape_cast %get3A_27 : vector<1x1000x64xf32> to vector<1000x64xf32>
    %div3A_29 = vector.broadcast %max3A_17 : vector<1000x1xf32> to vector<1000x64xf32>
    %div3A_30 = arith.divf %get3A_28, %div3A_29 : vector<1000x64xf32>
    %add3A = arith.addf %div3A_23, %div3A_30 : vector<1000x64xf32>
    %get3A_31 = arith.constant 0 : index
    %get3A_32 = arith.constant 0 : index
    %get3A_33 = arith.constant 0 : index
    %get3A_34 = vector.load %arg6[%get3A_31, %get3A_32, %get3A_33] : memref<1x1000x64xf32, #tpu.memory_space<vmem>>, vector<1x1000x64xf32>
    %get3A_35 = vector.shape_cast %get3A_34 : vector<1x1000x64xf32> to vector<1000x64xf32>
    %div3A_36 = vector.broadcast %max3A_8 : vector<1000x1xf32> to vector<1000x64xf32>
    %div3A_37 = arith.divf %get3A_35, %div3A_36 : vector<1000x64xf32>
    %get3A_38 = arith.constant 0 : index
    %get3A_39 = arith.constant 0 : index
    %get3A_40 = arith.constant 0 : index
    %get3A_41 = vector.load %arg7[%get3A_38, %get3A_39, %get3A_40] : memref<1x1000x64xf32, #tpu.memory_space<vmem>>, vector<1x1000x64xf32>
    %get3A_42 = vector.shape_cast %get3A_41 : vector<1x1000x64xf32> to vector<1000x64xf32>
    %div3A_43 = vector.broadcast %max3A_17 : vector<1000x1xf32> to vector<1000x64xf32>
    %div3A_44 = arith.divf %get3A_42, %div3A_43 : vector<1000x64xf32>
    %add3A_45 = arith.addf %div3A_37, %div3A_44 : vector<1000x64xf32>
    %get3A_46 = arith.constant 0 : index
    %get3A_47 = arith.constant 0 : index
    %get3A_48 = vector.load %arg2[%get3A_46, %get3A_47] : memref<128x128xf32, #tpu.memory_space<vmem>>, vector<128x128xf32>
    %dot_general3A = arith.constant dense<0.000000e+00> : vector<1000x128xf32>
    %dot_general3A_49 = tpu.matmul %get3A_1, %get3A_48, %dot_general3A {dimension_numbers = #tpu.dot_dimension_numbers<[1], [0], [0], [1], [0, 0, 1, 1], [], []>, transpose_lhs_hint = false} : vector<1000x128xf32>, vector<128x128xf32>, vector<1000x128xf32> -> vector<1000x128xf32>
    %get3A_50 = arith.constant 0 : index
    %get3A_51 = arith.constant 0 : index
    %get3A_52 = vector.load %arg3[%get3A_50, %get3A_51] : memref<1x128xf32, #tpu.memory_space<vmem>>, vector<1x128xf32>
    %add3A_53 = vector.broadcast %get3A_52 : vector<1x128xf32> to vector<1000x128xf32>
    %add3A_54 = arith.addf %dot_general3A_49, %add3A_53 : vector<1000x128xf32>
    %concatenate3A = tpu.concatenate %add3A, %add3A_45 in 1 : vector<1000x64xf32>, vector<1000x64xf32> -> vector<1000x128xf32>
    %add3A_55 = arith.addf %add3A_54, %concatenate3A : vector<1000x128xf32>
    %get3A_56 = arith.constant 0 : index
    %get3A_57 = arith.constant 0 : index
    %get3A_58 = vector.load %arg10[%get3A_56, %get3A_57] : memref<128x128xf32, #tpu.memory_space<vmem>>, vector<128x128xf32>
    %dot_general3A_59 = arith.constant dense<0.000000e+00> : vector<1000x128xf32>
    %dot_general3A_60 = tpu.matmul %add3A_55, %get3A_58, %dot_general3A_59 {dimension_numbers = #tpu.dot_dimension_numbers<[1], [0], [0], [1], [0, 0, 1, 1], [], []>, transpose_lhs_hint = false} : vector<1000x128xf32>, vector<128x128xf32>, vector<1000x128xf32> -> vector<1000x128xf32>
    %get3A_61 = arith.constant 0 : index
    %get3A_62 = arith.constant 0 : index
    %get3A_63 = vector.load %arg11[%get3A_61, %get3A_62] : memref<1x128xf32, #tpu.memory_space<vmem>>, vector<1x128xf32>
    %add3A_64 = vector.broadcast %get3A_63 : vector<1x128xf32> to vector<1000x128xf32>
    %add3A_65 = arith.addf %dot_general3A_60, %add3A_64 : vector<1000x128xf32>
    %ge3A = arith.constant 0.000000e+00 : f32
    %ge3A_66 = vector.broadcast %ge3A : f32 to vector<1000x128xf32>
    %ge3A_67 = arith.cmpf oge, %add3A_65, %ge3A_66 : vector<1000x128xf32>
    %mul3A = arith.constant 0.00999999977 : f32
    %mul3A_68 = vector.broadcast %mul3A : f32 to vector<1000x128xf32>
    %mul3A_69 = arith.mulf %mul3A_68, %add3A_65 : vector<1000x128xf32>
    %select_n3A = arith.select %ge3A_67, %add3A_65, %mul3A_69 : vector<1000x128xi1>, vector<1000x128xf32>
    %get3A_70 = arith.constant 0 : index
    %get3A_71 = arith.constant 0 : index
    %get3A_72 = vector.load %arg12[%get3A_70, %get3A_71] : memref<128x2xf32, #tpu.memory_space<vmem>>, vector<128x2xf32>
    %dot_general3A_73 = arith.constant dense<0.000000e+00> : vector<1000x2xf32>
    %dot_general3A_74 = tpu.matmul %select_n3A, %get3A_72, %dot_general3A_73 {dimension_numbers = #tpu.dot_dimension_numbers<[1], [0], [0], [1], [0, 0, 1, 1], [], []>, transpose_lhs_hint = false} : vector<1000x128xf32>, vector<128x2xf32>, vector<1000x2xf32> -> vector<1000x2xf32>
    %get3A_75 = arith.constant 0 : index
    %get3A_76 = arith.constant 0 : index
    %get3A_77 = vector.load %arg13[%get3A_75, %get3A_76] : memref<1x2xf32, #tpu.memory_space<vmem>>, vector<1x2xf32>
    %add3A_78 = vector.broadcast %get3A_77 : vector<1x2xf32> to vector<1000x2xf32>
    %add3A_79 = arith.addf %dot_general3A_74, %add3A_78 : vector<1000x2xf32>
    %swap3A = arith.constant 0 : index
    %swap3A_80 = arith.constant 0 : index
    %swap3A_81 = vector.load %arg14[%swap3A, %swap3A_80] : memref<1000x2xf32, #tpu.memory_space<vmem>>, vector<1000x2xf32>
    tpu.vector_store %arg14[%swap3A, %swap3A_80], %add3A_79 {strides = array<i32>} : memref<1000x2xf32, #tpu.memory_space<vmem>>, vector<1000x2xf32>,
    return
  }
  func.func @transform_0(%arg0: i32) -> (i32, i32) {
    %c0_i32 = arith.constant 0 : i32
    %c0_i32_0 = arith.constant 0 : i32
    return %arg0, %c0_i32 : i32, i32
  }
  func.func @transform_1(%arg0: i32) -> (i32, i32) {
    %c0_i32 = arith.constant 0 : i32
    %c0_i32_0 = arith.constant 0 : i32
    %c0_i32_1 = arith.constant 0 : i32
    return %c0_i32, %c0_i32_0 : i32, i32
  }
  func.func @transform_2(%arg0: i32) -> (i32, i32) {
    %c0_i32 = arith.constant 0 : i32
    %c0_i32_0 = arith.constant 0 : i32
    %c0_i32_1 = arith.constant 0 : i32
    return %c0_i32, %c0_i32_0 : i32, i32
  }
  func.func @transform_3(%arg0: i32) -> (i32, i32, i32) {
    %c0_i32 = arith.constant 0 : i32
    %c0_i32_0 = arith.constant 0 : i32
    %c0_i32_1 = arith.constant 0 : i32
    return %c0_i32, %arg0, %c0_i32_0 : i32, i32, i32
  }
  func.func @transform_4(%arg0: i32) -> (i32, i32, i32) {
    %add3A = arith.constant 10 : i32
    %add3A_0 = arith.addi %add3A, %arg0 : i32
    %c0_i32 = arith.constant 0 : i32
    %c0_i32_1 = arith.constant 0 : i32
    %c0_i32_2 = arith.constant 0 : i32
    return %c0_i32, %add3A_0, %c0_i32_1 : i32, i32, i32
  }
  func.func @transform_5(%arg0: i32) -> (i32, i32, i32) {
    %c1_i32 = arith.constant 1 : i32
    %c0_i32 = arith.constant 0 : i32
    %c0_i32_0 = arith.constant 0 : i32
    return %c1_i32, %arg0, %c0_i32 : i32, i32, i32
  }
  func.func @transform_6(%arg0: i32) -> (i32, i32, i32) {
    %add3A = arith.constant 10 : i32
    %add3A_0 = arith.addi %add3A, %arg0 : i32
    %c1_i32 = arith.constant 1 : i32
    %c0_i32 = arith.constant 0 : i32
    %c0_i32_1 = arith.constant 0 : i32
    return %c1_i32, %add3A_0, %c0_i32 : i32, i32, i32
  }
  func.func @transform_7(%arg0: i32) -> (i32, i32, i32) {
    %c0_i32 = arith.constant 0 : i32
    %c0_i32_0 = arith.constant 0 : i32
    %c0_i32_1 = arith.constant 0 : i32
    return %c0_i32, %arg0, %c0_i32_0 : i32, i32, i32
  }
  func.func @transform_8(%arg0: i32) -> (i32, i32, i32) {
    %add3A = arith.constant 10 : i32
    %add3A_0 = arith.addi %add3A, %arg0 : i32
    %c0_i32 = arith.constant 0 : i32
    %c0_i32_1 = arith.constant 0 : i32
    %c0_i32_2 = arith.constant 0 : i32
    return %c0_i32, %add3A_0, %c0_i32_1 : i32, i32, i32
  }
  func.func @transform_9(%arg0: i32) -> (i32, i32) {
    %c0_i32 = arith.constant 0 : i32
    %c0_i32_0 = arith.constant 0 : i32
    %c0_i32_1 = arith.constant 0 : i32
    return %c0_i32, %c0_i32_0 : i32, i32
  }
  func.func @transform_10(%arg0: i32) -> (i32, i32) {
    %c0_i32 = arith.constant 0 : i32
    %c0_i32_0 = arith.constant 0 : i32
    %c0_i32_1 = arith.constant 0 : i32
    return %c0_i32, %c0_i32_0 : i32, i32
  }
  func.func @transform_11(%arg0: i32) -> (i32, i32) {
    %c0_i32 = arith.constant 0 : i32
    %c0_i32_0 = arith.constant 0 : i32
    %c0_i32_1 = arith.constant 0 : i32
    return %c0_i32, %c0_i32_0 : i32, i32
  }
  func.func @transform_12(%arg0: i32) -> (i32, i32) {
    %c0_i32 = arith.constant 0 : i32
    %c0_i32_0 = arith.constant 0 : i32
    %c0_i32_1 = arith.constant 0 : i32
    return %c0_i32, %c0_i32_0 : i32, i32
  }
  func.func @transform_13(%arg0: i32) -> (i32, i32) {
    %c0_i32 = arith.constant 0 : i32
    %c0_i32_0 = arith.constant 0 : i32
    return %arg0, %c0_i32 : i32, i32
  }
}

</mosaic_0001>

<sc_bundles>
// kernel: kernel.10.cloned.1.call-start
scs
__scs_entry_jumppad:
0x0: {  	(pc) =	sbr.rel $0x88, $3  }
0x1: {  	(tag) =	ssettag $0x0;
	lr =	simm.s32 $0x1  }
0x2: {  	[smem:$0x3F93] =	sst lr;
	_ =	strace $0xD0000000  }
0x3: {  	_ = 	snop  }
0x4: {  	_ = 	snop  }
0x5: {  	_ = 	snop  }
0x6: {  	_ = 	snop  }
0x7: {  	_ = 	snop  }
__scs_overlays_trampoline_lowered:
0x8: {  	[smem:$0x3FA2] =	sst s0  }
0x9: {  	[smem:$0x3FA3] =	sst s1  }
0xa: {  	[smem:$0x3FA4] =	sst s2  }
0xb: {  	[smem:$0x3FA5] =	sst s3  }
0xc: {  	[smem:$0x3FA6] =	sst s4  }
0xd: {  	[smem:$0x3FA7] =	sst s5  }
0xe: {  	[smem:$0x3FA8] =	sst s6  }
0xf: {  	[smem:$0x3FA9] =	sst s7  }
0x10: {  	[smem:$0x3FAA] =	sst s8  }
0x11: {  	[smem:$0x3FAB] =	sst s9;
	s0 =	simm.s32 @!p0 $0x0  }
0x12: {  	s1 =	sld [smem:$0x3F91];
	s0 =	simm.s32 @p0 $0x1  }
0x13: {  	[smem:$0x3FAC] =	sst s0;
	s0 =	simm.s32 @!p1 $0x0  }
0x14: {  	s2 =	sld [smem:$0x3F90];
	s0 =	simm.s32 @p1 $0x1  }
0x15: {  	[smem:$0x3FAD] =	sst s0;
	s0 =	simm.s32 @!p2 $0x0  }
0x16: {  	s3 =	sld [smem:$0x3FDB];
	s0 =	simm.s32 @p2 $0x1  }
0x17: {  	s4 =	simm.s32 $0x1BF5;
	[smem:$0x3FAF] =	sst s0  }
0x18: {  	s0 =	sld [smem:$0x3F92];
	_ =	swait.ge [sflag:s4], $0x0  }
0x19: {  	s7 =	sld [smem:$0x3F93]  }
0x1a: {  	s8 =	sadd.s32 $0xFFFFE003, lr  }
0x1b: {  	s9 =	sadd.s32 $0xFFFFFEF7, lr;
	s5 =	simm.s32 $0xFFFFFFFF;
	p2 =	slt.u32 s8, $0xFFFFF086  }
0x1c: {  	p1 =	slt.u32 s9, $0xF7A;
	s5 =	simm.s32 @!p2 $0x0  }
0x1d: {  	s5 =	simm.s32 @p1 $0x1;
	p0 =	seq.s32 s7, s2  }
0x1e: {  	s7 =	smul.u32 @!p0 $0xF7A, s2;
	p2 =	seq.s32 @!p0 s5, $0x0  }
0x1f: {  	s9 =	smul.u32 $0xF7A, s1;
	s8 =	simm.s32 @!p0 $0x1BF5;
	p2 =	por !p2, p0  }
0x20: {  	[sflag:s8] =	ssyncset.s32 @!p0 $0xFFFFF086;
	s6 =	sadd.s32 @!p0 s3, s7;
	s7 =	simm.s32 @!p0 $0x108  }
0x21: {  	s3 =	sadd.s32 s3, s9;
	s6 =	sadd.s32 @!p0 $0x88, s6;
	s7 =	simm.s32 @p2 $0x1082  }
0x22: {  	[simem:s7], [sflag:s8] =	dma.local @!p0 [hbm:s6], $0xF7A  }
0x23: {  	s9 =	sor.u32 $0xD0000000, s2;
	s6 =	simm.s32 $0x108;
	_ =	swait.ge @!p0 [sflag:s8], $0x0  }
0x24: {  	s3 =	sadd.s32 $0x88, s3;
	s6 =	simm.s32 @!p1 $0x1082;
	[sflag:s4] =	ssyncset.s32 $0xFFFFF086  }
0x25: {  	[simem:s6], [sflag:s4] =	dma.local [hbm:s3], $0xF7A  }
0x26: {  	[smem:$0x3F93] =	sst s1;
	(tag) =	ssettag s2;
	_ =	strace s9  }
0x27: {  	s1 =	sld [smem:$0x3FA3]  }
0x28: {  	s2 =	sld [smem:$0x3FA4]  }
0x29: {  	s4 =	sld [smem:$0x3FA6]  }
0x2a: {  	p0 =	seq.s32 s5, $0x0;
	s5 =	sld [smem:$0x3FA7]  }
0x2b: {  	s6 =	sld [smem:$0x3FA8]  }
0x2c: {  	s7 =	sld [smem:$0x3FA9]  }
0x2d: {  	s3 =	simm.s32 $0x108;
	s8 =	sld [smem:$0x3FAA]  }
0x2e: {  	s3 =	simm.s32 @!p0 $0x1082;
	s9 =	sld [smem:$0x3FAB]  }
0x2f: {  	lr =	sadd.s32 s0, s3;
	s0 =	sld [smem:$0x3FA2]  }
0x30: {  	s3 =	sld [smem:$0x3FA5]  }
0x31: {  	[smem:$0x3FAE] =	sst s10  }
0x32: {  	s10 =	sld [smem:$0x3FAC];
	_ =	sdelay $0x3  }
0x33: {  	p0 =	seq.s32 s10, $0x1;
	s10 =	sld [smem:$0x3FAE];
	_ =	sdelay $0x3  }
0x34: {  	[smem:$0x3FAE] =	sst s10  }
0x35: {  	s10 =	sld [smem:$0x3FAD];
	_ =	sdelay $0x3  }
0x36: {  	p1 =	seq.s32 s10, $0x1;
	s10 =	sld [smem:$0x3FAE];
	_ =	sdelay $0x3  }
0x37: {  	[smem:$0x3FAE] =	sst s10  }
0x38: {  	s10 =	sld [smem:$0x3FAF]  }
0x39: {  	_ = 	snop;
	(pc) =	sbr.ind lr, $3  }
0x3a: {  	_ = 	snop  }
0x3b: {  	_ = 	snop  }
0x3c: {  	p2 =	seq.s32 s10, $0x1;
	s10 =	sld [smem:$0x3FAE]  }
0x3d: {  	_ =	shalt  }
0x3e: {  	_ =	shalt  }
0x3f: {  	_ =	shalt  }
0x40: {  	_ =	shalt  }
0x41: {  	_ =	shalt  }
0x42: {  	_ =	shalt  }
0x43: {  	_ =	shalt  }
0x44: {  	_ =	shalt  }
0x45: {  	_ =	shalt  }
0x46: {  	_ =	shalt  }
0x47: {  	_ =	shalt  }
0x48: {  	_ =	shalt  }
0x49: {  	_ =	shalt  }
0x4a: {  	_ =	shalt  }
0x4b: {  	_ =	shalt  }
0x4c: {  	_ =	shalt  }
0x4d: {  	_ =	shalt  }
0x4e: {  	_ =	shalt  }
0x4f: {  	_ =	shalt  }
0x50: {  	_ =	shalt  }
0x51: {  	_ =	shalt  }
0x52: {  	_ =	shalt  }
0x53: {  	_ =	shalt  }
0x54: {  	_ =	shalt  }
0x55: {  	_ =	shalt  }
0x56: {  	_ =	shalt  }
0x57: {  	_ =	shalt  }
0x58: {  	_ =	shalt  }
0x59: {  	_ =	shalt  }
0x5a: {  	_ =	shalt  }
0x5b: {  	_ =	shalt  }
0x5c: {  	_ =	shalt  }
0x5d: {  	_ =	shalt  }
0x5e: {  	_ =	shalt  }
0x5f: {  	_ =	shalt  }
0x60: {  	_ =	shalt  }
0x61: {  	_ =	shalt  }
0x62: {  	_ =	shalt  }
0x63: {  	_ =	shalt  }
0x64: {  	_ =	shalt  }
0x65: {  	_ =	shalt  }
0x66: {  	_ =	shalt  }
0x67: {  	_ =	shalt  }
0x68: {  	_ =	shalt  }
0x69: {  	_ =	shalt  }
0x6a: {  	_ =	shalt  }
0x6b: {  	_ =	shalt  }
0x6c: {  	_ =	shalt  }
0x6d: {  	_ =	shalt  }
0x6e: {  	_ =	shalt  }
0x6f: {  	_ =	shalt  }
0x70: {  	_ =	shalt  }
0x71: {  	_ =	shalt  }
0x72: {  	_ =	shalt  }
0x73: {  	_ =	shalt  }
0x74: {  	_ =	shalt  }
0x75: {  	_ =	shalt  }
0x76: {  	_ =	shalt  }
0x77: {  	_ =	shalt  }
0x78: {  	_ =	shalt  }
0x79: {  	_ =	shalt  }
0x7a: {  	_ =	shalt  }
0x7b: {  	_ =	shalt  }
0x7c: {  	_ =	shalt  }
0x7d: {  	_ =	shalt  }
0x7e: {  	_ =	shalt  }
0x7f: {  	_ =	shalt  }
0x80: {  	_ =	shalt  }
0x81: {  	_ =	shalt  }
0x82: {  	_ =	shalt  }
0x83: {  	_ =	shalt  }
0x84: {  	_ =	shalt  }
0x85: {  	_ =	shalt  }
0x86: {  	_ =	shalt  }
0x87: {  	_ =	shalt  }
.Lfunc_end0:
.L_simem_size_0:
called_computation.1_lowered:
.L_overlay_start_0:
0x88: {  	s2 =	sld [smem:$0x3FD9]  }
0x89: {  	s3 =	sld [smem:$0x3FFE];
	_ =	sdelay $0x1  }
0x8a: {  	s1 =	srdreg.scid  }
0x8b: {  	s0 =	sand.u32 $0x1, s1  }
0x8c: {  	s16 =	sshll.u32 s0, $0xA;
	s2 =	sadd.s32 s3, s2  }
0x8d: {  	s2 =	sadd.s32 s2, s16  }
0x8e: {  	[smem:$0x3FBA] =	sst s2  }
0x8f: {  	_ = 	snop  }
0x90: {  	(tm) =	ssettm $0x1  }
0x91: {  	s17 =	sld [smem:$0x3FFB];
	_ =	sdelay $0x3  }
0x92: {  	_ =	strace s17  }
0x93: {  	s2 =	sld [smem:$0x3FFC];
	_ =	sdelay $0x3  }
0x94: {  	_ =	strace s2  }
0x95: {  	s2 =	sld [smem:$0x3FFD];
	_ =	sdelay $0x3  }
0x96: {  	_ =	strace s2  }
0x97: {  	_ =	strace $0x8FFFFFFF  }
0x98: {  	s18 =	sld [smem:$0x3FDB];
	_ =	sdelay $0x1  }
0x99: {  	s19 =	simm.s32 $_scs_section_size  }
0x9a: {  	s4 =	simm.s32 $_size__tile_overlayer_lowered;
	s5 =	simm.s32 $_tile_overlayer_lowered  }
0x9b: {  	s22 =	simm.s32 $0x1BFF;
	s21 =	sshll.u32 s5, $0x1;
	s2 =	sadd.s32 s19, s18  }
0x9c: {  	s6 =	simm.s32 $0x0;
	s20 =	sshll.u32 s4, $0x1;
	s4 =	sadd.s32 s21, s2  }
0x9d: {  	[timem:s6], [sflag:s22] =	dma.local [hbm:s4], s20  }
0x9e: {  	_ =	swait.ge [sflag:s22], s20  }
0x9f: {  	s3 =	ssub.s32 $0x0, s20;
	[sflag:s22] =	ssyncset.done $0x0  }
0xa0: {  	[sflag:s22] =	ssyncadd.s32 s3;
	_ =	sdelay $0x1  }
0xa1: {  	s23 =	simm.s32 $0x1B8B  }
0xa2: {  	_ =	swait.ge [sflag:s23], $0x1  }
0xa3: {  	[sflag:s23] =	ssyncset.done $0x0  }
0xa4: {  	s25 =	simm.s32 $0x1B8E;
	s24 =	sld [smem:$0x3FFE];
	[sflag:s23] =	ssyncadd.s32 $0xFFFFFFFF  }
0xa5: {  	s26 =	simm.s32 $execute0_lowered;
	[smem:$0x3FD2] =	sst s25  }
0xa6: {  	s4 =	sshll.u32 s26, $0x1;
	_ =	strace $0x80000049;
	[dreg:$0x1] =	wrdreg $0xFFFFFFFF  }
0xa7: {  	s28 =	simm.s32 $_size_execute0_lowered;
	s2 =	sadd.s32 s2, s4;
	[dreg:$0x0] =	wrdreg $0x0  }
0xa8: {  	s4 =	sshll.u32 s28, $0x1;
	[dreg:$0x2] =	wrdreg s2  }
0xa9: {  	[dreg:$0x3] =	wrdreg s4  }
0xaa: {  	[dreg:$0x4] =	wrdreg $0xC0  }
0xab: {  	_ =	task [dreg:s6], $0x5FFFF  }
0xac: {  	[dreg:$0x1] =	wrdreg $0xFFFFFFFF  }
0xad: {  	[dreg:$0x0] =	wrdreg $0x60  }
0xae: {  	[dreg:$0x2] =	wrdreg s24  }
0xaf: {  	[dreg:$0x3] =	wrdreg $0x0  }
0xb0: {  	[dreg:$0x4] =	wrdreg $0x9  }
0xb1: {  	_ =	task.clear_ibuf [dreg:s6], $0x5FFFF;
	_ =	strace $0x90000049  }
0xb2: {  	s29 =	simm.s32 $0x9;
	_ =	strace $0x8000004B  }
0xb3: {  	_ =	swait.ge [sflag:s29], $0x1  }
0xb4: {  	[sflag:s29] =	ssyncadd.s32 $0xFFFFFFFF  }
0xb5: {  	_ =	strace $0x9000004B  }
0xb6: {  	_ =	sfence  }
0xb7: {  	s30 =	sld [smem:$0x0];
	_ =	sdelay $0x2  }
0xb8: {  	s31 =	sshll.u32 s1, $0xD;
	s1 =	sshrl.u32 s1, $0x2  }
0xb9: {  	s3 =	sand.u32 $0x4000, s31;
	s1 =	sadd.s32 s1, s30  }
0xba: {  	s0 =	sor.u32 s3, s0;
	s1 =	sshll.u32 s1, $0x11  }
0xbb: {  	s0 =	sor.u32 s1, s0  }
0xbc: {  	s0 =	sadd.s32 $0x8F2B, s0  }
0xbd: {  	[sflag:s0] =	ssyncadd.remote.s32 $0x1  }
0xbe: {  	_ =	sfence.sel $0xFFFF  }
0xbf: {  	[dreg:$0x0] =	wrdreg $0xFFFFFFFF;
	(pc) =	sbr.abs _section_cstart, $3  }
0xc0: {  	[dreg:$0x1] =	wrdreg $0xFFFFFFFF  }
0xc1: {  	_ =	task.clear_ibuf [dreg:s6], $0x2FFFF;
	_ =	strace $0x9FFFFFFF  }
0xc2: {  	(tm) =	ssettm $0x7FFFFFFF  }
0xc3: {  	_ =	shalt  }
tec
execute0_lowered:
.L_overlay_start_1:
0x0: {  	(tag) =	ssettag $0x1  }
0x1: {  	s0 =	rddreg [dreg:$0x0]  }
0x2: {  	s1 =	srdreg.scid;
	s2 =	rddreg [dreg:$0x1]  }
0x3: {  	s24 =	stileid.u32;
	s3 =	simm.s32 $0x0;
	s20 =	simm.s32 $0x13910  }
0x4: {  	s21 =	simm.s32 $0x13980;
	s22 =	simm.s32 $0x139F0;
	s23 =	simm.s32 $0x13A60  }
0x5: {  	s26 =	simm.s32 $0x13AD0;
	s13 =	simm.s32 $0x13BB0;
	s28 =	simm.s32 $0x1  }
0x6: {  	s29 =	simm.s32 $0xC;
	s5 =	smul.u32 $0x4EC0, s24;
	[smem:$0x7FF] =	sst s3  }
0x7: {  	s6 =	smul.u32 $0x9D8, s24;
	_ =	strace $0x8000004A;
	[dreg:$0x5] =	wrdreg s20  }
0x8: {  	s30 =	simm.s32 $0x2;
	s8 =	smul.u32 $0xFA00, s24;
	[dreg:$0x6] =	wrdreg s21  }
0x9: {  	s1 =	sand.u32 $0x1, s1;
	s3 =	smul.u32 $0x7000, s24;
	[dreg:$0x7] =	wrdreg s22  }
0xa: {  	s31 =	simm.s32 $0x3;
	s4 =	smul.u32 $0x4EC00, s1;
	[dreg:$0x8] =	wrdreg s23  }
0xb: {  	s10 =	sadd.s32 $0x11E200, s0;
	s7 =	smul.u32 $0x138800, s1;
	[dreg:$0x9] =	wrdreg s26  }
0xc: {  	s1 =	ssub.s32 $0x2, s1;
	[dreg:$0xd] =	wrdreg s13;
	s20 =	simm.s32 $0x14080  }
0xd: {  	s13 =	simm.s32 $0x15F20;
	s21 =	simm.s32 $0x13D70;
	[dreg:$0x14] =	wrdreg s20  }
0xe: {  	s22 =	simm.s32 $0x140F0;
	s23 =	simm.s32 $0x14160;
	[dreg:$0x15] =	wrdreg s21  }
0xf: {  	s6 =	sadd.s32 s6, s0;
	s14 =	sshrl.u32 s1, $0x1;
	[dreg:$0x16] =	wrdreg s22  }
0x10: {  	s20 =	simm.s32 $0x7;
	[dreg:$0x17] =	wrdreg s23;
	s21 =	simm.s32 $0x8  }
0x11: {  	s22 =	simm.s32 $0x9;
	s23 =	simm.s32 $0xA;
	s5 =	sadd.s32 s5, s4  }
0x12: {  	s4 =	sadd.s32 $0x20200, s0;
	s11 =	sadd.s32 s7, s8;
	s17 =	sadd.s32 $0x16400, s6  }
0x13: {  	s15 =	sshrl.u32 s11, $0x3;
	[dreg:$0x3] =	wrdreg s17;
	s11 =	simm.s32 $0x13EC0  }
0x14: {  	s8 =	sadd.s32 s8, s2;
	s17 =	simm.s32 $0x13C90;
	[dreg:$0xc] =	wrdreg s11  }
0x15: {  	s5 =	sshrl.u32 s5, $0x3;
	s26 =	sshrl.u32 s8, $0x3;
	[dreg:$0x11] =	wrdreg s17  }
0x16: {  	s9 =	sadd.s32 s5, s0;
	s16 =	sadd.s32 s10, s15;
	[dreg:$0x1d] =	wrdreg s26  }
0x17: {  	s0 =	ssub.s32 s1, s14;
	s14 =	simm.s32 $0x13F30;
	[dreg:$0x1a] =	wrdreg s16  }
0x18: {  	s8 =	simm.s32 $0x0;
	s15 =	simm.s32 $0x13C20;
	[dreg:$0xe] =	wrdreg s14  }
0x19: {  	s5 =	sadd.s32 $0x137800, s2;
	s11 =	simm.s32 $0x13DE0;
	[dreg:$0xf] =	wrdreg s15  }
0x1a: {  	s17 =	simm.s32 $0x1CF20;
	s0 =	smax.u32 s0, $0x1;
	[dreg:$0x1f] =	wrdreg s5  }
0x1b: {  	s26 =	simm.s32 $0xB;
	s18 =	sadd.s32 $0x2800, s9;
	[dreg:$0x19] =	wrdreg s0  }
0x1c: {  	s9 =	simm.s32 $0x13E50;
	s16 =	simm.s32 $0x13FA0;
	[dreg:$0x4] =	wrdreg s18  }
0x1d: {  	s14 =	simm.s32 $0x17B20;
	s0 =	sor.u32 $0x10, s24;
	[dreg:$0xa] =	wrdreg s9  }
0x1e: {  	[dreg:$0x10] =	wrdreg s16;
	s18 =	simm.s32 $0x14010;
	s19 =	smul.u32 $0xFA00, s0  }
0x1f: {  	s15 =	simm.s32 $0x19720;
	s16 =	simm.s32 $0x1B320;
	[dreg:$0x12] =	wrdreg s18  }
0x20: {  	s18 =	simm.s32 $0x138A0;
	p0 =	sgt.u32 s0, $0x13;
	s7 =	sadd.s32 s7, s19  }
0x21: {  	s6 =	sadd.s32 s19, s2;
	s19 =	simm.s32 $0x13D00;
	s7 =	sshrl.u32 s7, $0x3  }
0x22: {  	[dreg:$0x13] =	wrdreg s19;
	s19 =	simm.s32 $0xD;
	s0 =	sshrl.u32 @!p0 s6, $0x3  }
0x23: {  	s6 =	simm.s32 $0x5;
	s25 =	sadd.s32 s10, s7;
	[dreg:$0x1e] =	wrdreg s0  }
0x24: {  	s10 =	simm.s32 $0x13B40;
	s7 =	sshrl.u32 s3, $0x2;
	[dreg:$0x1b] =	wrdreg s25  }
0x25: {  	s0 =	simm.s32 $0x4;
	[dreg:$0xb] =	wrdreg s10;
	s12 =	sadd.s32 s7, s2  }
0x26: {  	s10 =	simm.s32 $0x70;
	s25 =	simm.s32 $0x141D0;
	[dreg:$0x1c] =	wrdreg s12  }
0x27: {  	v0 =	vimm.f32 $0.0e+00;
	v1 =	vimm.s32 $0x0;
	s7 =	simm.s32 $0x6;
	s12 =	simm.s32 $0x14320;
	[dreg:$0x18] =	wrdreg s25  }
.LBB2_1:
0x28: {  	[smem:$0x7FD] =	sst s8;
	s9 =	simm.s32 $0x0;
	s25 =	simm.s32 $0x100  }
.LBB2_2:
0x29: {  	p1 =	sne.s32 s25, $0x6F00;
	[tilespmem:s9+$0x1CF50] =	vst v0  }
0x2a: {  	[tilespmem:s9+$0x14320] =	vst v0  }
0x2b: {  	[tilespmem:s9+$0x15F20] =	vst v0  }
0x2c: {  	[tilespmem:s9+$0x17B20] =	vst v0  }
0x2d: {  	[tilespmem:s9+$0x19720] =	vst v0  }
0x2e: {  	[tilespmem:s9+$0x1B320] =	vst v0  }
0x2f: {  	[tilespmem:s9+$0x1CF20] =	vst v0  }
0x30: {  	[tilespmem:s9+$0x14330] =	vst v0  }
0x31: {  	[tilespmem:s9+$0x15F30] =	vst v0  }
0x32: {  	[tilespmem:s9+$0x17B30] =	vst v0  }
0x33: {  	[tilespmem:s9+$0x19730] =	vst v0  }
0x34: {  	[tilespmem:s9+$0x1B330] =	vst v0  }
0x35: {  	[tilespmem:s9+$0x1CF30] =	vst v0  }
0x36: {  	[tilespmem:s9+$0x14340] =	vst v0  }
0x37: {  	[tilespmem:s9+$0x15F40] =	vst v0  }
0x38: {  	[tilespmem:s9+$0x17B40] =	vst v0  }
0x39: {  	[tilespmem:s9+$0x19740] =	vst v0  }
0x3a: {  	[tilespmem:s9+$0x1B340] =	vst v0  }
0x3b: {  	[tilespmem:s9+$0x1CF40] =	vst v0  }
.Ltmp0:
0x3c: {  	[tilespmem:s9+$0x14350] =	vst v0;
	(pc) =	sbr.rel @p1 .LBB2_2-.Ltmp0, $4  }
0x3d: {  	[tilespmem:s9+$0x15F50] =	vst v0  }
0x3e: {  	[tilespmem:s9+$0x17B50] =	vst v0  }
0x3f: {  	[tilespmem:s9+$0x19750] =	vst v0  }
0x40: {  	[tilespmem:s9+$0x1B350] =	vst v0;
	s9 =	sshra.s32 s25, $0x2;
	s25 =	sadd.s32 $0x100, s25  }
0x41: {  	[tilespmem:s9+$0x1CF50] =	vst v0  }
0x42: {  	[tilespmem:s9+$0x14320] =	vst v0  }
0x43: {  	[tilespmem:s9+$0x15F20] =	vst v0  }
0x44: {  	[tilespmem:s9+$0x17B20] =	vst v0  }
0x45: {  	[tilespmem:s9+$0x19720] =	vst v0  }
0x46: {  	[tilespmem:s9+$0x1B320] =	vst v0  }
0x47: {  	[tilespmem:s9+$0x1CF20] =	vst v0  }
0x48: {  	[tilespmem:s9+$0x14330] =	vst v0  }
0x49: {  	[tilespmem:s9+$0x15F30] =	vst v0  }
0x4a: {  	[tilespmem:s9+$0x17B30] =	vst v0  }
0x4b: {  	[tilespmem:s9+$0x19730] =	vst v0  }
0x4c: {  	[tilespmem:s9+$0x1B330] =	vst v0  }
0x4d: {  	[tilespmem:s9+$0x1CF30] =	vst v0  }
0x4e: {  	[tilespmem:s9+$0x14340] =	vst v0  }
0x4f: {  	[tilespmem:s9+$0x15F40] =	vst v0  }
0x50: {  	[tilespmem:s9+$0x17B40] =	vst v0  }
0x51: {  	[tilespmem:s9+$0x19740] =	vst v0  }
0x52: {  	[tilespmem:s9+$0x1B340] =	vst v0  }
0x53: {  	[tilespmem:s9+$0x1CF40] =	vst v0  }
0x54: {  	[tilespmem:s9+$0x14350] =	vst v0  }
0x55: {  	[tilespmem:s9+$0x15F50] =	vst v0  }
0x56: {  	[tilespmem:s9+$0x17B50] =	vst v0  }
0x57: {  	[tilespmem:s9+$0x19750] =	vst v0  }
0x58: {  	[tilespmem:s9+$0x1B350] =	vst v0  }
0x59: {  	[tilespmem:$0x13DE0] =	vst v1  }
0x5a: {  	s1 =	sadd.s32 $0xFFFFFF30, s24;
	[tilespmem:$0x13DF0] =	vst v1  }
0x5b: {  	[tilespmem:$0x13E00] =	vst v1;
	s8 =	sadd.s32 $0xD0, s1  }
0x5c: {  	[tilespmem:$0x13E10] =	vst v1;
	p1 =	sgt.u32 s8, $0xB1  }
0x5d: {  	[tilespmem:$0x13E20] =	vst v1;
	p2 =	sne.s32 @p1 s1, $0xFFFFFFE2;
	p1 =	por p1, p1  }
0x5e: {  	[tilespmem:$0x13E30] =	vst v1;
	p2 =	por p2, !p1  }
0x5f: {  	[tilespmem:$0x13E40] =	vst v1;
	s1 =	simm.s32 @!p2 $0x14320;
	s9 =	simm.s32 @!p2 $0xD  }
0x60: {  	[spmem:s5] =	stream.linear.scatter @!p2 [tilespmem:s1], [sflag:$0xD], $0x1200, $0x38;
	[tilespmem:$0x1EB20] =	vst v63  }
0x61: {  	s8 =	sadd.s32 $0xFFFFFF40, s24;
	_ =	swait.ge @!p2 [sflag:s9], $0x1200  }
0x62: {  	s24 =	sadd.s32 $0xD0, s8;
	s1 =	simm.s32 @!p1 $0xE;
	[sflag:s9] =	ssyncset.done @!p2 $0x0  }
0x63: {  	s3 =	rddreg [dreg:$0x1c];
	[sflag:s9] =	ssyncadd.s32 @!p2 $0xFFFFEE00;
	s9 =	simm.s32 @!p1 $0x14320  }
0x64: {  	[spmem:s3] =	stream.linear.scatter @!p1 [tilespmem:s9], [sflag:$0xE], $0x1C00, $0x38;
	[tilespmem:$0x1EB20] =	vst v63  }
0x65: {  	s25 =	simm.s32 $0xFFFFFF50;
	p3 =	sgt.u32 s24, $0xB1;
	_ =	swait.ge @!p1 [sflag:s1], $0x1C00  }
0x66: {  	s9 =	sadd.s32 $0x1C000, s3;
	s3 =	stileid.u32;
	[sflag:s1] =	ssyncset.done @!p1 $0x0  }
.LBB2_4:
0x67: {  	p4 =	sne.s32 @p3 s8, $0xFFFFFFE2;
	[sflag:s1] =	ssyncadd.s32 @!p1 $0xFFFFE400  }
0x68: {  	s8 =	smov.u32 s25;
	s25 =	sadd.s32 $0x10, s25;
	p1 =	por p3, p3  }
0x69: {  	p2 =	sne.s32 s25, $0x0;
	p3 =	por p4, !p1  }
0x6a: {  	s1 =	simm.s32 @!p3 $0x14320;
	s24 =	simm.s32 @!p3 $0xD  }
0x6b: {  	[spmem:s5] =	stream.linear.scatter @!p3 [tilespmem:s1], [sflag:$0xD], $0x1200, $0x38;
	[tilespmem:$0x1EB20] =	vst v63  }
0x6c: {  	_ =	swait.ge @!p3 [sflag:s24], $0x1200  }
.Ltmp1:
0x6d: {  	s1 =	simm.s32 @!p1 $0xE;
	[sflag:s24] =	ssyncset.done @!p3 $0x0;
	(pc) =	sbr.rel @p2 .LBB2_4-.Ltmp1, $4  }
0x6e: {  	s8 =	sadd.s32 s8, s3;
	[sflag:s24] =	ssyncadd.s32 @!p3 $0xFFFFEE00;
	s24 =	simm.s32 @!p1 $0x14320  }
0x6f: {  	[spmem:s9] =	stream.linear.scatter @!p1 [tilespmem:s24], [sflag:$0xE], $0x1C00, $0x38;
	[tilespmem:$0x1EB20] =	vst v63  }
0x70: {  	s24 =	sadd.s32 $0xD0, s8;
	_ =	swait.ge @!p1 [sflag:s1], $0x1C00  }
0x71: {  	s9 =	sadd.s32 $0x1C000, s9;
	p3 =	sgt.u32 s24, $0xB1;
	[sflag:s1] =	ssyncset.done @!p1 $0x0  }
0x72: {  	p2 =	sne.s32 @p3 s8, $0xFFFFFFE2;
	p3 =	por p3, p3  }
0x73: {  	p2 =	por p2, !p3  }
0x74: {  	[sflag:s1] =	ssyncadd.s32 @!p1 $0xFFFFE400;
	s1 =	simm.s32 @!p2 $0x14320;
	s8 =	simm.s32 @!p2 $0xD  }
0x75: {  	[spmem:s5] =	stream.linear.scatter @!p2 [tilespmem:s1], [sflag:$0xD], $0x1200, $0x38;
	[tilespmem:$0x1EB20] =	vst v63  }
0x76: {  	_ =	swait.ge @!p2 [sflag:s8], $0x1200  }
0x77: {  	[sflag:s8] =	ssyncset.done @!p2 $0x0  }
0x78: {  	s1 =	simm.s32 @!p3 $0xE;
	[sflag:s8] =	ssyncadd.s32 @!p2 $0xFFFFEE00;
	s8 =	simm.s32 @!p3 $0x14320  }
0x79: {  	[spmem:s9] =	stream.linear.scatter @!p3 [tilespmem:s8], [sflag:$0xE], $0x1C00, $0x38;
	[tilespmem:$0x1EB20] =	vst v63  }
0x7a: {  	_ =	swait.ge @!p3 [sflag:s1], $0x1C00  }
0x7b: {  	[sflag:s1] =	ssyncset.done @!p3 $0x0  }
0x7c: {  	[sflag:s1] =	ssyncadd.s32 @!p3 $0xFFFFE400  }
0x7d: {  	[bflag:$0x0] =	sbarrier.arrive $0xFFFF  }
0x7e: {  	[spmem:s2] =	stream.indirect.scatter.add.f32 [tilespmem:s12], [sflag:$0x7], $0x40, s11, s10, $0xb8;
	[tilespmem:$0x1EB20] =	vst v63  }
0x7f: {  	_ = 	snop  }
0x80: {  	[spmem:s2] =	stream.indirect.scatter.add.f32 [tilespmem:s13], [sflag:$0x8], $0x40, s11, s10, $0xb8;
	[tilespmem:$0x1EB20] =	vst v63  }
0x81: {  	_ = 	snop  }
0x82: {  	[spmem:s2] =	stream.indirect.scatter.add.f32 [tilespmem:s14], [sflag:$0x9], $0x40, s11, s10, $0xb8;
	[tilespmem:$0x1EB20] =	vst v63  }
0x83: {  	_ = 	snop  }
0x84: {  	[spmem:s2] =	stream.indirect.scatter.add.f32 [tilespmem:s15], [sflag:$0xA], $0x40, s11, s10, $0xb8;
	[tilespmem:$0x1EB20] =	vst v63  }
0x85: {  	_ = 	snop  }
0x86: {  	[spmem:s2] =	stream.indirect.scatter.add.f32 [tilespmem:s16], [sflag:$0xB], $0x40, s11, s10, $0xb8;
	[tilespmem:$0x1EB20] =	vst v63  }
0x87: {  	s24 =	rddreg [dreg:$0x4]  }
0x88: {  	[spmem:s2] =	stream.indirect.scatter.add.f32 [tilespmem:s17], [sflag:$0xC], $0x40, s11, s10, $0xb8;
	[tilespmem:$0x1EB20] =	vst v63  }
0x89: {  	s3 =	simm.s32 $0x0;
	s1 =	sadd.s32 $0x0, s24  }
0x8a: {  	[tilespmem:s18], [sflag:$0xD] =	stream.linear.gather [hbm4b:s1+s3], $0x540, $0x38;
	[tilespmem:$0x1EB20] =	vst v63  }
0x8b: {  	_ =	swait.ge [sflag:s19], $0x540  }
0x8c: {  	s25 =	rddreg [dreg:$0x3];
	[sflag:s19] =	ssyncset.done $0x0  }
0x8d: {  	[sflag:s19] =	ssyncadd.s32 $0xFFFFFAC0;
	s1 =	sadd.s32 $0x0, s25  }
0x8e: {  	[tilespmem:s11], [sflag:$0xD] =	stream.linear.gather [hbm4b:s1+s3], $0x540, $0x38;
	[tilespmem:$0x1EB20] =	vst v63  }
0x8f: {  	_ =	swait.ge [sflag:s19], $0x540  }
0x90: {  	[sflag:s19] =	ssyncset.done $0x0  }
0x91: {  	[sflag:s19] =	ssyncadd.s32 $0xFFFFFAC0  }
0x92: {  	_ =	swait.ge [sflag:s20], $0x1C00  }
0x93: {  	[sflag:s20] =	ssyncset.done $0x0  }
0x94: {  	[sflag:s20] =	ssyncadd.s32 $0xFFFFE400  }
0x95: {  	[tilespmem:s12], [sflag:$0x1] =	stream.indirect.gather [hbm4b:s4+s10], $0x40, s18, s10, $0xb8;
	[tilespmem:$0x1EB20] =	vst v63  }
0x96: {  	_ =	swait.ge [sflag:s21], $0x1C00  }
0x97: {  	[sflag:s21] =	ssyncset.done $0x0  }
0x98: {  	s5 =	rddreg [dreg:$0x5];
	[sflag:s21] =	ssyncadd.s32 $0xFFFFE400  }
0x99: {  	[tilespmem:s13], [sflag:$0x2] =	stream.indirect.gather [hbm4b:s4+s10], $0x40, s5, s10, $0xb8;
	[tilespmem:$0x1EB20] =	vst v63  }
0x9a: {  	_ =	swait.ge [sflag:s22], $0x1C00  }
0x9b: {  	[sflag:s22] =	ssyncset.done $0x0  }
0x9c: {  	s8 =	rddreg [dreg:$0x6];
	[sflag:s22] =	ssyncadd.s32 $0xFFFFE400  }
0x9d: {  	[tilespmem:s14], [sflag:$0x3] =	stream.indirect.gather [hbm4b:s4+s10], $0x40, s8, s10, $0xb8;
	[tilespmem:$0x1EB20] =	vst v63  }
0x9e: {  	_ =	swait.ge [sflag:s23], $0x1C00  }
0x9f: {  	[sflag:s23] =	ssyncset.done $0x0  }
0xa0: {  	s9 =	rddreg [dreg:$0x7];
	[sflag:s23] =	ssyncadd.s32 $0xFFFFE400  }
0xa1: {  	[tilespmem:s15], [sflag:$0x4] =	stream.indirect.gather [hbm4b:s4+s10], $0x40, s9, s10, $0xb8;
	[tilespmem:$0x1EB20] =	vst v63  }
0xa2: {  	_ =	swait.ge [sflag:s26], $0x1C00  }
0xa3: {  	[sflag:s26] =	ssyncset.done $0x0  }
0xa4: {  	s24 =	rddreg [dreg:$0x8];
	[sflag:s26] =	ssyncadd.s32 $0xFFFFE400  }
0xa5: {  	[tilespmem:s16], [sflag:$0x5] =	stream.indirect.gather [hbm4b:s4+s10], $0x40, s24, s10, $0xb8;
	[tilespmem:$0x1EB20] =	vst v63  }
0xa6: {  	_ =	swait.ge [sflag:s28], $0x1C00  }
0xa7: {  	[sflag:s28] =	ssyncset.done $0x0  }
0xa8: {  	[sflag:s28] =	ssyncadd.s32 $0xFFFFE400  }
0xa9: {  	[spmem:s2] =	stream.indirect.scatter.add.f32 [tilespmem:s12], [sflag:$0x7], $0x40, s11, s10, $0xb8;
	[tilespmem:$0x1EB20] =	vst v63  }
0xaa: {  	_ =	swait.ge [sflag:s29], $0x1C00  }
0xab: {  	[sflag:s29] =	ssyncset.done $0x0  }
0xac: {  	s25 =	rddreg [dreg:$0x9];
	[sflag:s29] =	ssyncadd.s32 $0xFFFFE400  }
0xad: {  	[tilespmem:s17], [sflag:$0x6] =	stream.indirect.gather [hbm4b:s4+s10], $0x40, s25, s10, $0xb8;
	[tilespmem:$0x1EB20] =	vst v63  }
0xae: {  	_ =	swait.ge [sflag:s30], $0x1C00  }
0xaf: {  	[sflag:s30] =	ssyncset.done $0x0  }
0xb0: {  	s5 =	rddreg [dreg:$0xa];
	[sflag:s30] =	ssyncadd.s32 $0xFFFFE400  }
0xb1: {  	[spmem:s2] =	stream.indirect.scatter.add.f32 [tilespmem:s13], [sflag:$0x8], $0x40, s5, s10, $0xb8;
	[tilespmem:$0x1EB20] =	vst v63  }
0xb2: {  	_ =	swait.ge [sflag:s20], $0x1C00  }
0xb3: {  	[sflag:s20] =	ssyncset.done $0x0  }
0xb4: {  	s8 =	rddreg [dreg:$0xb];
	[sflag:s20] =	ssyncadd.s32 $0xFFFFE400  }
0xb5: {  	[tilespmem:s12], [sflag:$0x1] =	stream.indirect.gather [hbm4b:s4+s10], $0x40, s8, s10, $0xb8;
	[tilespmem:$0x1EB20] =	vst v63  }
0xb6: {  	_ =	swait.ge [sflag:s31], $0x1C00  }
0xb7: {  	[sflag:s31] =	ssyncset.done $0x0  }
0xb8: {  	s9 =	rddreg [dreg:$0xc];
	[sflag:s31] =	ssyncadd.s32 $0xFFFFE400  }
0xb9: {  	[spmem:s2] =	stream.indirect.scatter.add.f32 [tilespmem:s14], [sflag:$0x9], $0x40, s9, s10, $0xb8;
	[tilespmem:$0x1EB20] =	vst v63  }
0xba: {  	_ =	swait.ge [sflag:s21], $0x1C00  }
0xbb: {  	[sflag:s21] =	ssyncset.done $0x0  }
0xbc: {  	s24 =	rddreg [dreg:$0xd];
	[sflag:s21] =	ssyncadd.s32 $0xFFFFE400  }
0xbd: {  	[tilespmem:s13], [sflag:$0x2] =	stream.indirect.gather [hbm4b:s4+s10], $0x40, s24, s10, $0xb8;
	[tilespmem:$0x1EB20] =	vst v63  }
0xbe: {  	_ =	swait.ge [sflag:s0], $0x1C00  }
0xbf: {  	[sflag:s0] =	ssyncset.done $0x0  }
0xc0: {  	s25 =	rddreg [dreg:$0xe];
	[sflag:s0] =	ssyncadd.s32 $0xFFFFE400  }
0xc1: {  	[spmem:s2] =	stream.indirect.scatter.add.f32 [tilespmem:s15], [sflag:$0xA], $0x40, s25, s10, $0xb8;
	[tilespmem:$0x1EB20] =	vst v63  }
0xc2: {  	_ =	swait.ge [sflag:s22], $0x1C00  }
0xc3: {  	[sflag:s22] =	ssyncset.done $0x0  }
0xc4: {  	s5 =	rddreg [dreg:$0xf];
	[sflag:s22] =	ssyncadd.s32 $0xFFFFE400  }
0xc5: {  	[tilespmem:s14], [sflag:$0x3] =	stream.indirect.gather [hbm4b:s4+s10], $0x40, s5, s10, $0xb8;
	[tilespmem:$0x1EB20] =	vst v63  }
0xc6: {  	_ =	swait.ge [sflag:s6], $0x1C00  }
0xc7: {  	[sflag:s6] =	ssyncset.done $0x0  }
0xc8: {  	s8 =	rddreg [dreg:$0x10];
	[sflag:s6] =	ssyncadd.s32 $0xFFFFE400  }
0xc9: {  	[spmem:s2] =	stream.indirect.scatter.add.f32 [tilespmem:s16], [sflag:$0xB], $0x40, s8, s10, $0xb8;
	[tilespmem:$0x1EB20] =	vst v63  }
0xca: {  	_ =	swait.ge [sflag:s23], $0x1C00  }
0xcb: {  	[sflag:s23] =	ssyncset.done $0x0  }
0xcc: {  	s9 =	rddreg [dreg:$0x11];
	[sflag:s23] =	ssyncadd.s32 $0xFFFFE400  }
0xcd: {  	[tilespmem:s15], [sflag:$0x4] =	stream.indirect.gather [hbm4b:s4+s10], $0x40, s9, s10, $0xb8;
	[tilespmem:$0x1EB20] =	vst v63  }
0xce: {  	_ =	swait.ge [sflag:s7], $0x1C00  }
0xcf: {  	[sflag:s7] =	ssyncset.done $0x0  }
0xd0: {  	s24 =	rddreg [dreg:$0x12];
	[sflag:s7] =	ssyncadd.s32 $0xFFFFE400  }
0xd1: {  	[spmem:s2] =	stream.indirect.scatter.add.f32 [tilespmem:s17], [sflag:$0xC], $0x40, s24, s10, $0xb8;
	[tilespmem:$0x1EB20] =	vst v63  }
0xd2: {  	_ =	swait.ge [sflag:s26], $0x1C00  }
0xd3: {  	[sflag:s26] =	ssyncset.done $0x0  }
0xd4: {  	s25 =	rddreg [dreg:$0x13];
	[sflag:s26] =	ssyncadd.s32 $0xFFFFE400  }
0xd5: {  	[tilespmem:s16], [sflag:$0x5] =	stream.indirect.gather [hbm4b:s4+s10], $0x40, s25, s10, $0xb8;
	[tilespmem:$0x1EB20] =	vst v63  }
0xd6: {  	_ =	swait.ge [sflag:s28], $0x1C00  }
0xd7: {  	[sflag:s28] =	ssyncset.done $0x0  }
0xd8: {  	s5 =	rddreg [dreg:$0x14];
	[sflag:s28] =	ssyncadd.s32 $0xFFFFE400  }
0xd9: {  	[spmem:s2] =	stream.indirect.scatter.add.f32 [tilespmem:s12], [sflag:$0x7], $0x40, s5, s10, $0xb8;
	[tilespmem:$0x1EB20] =	vst v63  }
0xda: {  	_ =	swait.ge [sflag:s29], $0x1C00  }
0xdb: {  	[sflag:s29] =	ssyncset.done $0x0  }
0xdc: {  	s8 =	rddreg [dreg:$0x15];
	[sflag:s29] =	ssyncadd.s32 $0xFFFFE400  }
0xdd: {  	[tilespmem:s17], [sflag:$0x6] =	stream.indirect.gather [hbm4b:s4+s10], $0x40, s8, s10, $0xb8;
	[tilespmem:$0x1EB20] =	vst v63  }
0xde: {  	_ =	swait.ge [sflag:s30], $0x1C00  }
0xdf: {  	[sflag:s30] =	ssyncset.done $0x0  }
0xe0: {  	s9 =	rddreg [dreg:$0x16];
	[sflag:s30] =	ssyncadd.s32 $0xFFFFE400  }
0xe1: {  	[spmem:s2] =	stream.indirect.scatter.add.f32 [tilespmem:s13], [sflag:$0x8], $0x40, s9, s10, $0xb8;
	[tilespmem:$0x1EB20] =	vst v63  }
0xe2: {  	_ =	swait.ge [sflag:s31], $0x1C00  }
0xe3: {  	[sflag:s31] =	ssyncset.done $0x0  }
0xe4: {  	s24 =	rddreg [dreg:$0x17];
	[sflag:s31] =	ssyncadd.s32 $0xFFFFE400  }
0xe5: {  	[spmem:s2] =	stream.indirect.scatter.add.f32 [tilespmem:s14], [sflag:$0x9], $0x40, s24, s10, $0xb8;
	[tilespmem:$0x1EB20] =	vst v63  }
0xe6: {  	_ =	swait.ge [sflag:s0], $0x1C00  }
0xe7: {  	[sflag:s0] =	ssyncset.done $0x0  }
0xe8: {  	s25 =	rddreg [dreg:$0x18];
	[sflag:s0] =	ssyncadd.s32 $0xFFFFE400  }
0xe9: {  	[spmem:s2] =	stream.indirect.scatter.add.f32 [tilespmem:s15], [sflag:$0xA], $0x40, s25, s10, $0xb8;
	[tilespmem:$0x1EB20] =	vst v63  }
0xea: {  	_ =	swait.ge [sflag:s6], $0x1C00  }
0xeb: {  	[sflag:s6] =	ssyncset.done $0x0  }
0xec: {  	s24 =	simm.s32 $0x14240;
	[sflag:s6] =	ssyncadd.s32 $0xFFFFE400  }
0xed: {  	[spmem:s2] =	stream.indirect.scatter.add.f32 [tilespmem:s16], [sflag:$0xB], $0x40, s24, s10, $0xb8;
	[tilespmem:$0x1EB20] =	vst v63  }
0xee: {  	_ =	swait.ge [sflag:s7], $0x1C00  }
0xef: {  	s5 =	simm.s32 $0x142B0;
	s9 =	simm.s32 $0xA8;
	[sflag:s7] =	ssyncset.done $0x0  }
0xf0: {  	s25 =	simm.s32 $0x150;
	s1 =	rddreg [dreg:$0x4];
	[sflag:s7] =	ssyncadd.s32 $0xFFFFE400  }
.LBB2_6:
0xf1: {  	[spmem:s2] =	stream.indirect.scatter.add.f32 [tilespmem:s17], [sflag:$0xC], $0x40, s5, s10, $0xb8;
	[tilespmem:$0x1EB20] =	vst v63  }
0xf2: {  	s1 =	sadd.s32 s9, s1  }
0xf3: {  	[tilespmem:s18], [sflag:$0xD] =	stream.linear.gather [hbm4b:s1+s3], $0x540, $0x38;
	[tilespmem:$0x1EB20] =	vst v63  }
0xf4: {  	_ =	swait.ge [sflag:s19], $0x540  }
0xf5: {  	s1 =	rddreg [dreg:$0x3];
	[sflag:s19] =	ssyncset.done $0x0  }
0xf6: {  	[sflag:s19] =	ssyncadd.s32 $0xFFFFFAC0;
	s1 =	sadd.s32 s9, s1  }
0xf7: {  	[tilespmem:s11], [sflag:$0xD] =	stream.linear.gather [hbm4b:s1+s3], $0x540, $0x38;
	[tilespmem:$0x1EB20] =	vst v63  }
0xf8: {  	_ =	swait.ge [sflag:s19], $0x540  }
0xf9: {  	[sflag:s19] =	ssyncset.done $0x0  }
0xfa: {  	[sflag:s19] =	ssyncadd.s32 $0xFFFFFAC0  }
0xfb: {  	_ =	swait.ge [sflag:s20], $0x1C00  }
0xfc: {  	[sflag:s20] =	ssyncset.done $0x0  }
0xfd: {  	[sflag:s20] =	ssyncadd.s32 $0xFFFFE400  }
0xfe: {  	[tilespmem:s12], [sflag:$0x1] =	stream.indirect.gather [hbm4b:s4+s10], $0x40, s18, s10, $0xb8;
	[tilespmem:$0x1EB20] =	vst v63  }
0xff: {  	_ =	swait.ge [sflag:s21], $0x1C00  }
0x100: {  	s8 =	smov.u32 s25;
	[sflag:s21] =	ssyncset.done $0x0  }
0x101: {  	s9 =	smov.u32 s8;
	s8 =	rddreg [dreg:$0x5];
	[sflag:s21] =	ssyncadd.s32 $0xFFFFE400  }
0x102: {  	[tilespmem:s13], [sflag:$0x2] =	stream.indirect.gather [hbm4b:s4+s10], $0x40, s8, s10, $0xb8;
	[tilespmem:$0x1EB20] =	vst v63  }
0x103: {  	_ =	swait.ge [sflag:s22], $0x1C00  }
0x104: {  	[sflag:s22] =	ssyncset.done $0x0  }
0x105: {  	s8 =	rddreg [dreg:$0x6];
	[sflag:s22] =	ssyncadd.s32 $0xFFFFE400  }
0x106: {  	[tilespmem:s14], [sflag:$0x3] =	stream.indirect.gather [hbm4b:s4+s10], $0x40, s8, s10, $0xb8;
	[tilespmem:$0x1EB20] =	vst v63  }
0x107: {  	_ =	swait.ge [sflag:s23], $0x1C00  }
0x108: {  	[sflag:s23] =	ssyncset.done $0x0  }
0x109: {  	s8 =	rddreg [dreg:$0x7];
	[sflag:s23] =	ssyncadd.s32 $0xFFFFE400  }
0x10a: {  	[tilespmem:s15], [sflag:$0x4] =	stream.indirect.gather [hbm4b:s4+s10], $0x40, s8, s10, $0xb8;
	[tilespmem:$0x1EB20] =	vst v63  }
0x10b: {  	_ =	swait.ge [sflag:s26], $0x1C00  }
0x10c: {  	[sflag:s26] =	ssyncset.done $0x0  }
0x10d: {  	s8 =	rddreg [dreg:$0x8];
	[sflag:s26] =	ssyncadd.s32 $0xFFFFE400  }
0x10e: {  	[tilespmem:s16], [sflag:$0x5] =	stream.indirect.gather [hbm4b:s4+s10], $0x40, s8, s10, $0xb8;
	[tilespmem:$0x1EB20] =	vst v63  }
0x10f: {  	_ =	swait.ge [sflag:s28], $0x1C00  }
0x110: {  	[sflag:s28] =	ssyncset.done $0x0  }
0x111: {  	[sflag:s28] =	ssyncadd.s32 $0xFFFFE400  }
0x112: {  	[spmem:s2] =	stream.indirect.scatter.add.f32 [tilespmem:s12], [sflag:$0x7], $0x40, s11, s10, $0xb8;
	[tilespmem:$0x1EB20] =	vst v63  }
0x113: {  	_ =	swait.ge [sflag:s29], $0x1C00  }
0x114: {  	[sflag:s29] =	ssyncset.done $0x0  }
0x115: {  	s8 =	rddreg [dreg:$0x9];
	[sflag:s29] =	ssyncadd.s32 $0xFFFFE400  }
0x116: {  	[tilespmem:s17], [sflag:$0x6] =	stream.indirect.gather [hbm4b:s4+s10], $0x40, s8, s10, $0xb8;
	[tilespmem:$0x1EB20] =	vst v63  }
0x117: {  	_ =	swait.ge [sflag:s30], $0x1C00  }
0x118: {  	[sflag:s30] =	ssyncset.done $0x0  }
0x119: {  	s8 =	rddreg [dreg:$0xa];
	[sflag:s30] =	ssyncadd.s32 $0xFFFFE400  }
0x11a: {  	[spmem:s2] =	stream.indirect.scatter.add.f32 [tilespmem:s13], [sflag:$0x8], $0x40, s8, s10, $0xb8;
	[tilespmem:$0x1EB20] =	vst v63  }
0x11b: {  	_ =	swait.ge [sflag:s20], $0x1C00  }
0x11c: {  	[sflag:s20] =	ssyncset.done $0x0  }
0x11d: {  	s8 =	rddreg [dreg:$0xb];
	[sflag:s20] =	ssyncadd.s32 $0xFFFFE400  }
0x11e: {  	[tilespmem:s12], [sflag:$0x1] =	stream.indirect.gather [hbm4b:s4+s10], $0x40, s8, s10, $0xb8;
	[tilespmem:$0x1EB20] =	vst v63  }
0x11f: {  	_ =	swait.ge [sflag:s31], $0x1C00  }
0x120: {  	[sflag:s31] =	ssyncset.done $0x0  }
0x121: {  	s8 =	rddreg [dreg:$0xc];
	[sflag:s31] =	ssyncadd.s32 $0xFFFFE400  }
0x122: {  	[spmem:s2] =	stream.indirect.scatter.add.f32 [tilespmem:s14], [sflag:$0x9], $0x40, s8, s10, $0xb8;
	[tilespmem:$0x1EB20] =	vst v63  }
0x123: {  	_ =	swait.ge [sflag:s21], $0x1C00  }
0x124: {  	[sflag:s21] =	ssyncset.done $0x0  }
0x125: {  	s8 =	rddreg [dreg:$0xd];
	[sflag:s21] =	ssyncadd.s32 $0xFFFFE400  }
0x126: {  	[tilespmem:s13], [sflag:$0x2] =	stream.indirect.gather [hbm4b:s4+s10], $0x40, s8, s10, $0xb8;
	[tilespmem:$0x1EB20] =	vst v63  }
0x127: {  	_ =	swait.ge [sflag:s0], $0x1C00  }
0x128: {  	[sflag:s0] =	ssyncset.done $0x0  }
0x129: {  	s8 =	rddreg [dreg:$0xe];
	[sflag:s0] =	ssyncadd.s32 $0xFFFFE400  }
0x12a: {  	[spmem:s2] =	stream.indirect.scatter.add.f32 [tilespmem:s15], [sflag:$0xA], $0x40, s8, s10, $0xb8;
	[tilespmem:$0x1EB20] =	vst v63  }
0x12b: {  	_ =	swait.ge [sflag:s22], $0x1C00  }
0x12c: {  	[sflag:s22] =	ssyncset.done $0x0  }
0x12d: {  	s8 =	rddreg [dreg:$0xf];
	[sflag:s22] =	ssyncadd.s32 $0xFFFFE400  }
0x12e: {  	[tilespmem:s14], [sflag:$0x3] =	stream.indirect.gather [hbm4b:s4+s10], $0x40, s8, s10, $0xb8;
	[tilespmem:$0x1EB20] =	vst v63  }
0x12f: {  	_ =	swait.ge [sflag:s6], $0x1C00  }
0x130: {  	[sflag:s6] =	ssyncset.done $0x0  }
0x131: {  	s8 =	rddreg [dreg:$0x10];
	[sflag:s6] =	ssyncadd.s32 $0xFFFFE400  }
0x132: {  	[spmem:s2] =	stream.indirect.scatter.add.f32 [tilespmem:s16], [sflag:$0xB], $0x40, s8, s10, $0xb8;
	[tilespmem:$0x1EB20] =	vst v63  }
0x133: {  	_ =	swait.ge [sflag:s23], $0x1C00  }
0x134: {  	[sflag:s23] =	ssyncset.done $0x0  }
0x135: {  	s8 =	rddreg [dreg:$0x11];
	[sflag:s23] =	ssyncadd.s32 $0xFFFFE400  }
0x136: {  	[tilespmem:s15], [sflag:$0x4] =	stream.indirect.gather [hbm4b:s4+s10], $0x40, s8, s10, $0xb8;
	[tilespmem:$0x1EB20] =	vst v63  }
0x137: {  	_ =	swait.ge [sflag:s7], $0x1C00  }
0x138: {  	[sflag:s7] =	ssyncset.done $0x0  }
0x139: {  	s8 =	rddreg [dreg:$0x12];
	[sflag:s7] =	ssyncadd.s32 $0xFFFFE400  }
0x13a: {  	[spmem:s2] =	stream.indirect.scatter.add.f32 [tilespmem:s17], [sflag:$0xC], $0x40, s8, s10, $0xb8;
	[tilespmem:$0x1EB20] =	vst v63  }
0x13b: {  	_ =	swait.ge [sflag:s26], $0x1C00  }
0x13c: {  	[sflag:s26] =	ssyncset.done $0x0  }
0x13d: {  	s8 =	rddreg [dreg:$0x13];
	[sflag:s26] =	ssyncadd.s32 $0xFFFFE400  }
0x13e: {  	[tilespmem:s16], [sflag:$0x5] =	stream.indirect.gather [hbm4b:s4+s10], $0x40, s8, s10, $0xb8;
	[tilespmem:$0x1EB20] =	vst v63  }
0x13f: {  	_ =	swait.ge [sflag:s28], $0x1C00  }
0x140: {  	[sflag:s28] =	ssyncset.done $0x0  }
0x141: {  	s8 =	rddreg [dreg:$0x14];
	[sflag:s28] =	ssyncadd.s32 $0xFFFFE400  }
0x142: {  	[spmem:s2] =	stream.indirect.scatter.add.f32 [tilespmem:s12], [sflag:$0x7], $0x40, s8, s10, $0xb8;
	[tilespmem:$0x1EB20] =	vst v63  }
0x143: {  	_ =	swait.ge [sflag:s29], $0x1C00  }
0x144: {  	[sflag:s29] =	ssyncset.done $0x0  }
0x145: {  	s8 =	rddreg [dreg:$0x15];
	[sflag:s29] =	ssyncadd.s32 $0xFFFFE400  }
0x146: {  	[tilespmem:s17], [sflag:$0x6] =	stream.indirect.gather [hbm4b:s4+s10], $0x40, s8, s10, $0xb8;
	[tilespmem:$0x1EB20] =	vst v63  }
0x147: {  	_ =	swait.ge [sflag:s30], $0x1C00  }
0x148: {  	[sflag:s30] =	ssyncset.done $0x0  }
0x149: {  	s8 =	rddreg [dreg:$0x16];
	[sflag:s30] =	ssyncadd.s32 $0xFFFFE400  }
0x14a: {  	[spmem:s2] =	stream.indirect.scatter.add.f32 [tilespmem:s13], [sflag:$0x8], $0x40, s8, s10, $0xb8;
	[tilespmem:$0x1EB20] =	vst v63  }
0x14b: {  	_ =	swait.ge [sflag:s31], $0x1C00  }
0x14c: {  	[sflag:s31] =	ssyncset.done $0x0  }
0x14d: {  	s8 =	rddreg [dreg:$0x17];
	[sflag:s31] =	ssyncadd.s32 $0xFFFFE400  }
0x14e: {  	[spmem:s2] =	stream.indirect.scatter.add.f32 [tilespmem:s14], [sflag:$0x9], $0x40, s8, s10, $0xb8;
	[tilespmem:$0x1EB20] =	vst v63  }
0x14f: {  	_ =	swait.ge [sflag:s0], $0x1C00  }
0x150: {  	[sflag:s0] =	ssyncset.done $0x0  }
0x151: {  	s8 =	rddreg [dreg:$0x18];
	[sflag:s0] =	ssyncadd.s32 $0xFFFFE400  }
0x152: {  	[spmem:s2] =	stream.indirect.scatter.add.f32 [tilespmem:s15], [sflag:$0xA], $0x40, s8, s10, $0xb8;
	[tilespmem:$0x1EB20] =	vst v63  }
0x153: {  	_ =	swait.ge [sflag:s6], $0x1C00  }
0x154: {  	p1 =	sne.s32 s25, $0x930;
	[sflag:s6] =	ssyncset.done $0x0  }
.Ltmp2:
0x155: {  	[sflag:s6] =	ssyncadd.s32 $0xFFFFE400;
	(pc) =	sbr.rel @p1 .LBB2_6-.Ltmp2, $4  }
0x156: {  	[spmem:s2] =	stream.indirect.scatter.add.f32 [tilespmem:s16], [sflag:$0xB], $0x40, s24, s10, $0xb8;
	[tilespmem:$0x1EB20] =	vst v63  }
0x157: {  	_ =	swait.ge [sflag:s7], $0x1C00  }
0x158: {  	[sflag:s7] =	ssyncset.done $0x0  }
0x159: {  	s25 =	sadd.s32 $0xA8, s25;
	s1 =	rddreg [dreg:$0x4];
	[sflag:s7] =	ssyncadd.s32 $0xFFFFE400  }
0x15a: {  	[spmem:s2] =	stream.indirect.scatter.add.f32 [tilespmem:s17], [sflag:$0xC], $0x40, s5, s10, $0xb8;
	[tilespmem:$0x1EB20] =	vst v63  }
0x15b: {  	s1 =	sadd.s32 s9, s1  }
0x15c: {  	[tilespmem:s18], [sflag:$0xD] =	stream.linear.gather [hbm4b:s1+s3], $0x540, $0x38;
	[tilespmem:$0x1EB20] =	vst v63  }
0x15d: {  	_ =	swait.ge [sflag:s19], $0x540  }
0x15e: {  	s25 =	rddreg [dreg:$0x3];
	[sflag:s19] =	ssyncset.done $0x0  }
0x15f: {  	s1 =	sadd.s32 s9, s25;
	[sflag:s19] =	ssyncadd.s32 $0xFFFFFAC0  }
0x160: {  	[tilespmem:s11], [sflag:$0xD] =	stream.linear.gather [hbm4b:s1+s3], $0x540, $0x38;
	[tilespmem:$0x1EB20] =	vst v63  }
0x161: {  	_ =	swait.ge [sflag:s19], $0x540  }
0x162: {  	[sflag:s19] =	ssyncset.done $0x0  }
0x163: {  	[sflag:s19] =	ssyncadd.s32 $0xFFFFFAC0  }
0x164: {  	_ =	swait.ge [sflag:s20], $0x1C00  }
0x165: {  	[sflag:s20] =	ssyncset.done $0x0  }
0x166: {  	[sflag:s20] =	ssyncadd.s32 $0xFFFFE400  }
0x167: {  	[tilespmem:s12], [sflag:$0x1] =	stream.indirect.gather [hbm4b:s4+s10], $0x40, s18, s10, $0xb8;
	[tilespmem:$0x1EB20] =	vst v63  }
0x168: {  	_ =	swait.ge [sflag:s21], $0x1C00  }
0x169: {  	[sflag:s21] =	ssyncset.done $0x0  }
0x16a: {  	s3 =	rddreg [dreg:$0x5];
	[sflag:s21] =	ssyncadd.s32 $0xFFFFE400  }
0x16b: {  	[tilespmem:s13], [sflag:$0x2] =	stream.indirect.gather [hbm4b:s4+s10], $0x40, s3, s10, $0xb8;
	[tilespmem:$0x1EB20] =	vst v63  }
0x16c: {  	_ =	swait.ge [sflag:s22], $0x1C00  }
0x16d: {  	[sflag:s22] =	ssyncset.done $0x0  }
0x16e: {  	s8 =	rddreg [dreg:$0x6];
	[sflag:s22] =	ssyncadd.s32 $0xFFFFE400  }
0x16f: {  	[tilespmem:s14], [sflag:$0x3] =	stream.indirect.gather [hbm4b:s4+s10], $0x40, s8, s10, $0xb8;
	[tilespmem:$0x1EB20] =	vst v63  }
0x170: {  	_ =	swait.ge [sflag:s23], $0x1C00  }
0x171: {  	[sflag:s23] =	ssyncset.done $0x0  }
0x172: {  	s9 =	rddreg [dreg:$0x7];
	[sflag:s23] =	ssyncadd.s32 $0xFFFFE400  }
0x173: {  	[tilespmem:s15], [sflag:$0x4] =	stream.indirect.gather [hbm4b:s4+s10], $0x40, s9, s10, $0xb8;
	[tilespmem:$0x1EB20] =	vst v63  }
0x174: {  	_ =	swait.ge [sflag:s26], $0x1C00  }
0x175: {  	[sflag:s26] =	ssyncset.done $0x0  }
0x176: {  	s25 =	rddreg [dreg:$0x8];
	[sflag:s26] =	ssyncadd.s32 $0xFFFFE400  }
0x177: {  	[tilespmem:s16], [sflag:$0x5] =	stream.indirect.gather [hbm4b:s4+s10], $0x40, s25, s10, $0xb8;
	[tilespmem:$0x1EB20] =	vst v63  }
0x178: {  	_ =	swait.ge [sflag:s28], $0x1C00  }
0x179: {  	[sflag:s28] =	ssyncset.done $0x0  }
0x17a: {  	[sflag:s28] =	ssyncadd.s32 $0xFFFFE400  }
0x17b: {  	[spmem:s2] =	stream.indirect.scatter.add.f32 [tilespmem:s12], [sflag:$0x7], $0x40, s11, s10, $0xb8;
	[tilespmem:$0x1EB20] =	vst v63  }
0x17c: {  	_ =	swait.ge [sflag:s29], $0x1C00  }
0x17d: {  	[sflag:s29] =	ssyncset.done $0x0  }
0x17e: {  	s3 =	rddreg [dreg:$0x9];
	[sflag:s29] =	ssyncadd.s32 $0xFFFFE400  }
0x17f: {  	[tilespmem:s17], [sflag:$0x6] =	stream.indirect.gather [hbm4b:s4+s10], $0x40, s3, s10, $0xb8;
	[tilespmem:$0x1EB20] =	vst v63  }
0x180: {  	_ =	swait.ge [sflag:s30], $0x1C00  }
0x181: {  	[sflag:s30] =	ssyncset.done $0x0  }
0x182: {  	s8 =	rddreg [dreg:$0xa];
	[sflag:s30] =	ssyncadd.s32 $0xFFFFE400  }
0x183: {  	[spmem:s2] =	stream.indirect.scatter.add.f32 [tilespmem:s13], [sflag:$0x8], $0x40, s8, s10, $0xb8;
	[tilespmem:$0x1EB20] =	vst v63  }
0x184: {  	_ =	swait.ge [sflag:s20], $0x1C00  }
0x185: {  	[sflag:s20] =	ssyncset.done $0x0  }
0x186: {  	s9 =	rddreg [dreg:$0xb];
	[sflag:s20] =	ssyncadd.s32 $0xFFFFE400  }
0x187: {  	[tilespmem:s12], [sflag:$0x1] =	stream.indirect.gather [hbm4b:s4+s10], $0x40, s9, s10, $0xb8;
	[tilespmem:$0x1EB20] =	vst v63  }
0x188: {  	_ =	swait.ge [sflag:s31], $0x1C00  }
0x189: {  	[sflag:s31] =	ssyncset.done $0x0  }
0x18a: {  	s25 =	rddreg [dreg:$0xc];
	[sflag:s31] =	ssyncadd.s32 $0xFFFFE400  }
0x18b: {  	[spmem:s2] =	stream.indirect.scatter.add.f32 [tilespmem:s14], [sflag:$0x9], $0x40, s25, s10, $0xb8;
	[tilespmem:$0x1EB20] =	vst v63  }
0x18c: {  	_ =	swait.ge [sflag:s21], $0x1C00  }
0x18d: {  	[sflag:s21] =	ssyncset.done $0x0  }
0x18e: {  	s3 =	rddreg [dreg:$0xd];
	[sflag:s21] =	ssyncadd.s32 $0xFFFFE400  }
0x18f: {  	[tilespmem:s13], [sflag:$0x2] =	stream.indirect.gather [hbm4b:s4+s10], $0x40, s3, s10, $0xb8;
	[tilespmem:$0x1EB20] =	vst v63  }
0x190: {  	_ =	swait.ge [sflag:s0], $0x1C00  }
0x191: {  	[sflag:s0] =	ssyncset.done $0x0  }
0x192: {  	s8 =	rddreg [dreg:$0xe];
	[sflag:s0] =	ssyncadd.s32 $0xFFFFE400  }
0x193: {  	[spmem:s2] =	stream.indirect.scatter.add.f32 [tilespmem:s15], [sflag:$0xA], $0x40, s8, s10, $0xb8;
	[tilespmem:$0x1EB20] =	vst v63  }
0x194: {  	_ =	swait.ge [sflag:s22], $0x1C00  }
0x195: {  	[sflag:s22] =	ssyncset.done $0x0  }
0x196: {  	s9 =	rddreg [dreg:$0xf];
	[sflag:s22] =	ssyncadd.s32 $0xFFFFE400  }
0x197: {  	[tilespmem:s14], [sflag:$0x3] =	stream.indirect.gather [hbm4b:s4+s10], $0x40, s9, s10, $0xb8;
	[tilespmem:$0x1EB20] =	vst v63  }
0x198: {  	_ =	swait.ge [sflag:s6], $0x1C00  }
0x199: {  	[sflag:s6] =	ssyncset.done $0x0  }
0x19a: {  	s25 =	rddreg [dreg:$0x10];
	[sflag:s6] =	ssyncadd.s32 $0xFFFFE400  }
0x19b: {  	[spmem:s2] =	stream.indirect.scatter.add.f32 [tilespmem:s16], [sflag:$0xB], $0x40, s25, s10, $0xb8;
	[tilespmem:$0x1EB20] =	vst v63  }
0x19c: {  	_ =	swait.ge [sflag:s23], $0x1C00  }
0x19d: {  	[sflag:s23] =	ssyncset.done $0x0  }
0x19e: {  	s3 =	rddreg [dreg:$0x11];
	[sflag:s23] =	ssyncadd.s32 $0xFFFFE400  }
0x19f: {  	[tilespmem:s15], [sflag:$0x4] =	stream.indirect.gather [hbm4b:s4+s10], $0x40, s3, s10, $0xb8;
	[tilespmem:$0x1EB20] =	vst v63  }
0x1a0: {  	_ =	swait.ge [sflag:s7], $0x1C00  }
0x1a1: {  	[sflag:s7] =	ssyncset.done $0x0  }
0x1a2: {  	s8 =	rddreg [dreg:$0x12];
	[sflag:s7] =	ssyncadd.s32 $0xFFFFE400  }
0x1a3: {  	[spmem:s2] =	stream.indirect.scatter.add.f32 [tilespmem:s17], [sflag:$0xC], $0x40, s8, s10, $0xb8;
	[tilespmem:$0x1EB20] =	vst v63  }
0x1a4: {  	_ =	swait.ge [sflag:s26], $0x1C00  }
0x1a5: {  	[sflag:s26] =	ssyncset.done $0x0  }
0x1a6: {  	s9 =	rddreg [dreg:$0x13];
	[sflag:s26] =	ssyncadd.s32 $0xFFFFE400  }
0x1a7: {  	[tilespmem:s16], [sflag:$0x5] =	stream.indirect.gather [hbm4b:s4+s10], $0x40, s9, s10, $0xb8;
	[tilespmem:$0x1EB20] =	vst v63  }
0x1a8: {  	_ =	swait.ge [sflag:s28], $0x1C00  }
0x1a9: {  	[sflag:s28] =	ssyncset.done $0x0  }
0x1aa: {  	s25 =	rddreg [dreg:$0x14];
	[sflag:s28] =	ssyncadd.s32 $0xFFFFE400  }
0x1ab: {  	[spmem:s2] =	stream.indirect.scatter.add.f32 [tilespmem:s12], [sflag:$0x7], $0x40, s25, s10, $0xb8;
	[tilespmem:$0x1EB20] =	vst v63  }
0x1ac: {  	_ =	swait.ge [sflag:s29], $0x1C00  }
0x1ad: {  	[sflag:s29] =	ssyncset.done $0x0  }
0x1ae: {  	s3 =	rddreg [dreg:$0x15];
	[sflag:s29] =	ssyncadd.s32 $0xFFFFE400  }
0x1af: {  	[tilespmem:s17], [sflag:$0x6] =	stream.indirect.gather [hbm4b:s4+s10], $0x40, s3, s10, $0xb8;
	[tilespmem:$0x1EB20] =	vst v63  }
0x1b0: {  	_ =	swait.ge [sflag:s30], $0x1C00  }
0x1b1: {  	[sflag:s30] =	ssyncset.done $0x0  }
0x1b2: {  	s8 =	rddreg [dreg:$0x16];
	[sflag:s30] =	ssyncadd.s32 $0xFFFFE400  }
0x1b3: {  	[spmem:s2] =	stream.indirect.scatter.add.f32 [tilespmem:s13], [sflag:$0x8], $0x40, s8, s10, $0xb8;
	[tilespmem:$0x1EB20] =	vst v63  }
0x1b4: {  	_ =	swait.ge [sflag:s31], $0x1C00  }
0x1b5: {  	[sflag:s31] =	ssyncset.done $0x0  }
0x1b6: {  	s9 =	rddreg [dreg:$0x17];
	[sflag:s31] =	ssyncadd.s32 $0xFFFFE400  }
0x1b7: {  	[spmem:s2] =	stream.indirect.scatter.add.f32 [tilespmem:s14], [sflag:$0x9], $0x40, s9, s10, $0xb8;
	[tilespmem:$0x1EB20] =	vst v63  }
0x1b8: {  	_ =	swait.ge [sflag:s0], $0x1C00  }
0x1b9: {  	[sflag:s0] =	ssyncset.done $0x0  }
0x1ba: {  	s25 =	rddreg [dreg:$0x18];
	[sflag:s0] =	ssyncadd.s32 $0xFFFFE400  }
0x1bb: {  	[spmem:s2] =	stream.indirect.scatter.add.f32 [tilespmem:s15], [sflag:$0xA], $0x40, s25, s10, $0xb8;
	[tilespmem:$0x1EB20] =	vst v63  }
0x1bc: {  	_ =	swait.ge [sflag:s6], $0x1C00  }
0x1bd: {  	[sflag:s6] =	ssyncset.done $0x0  }
0x1be: {  	[sflag:s6] =	ssyncadd.s32 $0xFFFFE400  }
0x1bf: {  	[spmem:s2] =	stream.indirect.scatter.add.f32 [tilespmem:s16], [sflag:$0xB], $0x40, s24, s10, $0xb8;
	[tilespmem:$0x1EB20] =	vst v63  }
0x1c0: {  	_ =	swait.ge [sflag:s7], $0x1C00  }
0x1c1: {  	[sflag:s7] =	ssyncset.done $0x0  }
0x1c2: {  	[sflag:s7] =	ssyncadd.s32 $0xFFFFE400  }
0x1c3: {  	[spmem:s2] =	stream.indirect.scatter.add.f32 [tilespmem:s17], [sflag:$0xC], $0x40, s5, s10, $0xb8;
	[tilespmem:$0x1EB20] =	vst v63  }
0x1c4: {  	_ =	swait.ge [sflag:s20], $0x1C00  }
0x1c5: {  	[sflag:s20] =	ssyncset.done $0x0  }
0x1c6: {  	[sflag:s20] =	ssyncadd.s32 $0xFFFFE400  }
0x1c7: {  	_ =	swait.ge [sflag:s21], $0x1C00  }
0x1c8: {  	[sflag:s21] =	ssyncset.done $0x0  }
0x1c9: {  	[sflag:s21] =	ssyncadd.s32 $0xFFFFE400  }
0x1ca: {  	_ =	swait.ge [sflag:s22], $0x1C00  }
0x1cb: {  	[sflag:s22] =	ssyncset.done $0x0  }
0x1cc: {  	[sflag:s22] =	ssyncadd.s32 $0xFFFFE400  }
0x1cd: {  	_ =	swait.ge [sflag:s23], $0x1C00  }
0x1ce: {  	[sflag:s23] =	ssyncset.done $0x0  }
0x1cf: {  	[sflag:s23] =	ssyncadd.s32 $0xFFFFE400  }
0x1d0: {  	_ =	swait.ge [sflag:s26], $0x1C00  }
0x1d1: {  	[sflag:s26] =	ssyncset.done $0x0  }
0x1d2: {  	[sflag:s26] =	ssyncadd.s32 $0xFFFFE400  }
0x1d3: {  	_ =	swait.ge [sflag:s29], $0x1C00  }
0x1d4: {  	[sflag:s29] =	ssyncset.done $0x0  }
0x1d5: {  	[sflag:s29] =	ssyncadd.s32 $0xFFFFE400  }
0x1d6: {  	s24 =	stileid.u32;
	[bflag:$0x0] =	sbarrier.arrive $0xFFFF  }
0x1d7: {  	s3 =	sshll.u32 s24, $0x6;
	s5 =	rddreg [dreg:$0x1a]  }
0x1d8: {  	s1 =	sor.u32 $0x1C0D, s3;
	s8 =	rddreg [dreg:$0x1d]  }
0x1d9: {  	[hbm:s5], [sflag:s1] =	dma.local [spmem:s8], $0x1F40  }
0x1da: {  	_ =	swait.ge [sflag:s19], $0x1F40  }
0x1db: {  	[sflag:s19] =	ssyncset.done $0x0;
	s3 =	rddreg [dreg:$0x1b]  }
0x1dc: {  	s8 =	rddreg [dreg:$0x1e];
	[sflag:s19] =	ssyncadd.s32 $0xFFFFE0C0  }
0x1dd: {  	[hbm:s3], [sflag:s1] =	dma.local @!p0 [spmem:s8], $0x1F40  }
0x1de: {  	s1 =	simm.s32 @!p0 $0xD  }
0x1df: {  	_ =	swait.ge @!p0 [sflag:s1], $0x1F40  }
0x1e0: {  	s9 =	sld [smem:$0x7FD];
	_ =	sdelay $0x2  }
0x1e1: {  	s25 =	rddreg [dreg:$0x19];
	s8 =	sadd.s32 $0x1, s9  }
0x1e2: {  	p1 =	sne.s32 s8, s25  }
.Ltmp3:
0x1e3: {  	_ = 	snop;
	(pc) =	sbr.rel @p1 .LBB2_1-.Ltmp3, $3  }
0x1e4: {  	_ =	sdelay $0x1  }
0x1e5: {  	[sflag:s1] =	ssyncset.done @!p0 $0x0  }
0x1e6: {  	s5 =	rddreg [dreg:$0x1f];
	[sflag:s1] =	ssyncadd.s32 @!p0 $0xFFFFE0C0  }
0x1e7: {  	_ =	sfence.sel $0x180000  }
0x1e8: {  	[bflag:$0x0] =	sbarrier.arrive $0xFFFF  }
0x1e9: {  	_ =	strace $0x9000004A  }
0x1ea: {  	[bflag:$0x2] =	sbarrier.arrive $0xFFFF  }
0x1eb: {  	p0 =	sne.s32 s24, $0x0;
	s0 =	rddreg [dreg:$0x2]  }
0x1ec: {  	s0 =	sadd.s32 @!p0 $0x100000, s0  }
0x1ed: {  	[sflag:s0] =	ssyncadd.tile.s32 @!p0 $0x1;
	_ =	shalt  }
.Lfunc_end2:
_tile_overlayer_lowered:
.L_overlay_start_2:
0x1ee: {  	(tag) =	ssettag $0x2  }
0x1ef: {  	s0 =	rddreg [dreg:$0x0];
	s2 =	stileid.u32  }
0x1f0: {  	s1 =	rddreg [dreg:$0x1];
	p0 =	sne.s32 s2, $0x0  }
0x1f1: {  	s3 =	rddreg [dreg:$0x2];
	[bflag:$0x3] =	sbarrier.arrive $0xFFFF;
	s2 =	simm.s32 @!p0 $0x1C0D  }
0x1f2: {  	[timem:s3], [sflag:s2] =	dma.local @!p0 [hbm:s0], s1  }
0x1f3: {  	s0 =	simm.s32 @!p0 $0xD  }
0x1f4: {  	_ =	swait.ge @!p0 [sflag:s0], s1  }
0x1f5: {  	s1 =	ssub.s32 @!p0 $0x0, s1;
	[sflag:s0] =	ssyncset.done @!p0 $0x0  }
0x1f6: {  	[sflag:s0] =	ssyncadd.s32 @!p0 s1  }
0x1f7: {  	[bflag:$0x3] =	sbarrier.arrive $0xFFFF  }
0x1f8: {  	_ =	shalt  }

// kernel: kernel.7.cloned.1.call-start
scs
__scs_entry_jumppad:
0x0: {  	(pc) =	sbr.rel $0x88, $3  }
0x1: {  	(tag) =	ssettag $0x0;
	lr =	simm.s32 $0x1  }
0x2: {  	[smem:$0x3F93] =	sst lr;
	_ =	strace $0xD0000000  }
0x3: {  	_ = 	snop  }
0x4: {  	_ = 	snop  }
0x5: {  	_ = 	snop  }
0x6: {  	_ = 	snop  }
0x7: {  	_ = 	snop  }
__scs_overlays_trampoline_lowered:
0x8: {  	[smem:$0x3FA2] =	sst s0  }
0x9: {  	[smem:$0x3FA3] =	sst s1  }
0xa: {  	[smem:$0x3FA4] =	sst s2  }
0xb: {  	[smem:$0x3FA5] =	sst s3  }
0xc: {  	[smem:$0x3FA6] =	sst s4  }
0xd: {  	[smem:$0x3FA7] =	sst s5  }
0xe: {  	[smem:$0x3FA8] =	sst s6  }
0xf: {  	[smem:$0x3FA9] =	sst s7  }
0x10: {  	[smem:$0x3FAA] =	sst s8  }
0x11: {  	[smem:$0x3FAB] =	sst s9;
	s0 =	simm.s32 @!p0 $0x0  }
0x12: {  	s1 =	sld [smem:$0x3F91];
	s0 =	simm.s32 @p0 $0x1  }
0x13: {  	[smem:$0x3FAC] =	sst s0;
	s0 =	simm.s32 @!p1 $0x0  }
0x14: {  	s2 =	sld [smem:$0x3F90];
	s0 =	simm.s32 @p1 $0x1  }
0x15: {  	[smem:$0x3FAD] =	sst s0;
	s0 =	simm.s32 @!p2 $0x0  }
0x16: {  	s3 =	sld [smem:$0x3FDB];
	s0 =	simm.s32 @p2 $0x1  }
0x17: {  	s4 =	simm.s32 $0x1BF5;
	[smem:$0x3FAF] =	sst s0  }
0x18: {  	s0 =	sld [smem:$0x3F92];
	_ =	swait.ge [sflag:s4], $0x0  }
0x19: {  	s7 =	sld [smem:$0x3F93]  }
0x1a: {  	s8 =	sadd.s32 $0xFFFFE003, lr  }
0x1b: {  	s9 =	sadd.s32 $0xFFFFFEF7, lr;
	s5 =	simm.s32 $0xFFFFFFFF;
	p2 =	slt.u32 s8, $0xFFFFF086  }
0x1c: {  	p1 =	slt.u32 s9, $0xF7A;
	s5 =	simm.s32 @!p2 $0x0  }
0x1d: {  	s5 =	simm.s32 @p1 $0x1;
	p0 =	seq.s32 s7, s2  }
0x1e: {  	s7 =	smul.u32 @!p0 $0xF7A, s2;
	p2 =	seq.s32 @!p0 s5, $0x0  }
0x1f: {  	s9 =	smul.u32 $0xF7A, s1;
	s8 =	simm.s32 @!p0 $0x1BF5;
	p2 =	por !p2, p0  }
0x20: {  	[sflag:s8] =	ssyncset.s32 @!p0 $0xFFFFF086;
	s6 =	sadd.s32 @!p0 s3, s7;
	s7 =	simm.s32 @!p0 $0x108  }
0x21: {  	s3 =	sadd.s32 s3, s9;
	s6 =	sadd.s32 @!p0 $0x88, s6;
	s7 =	simm.s32 @p2 $0x1082  }
0x22: {  	[simem:s7], [sflag:s8] =	dma.local @!p0 [hbm:s6], $0xF7A  }
0x23: {  	s9 =	sor.u32 $0xD0000000, s2;
	s6 =	simm.s32 $0x108;
	_ =	swait.ge @!p0 [sflag:s8], $0x0  }
0x24: {  	s3 =	sadd.s32 $0x88, s3;
	s6 =	simm.s32 @!p1 $0x1082;
	[sflag:s4] =	ssyncset.s32 $0xFFFFF086  }
0x25: {  	[simem:s6], [sflag:s4] =	dma.local [hbm:s3], $0xF7A  }
0x26: {  	[smem:$0x3F93] =	sst s1;
	(tag) =	ssettag s2;
	_ =	strace s9  }
0x27: {  	s1 =	sld [smem:$0x3FA3]  }
0x28: {  	s2 =	sld [smem:$0x3FA4]  }
0x29: {  	s4 =	sld [smem:$0x3FA6]  }
0x2a: {  	p0 =	seq.s32 s5, $0x0;
	s5 =	sld [smem:$0x3FA7]  }
0x2b: {  	s6 =	sld [smem:$0x3FA8]  }
0x2c: {  	s7 =	sld [smem:$0x3FA9]  }
0x2d: {  	s3 =	simm.s32 $0x108;
	s8 =	sld [smem:$0x3FAA]  }
0x2e: {  	s3 =	simm.s32 @!p0 $0x1082;
	s9 =	sld [smem:$0x3FAB]  }
0x2f: {  	lr =	sadd.s32 s0, s3;
	s0 =	sld [smem:$0x3FA2]  }
0x30: {  	s3 =	sld [smem:$0x3FA5]  }
0x31: {  	[smem:$0x3FAE] =	sst s10  }
0x32: {  	s10 =	sld [smem:$0x3FAC];
	_ =	sdelay $0x3  }
0x33: {  	p0 =	seq.s32 s10, $0x1;
	s10 =	sld [smem:$0x3FAE];
	_ =	sdelay $0x3  }
0x34: {  	[smem:$0x3FAE] =	sst s10  }
0x35: {  	s10 =	sld [smem:$0x3FAD];
	_ =	sdelay $0x3  }
0x36: {  	p1 =	seq.s32 s10, $0x1;
	s10 =	sld [smem:$0x3FAE];
	_ =	sdelay $0x3  }
0x37: {  	[smem:$0x3FAE] =	sst s10  }
0x38: {  	s10 =	sld [smem:$0x3FAF]  }
0x39: {  	_ = 	snop;
	(pc) =	sbr.ind lr, $3  }
0x3a: {  	_ = 	snop  }
0x3b: {  	_ = 	snop  }
0x3c: {  	p2 =	seq.s32 s10, $0x1;
	s10 =	sld [smem:$0x3FAE]  }
0x3d: {  	_ =	shalt  }
0x3e: {  	_ =	shalt  }
0x3f: {  	_ =	shalt  }
0x40: {  	_ =	shalt  }
0x41: {  	_ =	shalt  }
0x42: {  	_ =	shalt  }
0x43: {  	_ =	shalt  }
0x44: {  	_ =	shalt  }
0x45: {  	_ =	shalt  }
0x46: {  	_ =	shalt  }
0x47: {  	_ =	shalt  }
0x48: {  	_ =	shalt  }
0x49: {  	_ =	shalt  }
0x4a: {  	_ =	shalt  }
0x4b: {  	_ =	shalt  }
0x4c: {  	_ =	shalt  }
0x4d: {  	_ =	shalt  }
0x4e: {  	_ =	shalt  }
0x4f: {  	_ =	shalt  }
0x50: {  	_ =	shalt  }
0x51: {  	_ =	shalt  }
0x52: {  	_ =	shalt  }
0x53: {  	_ =	shalt  }
0x54: {  	_ =	shalt  }
0x55: {  	_ =	shalt  }
0x56: {  	_ =	shalt  }
0x57: {  	_ =	shalt  }
0x58: {  	_ =	shalt  }
0x59: {  	_ =	shalt  }
0x5a: {  	_ =	shalt  }
0x5b: {  	_ =	shalt  }
0x5c: {  	_ =	shalt  }
0x5d: {  	_ =	shalt  }
0x5e: {  	_ =	shalt  }
0x5f: {  	_ =	shalt  }
0x60: {  	_ =	shalt  }
0x61: {  	_ =	shalt  }
0x62: {  	_ =	shalt  }
0x63: {  	_ =	shalt  }
0x64: {  	_ =	shalt  }
0x65: {  	_ =	shalt  }
0x66: {  	_ =	shalt  }
0x67: {  	_ =	shalt  }
0x68: {  	_ =	shalt  }
0x69: {  	_ =	shalt  }
0x6a: {  	_ =	shalt  }
0x6b: {  	_ =	shalt  }
0x6c: {  	_ =	shalt  }
0x6d: {  	_ =	shalt  }
0x6e: {  	_ =	shalt  }
0x6f: {  	_ =	shalt  }
0x70: {  	_ =	shalt  }
0x71: {  	_ =	shalt  }
0x72: {  	_ =	shalt  }
0x73: {  	_ =	shalt  }
0x74: {  	_ =	shalt  }
0x75: {  	_ =	shalt  }
0x76: {  	_ =	shalt  }
0x77: {  	_ =	shalt  }
0x78: {  	_ =	shalt  }
0x79: {  	_ =	shalt  }
0x7a: {  	_ =	shalt  }
0x7b: {  	_ =	shalt  }
0x7c: {  	_ =	shalt  }
0x7d: {  	_ =	shalt  }
0x7e: {  	_ =	shalt  }
0x7f: {  	_ =	shalt  }
0x80: {  	_ =	shalt  }
0x81: {  	_ =	shalt  }
0x82: {  	_ =	shalt  }
0x83: {  	_ =	shalt  }
0x84: {  	_ =	shalt  }
0x85: {  	_ =	shalt  }
0x86: {  	_ =	shalt  }
0x87: {  	_ =	shalt  }
.Lfunc_end0:
.L_simem_size_0:
called_computation_lowered:
.L_overlay_start_0:
0x88: {  	s2 =	sld [smem:$0x3FD9]  }
0x89: {  	s3 =	sld [smem:$0x3FFE];
	_ =	sdelay $0x1  }
0x8a: {  	s1 =	srdreg.scid  }
0x8b: {  	s0 =	sand.u32 $0x1, s1  }
0x8c: {  	s16 =	sshll.u32 s0, $0xA;
	s2 =	sadd.s32 s3, s2  }
0x8d: {  	s2 =	sadd.s32 s2, s16  }
0x8e: {  	[smem:$0x3FBA] =	sst s2  }
0x8f: {  	_ = 	snop  }
0x90: {  	(tm) =	ssettm $0x1  }
0x91: {  	s17 =	sld [smem:$0x3FFB];
	_ =	sdelay $0x3  }
0x92: {  	_ =	strace s17  }
0x93: {  	s2 =	sld [smem:$0x3FFC];
	_ =	sdelay $0x3  }
0x94: {  	_ =	strace s2  }
0x95: {  	s2 =	sld [smem:$0x3FFD];
	_ =	sdelay $0x3  }
0x96: {  	_ =	strace s2  }
0x97: {  	_ =	strace $0x8FFFFFFF  }
0x98: {  	s18 =	sld [smem:$0x3FDB];
	_ =	sdelay $0x1  }
0x99: {  	s19 =	simm.s32 $_scs_section_size  }
0x9a: {  	s4 =	simm.s32 $_size__tile_overlayer_lowered;
	s5 =	simm.s32 $_tile_overlayer_lowered  }
0x9b: {  	s22 =	simm.s32 $0x1BFF;
	s21 =	sshll.u32 s5, $0x1;
	s2 =	sadd.s32 s19, s18  }
0x9c: {  	s6 =	simm.s32 $0x0;
	s20 =	sshll.u32 s4, $0x1;
	s4 =	sadd.s32 s21, s2  }
0x9d: {  	[timem:s6], [sflag:s22] =	dma.local [hbm:s4], s20  }
0x9e: {  	_ =	swait.ge [sflag:s22], s20  }
0x9f: {  	s3 =	ssub.s32 $0x0, s20;
	[sflag:s22] =	ssyncset.done $0x0  }
0xa0: {  	[sflag:s22] =	ssyncadd.s32 s3;
	_ =	sdelay $0x1  }
0xa1: {  	s23 =	simm.s32 $0x1B8B  }
0xa2: {  	_ =	swait.ge [sflag:s23], $0x1  }
0xa3: {  	[sflag:s23] =	ssyncset.done $0x0  }
0xa4: {  	s25 =	simm.s32 $0x1B8E;
	s24 =	sld [smem:$0x3FFE];
	[sflag:s23] =	ssyncadd.s32 $0xFFFFFFFF  }
0xa5: {  	s26 =	simm.s32 $execute0_lowered;
	[smem:$0x3FD2] =	sst s25  }
0xa6: {  	s4 =	sshll.u32 s26, $0x1;
	_ =	strace $0x80000046;
	[dreg:$0x1] =	wrdreg $0xFFFFFFFF  }
0xa7: {  	s28 =	simm.s32 $_size_execute0_lowered;
	s2 =	sadd.s32 s2, s4;
	[dreg:$0x0] =	wrdreg $0x0  }
0xa8: {  	s4 =	sshll.u32 s28, $0x1;
	[dreg:$0x2] =	wrdreg s2  }
0xa9: {  	[dreg:$0x3] =	wrdreg s4  }
0xaa: {  	[dreg:$0x4] =	wrdreg $0xC0  }
0xab: {  	_ =	task [dreg:s6], $0x5FFFF  }
0xac: {  	[dreg:$0x1] =	wrdreg $0xFFFFFFFF  }
0xad: {  	[dreg:$0x0] =	wrdreg $0x60  }
0xae: {  	[dreg:$0x2] =	wrdreg s24  }
0xaf: {  	[dreg:$0x3] =	wrdreg $0x0  }
0xb0: {  	[dreg:$0x4] =	wrdreg $0x138A00  }
0xb1: {  	[dreg:$0x5] =	wrdreg $0x9  }
0xb2: {  	_ =	task.clear_ibuf [dreg:s6], $0x6FFFF;
	_ =	strace $0x90000046  }
0xb3: {  	s29 =	simm.s32 $0x9;
	_ =	strace $0x80000048  }
0xb4: {  	_ =	swait.ge [sflag:s29], $0x1  }
0xb5: {  	[sflag:s29] =	ssyncadd.s32 $0xFFFFFFFF  }
0xb6: {  	_ =	strace $0x90000048  }
0xb7: {  	_ =	sfence  }
0xb8: {  	s30 =	sld [smem:$0x0];
	_ =	sdelay $0x2  }
0xb9: {  	s31 =	sshll.u32 s1, $0xD;
	s1 =	sshrl.u32 s1, $0x2  }
0xba: {  	s3 =	sand.u32 $0x4000, s31;
	s1 =	sadd.s32 s1, s30  }
0xbb: {  	s0 =	sor.u32 s3, s0;
	s1 =	sshll.u32 s1, $0x11  }
0xbc: {  	s0 =	sor.u32 s1, s0  }
0xbd: {  	s0 =	sadd.s32 $0x8F2B, s0  }
0xbe: {  	[sflag:s0] =	ssyncadd.remote.s32 $0x1  }
0xbf: {  	_ =	sfence.sel $0xFFFF  }
0xc0: {  	[dreg:$0x0] =	wrdreg $0xFFFFFFFF;
	(pc) =	sbr.abs _section_cstart, $3  }
0xc1: {  	[dreg:$0x1] =	wrdreg $0xFFFFFFFF  }
0xc2: {  	_ =	task.clear_ibuf [dreg:s6], $0x2FFFF;
	_ =	strace $0x9FFFFFFF  }
0xc3: {  	(tm) =	ssettm $0x7FFFFFFF  }
tec
execute0_lowered:
.L_overlay_start_1:
0x0: {  	(tag) =	ssettag $0x1  }
0x1: {  	s0 =	rddreg [dreg:$0x0]  }
0x2: {  	s1 =	srdreg.scid;
	s22 =	stileid.u32  }
0x3: {  	s2 =	rddreg [dreg:$0x1];
	s5 =	smul.u32 $0x4EC0, s22  }
0x4: {  	s3 =	rddreg [dreg:$0x2];
	s6 =	simm.s32 $0x0;
	s15 =	smul.u32 $0x9D8, s22  }
0x5: {  	s26 =	simm.s32 $0x19538;
	s28 =	simm.s32 $0x5;
	s11 =	smul.u32 $0xFA00, s22  }
0x6: {  	s29 =	simm.s32 $0x6;
	s30 =	simm.s32 $0x1;
	s12 =	smul.u32 $0x3E80, s22  }
0x7: {  	s31 =	simm.s32 $0x186C8;
	s1 =	sand.u32 $0x1, s1;
	s25 =	smul.u32 $0x7000, s22  }
0x8: {  	[smem:$0x7FF] =	sst s6;
	s7 =	sadd.s32 $0x33C00, s0;
	s4 =	smul.u32 $0x4EC00, s1  }
0x9: {  	s23 =	sadd.s32 $0x137800, s2;
	s13 =	sor.u32 $0x10, s22;
	s9 =	smul.u32 $0x138800, s1  }
0xa: {  	s24 =	sadd.s32 $0x4DE00, s3;
	s8 =	ssub.s32 $0x2, s1;
	s1 =	smul.u32 $0x4E200, s1  }
0xb: {  	_ =	strace $0x80000047;
	s14 =	smul.u32 $0xFA00, s13;
	[dreg:$0x6] =	wrdreg s26  }
0xc: {  	s19 =	smul.u32 $0x3E80, s13;
	p0 =	sgt.u32 s13, $0x13;
	[dreg:$0x1d] =	wrdreg s23  }
0xd: {  	[dreg:$0x1e] =	wrdreg s24;
	s13 =	simm.s32 $0x19CA8;
	s6 =	sadd.s32 s15, s0  }
0xe: {  	s10 =	sshrl.u32 s8, $0x1;
	s4 =	sadd.s32 s5, s4;
	s5 =	sadd.s32 $0xB2800, s0  }
0xf: {  	s8 =	ssub.s32 s8, s10;
	s16 =	sadd.s32 s9, s11;
	s18 =	sadd.s32 s1, s12  }
0x10: {  	s9 =	sadd.s32 s9, s14;
	s11 =	sadd.s32 s11, s2;
	s1 =	sadd.s32 s1, s19  }
0x11: {  	s6 =	sadd.s32 $0x16400, s6;
	s4 =	sshrl.u32 s4, $0x3;
	s10 =	sshrl.u32 s16, $0x3  }
0x12: {  	s8 =	smax.u32 s8, $0x1;
	s20 =	sshrl.u32 s9, $0x3;
	[dreg:$0x4] =	wrdreg s6  }
0x13: {  	s9 =	sadd.s32 s12, s3;
	s6 =	simm.s32 $0x195A8;
	[dreg:$0x11] =	wrdreg s8  }
0x14: {  	s1 =	sshrl.u32 s1, $0x3;
	s12 =	simm.s32 $0x19688;
	[dreg:$0x7] =	wrdreg s6  }
0x15: {  	s16 =	simm.s32 $0x19768;
	s4 =	sadd.s32 s4, s0;
	[dreg:$0x9] =	wrdreg s12  }
0x16: {  	s0 =	sadd.s32 $0x20200, s0;
	s17 =	sadd.s32 s7, s10;
	[dreg:$0xb] =	wrdreg s16  }
0x17: {  	s8 =	sshrl.u32 s18, $0x3;
	s7 =	sadd.s32 s7, s20;
	[dreg:$0x12] =	wrdreg s17  }
0x18: {  	s10 =	smul.u32 $0x1C00, s22;
	s18 =	simm.s32 $0x19848;
	[dreg:$0x14] =	wrdreg s7  }
0x19: {  	s20 =	simm.s32 $0x19928;
	s26 =	sshrl.u32 s9, $0x3;
	[dreg:$0xd] =	wrdreg s18  }
0x1a: {  	s9 =	simm.s32 $0x3;
	s16 =	simm.s32 $0x19DF8;
	[dreg:$0xf] =	wrdreg s20  }
0x1b: {  	s8 =	sadd.s32 s0, s8;
	s7 =	sadd.s32 s14, s2;
	[dreg:$0x19] =	wrdreg s26  }
0x1c: {  	s0 =	sadd.s32 s0, s1;
	s21 =	sadd.s32 $0x2800, s4;
	[dreg:$0x13] =	wrdreg s8  }
0x1d: {  	s4 =	sadd.s32 s19, s3;
	s1 =	sshrl.u32 s25, $0x2;
	[dreg:$0x15] =	wrdreg s0  }
0x1e: {  	s14 =	simm.s32 $0x196F8;
	s17 =	simm.s32 $0x197D8;
	[dreg:$0x5] =	wrdreg s21  }
0x1f: {  	s19 =	simm.s32 $0x198B8;
	s18 =	simm.s32 $0x1BB48;
	[dreg:$0xa] =	wrdreg s14  }
0x20: {  	s25 =	sshrl.u32 s11, $0x3;
	s26 =	simm.s32 $0x4;
	[dreg:$0xc] =	wrdreg s17  }
0x21: {  	s8 =	simm.s32 $0x19618;
	s1 =	sadd.s32 s1, s2;
	[dreg:$0xe] =	wrdreg s19  }
0x22: {  	s15 =	sshrl.u32 s10, $0x2;
	s14 =	simm.s32 $0x19A08;
	[dreg:$0x18] =	wrdreg s25  }
0x23: {  	s17 =	simm.s32 $0x19F48;
	s21 =	simm.s32 $0x19998;
	[dreg:$0x8] =	wrdreg s8  }
0x24: {  	s19 =	simm.s32 $0x1D748;
	s0 =	sshrl.u32 @!p0 s7, $0x3;
	[dreg:$0x16] =	wrdreg s1  }
0x25: {  	s25 =	simm.s32 $0x19C38;
	s1 =	sadd.s32 s15, s3;
	[dreg:$0x10] =	wrdreg s21  }
0x26: {  	s15 =	simm.s32 $0x70;
	s21 =	simm.s32 $0x8;
	[dreg:$0x1a] =	wrdreg s0  }
0x27: {  	s0 =	sshrl.u32 @!p0 s4, $0x3;
	s4 =	simm.s32 $0x19A08;
	[dreg:$0x17] =	wrdreg s1  }
0x28: {  	v0 =	vimm.f32 $0.0e+00;
	v1 =	vimm.s32 $0x0;
	v2 =	vimm.f32 $1.000000000e+00;
	[dreg:$0x1b] =	wrdreg s0;
	s1 =	simm.s32 $0x2;
	s0 =	simm.s32 $0x0  }
.LBB2_1:
0x29: {  	s6 =	simm.s32 $0xFFFFE400;
	s7 =	simm.s32 $0xFFFF9100  }
.LBB2_2:
0x2a: {  	p1 =	sne.s32 s7, $0xFFFFFF00;
	[tilespmem:s6+$0x1F378] =	vst v0  }
0x2b: {  	[tilespmem:s6+$0x1BB48] =	vst v0  }
0x2c: {  	[tilespmem:s6+$0x1D748] =	vst v0  }
0x2d: {  	[tilespmem:s6+$0x1F348] =	vst v0  }
0x2e: {  	[tilespmem:s6+$0x1BB58] =	vst v0  }
0x2f: {  	[tilespmem:s6+$0x1D758] =	vst v0  }
0x30: {  	[tilespmem:s6+$0x1F358] =	vst v0  }
.Ltmp0:
0x31: {  	[tilespmem:s6+$0x1BB68] =	vst v0;
	(pc) =	sbr.rel @p1 .LBB2_2-.Ltmp0, $4  }
0x32: {  	[tilespmem:s6+$0x1D768] =	vst v0  }
0x33: {  	[tilespmem:s6+$0x1F368] =	vst v0  }
0x34: {  	[tilespmem:s6+$0x1BB78] =	vst v0  }
0x35: {  	[tilespmem:s6+$0x1D778] =	vst v0;
	s6 =	sshra.s32 s7, $0x2;
	s7 =	sadd.s32 $0x100, s7  }
0x36: {  	[tilespmem:s6+$0x1F378] =	vst v0  }
0x37: {  	[tilespmem:s6+$0x1BB48] =	vst v0  }
0x38: {  	[tilespmem:s6+$0x1D748] =	vst v0  }
0x39: {  	[tilespmem:s6+$0x1F348] =	vst v0  }
0x3a: {  	[tilespmem:s6+$0x1BB58] =	vst v0  }
0x3b: {  	[tilespmem:s6+$0x1D758] =	vst v0  }
0x3c: {  	[tilespmem:s6+$0x1F358] =	vst v0  }
0x3d: {  	[tilespmem:s6+$0x1BB68] =	vst v0  }
0x3e: {  	[tilespmem:s6+$0x1D768] =	vst v0  }
0x3f: {  	[tilespmem:s6+$0x1F368] =	vst v0  }
0x40: {  	[tilespmem:s6+$0x1BB78] =	vst v0  }
0x41: {  	[tilespmem:s6+$0x1D778] =	vst v0  }
0x42: {  	[tilespmem:$0x19A08] =	vst v1  }
0x43: {  	[tilespmem:$0x19A18] =	vst v1  }
0x44: {  	[tilespmem:$0x19A28] =	vst v1  }
0x45: {  	[tilespmem:$0x19A38] =	vst v1  }
0x46: {  	[tilespmem:$0x19A48] =	vst v1  }
0x47: {  	[tilespmem:$0x19A58] =	vst v1  }
0x48: {  	s6 =	simm.s32 $0x0;
	[tilespmem:$0x19A68] =	vst v1  }
.LBB2_4:
0x49: {  	p1 =	sne.s32 s6, $0x1BC0  }
.Ltmp1:
0x4a: {  	_ = 	snop;
	(pc) =	sbr.rel @p1 .LBB2_4-.Ltmp1, $4  }
0x4b: {  	_ = 	snop  }
0x4c: {  	s7 =	sshra.s32 s6, $0x2  }
0x4d: {  	[tilespmem:s7+$0x18DC8] =	vst v0  }
0x4e: {  	s6 =	sadd.s32 $0x40, s6;
	[tilespmem:s7+$0x186C8] =	vst v2  }
0x4f: {  	s6 =	sadd.s32 $0xFFFFFF30, s22  }
0x50: {  	s7 =	sadd.s32 $0xD0, s6  }
0x51: {  	p1 =	sgt.u32 s7, $0xB1  }
0x52: {  	p2 =	sne.s32 @p1 s6, $0xFFFFFFE2  }
0x53: {  	p2 =	por p2, !p1  }
0x54: {  	[dreg:$0x1c] =	wrdreg s0;
	s6 =	simm.s32 @!p2 $0x19F48;
	s7 =	simm.s32 @!p2 $0x9  }
0x55: {  	[spmem:s23] =	stream.linear.scatter @!p2 [tilespmem:s6], [sflag:$0x9], $0x1200, $0x38;
	[tilespmem:$0x1F348] =	vst v63  }
0x56: {  	_ =	swait.ge @!p2 [sflag:s7], $0x1200  }
0x57: {  	s10 =	sadd.s32 $0xFFFFFF40, s22;
	[sflag:s7] =	ssyncset.done @!p2 $0x0  }
0x58: {  	s6 =	simm.s32 @!p2 $0x18DC8;
	[sflag:s7] =	ssyncadd.s32 @!p2 $0xFFFFEE00;
	s7 =	simm.s32 @!p2 $0x8  }
0x59: {  	[spmem:s24] =	stream.linear.scatter @!p2 [tilespmem:s6], [sflag:$0x8], $0x480, $0x38;
	[tilespmem:$0x1F348] =	vst v63  }
0x5a: {  	s20 =	simm.s32 $0xFFFFFF50;
	p1 =	por p1, p1;
	_ =	swait.ge @!p2 [sflag:s7], $0x480  }
0x5b: {  	s11 =	sadd.s32 $0xD0, s10;
	s8 =	simm.s32 @!p1 $0x9;
	[sflag:s7] =	ssyncset.done @!p2 $0x0  }
0x5c: {  	s6 =	simm.s32 @!p1 $0x19F48;
	[sflag:s7] =	ssyncadd.s32 @!p2 $0xFFFFFB80;
	s7 =	rddreg [dreg:$0x16]  }
0x5d: {  	[spmem:s7] =	stream.linear.scatter @!p1 [tilespmem:s6], [sflag:$0x9], $0x1C00, $0x38;
	[tilespmem:$0x1F348] =	vst v63  }
0x5e: {  	p2 =	sgt.u32 s11, $0xB1;
	s11 =	simm.s32 @!p1 $0x18DC8;
	_ =	swait.ge @!p1 [sflag:s8], $0x1C00  }
0x5f: {  	p4 =	sne.s32 @p2 s10, $0xFFFFFFE2;
	[sflag:s8] =	ssyncset.done @!p1 $0x0;
	s12 =	rddreg [dreg:$0x17]  }
0x60: {  	s6 =	sadd.s32 $0x7000, s12;
	[sflag:s8] =	ssyncadd.s32 @!p1 $0xFFFFE400;
	s10 =	smov.u32 s12  }
.LBB2_6:
0x61: {  	p4 =	por p4, !p2  }
0x62: {  	s7 =	sadd.s32 $0x1C000, s7;
	s12 =	smov.u32 s20;
	s20 =	sadd.s32 $0x10, s20  }
0x63: {  	[spmem:s10] =	stream.linear.scatter @!p1 [tilespmem:s11], [sflag:$0x9], $0x700, $0x38;
	[tilespmem:$0x1F348] =	vst v63  }
0x64: {  	p3 =	sne.s32 s20, $0x0;
	s10 =	smov.u32 s6;
	_ =	swait.ge @!p1 [sflag:s8], $0x700  }
0x65: {  	[sflag:s8] =	ssyncset.done @!p1 $0x0  }
0x66: {  	s11 =	simm.s32 @!p4 $0x19F48;
	s22 =	simm.s32 @!p4 $0x9;
	[sflag:s8] =	ssyncadd.s32 @!p1 $0xFFFFF900  }
0x67: {  	[spmem:s23] =	stream.linear.scatter @!p4 [tilespmem:s11], [sflag:$0x9], $0x1200, $0x38;
	[tilespmem:$0x1F348] =	vst v63  }
0x68: {  	p1 =	por p2, p2;
	_ =	swait.ge @!p4 [sflag:s22], $0x1200  }
0x69: {  	s8 =	simm.s32 @!p4 $0x18DC8;
	[sflag:s22] =	ssyncset.done @!p4 $0x0  }
0x6a: {  	s11 =	simm.s32 @!p4 $0x8;
	[sflag:s22] =	ssyncadd.s32 @!p4 $0xFFFFEE00;
	s22 =	stileid.u32  }
0x6b: {  	[spmem:s24] =	stream.linear.scatter @!p4 [tilespmem:s8], [sflag:$0x8], $0x480, $0x38;
	[tilespmem:$0x1F348] =	vst v63  }
0x6c: {  	_ =	swait.ge @!p4 [sflag:s11], $0x480  }
0x6d: {  	s8 =	simm.s32 @!p1 $0x9;
	s12 =	sadd.s32 s12, s22;
	[sflag:s11] =	ssyncset.done @!p4 $0x0  }
.Ltmp2:
0x6e: {  	[sflag:s11] =	ssyncadd.s32 @!p4 $0xFFFFFB80;
	s11 =	simm.s32 @!p1 $0x19F48;
	(pc) =	sbr.rel @p3 .LBB2_6-.Ltmp2, $4  }
0x6f: {  	[spmem:s7] =	stream.linear.scatter @!p1 [tilespmem:s11], [sflag:$0x9], $0x1C00, $0x38;
	[tilespmem:$0x1F348] =	vst v63  }
0x70: {  	s11 =	sadd.s32 $0xD0, s12;
	_ =	swait.ge @!p1 [sflag:s8], $0x1C00  }
0x71: {  	s6 =	sadd.s32 $0x7000, s6;
	p2 =	sgt.u32 s11, $0xB1;
	[sflag:s8] =	ssyncset.done @!p1 $0x0  }
0x72: {  	s11 =	simm.s32 @!p1 $0x18DC8;
	p4 =	sne.s32 @p2 s12, $0xFFFFFFE2;
	[sflag:s8] =	ssyncadd.s32 @!p1 $0xFFFFE400  }
0x73: {  	[spmem:s10] =	stream.linear.scatter @!p1 [tilespmem:s11], [sflag:$0x9], $0x700, $0x38;
	[tilespmem:$0x1F348] =	vst v63  }
0x74: {  	_ =	swait.ge @!p1 [sflag:s8], $0x700  }
0x75: {  	p3 =	por p4, !p2;
	[sflag:s8] =	ssyncset.done @!p1 $0x0  }
0x76: {  	[sflag:s8] =	ssyncadd.s32 @!p1 $0xFFFFF900;
	s8 =	simm.s32 @!p3 $0x19F48  }
0x77: {  	[spmem:s23] =	stream.linear.scatter @!p3 [tilespmem:s8], [sflag:$0x9], $0x1200, $0x38;
	[tilespmem:$0x1F348] =	vst v63  }
0x78: {  	s8 =	simm.s32 @!p3 $0x9  }
0x79: {  	_ =	swait.ge @!p3 [sflag:s8], $0x1200  }
0x7a: {  	[sflag:s8] =	ssyncset.done @!p3 $0x0  }
0x7b: {  	[sflag:s8] =	ssyncadd.s32 @!p3 $0xFFFFEE00;
	s8 =	simm.s32 @!p3 $0x18DC8  }
0x7c: {  	[spmem:s24] =	stream.linear.scatter @!p3 [tilespmem:s8], [sflag:$0x8], $0x480, $0x38;
	[tilespmem:$0x1F348] =	vst v63  }
0x7d: {  	s8 =	simm.s32 @!p3 $0x8  }
0x7e: {  	_ =	swait.ge @!p3 [sflag:s8], $0x480  }
0x7f: {  	p1 =	por p2, p2;
	[sflag:s8] =	ssyncset.done @!p3 $0x0  }
0x80: {  	s7 =	sadd.s32 $0x1C000, s7;
	[sflag:s8] =	ssyncadd.s32 @!p3 $0xFFFFFB80;
	s8 =	simm.s32 @!p1 $0x19F48  }
0x81: {  	[spmem:s7] =	stream.linear.scatter @!p1 [tilespmem:s8], [sflag:$0x9], $0x1C00, $0x38;
	[tilespmem:$0x1F348] =	vst v63  }
0x82: {  	s7 =	simm.s32 @!p1 $0x9  }
0x83: {  	_ =	swait.ge @!p1 [sflag:s7], $0x1C00  }
0x84: {  	[sflag:s7] =	ssyncset.done @!p1 $0x0  }
0x85: {  	s8 =	simm.s32 @!p1 $0x18DC8;
	[sflag:s7] =	ssyncadd.s32 @!p1 $0xFFFFE400  }
0x86: {  	[spmem:s6] =	stream.linear.scatter @!p1 [tilespmem:s8], [sflag:$0x9], $0x700, $0x38;
	[tilespmem:$0x1F348] =	vst v63  }
0x87: {  	_ =	swait.ge @!p1 [sflag:s7], $0x700  }
0x88: {  	[sflag:s7] =	ssyncset.done @!p1 $0x0  }
0x89: {  	[sflag:s7] =	ssyncadd.s32 @!p1 $0xFFFFF900  }
0x8a: {  	[bflag:$0x0] =	sbarrier.arrive $0xFFFF  }
0x8b: {  	[spmem:s2] =	stream.indirect.scatter.add.f32 [tilespmem:s17], [sflag:$0x4], $0x40, s14, s15, $0xb8;
	[tilespmem:$0x1F348] =	vst v63  }
0x8c: {  	_ = 	snop  }
0x8d: {  	[spmem:s2] =	stream.indirect.scatter.add.f32 [tilespmem:s18], [sflag:$0x5], $0x40, s14, s15, $0xb8;
	[tilespmem:$0x1F348] =	vst v63  }
0x8e: {  	s20 =	rddreg [dreg:$0x5]  }
0x8f: {  	[spmem:s2] =	stream.indirect.scatter.add.f32 [tilespmem:s19], [sflag:$0x6], $0x40, s14, s15, $0xb8;
	[tilespmem:$0x1F348] =	vst v63  }
0x90: {  	s0 =	simm.s32 $0x0;
	s23 =	simm.s32 $0x194C8;
	s6 =	sadd.s32 $0x0, s20  }
0x91: {  	[tilespmem:s23], [sflag:$0x8] =	stream.linear.gather [hbm4b:s6+s0], $0x540, $0x38;
	[tilespmem:$0x1F348] =	vst v63  }
0x92: {  	_ =	swait.ge [sflag:s21], $0x540  }
0x93: {  	s24 =	rddreg [dreg:$0x4];
	[sflag:s21] =	ssyncset.done $0x0  }
0x94: {  	[sflag:s21] =	ssyncadd.s32 $0xFFFFFAC0;
	s6 =	sadd.s32 $0x0, s24  }
0x95: {  	[tilespmem:s14], [sflag:$0x8] =	stream.linear.gather [hbm4b:s6+s0], $0x540, $0x38;
	[tilespmem:$0x1F348] =	vst v63  }
0x96: {  	_ =	swait.ge [sflag:s21], $0x540  }
0x97: {  	[sflag:s21] =	ssyncset.done $0x0  }
0x98: {  	[sflag:s21] =	ssyncadd.s32 $0xFFFFFAC0  }
0x99: {  	_ =	swait.ge [sflag:s26], $0x1C00  }
0x9a: {  	[sflag:s26] =	ssyncset.done $0x0  }
0x9b: {  	[sflag:s26] =	ssyncadd.s32 $0xFFFFE400  }
0x9c: {  	[tilespmem:s17], [sflag:$0x1] =	stream.indirect.gather [hbm4b:s5+s15], $0x40, s23, s15, $0xb8;
	[tilespmem:$0x1F348] =	vst v63  }
0x9d: {  	_ =	swait.ge [sflag:s28], $0x1C00  }
0x9e: {  	[sflag:s28] =	ssyncset.done $0x0  }
0x9f: {  	s7 =	rddreg [dreg:$0x6];
	[sflag:s28] =	ssyncadd.s32 $0xFFFFE400  }
0xa0: {  	[tilespmem:s18], [sflag:$0x2] =	stream.indirect.gather [hbm4b:s5+s15], $0x40, s7, s15, $0xb8;
	[tilespmem:$0x1F348] =	vst v63  }
0xa1: {  	_ =	swait.ge [sflag:s29], $0x1C00  }
0xa2: {  	[sflag:s29] =	ssyncset.done $0x0  }
0xa3: {  	s8 =	rddreg [dreg:$0x7];
	[sflag:s29] =	ssyncadd.s32 $0xFFFFE400  }
0xa4: {  	[tilespmem:s19], [sflag:$0x3] =	stream.indirect.gather [hbm4b:s5+s15], $0x40, s8, s15, $0xb8;
	[tilespmem:$0x1F348] =	vst v63  }
0xa5: {  	_ =	swait.ge [sflag:s30], $0x1C00  }
0xa6: {  	[sflag:s30] =	ssyncset.done $0x0  }
0xa7: {  	[sflag:s30] =	ssyncadd.s32 $0xFFFFE400  }
0xa8: {  	[spmem:s2] =	stream.indirect.scatter.add.f32 [tilespmem:s17], [sflag:$0x4], $0x40, s14, s15, $0xb8;
	[tilespmem:$0x1F348] =	vst v63  }
0xa9: {  	_ = 	snop  }
0xaa: {  	[spmem:s3] =	stream.indirect.scatter.add.f32 [tilespmem:s31], [sflag:$0x7], $0x10, s14, s15, $0xb8;
	[tilespmem:$0x1F348] =	vst v63  }
0xab: {  	_ =	swait.ge [sflag:s26], $0x1C00  }
0xac: {  	[sflag:s26] =	ssyncset.done $0x0  }
0xad: {  	s10 =	rddreg [dreg:$0x8];
	[sflag:s26] =	ssyncadd.s32 $0xFFFFE400  }
0xae: {  	[tilespmem:s17], [sflag:$0x1] =	stream.indirect.gather [hbm4b:s5+s15], $0x40, s10, s15, $0xb8;
	[tilespmem:$0x1F348] =	vst v63  }
0xaf: {  	_ =	swait.ge [sflag:s1], $0x1C00  }
0xb0: {  	[sflag:s1] =	ssyncset.done $0x0  }
0xb1: {  	s11 =	simm.s32 $0x19A78;
	[sflag:s1] =	ssyncadd.s32 $0xFFFFE400  }
0xb2: {  	[spmem:s2] =	stream.indirect.scatter.add.f32 [tilespmem:s18], [sflag:$0x5], $0x40, s11, s15, $0xb8;
	[tilespmem:$0x1F348] =	vst v63  }
0xb3: {  	_ = 	snop  }
0xb4: {  	[spmem:s3] =	stream.indirect.scatter.add.f32 [tilespmem:s31], [sflag:$0x7], $0x10, s11, s15, $0xb8;
	[tilespmem:$0x1F348] =	vst v63  }
0xb5: {  	_ =	swait.ge [sflag:s28], $0x1C00  }
0xb6: {  	[sflag:s28] =	ssyncset.done $0x0  }
0xb7: {  	s12 =	rddreg [dreg:$0x9];
	[sflag:s28] =	ssyncadd.s32 $0xFFFFE400  }
0xb8: {  	[tilespmem:s18], [sflag:$0x2] =	stream.indirect.gather [hbm4b:s5+s15], $0x40, s12, s15, $0xb8;
	[tilespmem:$0x1F348] =	vst v63  }
0xb9: {  	_ =	swait.ge [sflag:s9], $0x1C00  }
0xba: {  	[sflag:s9] =	ssyncset.done $0x0  }
0xbb: {  	s14 =	simm.s32 $0x19AE8;
	[sflag:s9] =	ssyncadd.s32 $0xFFFFE400  }
0xbc: {  	[spmem:s2] =	stream.indirect.scatter.add.f32 [tilespmem:s19], [sflag:$0x6], $0x40, s14, s15, $0xb8;
	[tilespmem:$0x1F348] =	vst v63  }
0xbd: {  	_ = 	snop  }
0xbe: {  	[spmem:s3] =	stream.indirect.scatter.add.f32 [tilespmem:s31], [sflag:$0x7], $0x10, s14, s15, $0xb8;
	[tilespmem:$0x1F348] =	vst v63  }
0xbf: {  	_ =	swait.ge [sflag:s29], $0x1C00  }
0xc0: {  	[sflag:s29] =	ssyncset.done $0x0  }
0xc1: {  	s20 =	rddreg [dreg:$0xa];
	[sflag:s29] =	ssyncadd.s32 $0xFFFFE400  }
0xc2: {  	[tilespmem:s19], [sflag:$0x3] =	stream.indirect.gather [hbm4b:s5+s15], $0x40, s20, s15, $0xb8;
	[tilespmem:$0x1F348] =	vst v63  }
0xc3: {  	_ =	swait.ge [sflag:s30], $0x1C00  }
0xc4: {  	[sflag:s30] =	ssyncset.done $0x0  }
0xc5: {  	s20 =	simm.s32 $0x19B58;
	[sflag:s30] =	ssyncadd.s32 $0xFFFFE400  }
0xc6: {  	[spmem:s2] =	stream.indirect.scatter.add.f32 [tilespmem:s17], [sflag:$0x4], $0x40, s20, s15, $0xb8;
	[tilespmem:$0x1F348] =	vst v63  }
0xc7: {  	_ = 	snop  }
0xc8: {  	[spmem:s3] =	stream.indirect.scatter.add.f32 [tilespmem:s31], [sflag:$0x7], $0x10, s20, s15, $0xb8;
	[tilespmem:$0x1F348] =	vst v63  }
0xc9: {  	_ =	swait.ge [sflag:s26], $0x1C00  }
0xca: {  	[sflag:s26] =	ssyncset.done $0x0  }
0xcb: {  	s23 =	rddreg [dreg:$0xb];
	[sflag:s26] =	ssyncadd.s32 $0xFFFFE400  }
0xcc: {  	[tilespmem:s17], [sflag:$0x1] =	stream.indirect.gather [hbm4b:s5+s15], $0x40, s23, s15, $0xb8;
	[tilespmem:$0x1F348] =	vst v63  }
0xcd: {  	_ =	swait.ge [sflag:s1], $0x1C00  }
0xce: {  	[sflag:s1] =	ssyncset.done $0x0  }
0xcf: {  	s12 =	simm.s32 $0x19BC8;
	[sflag:s1] =	ssyncadd.s32 $0xFFFFE400  }
0xd0: {  	[spmem:s2] =	stream.indirect.scatter.add.f32 [tilespmem:s18], [sflag:$0x5], $0x40, s12, s15, $0xb8;
	[tilespmem:$0x1F348] =	vst v63  }
0xd1: {  	_ = 	snop  }
0xd2: {  	[spmem:s3] =	stream.indirect.scatter.add.f32 [tilespmem:s31], [sflag:$0x7], $0x10, s12, s15, $0xb8;
	[tilespmem:$0x1F348] =	vst v63  }
0xd3: {  	_ =	swait.ge [sflag:s28], $0x1C00  }
0xd4: {  	[sflag:s28] =	ssyncset.done $0x0  }
0xd5: {  	s24 =	rddreg [dreg:$0xc];
	[sflag:s28] =	ssyncadd.s32 $0xFFFFE400  }
0xd6: {  	[tilespmem:s18], [sflag:$0x2] =	stream.indirect.gather [hbm4b:s5+s15], $0x40, s24, s15, $0xb8;
	[tilespmem:$0x1F348] =	vst v63  }
0xd7: {  	_ =	swait.ge [sflag:s9], $0x1C00  }
0xd8: {  	[sflag:s9] =	ssyncset.done $0x0  }
0xd9: {  	[sflag:s9] =	ssyncadd.s32 $0xFFFFE400  }
0xda: {  	[spmem:s2] =	stream.indirect.scatter.add.f32 [tilespmem:s19], [sflag:$0x6], $0x40, s25, s15, $0xb8;
	[tilespmem:$0x1F348] =	vst v63  }
0xdb: {  	_ = 	snop  }
0xdc: {  	[spmem:s3] =	stream.indirect.scatter.add.f32 [tilespmem:s31], [sflag:$0x7], $0x10, s25, s15, $0xb8;
	[tilespmem:$0x1F348] =	vst v63  }
0xdd: {  	_ =	swait.ge [sflag:s29], $0x1C00  }
0xde: {  	[sflag:s29] =	ssyncset.done $0x0  }
0xdf: {  	s0 =	rddreg [dreg:$0xd];
	[sflag:s29] =	ssyncadd.s32 $0xFFFFE400  }
0xe0: {  	[tilespmem:s19], [sflag:$0x3] =	stream.indirect.gather [hbm4b:s5+s15], $0x40, s0, s15, $0xb8;
	[tilespmem:$0x1F348] =	vst v63  }
0xe1: {  	_ =	swait.ge [sflag:s30], $0x1C00  }
0xe2: {  	[sflag:s30] =	ssyncset.done $0x0  }
0xe3: {  	[sflag:s30] =	ssyncadd.s32 $0xFFFFE400  }
0xe4: {  	[spmem:s2] =	stream.indirect.scatter.add.f32 [tilespmem:s17], [sflag:$0x4], $0x40, s13, s15, $0xb8;
	[tilespmem:$0x1F348] =	vst v63  }
0xe5: {  	_ = 	snop  }
0xe6: {  	[spmem:s3] =	stream.indirect.scatter.add.f32 [tilespmem:s31], [sflag:$0x7], $0x10, s13, s15, $0xb8;
	[tilespmem:$0x1F348] =	vst v63  }
0xe7: {  	_ =	swait.ge [sflag:s26], $0x1C00  }
0xe8: {  	[sflag:s26] =	ssyncset.done $0x0  }
0xe9: {  	s7 =	rddreg [dreg:$0xe];
	[sflag:s26] =	ssyncadd.s32 $0xFFFFE400  }
0xea: {  	[tilespmem:s17], [sflag:$0x1] =	stream.indirect.gather [hbm4b:s5+s15], $0x40, s7, s15, $0xb8;
	[tilespmem:$0x1F348] =	vst v63  }
0xeb: {  	_ =	swait.ge [sflag:s1], $0x1C00  }
0xec: {  	[sflag:s1] =	ssyncset.done $0x0  }
0xed: {  	s14 =	simm.s32 $0x19D18;
	[sflag:s1] =	ssyncadd.s32 $0xFFFFE400  }
0xee: {  	[spmem:s2] =	stream.indirect.scatter.add.f32 [tilespmem:s18], [sflag:$0x5], $0x40, s14, s15, $0xb8;
	[tilespmem:$0x1F348] =	vst v63  }
0xef: {  	_ = 	snop  }
0xf0: {  	[spmem:s3] =	stream.indirect.scatter.add.f32 [tilespmem:s31], [sflag:$0x7], $0x10, s14, s15, $0xb8;
	[tilespmem:$0x1F348] =	vst v63  }
0xf1: {  	_ =	swait.ge [sflag:s28], $0x1C00  }
0xf2: {  	[sflag:s28] =	ssyncset.done $0x0  }
0xf3: {  	s8 =	rddreg [dreg:$0xf];
	[sflag:s28] =	ssyncadd.s32 $0xFFFFE400  }
0xf4: {  	[tilespmem:s18], [sflag:$0x2] =	stream.indirect.gather [hbm4b:s5+s15], $0x40, s8, s15, $0xb8;
	[tilespmem:$0x1F348] =	vst v63  }
0xf5: {  	_ =	swait.ge [sflag:s9], $0x1C00  }
0xf6: {  	[sflag:s9] =	ssyncset.done $0x0  }
0xf7: {  	s10 =	simm.s32 $0x19D88;
	[sflag:s9] =	ssyncadd.s32 $0xFFFFE400  }
0xf8: {  	[spmem:s2] =	stream.indirect.scatter.add.f32 [tilespmem:s19], [sflag:$0x6], $0x40, s10, s15, $0xb8;
	[tilespmem:$0x1F348] =	vst v63  }
0xf9: {  	_ = 	snop  }
0xfa: {  	[spmem:s3] =	stream.indirect.scatter.add.f32 [tilespmem:s31], [sflag:$0x7], $0x10, s10, s15, $0xb8;
	[tilespmem:$0x1F348] =	vst v63  }
0xfb: {  	_ =	swait.ge [sflag:s29], $0x1C00  }
0xfc: {  	[sflag:s29] =	ssyncset.done $0x0  }
0xfd: {  	s11 =	rddreg [dreg:$0x10];
	[sflag:s29] =	ssyncadd.s32 $0xFFFFE400  }
0xfe: {  	[tilespmem:s19], [sflag:$0x3] =	stream.indirect.gather [hbm4b:s5+s15], $0x40, s11, s15, $0xb8;
	[tilespmem:$0x1F348] =	vst v63  }
0xff: {  	_ =	swait.ge [sflag:s30], $0x1C00  }
0x100: {  	[sflag:s30] =	ssyncset.done $0x0  }
0x101: {  	[sflag:s30] =	ssyncadd.s32 $0xFFFFE400  }
0x102: {  	[spmem:s2] =	stream.indirect.scatter.add.f32 [tilespmem:s17], [sflag:$0x4], $0x40, s16, s15, $0xb8;
	[tilespmem:$0x1F348] =	vst v63  }
0x103: {  	_ = 	snop  }
0x104: {  	[spmem:s3] =	stream.indirect.scatter.add.f32 [tilespmem:s31], [sflag:$0x7], $0x10, s16, s15, $0xb8;
	[tilespmem:$0x1F348] =	vst v63  }
0x105: {  	_ =	swait.ge [sflag:s1], $0x1C00  }
0x106: {  	[sflag:s1] =	ssyncset.done $0x0  }
0x107: {  	s23 =	simm.s32 $0x19E68;
	[sflag:s1] =	ssyncadd.s32 $0xFFFFE400  }
0x108: {  	[spmem:s2] =	stream.indirect.scatter.add.f32 [tilespmem:s18], [sflag:$0x5], $0x40, s23, s15, $0xb8;
	[tilespmem:$0x1F348] =	vst v63  }
0x109: {  	_ = 	snop  }
0x10a: {  	[spmem:s3] =	stream.indirect.scatter.add.f32 [tilespmem:s31], [sflag:$0x7], $0x10, s23, s15, $0xb8;
	[tilespmem:$0x1F348] =	vst v63  }
0x10b: {  	_ =	swait.ge [sflag:s9], $0x1C00  }
0x10c: {  	s6 =	simm.s32 $0xA8;
	[sflag:s9] =	ssyncset.done $0x0  }
0x10d: {  	s24 =	simm.s32 $0x19ED8;
	s7 =	simm.s32 $0x150;
	[sflag:s9] =	ssyncadd.s32 $0xFFFFE400  }
0x10e: {  	[spmem:s2] =	stream.indirect.scatter.add.f32 [tilespmem:s19], [sflag:$0x6], $0x40, s24, s15, $0xb8;
	[tilespmem:$0x1F348] =	vst v63  }
0x10f: {  	s23 =	simm.s32 $0x194C8;
	s8 =	rddreg [dreg:$0x5];
	s24 =	simm.s32 $0x19A78  }
.LBB2_8:
0x110: {  	s11 =	simm.s32 $0x19ED8  }
0x111: {  	[spmem:s3] =	stream.indirect.scatter.add.f32 [tilespmem:s31], [sflag:$0x7], $0x10, s11, s15, $0xb8;
	[tilespmem:$0x1F348] =	vst v63  }
0x112: {  	s8 =	sadd.s32 s6, s8;
	s0 =	simm.s32 $0x0  }
0x113: {  	[tilespmem:s23], [sflag:$0x8] =	stream.linear.gather [hbm4b:s8+s0], $0x540, $0x38;
	[tilespmem:$0x1F348] =	vst v63  }
0x114: {  	_ =	swait.ge [sflag:s21], $0x540  }
0x115: {  	s8 =	rddreg [dreg:$0x4];
	[sflag:s21] =	ssyncset.done $0x0  }
0x116: {  	[sflag:s21] =	ssyncadd.s32 $0xFFFFFAC0;
	s8 =	sadd.s32 s6, s8  }
0x117: {  	[tilespmem:s4], [sflag:$0x8] =	stream.linear.gather [hbm4b:s8+s0], $0x540, $0x38;
	[tilespmem:$0x1F348] =	vst v63  }
0x118: {  	_ =	swait.ge [sflag:s21], $0x540  }
0x119: {  	[sflag:s21] =	ssyncset.done $0x0  }
0x11a: {  	[sflag:s21] =	ssyncadd.s32 $0xFFFFFAC0  }
0x11b: {  	_ =	swait.ge [sflag:s26], $0x1C00  }
0x11c: {  	[sflag:s26] =	ssyncset.done $0x0  }
0x11d: {  	[sflag:s26] =	ssyncadd.s32 $0xFFFFE400  }
0x11e: {  	[tilespmem:s17], [sflag:$0x1] =	stream.indirect.gather [hbm4b:s5+s15], $0x40, s23, s15, $0xb8;
	[tilespmem:$0x1F348] =	vst v63  }
0x11f: {  	_ =	swait.ge [sflag:s28], $0x1C00  }
0x120: {  	[sflag:s28] =	ssyncset.done $0x0  }
0x121: {  	s0 =	rddreg [dreg:$0x6];
	[sflag:s28] =	ssyncadd.s32 $0xFFFFE400  }
0x122: {  	[tilespmem:s18], [sflag:$0x2] =	stream.indirect.gather [hbm4b:s5+s15], $0x40, s0, s15, $0xb8;
	[tilespmem:$0x1F348] =	vst v63  }
0x123: {  	_ =	swait.ge [sflag:s29], $0x1C00  }
0x124: {  	[sflag:s29] =	ssyncset.done $0x0  }
0x125: {  	s0 =	rddreg [dreg:$0x7];
	[sflag:s29] =	ssyncadd.s32 $0xFFFFE400  }
0x126: {  	[tilespmem:s19], [sflag:$0x3] =	stream.indirect.gather [hbm4b:s5+s15], $0x40, s0, s15, $0xb8;
	[tilespmem:$0x1F348] =	vst v63  }
0x127: {  	_ =	swait.ge [sflag:s30], $0x1C00  }
0x128: {  	[sflag:s30] =	ssyncset.done $0x0  }
0x129: {  	[sflag:s30] =	ssyncadd.s32 $0xFFFFE400  }
0x12a: {  	[spmem:s2] =	stream.indirect.scatter.add.f32 [tilespmem:s17], [sflag:$0x4], $0x40, s4, s15, $0xb8;
	[tilespmem:$0x1F348] =	vst v63  }
0x12b: {  	_ = 	snop  }
0x12c: {  	[spmem:s3] =	stream.indirect.scatter.add.f32 [tilespmem:s31], [sflag:$0x7], $0x10, s4, s15, $0xb8;
	[tilespmem:$0x1F348] =	vst v63  }
0x12d: {  	_ =	swait.ge [sflag:s26], $0x1C00  }
0x12e: {  	[sflag:s26] =	ssyncset.done $0x0  }
0x12f: {  	s0 =	rddreg [dreg:$0x8];
	[sflag:s26] =	ssyncadd.s32 $0xFFFFE400  }
0x130: {  	[tilespmem:s17], [sflag:$0x1] =	stream.indirect.gather [hbm4b:s5+s15], $0x40, s0, s15, $0xb8;
	[tilespmem:$0x1F348] =	vst v63  }
0x131: {  	_ =	swait.ge [sflag:s1], $0x1C00  }
0x132: {  	[sflag:s1] =	ssyncset.done $0x0  }
0x133: {  	[sflag:s1] =	ssyncadd.s32 $0xFFFFE400  }
0x134: {  	[spmem:s2] =	stream.indirect.scatter.add.f32 [tilespmem:s18], [sflag:$0x5], $0x40, s24, s15, $0xb8;
	[tilespmem:$0x1F348] =	vst v63  }
0x135: {  	_ = 	snop  }
0x136: {  	[spmem:s3] =	stream.indirect.scatter.add.f32 [tilespmem:s31], [sflag:$0x7], $0x10, s24, s15, $0xb8;
	[tilespmem:$0x1F348] =	vst v63  }
0x137: {  	_ =	swait.ge [sflag:s28], $0x1C00  }
0x138: {  	[sflag:s28] =	ssyncset.done $0x0  }
0x139: {  	s0 =	rddreg [dreg:$0x9];
	[sflag:s28] =	ssyncadd.s32 $0xFFFFE400  }
0x13a: {  	[tilespmem:s18], [sflag:$0x2] =	stream.indirect.gather [hbm4b:s5+s15], $0x40, s0, s15, $0xb8;
	[tilespmem:$0x1F348] =	vst v63  }
0x13b: {  	_ =	swait.ge [sflag:s9], $0x1C00  }
0x13c: {  	s10 =	smov.u32 s7;
	[sflag:s9] =	ssyncset.done $0x0  }
0x13d: {  	s6 =	smov.u32 s10;
	s10 =	simm.s32 $0x19AE8;
	[sflag:s9] =	ssyncadd.s32 $0xFFFFE400  }
0x13e: {  	[spmem:s2] =	stream.indirect.scatter.add.f32 [tilespmem:s19], [sflag:$0x6], $0x40, s10, s15, $0xb8;
	[tilespmem:$0x1F348] =	vst v63  }
0x13f: {  	_ = 	snop  }
0x140: {  	[spmem:s3] =	stream.indirect.scatter.add.f32 [tilespmem:s31], [sflag:$0x7], $0x10, s10, s15, $0xb8;
	[tilespmem:$0x1F348] =	vst v63  }
0x141: {  	_ =	swait.ge [sflag:s29], $0x1C00  }
0x142: {  	[sflag:s29] =	ssyncset.done $0x0  }
0x143: {  	s0 =	rddreg [dreg:$0xa];
	[sflag:s29] =	ssyncadd.s32 $0xFFFFE400  }
0x144: {  	[tilespmem:s19], [sflag:$0x3] =	stream.indirect.gather [hbm4b:s5+s15], $0x40, s0, s15, $0xb8;
	[tilespmem:$0x1F348] =	vst v63  }
0x145: {  	_ =	swait.ge [sflag:s30], $0x1C00  }
0x146: {  	[sflag:s30] =	ssyncset.done $0x0  }
0x147: {  	[sflag:s30] =	ssyncadd.s32 $0xFFFFE400  }
0x148: {  	[spmem:s2] =	stream.indirect.scatter.add.f32 [tilespmem:s17], [sflag:$0x4], $0x40, s20, s15, $0xb8;
	[tilespmem:$0x1F348] =	vst v63  }
0x149: {  	_ = 	snop  }
0x14a: {  	[spmem:s3] =	stream.indirect.scatter.add.f32 [tilespmem:s31], [sflag:$0x7], $0x10, s20, s15, $0xb8;
	[tilespmem:$0x1F348] =	vst v63  }
0x14b: {  	_ =	swait.ge [sflag:s26], $0x1C00  }
0x14c: {  	[sflag:s26] =	ssyncset.done $0x0  }
0x14d: {  	s0 =	rddreg [dreg:$0xb];
	[sflag:s26] =	ssyncadd.s32 $0xFFFFE400  }
0x14e: {  	[tilespmem:s17], [sflag:$0x1] =	stream.indirect.gather [hbm4b:s5+s15], $0x40, s0, s15, $0xb8;
	[tilespmem:$0x1F348] =	vst v63  }
0x14f: {  	_ =	swait.ge [sflag:s1], $0x1C00  }
0x150: {  	[sflag:s1] =	ssyncset.done $0x0  }
0x151: {  	[sflag:s1] =	ssyncadd.s32 $0xFFFFE400  }
0x152: {  	[spmem:s2] =	stream.indirect.scatter.add.f32 [tilespmem:s18], [sflag:$0x5], $0x40, s12, s15, $0xb8;
	[tilespmem:$0x1F348] =	vst v63  }
0x153: {  	_ = 	snop  }
0x154: {  	[spmem:s3] =	stream.indirect.scatter.add.f32 [tilespmem:s31], [sflag:$0x7], $0x10, s12, s15, $0xb8;
	[tilespmem:$0x1F348] =	vst v63  }
0x155: {  	_ =	swait.ge [sflag:s28], $0x1C00  }
0x156: {  	[sflag:s28] =	ssyncset.done $0x0  }
0x157: {  	s0 =	rddreg [dreg:$0xc];
	[sflag:s28] =	ssyncadd.s32 $0xFFFFE400  }
0x158: {  	[tilespmem:s18], [sflag:$0x2] =	stream.indirect.gather [hbm4b:s5+s15], $0x40, s0, s15, $0xb8;
	[tilespmem:$0x1F348] =	vst v63  }
0x159: {  	_ =	swait.ge [sflag:s9], $0x1C00  }
0x15a: {  	[sflag:s9] =	ssyncset.done $0x0  }
0x15b: {  	[sflag:s9] =	ssyncadd.s32 $0xFFFFE400  }
0x15c: {  	[spmem:s2] =	stream.indirect.scatter.add.f32 [tilespmem:s19], [sflag:$0x6], $0x40, s25, s15, $0xb8;
	[tilespmem:$0x1F348] =	vst v63  }
0x15d: {  	_ = 	snop  }
0x15e: {  	[spmem:s3] =	stream.indirect.scatter.add.f32 [tilespmem:s31], [sflag:$0x7], $0x10, s25, s15, $0xb8;
	[tilespmem:$0x1F348] =	vst v63  }
0x15f: {  	_ =	swait.ge [sflag:s29], $0x1C00  }
0x160: {  	[sflag:s29] =	ssyncset.done $0x0  }
0x161: {  	s0 =	rddreg [dreg:$0xd];
	[sflag:s29] =	ssyncadd.s32 $0xFFFFE400  }
0x162: {  	[tilespmem:s19], [sflag:$0x3] =	stream.indirect.gather [hbm4b:s5+s15], $0x40, s0, s15, $0xb8;
	[tilespmem:$0x1F348] =	vst v63  }
0x163: {  	_ =	swait.ge [sflag:s30], $0x1C00  }
0x164: {  	[sflag:s30] =	ssyncset.done $0x0  }
0x165: {  	[sflag:s30] =	ssyncadd.s32 $0xFFFFE400  }
0x166: {  	[spmem:s2] =	stream.indirect.scatter.add.f32 [tilespmem:s17], [sflag:$0x4], $0x40, s13, s15, $0xb8;
	[tilespmem:$0x1F348] =	vst v63  }
0x167: {  	_ = 	snop  }
0x168: {  	[spmem:s3] =	stream.indirect.scatter.add.f32 [tilespmem:s31], [sflag:$0x7], $0x10, s13, s15, $0xb8;
	[tilespmem:$0x1F348] =	vst v63  }
0x169: {  	_ =	swait.ge [sflag:s26], $0x1C00  }
0x16a: {  	[sflag:s26] =	ssyncset.done $0x0  }
0x16b: {  	s0 =	rddreg [dreg:$0xe];
	[sflag:s26] =	ssyncadd.s32 $0xFFFFE400  }
0x16c: {  	[tilespmem:s17], [sflag:$0x1] =	stream.indirect.gather [hbm4b:s5+s15], $0x40, s0, s15, $0xb8;
	[tilespmem:$0x1F348] =	vst v63  }
0x16d: {  	_ =	swait.ge [sflag:s1], $0x1C00  }
0x16e: {  	[sflag:s1] =	ssyncset.done $0x0  }
0x16f: {  	[sflag:s1] =	ssyncadd.s32 $0xFFFFE400  }
0x170: {  	[spmem:s2] =	stream.indirect.scatter.add.f32 [tilespmem:s18], [sflag:$0x5], $0x40, s14, s15, $0xb8;
	[tilespmem:$0x1F348] =	vst v63  }
0x171: {  	_ = 	snop  }
0x172: {  	[spmem:s3] =	stream.indirect.scatter.add.f32 [tilespmem:s31], [sflag:$0x7], $0x10, s14, s15, $0xb8;
	[tilespmem:$0x1F348] =	vst v63  }
0x173: {  	_ =	swait.ge [sflag:s28], $0x1C00  }
0x174: {  	[sflag:s28] =	ssyncset.done $0x0  }
0x175: {  	s0 =	rddreg [dreg:$0xf];
	[sflag:s28] =	ssyncadd.s32 $0xFFFFE400  }
0x176: {  	[tilespmem:s18], [sflag:$0x2] =	stream.indirect.gather [hbm4b:s5+s15], $0x40, s0, s15, $0xb8;
	[tilespmem:$0x1F348] =	vst v63  }
0x177: {  	_ =	swait.ge [sflag:s9], $0x1C00  }
0x178: {  	[sflag:s9] =	ssyncset.done $0x0  }
0x179: {  	s8 =	simm.s32 $0x19D88;
	[sflag:s9] =	ssyncadd.s32 $0xFFFFE400  }
0x17a: {  	[spmem:s2] =	stream.indirect.scatter.add.f32 [tilespmem:s19], [sflag:$0x6], $0x40, s8, s15, $0xb8;
	[tilespmem:$0x1F348] =	vst v63  }
0x17b: {  	_ = 	snop  }
0x17c: {  	[spmem:s3] =	stream.indirect.scatter.add.f32 [tilespmem:s31], [sflag:$0x7], $0x10, s8, s15, $0xb8;
	[tilespmem:$0x1F348] =	vst v63  }
0x17d: {  	_ =	swait.ge [sflag:s29], $0x1C00  }
0x17e: {  	[sflag:s29] =	ssyncset.done $0x0  }
0x17f: {  	s0 =	rddreg [dreg:$0x10];
	[sflag:s29] =	ssyncadd.s32 $0xFFFFE400  }
0x180: {  	[tilespmem:s19], [sflag:$0x3] =	stream.indirect.gather [hbm4b:s5+s15], $0x40, s0, s15, $0xb8;
	[tilespmem:$0x1F348] =	vst v63  }
0x181: {  	_ =	swait.ge [sflag:s30], $0x1C00  }
0x182: {  	[sflag:s30] =	ssyncset.done $0x0  }
0x183: {  	[sflag:s30] =	ssyncadd.s32 $0xFFFFE400  }
0x184: {  	[spmem:s2] =	stream.indirect.scatter.add.f32 [tilespmem:s17], [sflag:$0x4], $0x40, s16, s15, $0xb8;
	[tilespmem:$0x1F348] =	vst v63  }
0x185: {  	_ = 	snop  }
0x186: {  	[spmem:s3] =	stream.indirect.scatter.add.f32 [tilespmem:s31], [sflag:$0x7], $0x10, s16, s15, $0xb8;
	[tilespmem:$0x1F348] =	vst v63  }
0x187: {  	_ =	swait.ge [sflag:s1], $0x1C00  }
0x188: {  	[sflag:s1] =	ssyncset.done $0x0  }
0x189: {  	s8 =	simm.s32 $0x19E68;
	[sflag:s1] =	ssyncadd.s32 $0xFFFFE400  }
0x18a: {  	[spmem:s2] =	stream.indirect.scatter.add.f32 [tilespmem:s18], [sflag:$0x5], $0x40, s8, s15, $0xb8;
	[tilespmem:$0x1F348] =	vst v63  }
0x18b: {  	p1 =	sne.s32 s7, $0x930  }
0x18c: {  	[spmem:s3] =	stream.indirect.scatter.add.f32 [tilespmem:s31], [sflag:$0x7], $0x10, s8, s15, $0xb8;
	[tilespmem:$0x1F348] =	vst v63  }
.Ltmp3:
0x18d: {  	_ = 	snop;
	(pc) =	sbr.rel @p1 .LBB2_8-.Ltmp3, $4  }
0x18e: {  	_ =	swait.ge [sflag:s9], $0x1C00  }
0x18f: {  	[sflag:s9] =	ssyncset.done $0x0  }
0x190: {  	s7 =	sadd.s32 $0xA8, s7;
	s8 =	rddreg [dreg:$0x5];
	[sflag:s9] =	ssyncadd.s32 $0xFFFFE400  }
0x191: {  	[spmem:s2] =	stream.indirect.scatter.add.f32 [tilespmem:s19], [sflag:$0x6], $0x40, s11, s15, $0xb8;
	[tilespmem:$0x1F348] =	vst v63  }
0x192: {  	s11 =	simm.s32 $0x19ED8  }
0x193: {  	[spmem:s3] =	stream.indirect.scatter.add.f32 [tilespmem:s31], [sflag:$0x7], $0x10, s11, s15, $0xb8;
	[tilespmem:$0x1F348] =	vst v63  }
0x194: {  	s7 =	sadd.s32 s6, s8;
	s0 =	simm.s32 $0x0  }
0x195: {  	[tilespmem:s23], [sflag:$0x8] =	stream.linear.gather [hbm4b:s7+s0], $0x540, $0x38;
	[tilespmem:$0x1F348] =	vst v63  }
0x196: {  	_ =	swait.ge [sflag:s21], $0x540  }
0x197: {  	s8 =	rddreg [dreg:$0x4];
	[sflag:s21] =	ssyncset.done $0x0  }
0x198: {  	s8 =	sadd.s32 s6, s8;
	[sflag:s21] =	ssyncadd.s32 $0xFFFFFAC0  }
0x199: {  	[tilespmem:s4], [sflag:$0x8] =	stream.linear.gather [hbm4b:s8+s0], $0x540, $0x38;
	[tilespmem:$0x1F348] =	vst v63  }
0x19a: {  	_ =	swait.ge [sflag:s21], $0x540  }
0x19b: {  	[sflag:s21] =	ssyncset.done $0x0  }
0x19c: {  	[sflag:s21] =	ssyncadd.s32 $0xFFFFFAC0  }
0x19d: {  	_ =	swait.ge [sflag:s26], $0x1C00  }
0x19e: {  	[sflag:s26] =	ssyncset.done $0x0  }
0x19f: {  	[sflag:s26] =	ssyncadd.s32 $0xFFFFE400  }
0x1a0: {  	[tilespmem:s17], [sflag:$0x1] =	stream.indirect.gather [hbm4b:s5+s15], $0x40, s23, s15, $0xb8;
	[tilespmem:$0x1F348] =	vst v63  }
0x1a1: {  	_ =	swait.ge [sflag:s28], $0x1C00  }
0x1a2: {  	[sflag:s28] =	ssyncset.done $0x0  }
0x1a3: {  	s7 =	rddreg [dreg:$0x6];
	[sflag:s28] =	ssyncadd.s32 $0xFFFFE400  }
0x1a4: {  	[tilespmem:s18], [sflag:$0x2] =	stream.indirect.gather [hbm4b:s5+s15], $0x40, s7, s15, $0xb8;
	[tilespmem:$0x1F348] =	vst v63  }
0x1a5: {  	_ =	swait.ge [sflag:s29], $0x1C00  }
0x1a6: {  	[sflag:s29] =	ssyncset.done $0x0  }
0x1a7: {  	s8 =	rddreg [dreg:$0x7];
	[sflag:s29] =	ssyncadd.s32 $0xFFFFE400  }
0x1a8: {  	[tilespmem:s19], [sflag:$0x3] =	stream.indirect.gather [hbm4b:s5+s15], $0x40, s8, s15, $0xb8;
	[tilespmem:$0x1F348] =	vst v63  }
0x1a9: {  	_ =	swait.ge [sflag:s30], $0x1C00  }
0x1aa: {  	[sflag:s30] =	ssyncset.done $0x0  }
0x1ab: {  	[sflag:s30] =	ssyncadd.s32 $0xFFFFE400  }
0x1ac: {  	[spmem:s2] =	stream.indirect.scatter.add.f32 [tilespmem:s17], [sflag:$0x4], $0x40, s4, s15, $0xb8;
	[tilespmem:$0x1F348] =	vst v63  }
0x1ad: {  	_ = 	snop  }
0x1ae: {  	[spmem:s3] =	stream.indirect.scatter.add.f32 [tilespmem:s31], [sflag:$0x7], $0x10, s4, s15, $0xb8;
	[tilespmem:$0x1F348] =	vst v63  }
0x1af: {  	_ =	swait.ge [sflag:s26], $0x1C00  }
0x1b0: {  	[sflag:s26] =	ssyncset.done $0x0  }
0x1b1: {  	s23 =	rddreg [dreg:$0x8];
	[sflag:s26] =	ssyncadd.s32 $0xFFFFE400  }
0x1b2: {  	[tilespmem:s17], [sflag:$0x1] =	stream.indirect.gather [hbm4b:s5+s15], $0x40, s23, s15, $0xb8;
	[tilespmem:$0x1F348] =	vst v63  }
0x1b3: {  	_ =	swait.ge [sflag:s1], $0x1C00  }
0x1b4: {  	[sflag:s1] =	ssyncset.done $0x0  }
0x1b5: {  	[sflag:s1] =	ssyncadd.s32 $0xFFFFE400  }
0x1b6: {  	[spmem:s2] =	stream.indirect.scatter.add.f32 [tilespmem:s18], [sflag:$0x5], $0x40, s24, s15, $0xb8;
	[tilespmem:$0x1F348] =	vst v63  }
0x1b7: {  	_ = 	snop  }
0x1b8: {  	[spmem:s3] =	stream.indirect.scatter.add.f32 [tilespmem:s31], [sflag:$0x7], $0x10, s24, s15, $0xb8;
	[tilespmem:$0x1F348] =	vst v63  }
0x1b9: {  	_ =	swait.ge [sflag:s28], $0x1C00  }
0x1ba: {  	[sflag:s28] =	ssyncset.done $0x0  }
0x1bb: {  	s24 =	rddreg [dreg:$0x9];
	[sflag:s28] =	ssyncadd.s32 $0xFFFFE400  }
0x1bc: {  	[tilespmem:s18], [sflag:$0x2] =	stream.indirect.gather [hbm4b:s5+s15], $0x40, s24, s15, $0xb8;
	[tilespmem:$0x1F348] =	vst v63  }
0x1bd: {  	_ =	swait.ge [sflag:s9], $0x1C00  }
0x1be: {  	[sflag:s9] =	ssyncset.done $0x0  }
0x1bf: {  	[sflag:s9] =	ssyncadd.s32 $0xFFFFE400  }
0x1c0: {  	[spmem:s2] =	stream.indirect.scatter.add.f32 [tilespmem:s19], [sflag:$0x6], $0x40, s10, s15, $0xb8;
	[tilespmem:$0x1F348] =	vst v63  }
0x1c1: {  	_ = 	snop  }
0x1c2: {  	[spmem:s3] =	stream.indirect.scatter.add.f32 [tilespmem:s31], [sflag:$0x7], $0x10, s10, s15, $0xb8;
	[tilespmem:$0x1F348] =	vst v63  }
0x1c3: {  	_ =	swait.ge [sflag:s29], $0x1C00  }
0x1c4: {  	[sflag:s29] =	ssyncset.done $0x0  }
0x1c5: {  	s0 =	rddreg [dreg:$0xa];
	[sflag:s29] =	ssyncadd.s32 $0xFFFFE400  }
0x1c6: {  	[tilespmem:s19], [sflag:$0x3] =	stream.indirect.gather [hbm4b:s5+s15], $0x40, s0, s15, $0xb8;
	[tilespmem:$0x1F348] =	vst v63  }
0x1c7: {  	_ =	swait.ge [sflag:s30], $0x1C00  }
0x1c8: {  	[sflag:s30] =	ssyncset.done $0x0  }
0x1c9: {  	[sflag:s30] =	ssyncadd.s32 $0xFFFFE400  }
0x1ca: {  	[spmem:s2] =	stream.indirect.scatter.add.f32 [tilespmem:s17], [sflag:$0x4], $0x40, s20, s15, $0xb8;
	[tilespmem:$0x1F348] =	vst v63  }
0x1cb: {  	_ = 	snop  }
0x1cc: {  	[spmem:s3] =	stream.indirect.scatter.add.f32 [tilespmem:s31], [sflag:$0x7], $0x10, s20, s15, $0xb8;
	[tilespmem:$0x1F348] =	vst v63  }
0x1cd: {  	_ =	swait.ge [sflag:s26], $0x1C00  }
0x1ce: {  	[sflag:s26] =	ssyncset.done $0x0  }
0x1cf: {  	s7 =	rddreg [dreg:$0xb];
	[sflag:s26] =	ssyncadd.s32 $0xFFFFE400  }
0x1d0: {  	[tilespmem:s17], [sflag:$0x1] =	stream.indirect.gather [hbm4b:s5+s15], $0x40, s7, s15, $0xb8;
	[tilespmem:$0x1F348] =	vst v63  }
0x1d1: {  	_ =	swait.ge [sflag:s1], $0x1C00  }
0x1d2: {  	[sflag:s1] =	ssyncset.done $0x0  }
0x1d3: {  	[sflag:s1] =	ssyncadd.s32 $0xFFFFE400  }
0x1d4: {  	[spmem:s2] =	stream.indirect.scatter.add.f32 [tilespmem:s18], [sflag:$0x5], $0x40, s12, s15, $0xb8;
	[tilespmem:$0x1F348] =	vst v63  }
0x1d5: {  	_ = 	snop  }
0x1d6: {  	[spmem:s3] =	stream.indirect.scatter.add.f32 [tilespmem:s31], [sflag:$0x7], $0x10, s12, s15, $0xb8;
	[tilespmem:$0x1F348] =	vst v63  }
0x1d7: {  	_ =	swait.ge [sflag:s28], $0x1C00  }
0x1d8: {  	[sflag:s28] =	ssyncset.done $0x0  }
0x1d9: {  	s8 =	rddreg [dreg:$0xc];
	[sflag:s28] =	ssyncadd.s32 $0xFFFFE400  }
0x1da: {  	[tilespmem:s18], [sflag:$0x2] =	stream.indirect.gather [hbm4b:s5+s15], $0x40, s8, s15, $0xb8;
	[tilespmem:$0x1F348] =	vst v63  }
0x1db: {  	_ =	swait.ge [sflag:s9], $0x1C00  }
0x1dc: {  	[sflag:s9] =	ssyncset.done $0x0  }
0x1dd: {  	[sflag:s9] =	ssyncadd.s32 $0xFFFFE400  }
0x1de: {  	[spmem:s2] =	stream.indirect.scatter.add.f32 [tilespmem:s19], [sflag:$0x6], $0x40, s25, s15, $0xb8;
	[tilespmem:$0x1F348] =	vst v63  }
0x1df: {  	_ = 	snop  }
0x1e0: {  	[spmem:s3] =	stream.indirect.scatter.add.f32 [tilespmem:s31], [sflag:$0x7], $0x10, s25, s15, $0xb8;
	[tilespmem:$0x1F348] =	vst v63  }
0x1e1: {  	_ =	swait.ge [sflag:s29], $0x1C00  }
0x1e2: {  	[sflag:s29] =	ssyncset.done $0x0  }
0x1e3: {  	s10 =	rddreg [dreg:$0xd];
	[sflag:s29] =	ssyncadd.s32 $0xFFFFE400  }
0x1e4: {  	[tilespmem:s19], [sflag:$0x3] =	stream.indirect.gather [hbm4b:s5+s15], $0x40, s10, s15, $0xb8;
	[tilespmem:$0x1F348] =	vst v63  }
0x1e5: {  	_ =	swait.ge [sflag:s30], $0x1C00  }
0x1e6: {  	[sflag:s30] =	ssyncset.done $0x0  }
0x1e7: {  	[sflag:s30] =	ssyncadd.s32 $0xFFFFE400  }
0x1e8: {  	[spmem:s2] =	stream.indirect.scatter.add.f32 [tilespmem:s17], [sflag:$0x4], $0x40, s13, s15, $0xb8;
	[tilespmem:$0x1F348] =	vst v63  }
0x1e9: {  	_ = 	snop  }
0x1ea: {  	[spmem:s3] =	stream.indirect.scatter.add.f32 [tilespmem:s31], [sflag:$0x7], $0x10, s13, s15, $0xb8;
	[tilespmem:$0x1F348] =	vst v63  }
0x1eb: {  	_ =	swait.ge [sflag:s26], $0x1C00  }
0x1ec: {  	[sflag:s26] =	ssyncset.done $0x0  }
0x1ed: {  	s12 =	rddreg [dreg:$0xe];
	[sflag:s26] =	ssyncadd.s32 $0xFFFFE400  }
0x1ee: {  	[tilespmem:s17], [sflag:$0x1] =	stream.indirect.gather [hbm4b:s5+s15], $0x40, s12, s15, $0xb8;
	[tilespmem:$0x1F348] =	vst v63  }
0x1ef: {  	_ =	swait.ge [sflag:s1], $0x1C00  }
0x1f0: {  	[sflag:s1] =	ssyncset.done $0x0  }
0x1f1: {  	[sflag:s1] =	ssyncadd.s32 $0xFFFFE400  }
0x1f2: {  	[spmem:s2] =	stream.indirect.scatter.add.f32 [tilespmem:s18], [sflag:$0x5], $0x40, s14, s15, $0xb8;
	[tilespmem:$0x1F348] =	vst v63  }
0x1f3: {  	_ = 	snop  }
0x1f4: {  	[spmem:s3] =	stream.indirect.scatter.add.f32 [tilespmem:s31], [sflag:$0x7], $0x10, s14, s15, $0xb8;
	[tilespmem:$0x1F348] =	vst v63  }
0x1f5: {  	_ =	swait.ge [sflag:s28], $0x1C00  }
0x1f6: {  	[sflag:s28] =	ssyncset.done $0x0  }
0x1f7: {  	s14 =	rddreg [dreg:$0xf];
	[sflag:s28] =	ssyncadd.s32 $0xFFFFE400  }
0x1f8: {  	[tilespmem:s18], [sflag:$0x2] =	stream.indirect.gather [hbm4b:s5+s15], $0x40, s14, s15, $0xb8;
	[tilespmem:$0x1F348] =	vst v63  }
0x1f9: {  	_ =	swait.ge [sflag:s9], $0x1C00  }
0x1fa: {  	[sflag:s9] =	ssyncset.done $0x0  }
0x1fb: {  	s20 =	simm.s32 $0x19D88;
	[sflag:s9] =	ssyncadd.s32 $0xFFFFE400  }
0x1fc: {  	[spmem:s2] =	stream.indirect.scatter.add.f32 [tilespmem:s19], [sflag:$0x6], $0x40, s20, s15, $0xb8;
	[tilespmem:$0x1F348] =	vst v63  }
0x1fd: {  	_ = 	snop  }
0x1fe: {  	[spmem:s3] =	stream.indirect.scatter.add.f32 [tilespmem:s31], [sflag:$0x7], $0x10, s20, s15, $0xb8;
	[tilespmem:$0x1F348] =	vst v63  }
0x1ff: {  	_ =	swait.ge [sflag:s29], $0x1C00  }
0x200: {  	[sflag:s29] =	ssyncset.done $0x0  }
0x201: {  	s23 =	rddreg [dreg:$0x10];
	[sflag:s29] =	ssyncadd.s32 $0xFFFFE400  }
0x202: {  	[tilespmem:s19], [sflag:$0x3] =	stream.indirect.gather [hbm4b:s5+s15], $0x40, s23, s15, $0xb8;
	[tilespmem:$0x1F348] =	vst v63  }
0x203: {  	_ =	swait.ge [sflag:s30], $0x1C00  }
0x204: {  	[sflag:s30] =	ssyncset.done $0x0  }
0x205: {  	[sflag:s30] =	ssyncadd.s32 $0xFFFFE400  }
0x206: {  	[spmem:s2] =	stream.indirect.scatter.add.f32 [tilespmem:s17], [sflag:$0x4], $0x40, s16, s15, $0xb8;
	[tilespmem:$0x1F348] =	vst v63  }
0x207: {  	_ = 	snop  }
0x208: {  	[spmem:s3] =	stream.indirect.scatter.add.f32 [tilespmem:s31], [sflag:$0x7], $0x10, s16, s15, $0xb8;
	[tilespmem:$0x1F348] =	vst v63  }
0x209: {  	_ =	swait.ge [sflag:s1], $0x1C00  }
0x20a: {  	[sflag:s1] =	ssyncset.done $0x0  }
0x20b: {  	s24 =	simm.s32 $0x19E68;
	[sflag:s1] =	ssyncadd.s32 $0xFFFFE400  }
0x20c: {  	[spmem:s2] =	stream.indirect.scatter.add.f32 [tilespmem:s18], [sflag:$0x5], $0x40, s24, s15, $0xb8;
	[tilespmem:$0x1F348] =	vst v63  }
0x20d: {  	_ = 	snop  }
0x20e: {  	[spmem:s3] =	stream.indirect.scatter.add.f32 [tilespmem:s31], [sflag:$0x7], $0x10, s24, s15, $0xb8;
	[tilespmem:$0x1F348] =	vst v63  }
0x20f: {  	_ =	swait.ge [sflag:s9], $0x1C00  }
0x210: {  	[sflag:s9] =	ssyncset.done $0x0  }
0x211: {  	[sflag:s9] =	ssyncadd.s32 $0xFFFFE400  }
0x212: {  	[spmem:s2] =	stream.indirect.scatter.add.f32 [tilespmem:s19], [sflag:$0x6], $0x40, s11, s15, $0xb8;
	[tilespmem:$0x1F348] =	vst v63  }
0x213: {  	_ = 	snop  }
0x214: {  	[spmem:s3] =	stream.indirect.scatter.add.f32 [tilespmem:s31], [sflag:$0x7], $0x10, s11, s15, $0xb8;
	[tilespmem:$0x1F348] =	vst v63  }
0x215: {  	_ =	swait.ge [sflag:s26], $0x1C00  }
0x216: {  	[sflag:s26] =	ssyncset.done $0x0  }
0x217: {  	[sflag:s26] =	ssyncadd.s32 $0xFFFFE400  }
0x218: {  	_ =	swait.ge [sflag:s28], $0x1C00  }
0x219: {  	[sflag:s28] =	ssyncset.done $0x0  }
0x21a: {  	[sflag:s28] =	ssyncadd.s32 $0xFFFFE400  }
0x21b: {  	_ =	swait.ge [sflag:s29], $0x1C00  }
0x21c: {  	[sflag:s29] =	ssyncset.done $0x0  }
0x21d: {  	s0 =	simm.s32 $0x7;
	[sflag:s29] =	ssyncadd.s32 $0xFFFFE400  }
0x21e: {  	_ =	swait.ge [sflag:s0], $0x700  }
0x21f: {  	s6 =	simm.s32 $0xB3;
	[sflag:s0] =	ssyncset.done $0x0  }
.LBB2_10:
0x220: {  	p1 =	sne.s32 s6, $0x1;
	s6 =	sadd.s32 $0xFFFFFFFF, s6;
	[sflag:s0] =	ssyncadd.s32 $0xFFFFF900  }
.Ltmp4:
0x221: {  	(pc) =	sbr.rel @p1 .LBB2_10-.Ltmp4, $3  }
0x222: {  	_ =	sdelay $0x1  }
0x223: {  	_ =	swait.ge [sflag:s0], $0x700  }
0x224: {  	[sflag:s0] =	ssyncset.done $0x0  }
0x225: {  	[sflag:s0] =	ssyncadd.s32 $0xFFFFF900  }
0x226: {  	[bflag:$0x0] =	sbarrier.arrive $0xFFFF  }
0x227: {  	s6 =	sshll.u32 s22, $0x6;
	s8 =	rddreg [dreg:$0x12]  }
0x228: {  	s12 =	simm.s32 $0x9;
	s7 =	sor.u32 $0x1C09, s6;
	s10 =	rddreg [dreg:$0x18]  }
0x229: {  	[hbm:s8], [sflag:s7] =	dma.local [spmem:s10], $0x1F40  }
0x22a: {  	_ =	swait.ge [sflag:s12], $0x1F40  }
0x22b: {  	[sflag:s12] =	ssyncset.done $0x0;
	s14 =	rddreg [dreg:$0x13]  }
0x22c: {  	s6 =	sor.u32 $0x1C08, s6;
	s20 =	rddreg [dreg:$0x19];
	[sflag:s12] =	ssyncadd.s32 $0xFFFFE0C0  }
0x22d: {  	[hbm:s14], [sflag:s6] =	dma.local [spmem:s20], $0x7D0  }
0x22e: {  	_ =	swait.ge [sflag:s21], $0x7D0  }
0x22f: {  	[sflag:s21] =	ssyncset.done $0x0;
	s8 =	rddreg [dreg:$0x14]  }
0x230: {  	s10 =	rddreg [dreg:$0x1a];
	[sflag:s21] =	ssyncadd.s32 $0xFFFFF830  }
0x231: {  	[hbm:s8], [sflag:s7] =	dma.local @!p0 [spmem:s10], $0x1F40  }
0x232: {  	s7 =	simm.s32 @!p0 $0x9  }
0x233: {  	_ =	swait.ge @!p0 [sflag:s7], $0x1F40  }
0x234: {  	[sflag:s7] =	ssyncset.done @!p0 $0x0;
	s8 =	rddreg [dreg:$0x1b]  }
0x235: {  	[sflag:s7] =	ssyncadd.s32 @!p0 $0xFFFFE0C0;
	s7 =	rddreg [dreg:$0x15]  }
0x236: {  	[hbm:s7], [sflag:s6] =	dma.local @!p0 [spmem:s8], $0x7D0  }
0x237: {  	s6 =	simm.s32 @!p0 $0x8  }
0x238: {  	_ =	swait.ge @!p0 [sflag:s6], $0x7D0  }
0x239: {  	s23 =	rddreg [dreg:$0x1c]  }
0x23a: {  	s24 =	rddreg [dreg:$0x11];
	s0 =	sadd.s32 $0x1, s23  }
0x23b: {  	p1 =	sne.s32 s0, s24  }
.Ltmp5:
0x23c: {  	_ = 	snop;
	(pc) =	sbr.rel @p1 .LBB2_1-.Ltmp5, $3  }
0x23d: {  	_ =	sdelay $0x1  }
0x23e: {  	[sflag:s6] =	ssyncset.done @!p0 $0x0;
	s23 =	rddreg [dreg:$0x1d]  }
0x23f: {  	s14 =	simm.s32 $0x19A08;
	[sflag:s6] =	ssyncadd.s32 @!p0 $0xFFFFF830;
	s24 =	rddreg [dreg:$0x1e]  }
0x240: {  	_ =	sfence.sel $0x180000  }
0x241: {  	[bflag:$0x0] =	sbarrier.arrive $0xFFFF  }
0x242: {  	_ =	strace $0x90000047  }
0x243: {  	[bflag:$0x2] =	sbarrier.arrive $0xFFFF  }
0x244: {  	p0 =	sne.s32 s22, $0x0;
	s0 =	rddreg [dreg:$0x3]  }
0x245: {  	s0 =	sadd.s32 @!p0 $0x100000, s0  }
0x246: {  	[sflag:s0] =	ssyncadd.tile.s32 @!p0 $0x1;
	_ =	shalt  }
.Lfunc_end2:
_tile_overlayer_lowered:
.L_overlay_start_2:
0x247: {  	(tag) =	ssettag $0x2  }
0x248: {  	s0 =	rddreg [dreg:$0x0];
	s2 =	stileid.u32  }
0x249: {  	s1 =	rddreg [dreg:$0x1];
	p0 =	sne.s32 s2, $0x0  }
0x24a: {  	s3 =	rddreg [dreg:$0x2];
	[bflag:$0x3] =	sbarrier.arrive $0xFFFF;
	s2 =	simm.s32 @!p0 $0x1C08  }
0x24b: {  	[timem:s3], [sflag:s2] =	dma.local @!p0 [hbm:s0], s1  }
0x24c: {  	s0 =	simm.s32 @!p0 $0x8  }
0x24d: {  	_ =	swait.ge @!p0 [sflag:s0], s1  }
0x24e: {  	s1 =	ssub.s32 @!p0 $0x0, s1;
	[sflag:s0] =	ssyncset.done @!p0 $0x0  }
0x24f: {  	[sflag:s0] =	ssyncadd.s32 @!p0 s1  }
0x250: {  	[bflag:$0x3] =	sbarrier.arrive $0xFFFF  }
0x251: {  	_ =	shalt  }

</sc_bundles>
